<compile_context>
chip_gen: v7x
topology: tpu7x:2x2x1
jax: 0.10.2.dev20260603
libtpu: 0.0.44.dev20260713+nightly
codegen_flags: <defaults>
</compile_context>

<pallas_src>
import functools

import jax
import jax.numpy as jnp
from jax import lax
from jax.experimental import pallas as pl
from jax.experimental.pallas import tpu as pltpu
from jax.experimental.pallas import tpu_sc as plsc

L = 16
NC = 2
NS = 16
NW = NC * NS
BATCH = 16
PAIRS = 2048
W = 384
IMG = W * W
PPW = BATCH * PAIRS // NW
CH = PPW // L
GCH = 128
NG = PPW // GCH

_mesh = plsc.VectorSubcoreMesh(core_axis_name="c", subcore_axis_name="s")


def _gather_body(img_hbm, ord_hbm, a_out, b_out,
                 xa_v, ya_v, xb_v, yb_v,
                 ia_v, ib_v, a_v, b_v, sem):
    c = lax.axis_index("c")
    s = lax.axis_index("s")
    w = s * NC + c
    n = w // NC
    h = w % NC
    img_off = n * IMG

    psl = pl.ds(h * PPW, PPW)
    ord_copies = [
        pltpu.async_copy(ord_hbm.at[k, n, psl], v, sem)
        for k, v in enumerate((xa_v, ya_v, xb_v, yb_v))
    ]
    for cp in ord_copies:
        cp.wait()

    def tiled_off(x, y):
        return (
            (x >> 3) * 3072 + (y >> 7) * 1024
            + (x & 7) * 128 + (y & 127) + img_off
        )

    def idx_body(j, carry):
        sl = pl.ds(j * L, L)
        ia_v[sl] = tiled_off(xa_v[sl], ya_v[sl])
        ib_v[sl] = tiled_off(xb_v[sl], yb_v[sl])
        return carry

    lax.fori_loop(0, CH, idx_body, 0, unroll=True)

    copies = []
    for g in range(NG):
        gs = pl.ds(g * GCH, GCH)
        copies.append(pltpu.async_copy(img_hbm.at[ia_v.at[gs]], a_v.at[gs], sem))
        copies.append(pltpu.async_copy(img_hbm.at[ib_v.at[gs]], b_v.at[gs], sem))
    for cp in copies:
        cp.wait()

    a_copy = pltpu.async_copy(a_v, a_out.at[w], sem)
    b_copy = pltpu.async_copy(b_v, b_out.at[w], sem)
    a_copy.wait()
    b_copy.wait()


def _tc_loss_mean_body(a_ref, b_ref, r_ref, out_ref):
    a = a_ref[...]
    b = b_ref[...]
    r = r_ref[...].reshape(NW, PPW)
    d = a - b
    ad = jnp.abs(d)
    sp = jnp.maximum(d, 0.0) + jnp.log1p(jnp.exp(-ad))
    loss = jnp.where(r == 0, d * d, jnp.where(r == 1, sp, sp - d))
    out_ref[...] = jnp.sum(loss, keepdims=True) * (1.0 / (BATCH * PAIRS))


_gather_call = pl.kernel(
    _gather_body,
    out_type=(
        jax.ShapeDtypeStruct((NW, PPW), jnp.float32),
        jax.ShapeDtypeStruct((NW, PPW), jnp.float32),
    ),
    mesh=_mesh,
    compiler_params=pltpu.CompilerParams(needs_layout_passes=False),
    scratch_types=[
        pltpu.VMEM((PPW,), jnp.int32),
        pltpu.VMEM((PPW,), jnp.int32),
        pltpu.VMEM((PPW,), jnp.int32),
        pltpu.VMEM((PPW,), jnp.int32),
        pltpu.VMEM((PPW,), jnp.int32),
        pltpu.VMEM((PPW,), jnp.int32),
        pltpu.VMEM((PPW,), jnp.float32),
        pltpu.VMEM((PPW,), jnp.float32),
        pltpu.SemaphoreType.DMA,
    ],
)

_tc_loss_mean_call = pl.pallas_call(
    _tc_loss_mean_body,
    grid=(1,),
    in_specs=[
        pl.BlockSpec((NW, PPW), lambda i: (0, 0)),
        pl.BlockSpec((NW, PPW), lambda i: (0, 0)),
        pl.BlockSpec((1, BATCH, PAIRS), lambda i: (4, 0, 0)),
    ],
    out_specs=pl.BlockSpec((1, 1), lambda i: (0, 0)),
    out_shape=jax.ShapeDtypeStruct((1, 1), jnp.float32),
)


@jax.jit
def kernel(output, ordinal):
    img = (
        output.reshape(BATCH, W // 8, 8, W // 128, 128)
        .transpose(0, 1, 3, 2, 4)
        .reshape(BATCH * IMG)
    )
    planes = jnp.transpose(ordinal.astype(jnp.int32), (2, 0, 1))
    a, b = _gather_call(img, planes)
    return _tc_loss_mean_call(a, b, planes)[0, 0]

# --- scband reference (transcript-rebuilt; emitter-appended) ---
"""Pipeline reference for scband-ranking-loss-40261023432754 (READ-ONLY COPY).

The authoritative reference and input builder live on the scoring server;
editing this copy changes nothing except your own understanding.
"""

import jax, jax.numpy as jnp
import numpy as np


def setup_inputs(seed: int = 0) -> dict:
    key = jax.random.key(seed)
    k1, k2 = jax.random.split(key)
    output = jax.random.normal(k1, (16, 1, 384, 384), dtype=jnp.float32)
    ordinal = jax.random.randint(k2, (16, 2048, 5), 0, 384, dtype=jnp.int64) if jax.config.jax_enable_x64 else jax.random.randint(k2, (16, 2048, 5), 0, 384, dtype=jnp.int32)
    return {"output": output, "ordinal": ordinal}


def reference(output, ordinal):
    xa = ordinal[:, :, 0]
    ya = ordinal[:, :, 1]
    xb = ordinal[:, :, 2]
    yb = ordinal[:, :, 3]
    r = ordinal[:, :, 4]
    batch_indices = jnp.arange(output.shape[0])[:, None]
    a = output[batch_indices, 0, xa, ya]
    b = output[batch_indices, 0, xb, yb]
    loss = jnp.where(
        r == 0,
        jnp.square(a - b),
        jnp.where(r == 1, jnp.log(1 + jnp.exp(a - b)), jnp.log(1 + jnp.exp(b - a))),
    )
    return jnp.mean(loss)

if __name__ == "__main__":
    import jax
    _d = setup_inputs()
    print(jax.jit(kernel)(*tuple(_d.values())))

</pallas_src>

<mosaic_0001>
#map = affine_map<(d0, d1) -> (0)>
#map1 = affine_map<(d0, d1) -> (0, 0, 0)>
#map2 = affine_map<(d0, d1) -> (0, 0)>
module attributes {stable_mosaic.version = 14 : i64} {
  func.func @_gather_body(%arg0: i32, %arg1: i32, %arg2: memref<2359296xf32, #tpu.memory_space<hbm>>, %arg3: memref<5x16x2048xi32, #tpu.memory_space<hbm>>, %arg4: memref<32x1024xf32, #tpu.memory_space<hbm>>, %arg5: memref<32x1024xf32, #tpu.memory_space<hbm>>, %arg6: memref<1024xi32, #tpu.memory_space<vmem>>, %arg7: memref<1024xi32, #tpu.memory_space<vmem>>, %arg8: memref<1024xi32, #tpu.memory_space<vmem>>, %arg9: memref<1024xi32, #tpu.memory_space<vmem>>, %arg10: memref<1024xi32, #tpu.memory_space<vmem>>, %arg11: memref<1024xi32, #tpu.memory_space<vmem>>, %arg12: memref<1024xf32, #tpu.memory_space<vmem>>, %arg13: memref<1024xf32, #tpu.memory_space<vmem>>, %arg14: memref<!tpu.dma_semaphore, #tpu.memory_space<semaphore_mem>>) attributes {dimension_semantics = [#tpu.dimension_semantics<core_parallel>, #tpu.dimension_semantics<subcore_parallel>], iteration_bounds = array<i64: 2, 16>, scalar_prefetch = 0 : i64, scratch_operands = 9 : i64, tpu.core_type = #tpu.core_type<sc_vector_subcore>, window_params = [{transform_indices = #map}, {transform_indices = #map1}, {transform_indices = #map2}, {transform_indices = #map2}]} {
    %mul3A = arith.constant 2 : i32
    %mul3A_0 = arith.muli %arg1, %mul3A : i32
    %add3A = arith.addi %mul3A_0, %arg0 : i32
    %jit3A = arith.constant 2 : i32
    %div3A = arith.divsi %add3A, %jit3A : i32
    %sign3A = arith.constant 0 : i32
    %sign3A_1 = arith.cmpi sgt, %add3A, %sign3A : i32
    %sign3A_2 = arith.extui %sign3A_1 : i1 to i32
    %sign3A_3 = arith.constant 0 : i32
    %sign3A_4 = arith.cmpi slt, %add3A, %sign3A_3 : i32
    %sign3A_5 = arith.extui %sign3A_4 : i1 to i32
    %sign3A_6 = arith.subi %sign3A_2, %sign3A_5 : i32
    %sign3A_7 = arith.constant 0 : i32
    %sign3A_8 = arith.cmpi sgt, %jit3A, %sign3A_7 : i32
    %sign3A_9 = arith.extui %sign3A_8 : i1 to i32
    %sign3A_10 = arith.constant 0 : i32
    %sign3A_11 = arith.cmpi slt, %jit3A, %sign3A_10 : i32
    %sign3A_12 = arith.extui %sign3A_11 : i1 to i32
    %sign3A_13 = arith.subi %sign3A_9, %sign3A_12 : i32
    %ne3A = arith.cmpi ne, %sign3A_6, %sign3A_13 : i32
    %rem3A = arith.remsi %add3A, %jit3A : i32
    %ne3A_14 = arith.constant 0 : i32
    %ne3A_15 = arith.cmpi ne, %rem3A, %ne3A_14 : i32
    %and3A = arith.andi %ne3A, %ne3A_15 : i1
    %sub3A = arith.constant 1 : i32
    %sub3A_16 = arith.subi %div3A, %sub3A : i32
    %select_n3A = arith.select %and3A, %sub3A_16, %div3A : i32
    %jit3A_17 = arith.constant 2 : i32
    %eq3A = arith.constant 0 : i32
    %eq3A_18 = arith.cmpi eq, %jit3A_17, %eq3A : i32
    %jit3A_19 = arith.constant 1 : i32
    %select_n3A_20 = arith.select %eq3A_18, %jit3A_19, %jit3A_17 : i32
    %rem3A_21 = arith.remsi %add3A, %select_n3A_20 : i32
    %ne3A_22 = arith.constant 0 : i32
    %ne3A_23 = arith.cmpi ne, %rem3A_21, %ne3A_22 : i32
    %lt3A = arith.constant 0 : i32
    %lt3A_24 = arith.cmpi slt, %rem3A_21, %lt3A : i32
    %lt3A_25 = arith.constant 0 : i32
    %lt3A_26 = arith.cmpi slt, %select_n3A_20, %lt3A_25 : i32
    %ne3A_27 = arith.xori %lt3A_24, %lt3A_26 : i1
    %and3A_28 = arith.andi %ne3A_27, %ne3A_23 : i1
    %add3A_29 = arith.addi %rem3A_21, %select_n3A_20 : i32
    %select_n3A_30 = arith.select %and3A_28, %add3A_29, %rem3A_21 : i32
    %mul3A_31 = arith.constant 147456 : i32
    %mul3A_32 = arith.muli %select_n3A, %mul3A_31 : i32
    %mul3A_33 = arith.constant 1024 : i32
    %mul3A_34 = arith.muli %select_n3A_30, %mul3A_33 : i32
    %dma_start3A = arith.constant 0 : i32
    %dma_start3A_35 = tpu.memref_slice %arg3[%dma_start3A, %select_n3A, %mul3A_34] : memref<5x16x2048xi32, #tpu.memory_space<hbm>> -> memref<1x1x1024xi32, #tpu.memory_space<hbm>>
    %dma_start3A_36 = tpu.memref_squeeze %dma_start3A_35 : memref<1x1x1024xi32, #tpu.memory_space<hbm>> -> memref<1024xi32, #tpu.memory_space<hbm>>
    %dma_start3A_37 = tpu.memref_slice %arg3[%dma_start3A, %select_n3A, %mul3A_34] : memref<5x16x2048xi32, #tpu.memory_space<hbm>> -> memref<1x1x1024xi32, #tpu.memory_space<hbm>>
    %dma_start3A_38 = tpu.memref_squeeze %dma_start3A_37 : memref<1x1x1024xi32, #tpu.memory_space<hbm>> -> memref<1024xi32, #tpu.memory_space<hbm>>
    tpu.enqueue_dma source(%dma_start3A_38 : memref<1024xi32, #tpu.memory_space<hbm>>) target(%arg6 : memref<1024xi32, #tpu.memory_space<vmem>>) target_semaphore(%arg14 : memref<!tpu.dma_semaphore, #tpu.memory_space<semaphore_mem>>)
    %dma_start3A_39 = arith.constant 1 : i32
    %dma_start3A_40 = tpu.memref_slice %arg3[%dma_start3A_39, %select_n3A, %mul3A_34] : memref<5x16x2048xi32, #tpu.memory_space<hbm>> -> memref<1x1x1024xi32, #tpu.memory_space<hbm>>
    %dma_start3A_41 = tpu.memref_squeeze %dma_start3A_40 : memref<1x1x1024xi32, #tpu.memory_space<hbm>> -> memref<1024xi32, #tpu.memory_space<hbm>>
    %dma_start3A_42 = tpu.memref_slice %arg3[%dma_start3A_39, %select_n3A, %mul3A_34] : memref<5x16x2048xi32, #tpu.memory_space<hbm>> -> memref<1x1x1024xi32, #tpu.memory_space<hbm>>
    %dma_start3A_43 = tpu.memref_squeeze %dma_start3A_42 : memref<1x1x1024xi32, #tpu.memory_space<hbm>> -> memref<1024xi32, #tpu.memory_space<hbm>>
    tpu.enqueue_dma source(%dma_start3A_43 : memref<1024xi32, #tpu.memory_space<hbm>>) target(%arg7 : memref<1024xi32, #tpu.memory_space<vmem>>) target_semaphore(%arg14 : memref<!tpu.dma_semaphore, #tpu.memory_space<semaphore_mem>>)
    %dma_start3A_44 = arith.constant 2 : i32
    %dma_start3A_45 = tpu.memref_slice %arg3[%dma_start3A_44, %select_n3A, %mul3A_34] : memref<5x16x2048xi32, #tpu.memory_space<hbm>> -> memref<1x1x1024xi32, #tpu.memory_space<hbm>>
    %dma_start3A_46 = tpu.memref_squeeze %dma_start3A_45 : memref<1x1x1024xi32, #tpu.memory_space<hbm>> -> memref<1024xi32, #tpu.memory_space<hbm>>
    %dma_start3A_47 = tpu.memref_slice %arg3[%dma_start3A_44, %select_n3A, %mul3A_34] : memref<5x16x2048xi32, #tpu.memory_space<hbm>> -> memref<1x1x1024xi32, #tpu.memory_space<hbm>>
    %dma_start3A_48 = tpu.memref_squeeze %dma_start3A_47 : memref<1x1x1024xi32, #tpu.memory_space<hbm>> -> memref<1024xi32, #tpu.memory_space<hbm>>
    tpu.enqueue_dma source(%dma_start3A_48 : memref<1024xi32, #tpu.memory_space<hbm>>) target(%arg8 : memref<1024xi32, #tpu.memory_space<vmem>>) target_semaphore(%arg14 : memref<!tpu.dma_semaphore, #tpu.memory_space<semaphore_mem>>)
    %dma_start3A_49 = arith.constant 3 : i32
    %dma_start3A_50 = tpu.memref_slice %arg3[%dma_start3A_49, %select_n3A, %mul3A_34] : memref<5x16x2048xi32, #tpu.memory_space<hbm>> -> memref<1x1x1024xi32, #tpu.memory_space<hbm>>
    %dma_start3A_51 = tpu.memref_squeeze %dma_start3A_50 : memref<1x1x1024xi32, #tpu.memory_space<hbm>> -> memref<1024xi32, #tpu.memory_space<hbm>>
    %dma_start3A_52 = tpu.memref_slice %arg3[%dma_start3A_49, %select_n3A, %mul3A_34] : memref<5x16x2048xi32, #tpu.memory_space<hbm>> -> memref<1x1x1024xi32, #tpu.memory_space<hbm>>
    %dma_start3A_53 = tpu.memref_squeeze %dma_start3A_52 : memref<1x1x1024xi32, #tpu.memory_space<hbm>> -> memref<1024xi32, #tpu.memory_space<hbm>>
    tpu.enqueue_dma source(%dma_start3A_53 : memref<1024xi32, #tpu.memory_space<hbm>>) target(%arg9 : memref<1024xi32, #tpu.memory_space<vmem>>) target_semaphore(%arg14 : memref<!tpu.dma_semaphore, #tpu.memory_space<semaphore_mem>>)
    %dma_wait3A = arith.constant 0 : i32
    %dma_wait3A_54 = tpu.memref_slice %arg3[%dma_wait3A, %select_n3A, %mul3A_34] : memref<5x16x2048xi32, #tpu.memory_space<hbm>> -> memref<1x1x1024xi32, #tpu.memory_space<hbm>>
    %dma_wait3A_55 = tpu.memref_squeeze %dma_wait3A_54 : memref<1x1x1024xi32, #tpu.memory_space<hbm>> -> memref<1024xi32, #tpu.memory_space<hbm>>
    %dma_wait3A_56 = tpu.memref_slice %arg3[%dma_wait3A, %select_n3A, %mul3A_34] : memref<5x16x2048xi32, #tpu.memory_space<hbm>> -> memref<1x1x1024xi32, #tpu.memory_space<hbm>>
    %dma_wait3A_57 = tpu.memref_squeeze %dma_wait3A_56 : memref<1x1x1024xi32, #tpu.memory_space<hbm>> -> memref<1024xi32, #tpu.memory_space<hbm>>
    tpu.wait_dma2 semaphore(%arg14 : memref<!tpu.dma_semaphore, #tpu.memory_space<semaphore_mem>>) src(%dma_wait3A_57 : memref<1024xi32, #tpu.memory_space<hbm>>) dst(%arg6 : memref<1024xi32, #tpu.memory_space<vmem>>)
    %dma_wait3A_58 = arith.constant 1 : i32
    %dma_wait3A_59 = tpu.memref_slice %arg3[%dma_wait3A_58, %select_n3A, %mul3A_34] : memref<5x16x2048xi32, #tpu.memory_space<hbm>> -> memref<1x1x1024xi32, #tpu.memory_space<hbm>>
    %dma_wait3A_60 = tpu.memref_squeeze %dma_wait3A_59 : memref<1x1x1024xi32, #tpu.memory_space<hbm>> -> memref<1024xi32, #tpu.memory_space<hbm>>
    %dma_wait3A_61 = tpu.memref_slice %arg3[%dma_wait3A_58, %select_n3A, %mul3A_34] : memref<5x16x2048xi32, #tpu.memory_space<hbm>> -> memref<1x1x1024xi32, #tpu.memory_space<hbm>>
    %dma_wait3A_62 = tpu.memref_squeeze %dma_wait3A_61 : memref<1x1x1024xi32, #tpu.memory_space<hbm>> -> memref<1024xi32, #tpu.memory_space<hbm>>
    tpu.wait_dma2 semaphore(%arg14 : memref<!tpu.dma_semaphore, #tpu.memory_space<semaphore_mem>>) src(%dma_wait3A_62 : memref<1024xi32, #tpu.memory_space<hbm>>) dst(%arg7 : memref<1024xi32, #tpu.memory_space<vmem>>)
    %dma_wait3A_63 = arith.constant 2 : i32
    %dma_wait3A_64 = tpu.memref_slice %arg3[%dma_wait3A_63, %select_n3A, %mul3A_34] : memref<5x16x2048xi32, #tpu.memory_space<hbm>> -> memref<1x1x1024xi32, #tpu.memory_space<hbm>>
    %dma_wait3A_65 = tpu.memref_squeeze %dma_wait3A_64 : memref<1x1x1024xi32, #tpu.memory_space<hbm>> -> memref<1024xi32, #tpu.memory_space<hbm>>
    %dma_wait3A_66 = tpu.memref_slice %arg3[%dma_wait3A_63, %select_n3A, %mul3A_34] : memref<5x16x2048xi32, #tpu.memory_space<hbm>> -> memref<1x1x1024xi32, #tpu.memory_space<hbm>>
    %dma_wait3A_67 = tpu.memref_squeeze %dma_wait3A_66 : memref<1x1x1024xi32, #tpu.memory_space<hbm>> -> memref<1024xi32, #tpu.memory_space<hbm>>
    tpu.wait_dma2 semaphore(%arg14 : memref<!tpu.dma_semaphore, #tpu.memory_space<semaphore_mem>>) src(%dma_wait3A_67 : memref<1024xi32, #tpu.memory_space<hbm>>) dst(%arg8 : memref<1024xi32, #tpu.memory_space<vmem>>)
    %dma_wait3A_68 = arith.constant 3 : i32
    %dma_wait3A_69 = tpu.memref_slice %arg3[%dma_wait3A_68, %select_n3A, %mul3A_34] : memref<5x16x2048xi32, #tpu.memory_space<hbm>> -> memref<1x1x1024xi32, #tpu.memory_space<hbm>>
    %dma_wait3A_70 = tpu.memref_squeeze %dma_wait3A_69 : memref<1x1x1024xi32, #tpu.memory_space<hbm>> -> memref<1024xi32, #tpu.memory_space<hbm>>
    %dma_wait3A_71 = tpu.memref_slice %arg3[%dma_wait3A_68, %select_n3A, %mul3A_34] : memref<5x16x2048xi32, #tpu.memory_space<hbm>> -> memref<1x1x1024xi32, #tpu.memory_space<hbm>>
    %dma_wait3A_72 = tpu.memref_squeeze %dma_wait3A_71 : memref<1x1x1024xi32, #tpu.memory_space<hbm>> -> memref<1024xi32, #tpu.memory_space<hbm>>
    tpu.wait_dma2 semaphore(%arg14 : memref<!tpu.dma_semaphore, #tpu.memory_space<semaphore_mem>>) src(%dma_wait3A_72 : memref<1024xi32, #tpu.memory_space<hbm>>) dst(%arg9 : memref<1024xi32, #tpu.memory_space<vmem>>)
    %scan3A = arith.constant 0 : i32
    %scan3A_73 = arith.constant 0 : i32
    %mul3A_74 = arith.constant 16 : i32
    %mul3A_75 = arith.muli %scan3A_73, %mul3A_74 : i32
    %get3A = arith.index_cast %mul3A_75 : i32 to index
    %get3A_76 = tpu.vector_load %arg6[%get3A] {strides = array<i32>} : memref<1024xi32, #tpu.memory_space<vmem>>, vector<16xi32>,
    %get3A_77 = arith.index_cast %mul3A_75 : i32 to index
    %get3A_78 = tpu.vector_load %arg7[%get3A_77] {strides = array<i32>} : memref<1024xi32, #tpu.memory_space<vmem>>, vector<16xi32>,
    %shift_right_arithmetic3A = arith.constant 3 : i32
    %shift_right_arithmetic3A_79 = vector.broadcast %shift_right_arithmetic3A : i32 to vector<16xi32>
    %shift_right_arithmetic3A_80 = arith.shrsi %get3A_76, %shift_right_arithmetic3A_79 : vector<16xi32>
    %mul3A_81 = arith.constant 3072 : i32
    %mul3A_82 = vector.broadcast %mul3A_81 : i32 to vector<16xi32>
    %mul3A_83 = arith.muli %shift_right_arithmetic3A_80, %mul3A_82 : vector<16xi32>
    %shift_right_arithmetic3A_84 = arith.constant 7 : i32
    %shift_right_arithmetic3A_85 = vector.broadcast %shift_right_arithmetic3A_84 : i32 to vector<16xi32>
    %shift_right_arithmetic3A_86 = arith.shrsi %get3A_78, %shift_right_arithmetic3A_85 : vector<16xi32>
    %mul3A_87 = arith.constant 1024 : i32
    %mul3A_88 = vector.broadcast %mul3A_87 : i32 to vector<16xi32>
    %mul3A_89 = arith.muli %shift_right_arithmetic3A_86, %mul3A_88 : vector<16xi32>
    %add3A_90 = arith.addi %mul3A_83, %mul3A_89 : vector<16xi32>
    %and3A_91 = arith.constant 7 : i32
    %and3A_92 = vector.broadcast %and3A_91 : i32 to vector<16xi32>
    %and3A_93 = arith.andi %get3A_76, %and3A_92 : vector<16xi32>
    %mul3A_94 = arith.constant 128 : i32
    %mul3A_95 = vector.broadcast %mul3A_94 : i32 to vector<16xi32>
    %mul3A_96 = arith.muli %and3A_93, %mul3A_95 : vector<16xi32>
    %add3A_97 = arith.addi %add3A_90, %mul3A_96 : vector<16xi32>
    %and3A_98 = arith.constant 127 : i32
    %and3A_99 = vector.broadcast %and3A_98 : i32 to vector<16xi32>
    %and3A_100 = arith.andi %get3A_78, %and3A_99 : vector<16xi32>
    %add3A_101 = arith.addi %add3A_97, %and3A_100 : vector<16xi32>
    %add3A_102 = vector.broadcast %mul3A_32 : i32 to vector<16xi32>
    %add3A_103 = arith.addi %add3A_101, %add3A_102 : vector<16xi32>
    %swap3A = arith.index_cast %mul3A_75 : i32 to index
    %swap3A_104 = tpu.vector_load %arg10[%swap3A] {strides = array<i32>} : memref<1024xi32, #tpu.memory_space<vmem>>, vector<16xi32>,
    tpu.vector_store %arg10[%swap3A], %add3A_103 {strides = array<i32>} : memref<1024xi32, #tpu.memory_space<vmem>>, vector<16xi32>,
    %get3A_105 = arith.index_cast %mul3A_75 : i32 to index
    %get3A_106 = tpu.vector_load %arg8[%get3A_105] {strides = array<i32>} : memref<1024xi32, #tpu.memory_space<vmem>>, vector<16xi32>,
    %get3A_107 = arith.index_cast %mul3A_75 : i32 to index
    %get3A_108 = tpu.vector_load %arg9[%get3A_107] {strides = array<i32>} : memref<1024xi32, #tpu.memory_space<vmem>>, vector<16xi32>,
    %shift_right_arithmetic3A_109 = arith.constant 3 : i32
    %shift_right_arithmetic3A_110 = vector.broadcast %shift_right_arithmetic3A_109 : i32 to vector<16xi32>
    %shift_right_arithmetic3A_111 = arith.shrsi %get3A_106, %shift_right_arithmetic3A_110 : vector<16xi32>
    %mul3A_112 = arith.constant 3072 : i32
    %mul3A_113 = vector.broadcast %mul3A_112 : i32 to vector<16xi32>
    %mul3A_114 = arith.muli %shift_right_arithmetic3A_111, %mul3A_113 : vector<16xi32>
    %shift_right_arithmetic3A_115 = arith.constant 7 : i32
    %shift_right_arithmetic3A_116 = vector.broadcast %shift_right_arithmetic3A_115 : i32 to vector<16xi32>
    %shift_right_arithmetic3A_117 = arith.shrsi %get3A_108, %shift_right_arithmetic3A_116 : vector<16xi32>
    %mul3A_118 = arith.constant 1024 : i32
    %mul3A_119 = vector.broadcast %mul3A_118 : i32 to vector<16xi32>
    %mul3A_120 = arith.muli %shift_right_arithmetic3A_117, %mul3A_119 : vector<16xi32>
    %add3A_121 = arith.addi %mul3A_114, %mul3A_120 : vector<16xi32>
    %and3A_122 = arith.constant 7 : i32
    %and3A_123 = vector.broadcast %and3A_122 : i32 to vector<16xi32>
    %and3A_124 = arith.andi %get3A_106, %and3A_123 : vector<16xi32>
    %mul3A_125 = arith.constant 128 : i32
    %mul3A_126 = vector.broadcast %mul3A_125 : i32 to vector<16xi32>
    %mul3A_127 = arith.muli %and3A_124, %mul3A_126 : vector<16xi32>
    %add3A_128 = arith.addi %add3A_121, %mul3A_127 : vector<16xi32>
    %and3A_129 = arith.constant 127 : i32
    %and3A_130 = vector.broadcast %and3A_129 : i32 to vector<16xi32>
    %and3A_131 = arith.andi %get3A_108, %and3A_130 : vector<16xi32>
    %add3A_132 = arith.addi %add3A_128, %and3A_131 : vector<16xi32>
    %add3A_133 = vector.broadcast %mul3A_32 : i32 to vector<16xi32>
    %add3A_134 = arith.addi %add3A_132, %add3A_133 : vector<16xi32>
    %swap3A_135 = arith.index_cast %mul3A_75 : i32 to index
    %swap3A_136 = tpu.vector_load %arg11[%swap3A_135] {strides = array<i32>} : memref<1024xi32, #tpu.memory_space<vmem>>, vector<16xi32>,
    tpu.vector_store %arg11[%swap3A_135], %add3A_134 {strides = array<i32>} : memref<1024xi32, #tpu.memory_space<vmem>>, vector<16xi32>,
    %scan3A_137 = arith.constant 1 : i32
    %mul3A_138 = arith.constant 16 : i32
    %mul3A_139 = arith.muli %scan3A_137, %mul3A_138 : i32
    %get3A_140 = arith.index_cast %mul3A_139 : i32 to index
    %get3A_141 = tpu.vector_load %arg6[%get3A_140] {strides = array<i32>} : memref<1024xi32, #tpu.memory_space<vmem>>, vector<16xi32>,
    %get3A_142 = arith.index_cast %mul3A_139 : i32 to index
    %get3A_143 = tpu.vector_load %arg7[%get3A_142] {strides = array<i32>} : memref<1024xi32, #tpu.memory_space<vmem>>, vector<16xi32>,
    %shift_right_arithmetic3A_144 = arith.constant 3 : i32
    %shift_right_arithmetic3A_145 = vector.broadcast %shift_right_arithmetic3A_144 : i32 to vector<16xi32>
    %shift_right_arithmetic3A_146 = arith.shrsi %get3A_141, %shift_right_arithmetic3A_145 : vector<16xi32>
    %mul3A_147 = arith.constant 3072 : i32
    %mul3A_148 = vector.broadcast %mul3A_147 : i32 to vector<16xi32>
    %mul3A_149 = arith.muli %shift_right_arithmetic3A_146, %mul3A_148 : vector<16xi32>
    %shift_right_arithmetic3A_150 = arith.constant 7 : i32
    %shift_right_arithmetic3A_151 = vector.broadcast %shift_right_arithmetic3A_150 : i32 to vector<16xi32>
    %shift_right_arithmetic3A_152 = arith.shrsi %get3A_143, %shift_right_arithmetic3A_151 : vector<16xi32>
    %mul3A_153 = arith.constant 1024 : i32
    %mul3A_154 = vector.broadcast %mul3A_153 : i32 to vector<16xi32>
    %mul3A_155 = arith.muli %shift_right_arithmetic3A_152, %mul3A_154 : vector<16xi32>
    %add3A_156 = arith.addi %mul3A_149, %mul3A_155 : vector<16xi32>
    %and3A_157 = arith.constant 7 : i32
    %and3A_158 = vector.broadcast %and3A_157 : i32 to vector<16xi32>
    %and3A_159 = arith.andi %get3A_141, %and3A_158 : vector<16xi32>
    %mul3A_160 = arith.constant 128 : i32
    %mul3A_161 = vector.broadcast %mul3A_160 : i32 to vector<16xi32>
    %mul3A_162 = arith.muli %and3A_159, %mul3A_161 : vector<16xi32>
    %add3A_163 = arith.addi %add3A_156, %mul3A_162 : vector<16xi32>
    %and3A_164 = arith.constant 127 : i32
    %and3A_165 = vector.broadcast %and3A_164 : i32 to vector<16xi32>
    %and3A_166 = arith.andi %get3A_143, %and3A_165 : vector<16xi32>
    %add3A_167 = arith.addi %add3A_163, %and3A_166 : vector<16xi32>
    %add3A_168 = vector.broadcast %mul3A_32 : i32 to vector<16xi32>
    %add3A_169 = arith.addi %add3A_167, %add3A_168 : vector<16xi32>
    %swap3A_170 = arith.index_cast %mul3A_139 : i32 to index
    %swap3A_171 = tpu.vector_load %arg10[%swap3A_170] {strides = array<i32>} : memref<1024xi32, #tpu.memory_space<vmem>>, vector<16xi32>,
    tpu.vector_store %arg10[%swap3A_170], %add3A_169 {strides = array<i32>} : memref<1024xi32, #tpu.memory_space<vmem>>, vector<16xi32>,
    %get3A_172 = arith.index_cast %mul3A_139 : i32 to index
    %get3A_173 = tpu.vector_load %arg8[%get3A_172] {strides = array<i32>} : memref<1024xi32, #tpu.memory_space<vmem>>, vector<16xi32>,
    %get3A_174 = arith.index_cast %mul3A_139 : i32 to index
    %get3A_175 = tpu.vector_load %arg9[%get3A_174] {strides = array<i32>} : memref<1024xi32, #tpu.memory_space<vmem>>, vector<16xi32>,
    %shift_right_arithmetic3A_176 = arith.constant 3 : i32
    %shift_right_arithmetic3A_177 = vector.broadcast %shift_right_arithmetic3A_176 : i32 to vector<16xi32>
    %shift_right_arithmetic3A_178 = arith.shrsi %get3A_173, %shift_right_arithmetic3A_177 : vector<16xi32>
    %mul3A_179 = arith.constant 3072 : i32
    %mul3A_180 = vector.broadcast %mul3A_179 : i32 to vector<16xi32>
    %mul3A_181 = arith.muli %shift_right_arithmetic3A_178, %mul3A_180 : vector<16xi32>
    %shift_right_arithmetic3A_182 = arith.constant 7 : i32
    %shift_right_arithmetic3A_183 = vector.broadcast %shift_right_arithmetic3A_182 : i32 to vector<16xi32>
    %shift_right_arithmetic3A_184 = arith.shrsi %get3A_175, %shift_right_arithmetic3A_183 : vector<16xi32>
    %mul3A_185 = arith.constant 1024 : i32
    %mul3A_186 = vector.broadcast %mul3A_185 : i32 to vector<16xi32>
    %mul3A_187 = arith.muli %shift_right_arithmetic3A_184, %mul3A_186 : vector<16xi32>
    %add3A_188 = arith.addi %mul3A_181, %mul3A_187 : vector<16xi32>
    %and3A_189 = arith.constant 7 : i32
    %and3A_190 = vector.broadcast %and3A_189 : i32 to vector<16xi32>
    %and3A_191 = arith.andi %get3A_173, %and3A_190 : vector<16xi32>
    %mul3A_192 = arith.constant 128 : i32
    %mul3A_193 = vector.broadcast %mul3A_192 : i32 to vector<16xi32>
    %mul3A_194 = arith.muli %and3A_191, %mul3A_193 : vector<16xi32>
    %add3A_195 = arith.addi %add3A_188, %mul3A_194 : vector<16xi32>
    %and3A_196 = arith.constant 127 : i32
    %and3A_197 = vector.broadcast %and3A_196 : i32 to vector<16xi32>
    %and3A_198 = arith.andi %get3A_175, %and3A_197 : vector<16xi32>
    %add3A_199 = arith.addi %add3A_195, %and3A_198 : vector<16xi32>
    %add3A_200 = vector.broadcast %mul3A_32 : i32 to vector<16xi32>
    %add3A_201 = arith.addi %add3A_199, %add3A_200 : vector<16xi32>
    %swap3A_202 = arith.index_cast %mul3A_139 : i32 to index
    %swap3A_203 = tpu.vector_load %arg11[%swap3A_202] {strides = array<i32>} : memref<1024xi32, #tpu.memory_space<vmem>>, vector<16xi32>,
    tpu.vector_store %arg11[%swap3A_202], %add3A_201 {strides = array<i32>} : memref<1024xi32, #tpu.memory_space<vmem>>, vector<16xi32>,
    %scan3A_204 = arith.constant 2 : i32
    %mul3A_205 = arith.constant 16 : i32
    %mul3A_206 = arith.muli %scan3A_204, %mul3A_205 : i32
    %get3A_207 = arith.index_cast %mul3A_206 : i32 to index
    %get3A_208 = tpu.vector_load %arg6[%get3A_207] {strides = array<i32>} : memref<1024xi32, #tpu.memory_space<vmem>>, vector<16xi32>,
    %get3A_209 = arith.index_cast %mul3A_206 : i32 to index
    %get3A_210 = tpu.vector_load %arg7[%get3A_209] {strides = array<i32>} : memref<1024xi32, #tpu.memory_space<vmem>>, vector<16xi32>,
    %shift_right_arithmetic3A_211 = arith.constant 3 : i32
    %shift_right_arithmetic3A_212 = vector.broadcast %shift_right_arithmetic3A_211 : i32 to vector<16xi32>
    %shift_right_arithmetic3A_213 = arith.shrsi %get3A_208, %shift_right_arithmetic3A_212 : vector<16xi32>
    %mul3A_214 = arith.constant 3072 : i32
    %mul3A_215 = vector.broadcast %mul3A_214 : i32 to vector<16xi32>
    %mul3A_216 = arith.muli %shift_right_arithmetic3A_213, %mul3A_215 : vector<16xi32>
    %shift_right_arithmetic3A_217 = arith.constant 7 : i32
    %shift_right_arithmetic3A_218 = vector.broadcast %shift_right_arithmetic3A_217 : i32 to vector<16xi32>
    %shift_right_arithmetic3A_219 = arith.shrsi %get3A_210, %shift_right_arithmetic3A_218 : vector<16xi32>
    %mul3A_220 = arith.constant 1024 : i32
    %mul3A_221 = vector.broadcast %mul3A_220 : i32 to vector<16xi32>
    %mul3A_222 = arith.muli %shift_right_arithmetic3A_219, %mul3A_221 : vector<16xi32>
    %add3A_223 = arith.addi %mul3A_216, %mul3A_222 : vector<16xi32>
    %and3A_224 = arith.constant 7 : i32
    %and3A_225 = vector.broadcast %and3A_224 : i32 to vector<16xi32>
    %and3A_226 = arith.andi %get3A_208, %and3A_225 : vector<16xi32>
    %mul3A_227 = arith.constant 128 : i32
    %mul3A_228 = vector.broadcast %mul3A_227 : i32 to vector<16xi32>
    %mul3A_229 = arith.muli %and3A_226, %mul3A_228 : vector<16xi32>
    %add3A_230 = arith.addi %add3A_223, %mul3A_229 : vector<16xi32>
    %and3A_231 = arith.constant 127 : i32
    %and3A_232 = vector.broadcast %and3A_231 : i32 to vector<16xi32>
    %and3A_233 = arith.andi %get3A_210, %and3A_232 : vector<16xi32>
    %add3A_234 = arith.addi %add3A_230, %and3A_233 : vector<16xi32>
    %add3A_235 = vector.broadcast %mul3A_32 : i32 to vector<16xi32>
    %add3A_236 = arith.addi %add3A_234, %add3A_235 : vector<16xi32>
    %swap3A_237 = arith.index_cast %mul3A_206 : i32 to index
    %swap3A_238 = tpu.vector_load %arg10[%swap3A_237] {strides = array<i32>} : memref<1024xi32, #tpu.memory_space<vmem>>, vector<16xi32>,
    tpu.vector_store %arg10[%swap3A_237], %add3A_236 {strides = array<i32>} : memref<1024xi32, #tpu.memory_space<vmem>>, vector<16xi32>,
    %get3A_239 = arith.index_cast %mul3A_206 : i32 to index
    %get3A_240 = tpu.vector_load %arg8[%get3A_239] {strides = array<i32>} : memref<1024xi32, #tpu.memory_space<vmem>>, vector<16xi32>,
    %get3A_241 = arith.index_cast %mul3A_206 : i32 to index
    %get3A_242 = tpu.vector_load %arg9[%get3A_241] {strides = array<i32>} : memref<1024xi32, #tpu.memory_space<vmem>>, vector<16xi32>,
    %shift_right_arithmetic3A_243 = arith.constant 3 : i32
    %shift_right_arithmetic3A_244 = vector.broadcast %shift_right_arithmetic3A_243 : i32 to vector<16xi32>
    %shift_right_arithmetic3A_245 = arith.shrsi %get3A_240, %shift_right_arithmetic3A_244 : vector<16xi32>
    %mul3A_246 = arith.constant 3072 : i32
    %mul3A_247 = vector.broadcast %mul3A_246 : i32 to vector<16xi32>
    %mul3A_248 = arith.muli %shift_right_arithmetic3A_245, %mul3A_247 : vector<16xi32>
    %shift_right_arithmetic3A_249 = arith.constant 7 : i32
    %shift_right_arithmetic3A_250 = vector.broadcast %shift_right_arithmetic3A_249 : i32 to vector<16xi32>
    %shift_right_arithmetic3A_251 = arith.shrsi %get3A_242, %shift_right_arithmetic3A_250 : vector<16xi32>
    %mul3A_252 = arith.constant 1024 : i32
    %mul3A_253 = vector.broadcast %mul3A_252 : i32 to vector<16xi32>
    %mul3A_254 = arith.muli %shift_right_arithmetic3A_251, %mul3A_253 : vector<16xi32>
    %add3A_255 = arith.addi %mul3A_248, %mul3A_254 : vector<16xi32>
    %and3A_256 = arith.constant 7 : i32
    %and3A_257 = vector.broadcast %and3A_256 : i32 to vector<16xi32>
    %and3A_258 = arith.andi %get3A_240, %and3A_257 : vector<16xi32>
    %mul3A_259 = arith.constant 128 : i32
    %mul3A_260 = vector.broadcast %mul3A_259 : i32 to vector<16xi32>
    %mul3A_261 = arith.muli %and3A_258, %mul3A_260 : vector<16xi32>
    %add3A_262 = arith.addi %add3A_255, %mul3A_261 : vector<16xi32>
    %and3A_263 = arith.constant 127 : i32
    %and3A_264 = vector.broadcast %and3A_263 : i32 to vector<16xi32>
    %and3A_265 = arith.andi %get3A_242, %and3A_264 : vector<16xi32>
    %add3A_266 = arith.addi %add3A_262, %and3A_265 : vector<16xi32>
    %add3A_267 = vector.broadcast %mul3A_32 : i32 to vector<16xi32>
    %add3A_268 = arith.addi %add3A_266, %add3A_267 : vector<16xi32>
    %swap3A_269 = arith.index_cast %mul3A_206 : i32 to index
    %swap3A_270 = tpu.vector_load %arg11[%swap3A_269] {strides = array<i32>} : memref<1024xi32, #tpu.memory_space<vmem>>, vector<16xi32>,
    tpu.vector_store %arg11[%swap3A_269], %add3A_268 {strides = array<i32>} : memref<1024xi32, #tpu.memory_space<vmem>>, vector<16xi32>,
    %scan3A_271 = arith.constant 3 : i32
    %mul3A_272 = arith.constant 16 : i32
    %mul3A_273 = arith.muli %scan3A_271, %mul3A_272 : i32
    %get3A_274 = arith.index_cast %mul3A_273 : i32 to index
    %get3A_275 = tpu.vector_load %arg6[%get3A_274] {strides = array<i32>} : memref<1024xi32, #tpu.memory_space<vmem>>, vector<16xi32>,
    %get3A_276 = arith.index_cast %mul3A_273 : i32 to index
    %get3A_277 = tpu.vector_load %arg7[%get3A_276] {strides = array<i32>} : memref<1024xi32, #tpu.memory_space<vmem>>, vector<16xi32>,
    %shift_right_arithmetic3A_278 = arith.constant 3 : i32
    %shift_right_arithmetic3A_279 = vector.broadcast %shift_right_arithmetic3A_278 : i32 to vector<16xi32>
    %shift_right_arithmetic3A_280 = arith.shrsi %get3A_275, %shift_right_arithmetic3A_279 : vector<16xi32>
    %mul3A_281 = arith.constant 3072 : i32
    %mul3A_282 = vector.broadcast %mul3A_281 : i32 to vector<16xi32>
    %mul3A_283 = arith.muli %shift_right_arithmetic3A_280, %mul3A_282 : vector<16xi32>
    %shift_right_arithmetic3A_284 = arith.constant 7 : i32
    %shift_right_arithmetic3A_285 = vector.broadcast %shift_right_arithmetic3A_284 : i32 to vector<16xi32>
    %shift_right_arithmetic3A_286 = arith.shrsi %get3A_277, %shift_right_arithmetic3A_285 : vector<16xi32>
    %mul3A_287 = arith.constant 1024 : i32
    %mul3A_288 = vector.broadcast %mul3A_287 : i32 to vector<16xi32>
    %mul3A_289 = arith.muli %shift_right_arithmetic3A_286, %mul3A_288 : vector<16xi32>
    %add3A_290 = arith.addi %mul3A_283, %mul3A_289 : vector<16xi32>
    %and3A_291 = arith.constant 7 : i32
    %and3A_292 = vector.broadcast %and3A_291 : i32 to vector<16xi32>
    %and3A_293 = arith.andi %get3A_275, %and3A_292 : vector<16xi32>
    %mul3A_294 = arith.constant 128 : i32
    %mul3A_295 = vector.broadcast %mul3A_294 : i32 to vector<16xi32>
    %mul3A_296 = arith.muli %and3A_293, %mul3A_295 : vector<16xi32>
    %add3A_297 = arith.addi %add3A_290, %mul3A_296 : vector<16xi32>
    %and3A_298 = arith.constant 127 : i32
    %and3A_299 = vector.broadcast %and3A_298 : i32 to vector<16xi32>
    %and3A_300 = arith.andi %get3A_277, %and3A_299 : vector<16xi32>
    %add3A_301 = arith.addi %add3A_297, %and3A_300 : vector<16xi32>
    %add3A_302 = vector.broadcast %mul3A_32 : i32 to vector<16xi32>
    %add3A_303 = arith.addi %add3A_301, %add3A_302 : vector<16xi32>
    %swap3A_304 = arith.index_cast %mul3A_273 : i32 to index
    %swap3A_305 = tpu.vector_load %arg10[%swap3A_304] {strides = array<i32>} : memref<1024xi32, #tpu.memory_space<vmem>>, vector<16xi32>,
    tpu.vector_store %arg10[%swap3A_304], %add3A_303 {strides = array<i32>} : memref<1024xi32, #tpu.memory_space<vmem>>, vector<16xi32>,
    %get3A_306 = arith.index_cast %mul3A_273 : i32 to index
    %get3A_307 = tpu.vector_load %arg8[%get3A_306] {strides = array<i32>} : memref<1024xi32, #tpu.memory_space<vmem>>, vector<16xi32>,
    %get3A_308 = arith.index_cast %mul3A_273 : i32 to index
    %get3A_309 = tpu.vector_load %arg9[%get3A_308] {strides = array<i32>} : memref<1024xi32, #tpu.memory_space<vmem>>, vector<16xi32>,
    %shift_right_arithmetic3A_310 = arith.constant 3 : i32
    %shift_right_arithmetic3A_311 = vector.broadcast %shift_right_arithmetic3A_310 : i32 to vector<16xi32>
    %shift_right_arithmetic3A_312 = arith.shrsi %get3A_307, %shift_right_arithmetic3A_311 : vector<16xi32>
    %mul3A_313 = arith.constant 3072 : i32
    %mul3A_314 = vector.broadcast %mul3A_313 : i32 to vector<16xi32>
    %mul3A_315 = arith.muli %shift_right_arithmetic3A_312, %mul3A_314 : vector<16xi32>
    %shift_right_arithmetic3A_316 = arith.constant 7 : i32
    %shift_right_arithmetic3A_317 = vector.broadcast %shift_right_arithmetic3A_316 : i32 to vector<16xi32>
    %shift_right_arithmetic3A_318 = arith.shrsi %get3A_309, %shift_right_arithmetic3A_317 : vector<16xi32>
    %mul3A_319 = arith.constant 1024 : i32
    %mul3A_320 = vector.broadcast %mul3A_319 : i32 to vector<16xi32>
    %mul3A_321 = arith.muli %shift_right_arithmetic3A_318, %mul3A_320 : vector<16xi32>
    %add3A_322 = arith.addi %mul3A_315, %mul3A_321 : vector<16xi32>
    %and3A_323 = arith.constant 7 : i32
    %and3A_324 = vector.broadcast %and3A_323 : i32 to vector<16xi32>
    %and3A_325 = arith.andi %get3A_307, %and3A_324 : vector<16xi32>
    %mul3A_326 = arith.constant 128 : i32
    %mul3A_327 = vector.broadcast %mul3A_326 : i32 to vector<16xi32>
    %mul3A_328 = arith.muli %and3A_325, %mul3A_327 : vector<16xi32>
    %add3A_329 = arith.addi %add3A_322, %mul3A_328 : vector<16xi32>
    %and3A_330 = arith.constant 127 : i32
    %and3A_331 = vector.broadcast %and3A_330 : i32 to vector<16xi32>
    %and3A_332 = arith.andi %get3A_309, %and3A_331 : vector<16xi32>
    %add3A_333 = arith.addi %add3A_329, %and3A_332 : vector<16xi32>
    %add3A_334 = vector.broadcast %mul3A_32 : i32 to vector<16xi32>
    %add3A_335 = arith.addi %add3A_333, %add3A_334 : vector<16xi32>
    %swap3A_336 = arith.index_cast %mul3A_273 : i32 to index
    %swap3A_337 = tpu.vector_load %arg11[%swap3A_336] {strides = array<i32>} : memref<1024xi32, #tpu.memory_space<vmem>>, vector<16xi32>,
    tpu.vector_store %arg11[%swap3A_336], %add3A_335 {strides = array<i32>} : memref<1024xi32, #tpu.memory_space<vmem>>, vector<16xi32>,
    %scan3A_338 = arith.constant 4 : i32
    %mul3A_339 = arith.constant 16 : i32
    %mul3A_340 = arith.muli %scan3A_338, %mul3A_339 : i32
    %get3A_341 = arith.index_cast %mul3A_340 : i32 to index
    %get3A_342 = tpu.vector_load %arg6[%get3A_341] {strides = array<i32>} : memref<1024xi32, #tpu.memory_space<vmem>>, vector<16xi32>,
    %get3A_343 = arith.index_cast %mul3A_340 : i32 to index
    %get3A_344 = tpu.vector_load %arg7[%get3A_343] {strides = array<i32>} : memref<1024xi32, #tpu.memory_space<vmem>>, vector<16xi32>,
    %shift_right_arithmetic3A_345 = arith.constant 3 : i32
    %shift_right_arithmetic3A_346 = vector.broadcast %shift_right_arithmetic3A_345 : i32 to vector<16xi32>
    %shift_right_arithmetic3A_347 = arith.shrsi %get3A_342, %shift_right_arithmetic3A_346 : vector<16xi32>
    %mul3A_348 = arith.constant 3072 : i32
    %mul3A_349 = vector.broadcast %mul3A_348 : i32 to vector<16xi32>
    %mul3A_350 = arith.muli %shift_right_arithmetic3A_347, %mul3A_349 : vector<16xi32>
    %shift_right_arithmetic3A_351 = arith.constant 7 : i32
    %shift_right_arithmetic3A_352 = vector.broadcast %shift_right_arithmetic3A_351 : i32 to vector<16xi32>
    %shift_right_arithmetic3A_353 = arith.shrsi %get3A_344, %shift_right_arithmetic3A_352 : vector<16xi32>
    %mul3A_354 = arith.constant 1024 : i32
    %mul3A_355 = vector.broadcast %mul3A_354 : i32 to vector<16xi32>
    %mul3A_356 = arith.muli %shift_right_arithmetic3A_353, %mul3A_355 : vector<16xi32>
    %add3A_357 = arith.addi %mul3A_350, %mul3A_356 : vector<16xi32>
    %and3A_358 = arith.constant 7 : i32
    %and3A_359 = vector.broadcast %and3A_358 : i32 to vector<16xi32>
    %and3A_360 = arith.andi %get3A_342, %and3A_359 : vector<16xi32>
    %mul3A_361 = arith.constant 128 : i32
    %mul3A_362 = vector.broadcast %mul3A_361 : i32 to vector<16xi32>
    %mul3A_363 = arith.muli %and3A_360, %mul3A_362 : vector<16xi32>
    %add3A_364 = arith.addi %add3A_357, %mul3A_363 : vector<16xi32>
    %and3A_365 = arith.constant 127 : i32
    %and3A_366 = vector.broadcast %and3A_365 : i32 to vector<16xi32>
    %and3A_367 = arith.andi %get3A_344, %and3A_366 : vector<16xi32>
    %add3A_368 = arith.addi %add3A_364, %and3A_367 : vector<16xi32>
    %add3A_369 = vector.broadcast %mul3A_32 : i32 to vector<16xi32>
    %add3A_370 = arith.addi %add3A_368, %add3A_369 : vector<16xi32>
    %swap3A_371 = arith.index_cast %mul3A_340 : i32 to index
    %swap3A_372 = tpu.vector_load %arg10[%swap3A_371] {strides = array<i32>} : memref<1024xi32, #tpu.memory_space<vmem>>, vector<16xi32>,
    tpu.vector_store %arg10[%swap3A_371], %add3A_370 {strides = array<i32>} : memref<1024xi32, #tpu.memory_space<vmem>>, vector<16xi32>,
    %get3A_373 = arith.index_cast %mul3A_340 : i32 to index
    %get3A_374 = tpu.vector_load %arg8[%get3A_373] {strides = array<i32>} : memref<1024xi32, #tpu.memory_space<vmem>>, vector<16xi32>,
    %get3A_375 = arith.index_cast %mul3A_340 : i32 to index
    %get3A_376 = tpu.vector_load %arg9[%get3A_375] {strides = array<i32>} : memref<1024xi32, #tpu.memory_space<vmem>>, vector<16xi32>,
    %shift_right_arithmetic3A_377 = arith.constant 3 : i32
    %shift_right_arithmetic3A_378 = vector.broadcast %shift_right_arithmetic3A_377 : i32 to vector<16xi32>
    %shift_right_arithmetic3A_379 = arith.shrsi %get3A_374, %shift_right_arithmetic3A_378 : vector<16xi32>
    %mul3A_380 = arith.constant 3072 : i32
    %mul3A_381 = vector.broadcast %mul3A_380 : i32 to vector<16xi32>
    %mul3A_382 = arith.muli %shift_right_arithmetic3A_379, %mul3A_381 : vector<16xi32>
    %shift_right_arithmetic3A_383 = arith.constant 7 : i32
    %shift_right_arithmetic3A_384 = vector.broadcast %shift_right_arithmetic3A_383 : i32 to vector<16xi32>
    %shift_right_arithmetic3A_385 = arith.shrsi %get3A_376, %shift_right_arithmetic3A_384 : vector<16xi32>
    %mul3A_386 = arith.constant 1024 : i32
    %mul3A_387 = vector.broadcast %mul3A_386 : i32 to vector<16xi32>
    %mul3A_388 = arith.muli %shift_right_arithmetic3A_385, %mul3A_387 : vector<16xi32>
    %add3A_389 = arith.addi %mul3A_382, %mul3A_388 : vector<16xi32>
    %and3A_390 = arith.constant 7 : i32
    %and3A_391 = vector.broadcast %and3A_390 : i32 to vector<16xi32>
    %and3A_392 = arith.andi %get3A_374, %and3A_391 : vector<16xi32>
    %mul3A_393 = arith.constant 128 : i32
    %mul3A_394 = vector.broadcast %mul3A_393 : i32 to vector<16xi32>
    %mul3A_395 = arith.muli %and3A_392, %mul3A_394 : vector<16xi32>
    %add3A_396 = arith.addi %add3A_389, %mul3A_395 : vector<16xi32>
    %and3A_397 = arith.constant 127 : i32
    %and3A_398 = vector.broadcast %and3A_397 : i32 to vector<16xi32>
    %and3A_399 = arith.andi %get3A_376, %and3A_398 : vector<16xi32>
    %add3A_400 = arith.addi %add3A_396, %and3A_399 : vector<16xi32>
    %add3A_401 = vector.broadcast %mul3A_32 : i32 to vector<16xi32>
    %add3A_402 = arith.addi %add3A_400, %add3A_401 : vector<16xi32>
    %swap3A_403 = arith.index_cast %mul3A_340 : i32 to index
    %swap3A_404 = tpu.vector_load %arg11[%swap3A_403] {strides = array<i32>} : memref<1024xi32, #tpu.memory_space<vmem>>, vector<16xi32>,
    tpu.vector_store %arg11[%swap3A_403], %add3A_402 {strides = array<i32>} : memref<1024xi32, #tpu.memory_space<vmem>>, vector<16xi32>,
    %scan3A_405 = arith.constant 5 : i32
    %mul3A_406 = arith.constant 16 : i32
    %mul3A_407 = arith.muli %scan3A_405, %mul3A_406 : i32
    %get3A_408 = arith.index_cast %mul3A_407 : i32 to index
    %get3A_409 = tpu.vector_load %arg6[%get3A_408] {strides = array<i32>} : memref<1024xi32, #tpu.memory_space<vmem>>, vector<16xi32>,
    %get3A_410 = arith.index_cast %mul3A_407 : i32 to index
    %get3A_411 = tpu.vector_load %arg7[%get3A_410] {strides = array<i32>} : memref<1024xi32, #tpu.memory_space<vmem>>, vector<16xi32>,
    %shift_right_arithmetic3A_412 = arith.constant 3 : i32
    %shift_right_arithmetic3A_413 = vector.broadcast %shift_right_arithmetic3A_412 : i32 to vector<16xi32>
    %shift_right_arithmetic3A_414 = arith.shrsi %get3A_409, %shift_right_arithmetic3A_413 : vector<16xi32>
    %mul3A_415 = arith.constant 3072 : i32
    %mul3A_416 = vector.broadcast %mul3A_415 : i32 to vector<16xi32>
    %mul3A_417 = arith.muli %shift_right_arithmetic3A_414, %mul3A_416 : vector<16xi32>
    %shift_right_arithmetic3A_418 = arith.constant 7 : i32
    %shift_right_arithmetic3A_419 = vector.broadcast %shift_right_arithmetic3A_418 : i32 to vector<16xi32>
    %shift_right_arithmetic3A_420 = arith.shrsi %get3A_411, %shift_right_arithmetic3A_419 : vector<16xi32>
    %mul3A_421 = arith.constant 1024 : i32
    %mul3A_422 = vector.broadcast %mul3A_421 : i32 to vector<16xi32>
    %mul3A_423 = arith.muli %shift_right_arithmetic3A_420, %mul3A_422 : vector<16xi32>
    %add3A_424 = arith.addi %mul3A_417, %mul3A_423 : vector<16xi32>
    %and3A_425 = arith.constant 7 : i32
    %and3A_426 = vector.broadcast %and3A_425 : i32 to vector<16xi32>
    %and3A_427 = arith.andi %get3A_409, %and3A_426 : vector<16xi32>
    %mul3A_428 = arith.constant 128 : i32
    %mul3A_429 = vector.broadcast %mul3A_428 : i32 to vector<16xi32>
    %mul3A_430 = arith.muli %and3A_427, %mul3A_429 : vector<16xi32>
    %add3A_431 = arith.addi %add3A_424, %mul3A_430 : vector<16xi32>
    %and3A_432 = arith.constant 127 : i32
    %and3A_433 = vector.broadcast %and3A_432 : i32 to vector<16xi32>
    %and3A_434 = arith.andi %get3A_411, %and3A_433 : vector<16xi32>
    %add3A_435 = arith.addi %add3A_431, %and3A_434 : vector<16xi32>
    %add3A_436 = vector.broadcast %mul3A_32 : i32 to vector<16xi32>
    %add3A_437 = arith.addi %add3A_435, %add3A_436 : vector<16xi32>
    %swap3A_438 = arith.index_cast %mul3A_407 : i32 to index
    %swap3A_439 = tpu.vector_load %arg10[%swap3A_438] {strides = array<i32>} : memref<1024xi32, #tpu.memory_space<vmem>>, vector<16xi32>,
    tpu.vector_store %arg10[%swap3A_438], %add3A_437 {strides = array<i32>} : memref<1024xi32, #tpu.memory_space<vmem>>, vector<16xi32>,
    %get3A_440 = arith.index_cast %mul3A_407 : i32 to index
    %get3A_441 = tpu.vector_load %arg8[%get3A_440] {strides = array<i32>} : memref<1024xi32, #tpu.memory_space<vmem>>, vector<16xi32>,
    %get3A_442 = arith.index_cast %mul3A_407 : i32 to index
    %get3A_443 = tpu.vector_load %arg9[%get3A_442] {strides = array<i32>} : memref<1024xi32, #tpu.memory_space<vmem>>, vector<16xi32>,
    %shift_right_arithmetic3A_444 = arith.constant 3 : i32
    %shift_right_arithmetic3A_445 = vector.broadcast %shift_right_arithmetic3A_444 : i32 to vector<16xi32>
    %shift_right_arithmetic3A_446 = arith.shrsi %get3A_441, %shift_right_arithmetic3A_445 : vector<16xi32>
    %mul3A_447 = arith.constant 3072 : i32
    %mul3A_448 = vector.broadcast %mul3A_447 : i32 to vector<16xi32>
    %mul3A_449 = arith.muli %shift_right_arithmetic3A_446, %mul3A_448 : vector<16xi32>
    %shift_right_arithmetic3A_450 = arith.constant 7 : i32
    %shift_right_arithmetic3A_451 = vector.broadcast %shift_right_arithmetic3A_450 : i32 to vector<16xi32>
    %shift_right_arithmetic3A_452 = arith.shrsi %get3A_443, %shift_right_arithmetic3A_451 : vector<16xi32>
    %mul3A_453 = arith.constant 1024 : i32
    %mul3A_454 = vector.broadcast %mul3A_453 : i32 to vector<16xi32>
    %mul3A_455 = arith.muli %shift_right_arithmetic3A_452, %mul3A_454 : vector<16xi32>
    %add3A_456 = arith.addi %mul3A_449, %mul3A_455 : vector<16xi32>
    %and3A_457 = arith.constant 7 : i32
    %and3A_458 = vector.broadcast %and3A_457 : i32 to vector<16xi32>
    %and3A_459 = arith.andi %get3A_441, %and3A_458 : vector<16xi32>
    %mul3A_460 = arith.constant 128 : i32
    %mul3A_461 = vector.broadcast %mul3A_460 : i32 to vector<16xi32>
    %mul3A_462 = arith.muli %and3A_459, %mul3A_461 : vector<16xi32>
    %add3A_463 = arith.addi %add3A_456, %mul3A_462 : vector<16xi32>
    %and3A_464 = arith.constant 127 : i32
    %and3A_465 = vector.broadcast %and3A_464 : i32 to vector<16xi32>
    %and3A_466 = arith.andi %get3A_443, %and3A_465 : vector<16xi32>
    %add3A_467 = arith.addi %add3A_463, %and3A_466 : vector<16xi32>
    %add3A_468 = vector.broadcast %mul3A_32 : i32 to vector<16xi32>
    %add3A_469 = arith.addi %add3A_467, %add3A_468 : vector<16xi32>
    %swap3A_470 = arith.index_cast %mul3A_407 : i32 to index
    %swap3A_471 = tpu.vector_load %arg11[%swap3A_470] {strides = array<i32>} : memref<1024xi32, #tpu.memory_space<vmem>>, vector<16xi32>,
    tpu.vector_store %arg11[%swap3A_470], %add3A_469 {strides = array<i32>} : memref<1024xi32, #tpu.memory_space<vmem>>, vector<16xi32>,
    %scan3A_472 = arith.constant 6 : i32
    %mul3A_473 = arith.constant 16 : i32
    %mul3A_474 = arith.muli %scan3A_472, %mul3A_473 : i32
    %get3A_475 = arith.index_cast %mul3A_474 : i32 to index
    %get3A_476 = tpu.vector_load %arg6[%get3A_475] {strides = array<i32>} : memref<1024xi32, #tpu.memory_space<vmem>>, vector<16xi32>,
    %get3A_477 = arith.index_cast %mul3A_474 : i32 to index
    %get3A_478 = tpu.vector_load %arg7[%get3A_477] {strides = array<i32>} : memref<1024xi32, #tpu.memory_space<vmem>>, vector<16xi32>,
    %shift_right_arithmetic3A_479 = arith.constant 3 : i32
    %shift_right_arithmetic3A_480 = vector.broadcast %shift_right_arithmetic3A_479 : i32 to vector<16xi32>
    %shift_right_arithmetic3A_481 = arith.shrsi %get3A_476, %shift_right_arithmetic3A_480 : vector<16xi32>
    %mul3A_482 = arith.constant 3072 : i32
    %mul3A_483 = vector.broadcast %mul3A_482 : i32 to vector<16xi32>
    %mul3A_484 = arith.muli %shift_right_arithmetic3A_481, %mul3A_483 : vector<16xi32>
    %shift_right_arithmetic3A_485 = arith.constant 7 : i32
    %shift_right_arithmetic3A_486 = vector.broadcast %shift_right_arithmetic3A_485 : i32 to vector<16xi32>
    %shift_right_arithmetic3A_487 = arith.shrsi %get3A_478, %shift_right_arithmetic3A_486 : vector<16xi32>
    %mul3A_488 = arith.constant 1024 : i32
    %mul3A_489 = vector.broadcast %mul3A_488 : i32 to vector<16xi32>
    %mul3A_490 = arith.muli %shift_right_arithmetic3A_487, %mul3A_489 : vector<16xi32>
    %add3A_491 = arith.addi %mul3A_484, %mul3A_490 : vector<16xi32>
    %and3A_492 = arith.constant 7 : i32
    %and3A_493 = vector.broadcast %and3A_492 : i32 to vector<16xi32>
    %and3A_494 = arith.andi %get3A_476, %and3A_493 : vector<16xi32>
    %mul3A_495 = arith.constant 128 : i32
    %mul3A_496 = vector.broadcast %mul3A_495 : i32 to vector<16xi32>
    %mul3A_497 = arith.muli %and3A_494, %mul3A_496 : vector<16xi32>
    %add3A_498 = arith.addi %add3A_491, %mul3A_497 : vector<16xi32>
    %and3A_499 = arith.constant 127 : i32
    %and3A_500 = vector.broadcast %and3A_499 : i32 to vector<16xi32>
    %and3A_501 = arith.andi %get3A_478, %and3A_500 : vector<16xi32>
    %add3A_502 = arith.addi %add3A_498, %and3A_501 : vector<16xi32>
    %add3A_503 = vector.broadcast %mul3A_32 : i32 to vector<16xi32>
    %add3A_504 = arith.addi %add3A_502, %add3A_503 : vector<16xi32>
    %swap3A_505 = arith.index_cast %mul3A_474 : i32 to index
    %swap3A_506 = tpu.vector_load %arg10[%swap3A_505] {strides = array<i32>} : memref<1024xi32, #tpu.memory_space<vmem>>, vector<16xi32>,
    tpu.vector_store %arg10[%swap3A_505], %add3A_504 {strides = array<i32>} : memref<1024xi32, #tpu.memory_space<vmem>>, vector<16xi32>,
    %get3A_507 = arith.index_cast %mul3A_474 : i32 to index
    %get3A_508 = tpu.vector_load %arg8[%get3A_507] {strides = array<i32>} : memref<1024xi32, #tpu.memory_space<vmem>>, vector<16xi32>,
    %get3A_509 = arith.index_cast %mul3A_474 : i32 to index
    %get3A_510 = tpu.vector_load %arg9[%get3A_509] {strides = array<i32>} : memref<1024xi32, #tpu.memory_space<vmem>>, vector<16xi32>,
    %shift_right_arithmetic3A_511 = arith.constant 3 : i32
    %shift_right_arithmetic3A_512 = vector.broadcast %shift_right_arithmetic3A_511 : i32 to vector<16xi32>
    %shift_right_arithmetic3A_513 = arith.shrsi %get3A_508, %shift_right_arithmetic3A_512 : vector<16xi32>
    %mul3A_514 = arith.constant 3072 : i32
    %mul3A_515 = vector.broadcast %mul3A_514 : i32 to vector<16xi32>
    %mul3A_516 = arith.muli %shift_right_arithmetic3A_513, %mul3A_515 : vector<16xi32>
    %shift_right_arithmetic3A_517 = arith.constant 7 : i32
    %shift_right_arithmetic3A_518 = vector.broadcast %shift_right_arithmetic3A_517 : i32 to vector<16xi32>
    %shift_right_arithmetic3A_519 = arith.shrsi %get3A_510, %shift_right_arithmetic3A_518 : vector<16xi32>
    %mul3A_520 = arith.constant 1024 : i32
    %mul3A_521 = vector.broadcast %mul3A_520 : i32 to vector<16xi32>
    %mul3A_522 = arith.muli %shift_right_arithmetic3A_519, %mul3A_521 : vector<16xi32>
    %add3A_523 = arith.addi %mul3A_516, %mul3A_522 : vector<16xi32>
    %and3A_524 = arith.constant 7 : i32
    %and3A_525 = vector.broadcast %and3A_524 : i32 to vector<16xi32>
    %and3A_526 = arith.andi %get3A_508, %and3A_525 : vector<16xi32>
    %mul3A_527 = arith.constant 128 : i32
    %mul3A_528 = vector.broadcast %mul3A_527 : i32 to vector<16xi32>
    %mul3A_529 = arith.muli %and3A_526, %mul3A_528 : vector<16xi32>
    %add3A_530 = arith.addi %add3A_523, %mul3A_529 : vector<16xi32>
    %and3A_531 = arith.constant 127 : i32
    %and3A_532 = vector.broadcast %and3A_531 : i32 to vector<16xi32>
    %and3A_533 = arith.andi %get3A_510, %and3A_532 : vector<16xi32>
    %add3A_534 = arith.addi %add3A_530, %and3A_533 : vector<16xi32>
    %add3A_535 = vector.broadcast %mul3A_32 : i32 to vector<16xi32>
    %add3A_536 = arith.addi %add3A_534, %add3A_535 : vector<16xi32>
    %swap3A_537 = arith.index_cast %mul3A_474 : i32 to index
    %swap3A_538 = tpu.vector_load %arg11[%swap3A_537] {strides = array<i32>} : memref<1024xi32, #tpu.memory_space<vmem>>, vector<16xi32>,
    tpu.vector_store %arg11[%swap3A_537], %add3A_536 {strides = array<i32>} : memref<1024xi32, #tpu.memory_space<vmem>>, vector<16xi32>,
    %scan3A_539 = arith.constant 7 : i32
    %mul3A_540 = arith.constant 16 : i32
    %mul3A_541 = arith.muli %scan3A_539, %mul3A_540 : i32
    %get3A_542 = arith.index_cast %mul3A_541 : i32 to index
    %get3A_543 = tpu.vector_load %arg6[%get3A_542] {strides = array<i32>} : memref<1024xi32, #tpu.memory_space<vmem>>, vector<16xi32>,
    %get3A_544 = arith.index_cast %mul3A_541 : i32 to index
    %get3A_545 = tpu.vector_load %arg7[%get3A_544] {strides = array<i32>} : memref<1024xi32, #tpu.memory_space<vmem>>, vector<16xi32>,
    %shift_right_arithmetic3A_546 = arith.constant 3 : i32
    %shift_right_arithmetic3A_547 = vector.broadcast %shift_right_arithmetic3A_546 : i32 to vector<16xi32>
    %shift_right_arithmetic3A_548 = arith.shrsi %get3A_543, %shift_right_arithmetic3A_547 : vector<16xi32>
    %mul3A_549 = arith.constant 3072 : i32
    %mul3A_550 = vector.broadcast %mul3A_549 : i32 to vector<16xi32>
    %mul3A_551 = arith.muli %shift_right_arithmetic3A_548, %mul3A_550 : vector<16xi32>
    %shift_right_arithmetic3A_552 = arith.constant 7 : i32
    %shift_right_arithmetic3A_553 = vector.broadcast %shift_right_arithmetic3A_552 : i32 to vector<16xi32>
    %shift_right_arithmetic3A_554 = arith.shrsi %get3A_545, %shift_right_arithmetic3A_553 : vector<16xi32>
    %mul3A_555 = arith.constant 1024 : i32
    %mul3A_556 = vector.broadcast %mul3A_555 : i32 to vector<16xi32>
    %mul3A_557 = arith.muli %shift_right_arithmetic3A_554, %mul3A_556 : vector<16xi32>
    %add3A_558 = arith.addi %mul3A_551, %mul3A_557 : vector<16xi32>
    %and3A_559 = arith.constant 7 : i32
    %and3A_560 = vector.broadcast %and3A_559 : i32 to vector<16xi32>
    %and3A_561 = arith.andi %get3A_543, %and3A_560 : vector<16xi32>
    %mul3A_562 = arith.constant 128 : i32
    %mul3A_563 = vector.broadcast %mul3A_562 : i32 to vector<16xi32>
    %mul3A_564 = arith.muli %and3A_561, %mul3A_563 : vector<16xi32>
    %add3A_565 = arith.addi %add3A_558, %mul3A_564 : vector<16xi32>
    %and3A_566 = arith.constant 127 : i32
    %and3A_567 = vector.broadcast %and3A_566 : i32 to vector<16xi32>
    %and3A_568 = arith.andi %get3A_545, %and3A_567 : vector<16xi32>
    %add3A_569 = arith.addi %add3A_565, %and3A_568 : vector<16xi32>
    %add3A_570 = vector.broadcast %mul3A_32 : i32 to vector<16xi32>
    %add3A_571 = arith.addi %add3A_569, %add3A_570 : vector<16xi32>
    %swap3A_572 = arith.index_cast %mul3A_541 : i32 to index
    %swap3A_573 = tpu.vector_load %arg10[%swap3A_572] {strides = array<i32>} : memref<1024xi32, #tpu.memory_space<vmem>>, vector<16xi32>,
    tpu.vector_store %arg10[%swap3A_572], %add3A_571 {strides = array<i32>} : memref<1024xi32, #tpu.memory_space<vmem>>, vector<16xi32>,
    %get3A_574 = arith.index_cast %mul3A_541 : i32 to index
    %get3A_575 = tpu.vector_load %arg8[%get3A_574] {strides = array<i32>} : memref<1024xi32, #tpu.memory_space<vmem>>, vector<16xi32>,
    %get3A_576 = arith.index_cast %mul3A_541 : i32 to index
    %get3A_577 = tpu.vector_load %arg9[%get3A_576] {strides = array<i32>} : memref<1024xi32, #tpu.memory_space<vmem>>, vector<16xi32>,
    %shift_right_arithmetic3A_578 = arith.constant 3 : i32
    %shift_right_arithmetic3A_579 = vector.broadcast %shift_right_arithmetic3A_578 : i32 to vector<16xi32>
    %shift_right_arithmetic3A_580 = arith.shrsi %get3A_575, %shift_right_arithmetic3A_579 : vector<16xi32>
    %mul3A_581 = arith.constant 3072 : i32
    %mul3A_582 = vector.broadcast %mul3A_581 : i32 to vector<16xi32>
    %mul3A_583 = arith.muli %shift_right_arithmetic3A_580, %mul3A_582 : vector<16xi32>
    %shift_right_arithmetic3A_584 = arith.constant 7 : i32
    %shift_right_arithmetic3A_585 = vector.broadcast %shift_right_arithmetic3A_584 : i32 to vector<16xi32>
    %shift_right_arithmetic3A_586 = arith.shrsi %get3A_577, %shift_right_arithmetic3A_585 : vector<16xi32>
    %mul3A_587 = arith.constant 1024 : i32
    %mul3A_588 = vector.broadcast %mul3A_587 : i32 to vector<16xi32>
    %mul3A_589 = arith.muli %shift_right_arithmetic3A_586, %mul3A_588 : vector<16xi32>
    %add3A_590 = arith.addi %mul3A_583, %mul3A_589 : vector<16xi32>
    %and3A_591 = arith.constant 7 : i32
    %and3A_592 = vector.broadcast %and3A_591 : i32 to vector<16xi32>
    %and3A_593 = arith.andi %get3A_575, %and3A_592 : vector<16xi32>
    %mul3A_594 = arith.constant 128 : i32
    %mul3A_595 = vector.broadcast %mul3A_594 : i32 to vector<16xi32>
    %mul3A_596 = arith.muli %and3A_593, %mul3A_595 : vector<16xi32>
    %add3A_597 = arith.addi %add3A_590, %mul3A_596 : vector<16xi32>
    %and3A_598 = arith.constant 127 : i32
    %and3A_599 = vector.broadcast %and3A_598 : i32 to vector<16xi32>
    %and3A_600 = arith.andi %get3A_577, %and3A_599 : vector<16xi32>
    %add3A_601 = arith.addi %add3A_597, %and3A_600 : vector<16xi32>
    %add3A_602 = vector.broadcast %mul3A_32 : i32 to vector<16xi32>
    %add3A_603 = arith.addi %add3A_601, %add3A_602 : vector<16xi32>
    %swap3A_604 = arith.index_cast %mul3A_541 : i32 to index
    %swap3A_605 = tpu.vector_load %arg11[%swap3A_604] {strides = array<i32>} : memref<1024xi32, #tpu.memory_space<vmem>>, vector<16xi32>,
    tpu.vector_store %arg11[%swap3A_604], %add3A_603 {strides = array<i32>} : memref<1024xi32, #tpu.memory_space<vmem>>, vector<16xi32>,
    %scan3A_606 = arith.constant 8 : i32
    %mul3A_607 = arith.constant 16 : i32
    %mul3A_608 = arith.muli %scan3A_606, %mul3A_607 : i32
    %get3A_609 = arith.index_cast %mul3A_608 : i32 to index
    %get3A_610 = tpu.vector_load %arg6[%get3A_609] {strides = array<i32>} : memref<1024xi32, #tpu.memory_space<vmem>>, vector<16xi32>,
    %get3A_611 = arith.index_cast %mul3A_608 : i32 to index
    %get3A_612 = tpu.vector_load %arg7[%get3A_611] {strides = array<i32>} : memref<1024xi32, #tpu.memory_space<vmem>>, vector<16xi32>,
    %shift_right_arithmetic3A_613 = arith.constant 3 : i32
    %shift_right_arithmetic3A_614 = vector.broadcast %shift_right_arithmetic3A_613 : i32 to vector<16xi32>
    %shift_right_arithmetic3A_615 = arith.shrsi %get3A_610, %shift_right_arithmetic3A_614 : vector<16xi32>
    %mul3A_616 = arith.constant 3072 : i32
    %mul3A_617 = vector.broadcast %mul3A_616 : i32 to vector<16xi32>
    %mul3A_618 = arith.muli %shift_right_arithmetic3A_615, %mul3A_617 : vector<16xi32>
    %shift_right_arithmetic3A_619 = arith.constant 7 : i32
    %shift_right_arithmetic3A_620 = vector.broadcast %shift_right_arithmetic3A_619 : i32 to vector<16xi32>
    %shift_right_arithmetic3A_621 = arith.shrsi %get3A_612, %shift_right_arithmetic3A_620 : vector<16xi32>
    %mul3A_622 = arith.constant 1024 : i32
    %mul3A_623 = vector.broadcast %mul3A_622 : i32 to vector<16xi32>
    %mul3A_624 = arith.muli %shift_right_arithmetic3A_621, %mul3A_623 : vector<16xi32>
    %add3A_625 = arith.addi %mul3A_618, %mul3A_624 : vector<16xi32>
    %and3A_626 = arith.constant 7 : i32
    %and3A_627 = vector.broadcast %and3A_626 : i32 to vector<16xi32>
    %and3A_628 = arith.andi %get3A_610, %and3A_627 : vector<16xi32>
    %mul3A_629 = arith.constant 128 : i32
    %mul3A_630 = vector.broadcast %mul3A_629 : i32 to vector<16xi32>
    %mul3A_631 = arith.muli %and3A_628, %mul3A_630 : vector<16xi32>
    %add3A_632 = arith.addi %add3A_625, %mul3A_631 : vector<16xi32>
    %and3A_633 = arith.constant 127 : i32
    %and3A_634 = vector.broadcast %and3A_633 : i32 to vector<16xi32>
    %and3A_635 = arith.andi %get3A_612, %and3A_634 : vector<16xi32>
    %add3A_636 = arith.addi %add3A_632, %and3A_635 : vector<16xi32>
    %add3A_637 = vector.broadcast %mul3A_32 : i32 to vector<16xi32>
    %add3A_638 = arith.addi %add3A_636, %add3A_637 : vector<16xi32>
    %swap3A_639 = arith.index_cast %mul3A_608 : i32 to index
    %swap3A_640 = tpu.vector_load %arg10[%swap3A_639] {strides = array<i32>} : memref<1024xi32, #tpu.memory_space<vmem>>, vector<16xi32>,
    tpu.vector_store %arg10[%swap3A_639], %add3A_638 {strides = array<i32>} : memref<1024xi32, #tpu.memory_space<vmem>>, vector<16xi32>,
    %get3A_641 = arith.index_cast %mul3A_608 : i32 to index
    %get3A_642 = tpu.vector_load %arg8[%get3A_641] {strides = array<i32>} : memref<1024xi32, #tpu.memory_space<vmem>>, vector<16xi32>,
    %get3A_643 = arith.index_cast %mul3A_608 : i32 to index
    %get3A_644 = tpu.vector_load %arg9[%get3A_643] {strides = array<i32>} : memref<1024xi32, #tpu.memory_space<vmem>>, vector<16xi32>,
    %shift_right_arithmetic3A_645 = arith.constant 3 : i32
    %shift_right_arithmetic3A_646 = vector.broadcast %shift_right_arithmetic3A_645 : i32 to vector<16xi32>
    %shift_right_arithmetic3A_647 = arith.shrsi %get3A_642, %shift_right_arithmetic3A_646 : vector<16xi32>
    %mul3A_648 = arith.constant 3072 : i32
    %mul3A_649 = vector.broadcast %mul3A_648 : i32 to vector<16xi32>
    %mul3A_650 = arith.muli %shift_right_arithmetic3A_647, %mul3A_649 : vector<16xi32>
    %shift_right_arithmetic3A_651 = arith.constant 7 : i32
    %shift_right_arithmetic3A_652 = vector.broadcast %shift_right_arithmetic3A_651 : i32 to vector<16xi32>
    %shift_right_arithmetic3A_653 = arith.shrsi %get3A_644, %shift_right_arithmetic3A_652 : vector<16xi32>
    %mul3A_654 = arith.constant 1024 : i32
    %mul3A_655 = vector.broadcast %mul3A_654 : i32 to vector<16xi32>
    %mul3A_656 = arith.muli %shift_right_arithmetic3A_653, %mul3A_655 : vector<16xi32>
    %add3A_657 = arith.addi %mul3A_650, %mul3A_656 : vector<16xi32>
    %and3A_658 = arith.constant 7 : i32
    %and3A_659 = vector.broadcast %and3A_658 : i32 to vector<16xi32>
    %and3A_660 = arith.andi %get3A_642, %and3A_659 : vector<16xi32>
    %mul3A_661 = arith.constant 128 : i32
    %mul3A_662 = vector.broadcast %mul3A_661 : i32 to vector<16xi32>
    %mul3A_663 = arith.muli %and3A_660, %mul3A_662 : vector<16xi32>
    %add3A_664 = arith.addi %add3A_657, %mul3A_663 : vector<16xi32>
    %and3A_665 = arith.constant 127 : i32
    %and3A_666 = vector.broadcast %and3A_665 : i32 to vector<16xi32>
    %and3A_667 = arith.andi %get3A_644, %and3A_666 : vector<16xi32>
    %add3A_668 = arith.addi %add3A_664, %and3A_667 : vector<16xi32>
    %add3A_669 = vector.broadcast %mul3A_32 : i32 to vector<16xi32>
    %add3A_670 = arith.addi %add3A_668, %add3A_669 : vector<16xi32>
    %swap3A_671 = arith.index_cast %mul3A_608 : i32 to index
    %swap3A_672 = tpu.vector_load %arg11[%swap3A_671] {strides = array<i32>} : memref<1024xi32, #tpu.memory_space<vmem>>, vector<16xi32>,
    tpu.vector_store %arg11[%swap3A_671], %add3A_670 {strides = array<i32>} : memref<1024xi32, #tpu.memory_space<vmem>>, vector<16xi32>,
    %scan3A_673 = arith.constant 9 : i32
    %mul3A_674 = arith.constant 16 : i32
    %mul3A_675 = arith.muli %scan3A_673, %mul3A_674 : i32
    %get3A_676 = arith.index_cast %mul3A_675 : i32 to index
    %get3A_677 = tpu.vector_load %arg6[%get3A_676] {strides = array<i32>} : memref<1024xi32, #tpu.memory_space<vmem>>, vector<16xi32>,
    %get3A_678 = arith.index_cast %mul3A_675 : i32 to index
    %get3A_679 = tpu.vector_load %arg7[%get3A_678] {strides = array<i32>} : memref<1024xi32, #tpu.memory_space<vmem>>, vector<16xi32>,
    %shift_right_arithmetic3A_680 = arith.constant 3 : i32
    %shift_right_arithmetic3A_681 = vector.broadcast %shift_right_arithmetic3A_680 : i32 to vector<16xi32>
    %shift_right_arithmetic3A_682 = arith.shrsi %get3A_677, %shift_right_arithmetic3A_681 : vector<16xi32>
    %mul3A_683 = arith.constant 3072 : i32
    %mul3A_684 = vector.broadcast %mul3A_683 : i32 to vector<16xi32>
    %mul3A_685 = arith.muli %shift_right_arithmetic3A_682, %mul3A_684 : vector<16xi32>
    %shift_right_arithmetic3A_686 = arith.constant 7 : i32
    %shift_right_arithmetic3A_687 = vector.broadcast %shift_right_arithmetic3A_686 : i32 to vector<16xi32>
    %shift_right_arithmetic3A_688 = arith.shrsi %get3A_679, %shift_right_arithmetic3A_687 : vector<16xi32>
    %mul3A_689 = arith.constant 1024 : i32
    %mul3A_690 = vector.broadcast %mul3A_689 : i32 to vector<16xi32>
    %mul3A_691 = arith.muli %shift_right_arithmetic3A_688, %mul3A_690 : vector<16xi32>
    %add3A_692 = arith.addi %mul3A_685, %mul3A_691 : vector<16xi32>
    %and3A_693 = arith.constant 7 : i32
    %and3A_694 = vector.broadcast %and3A_693 : i32 to vector<16xi32>
    %and3A_695 = arith.andi %get3A_677, %and3A_694 : vector<16xi32>
    %mul3A_696 = arith.constant 128 : i32
    %mul3A_697 = vector.broadcast %mul3A_696 : i32 to vector<16xi32>
    %mul3A_698 = arith.muli %and3A_695, %mul3A_697 : vector<16xi32>
    %add3A_699 = arith.addi %add3A_692, %mul3A_698 : vector<16xi32>
    %and3A_700 = arith.constant 127 : i32
    %and3A_701 = vector.broadcast %and3A_700 : i32 to vector<16xi32>
    %and3A_702 = arith.andi %get3A_679, %and3A_701 : vector<16xi32>
    %add3A_703 = arith.addi %add3A_699, %and3A_702 : vector<16xi32>
    %add3A_704 = vector.broadcast %mul3A_32 : i32 to vector<16xi32>
    %add3A_705 = arith.addi %add3A_703, %add3A_704 : vector<16xi32>
    %swap3A_706 = arith.index_cast %mul3A_675 : i32 to index
    %swap3A_707 = tpu.vector_load %arg10[%swap3A_706] {strides = array<i32>} : memref<1024xi32, #tpu.memory_space<vmem>>, vector<16xi32>,
    tpu.vector_store %arg10[%swap3A_706], %add3A_705 {strides = array<i32>} : memref<1024xi32, #tpu.memory_space<vmem>>, vector<16xi32>,
    %get3A_708 = arith.index_cast %mul3A_675 : i32 to index
    %get3A_709 = tpu.vector_load %arg8[%get3A_708] {strides = array<i32>} : memref<1024xi32, #tpu.memory_space<vmem>>, vector<16xi32>,
    %get3A_710 = arith.index_cast %mul3A_675 : i32 to index
    %get3A_711 = tpu.vector_load %arg9[%get3A_710] {strides = array<i32>} : memref<1024xi32, #tpu.memory_space<vmem>>, vector<16xi32>,
    %shift_right_arithmetic3A_712 = arith.constant 3 : i32
    %shift_right_arithmetic3A_713 = vector.broadcast %shift_right_arithmetic3A_712 : i32 to vector<16xi32>
    %shift_right_arithmetic3A_714 = arith.shrsi %get3A_709, %shift_right_arithmetic3A_713 : vector<16xi32>
    %mul3A_715 = arith.constant 3072 : i32
    %mul3A_716 = vector.broadcast %mul3A_715 : i32 to vector<16xi32>
    %mul3A_717 = arith.muli %shift_right_arithmetic3A_714, %mul3A_716 : vector<16xi32>
    %shift_right_arithmetic3A_718 = arith.constant 7 : i32
    %shift_right_arithmetic3A_719 = vector.broadcast %shift_right_arithmetic3A_718 : i32 to vector<16xi32>
    %shift_right_arithmetic3A_720 = arith.shrsi %get3A_711, %shift_right_arithmetic3A_719 : vector<16xi32>
    %mul3A_721 = arith.constant 1024 : i32
    %mul3A_722 = vector.broadcast %mul3A_721 : i32 to vector<16xi32>
    %mul3A_723 = arith.muli %shift_right_arithmetic3A_720, %mul3A_722 : vector<16xi32>
    %add3A_724 = arith.addi %mul3A_717, %mul3A_723 : vector<16xi32>
    %and3A_725 = arith.constant 7 : i32
    %and3A_726 = vector.broadcast %and3A_725 : i32 to vector<16xi32>
    %and3A_727 = arith.andi %get3A_709, %and3A_726 : vector<16xi32>
    %mul3A_728 = arith.constant 128 : i32
    %mul3A_729 = vector.broadcast %mul3A_728 : i32 to vector<16xi32>
    %mul3A_730 = arith.muli %and3A_727, %mul3A_729 : vector<16xi32>
    %add3A_731 = arith.addi %add3A_724, %mul3A_730 : vector<16xi32>
    %and3A_732 = arith.constant 127 : i32
    %and3A_733 = vector.broadcast %and3A_732 : i32 to vector<16xi32>
    %and3A_734 = arith.andi %get3A_711, %and3A_733 : vector<16xi32>
    %add3A_735 = arith.addi %add3A_731, %and3A_734 : vector<16xi32>
    %add3A_736 = vector.broadcast %mul3A_32 : i32 to vector<16xi32>
    %add3A_737 = arith.addi %add3A_735, %add3A_736 : vector<16xi32>
    %swap3A_738 = arith.index_cast %mul3A_675 : i32 to index
    %swap3A_739 = tpu.vector_load %arg11[%swap3A_738] {strides = array<i32>} : memref<1024xi32, #tpu.memory_space<vmem>>, vector<16xi32>,
    tpu.vector_store %arg11[%swap3A_738], %add3A_737 {strides = array<i32>} : memref<1024xi32, #tpu.memory_space<vmem>>, vector<16xi32>,
    %scan3A_740 = arith.constant 10 : i32
    %mul3A_741 = arith.constant 16 : i32
    %mul3A_742 = arith.muli %scan3A_740, %mul3A_741 : i32
    %get3A_743 = arith.index_cast %mul3A_742 : i32 to index
    %get3A_744 = tpu.vector_load %arg6[%get3A_743] {strides = array<i32>} : memref<1024xi32, #tpu.memory_space<vmem>>, vector<16xi32>,
    %get3A_745 = arith.index_cast %mul3A_742 : i32 to index
    %get3A_746 = tpu.vector_load %arg7[%get3A_745] {strides = array<i32>} : memref<1024xi32, #tpu.memory_space<vmem>>, vector<16xi32>,
    %shift_right_arithmetic3A_747 = arith.constant 3 : i32
    %shift_right_arithmetic3A_748 = vector.broadcast %shift_right_arithmetic3A_747 : i32 to vector<16xi32>
    %shift_right_arithmetic3A_749 = arith.shrsi %get3A_744, %shift_right_arithmetic3A_748 : vector<16xi32>
    %mul3A_750 = arith.constant 3072 : i32
    %mul3A_751 = vector.broadcast %mul3A_750 : i32 to vector<16xi32>
    %mul3A_752 = arith.muli %shift_right_arithmetic3A_749, %mul3A_751 : vector<16xi32>
    %shift_right_arithmetic3A_753 = arith.constant 7 : i32
    %shift_right_arithmetic3A_754 = vector.broadcast %shift_right_arithmetic3A_753 : i32 to vector<16xi32>
    %shift_right_arithmetic3A_755 = arith.shrsi %get3A_746, %shift_right_arithmetic3A_754 : vector<16xi32>
    %mul3A_756 = arith.constant 1024 : i32
    %mul3A_757 = vector.broadcast %mul3A_756 : i32 to vector<16xi32>
    %mul3A_758 = arith.muli %shift_right_arithmetic3A_755, %mul3A_757 : vector<16xi32>
    %add3A_759 = arith.addi %mul3A_752, %mul3A_758 : vector<16xi32>
    %and3A_760 = arith.constant 7 : i32
    %and3A_761 = vector.broadcast %and3A_760 : i32 to vector<16xi32>
    %and3A_762 = arith.andi %get3A_744, %and3A_761 : vector<16xi32>
    %mul3A_763 = arith.constant 128 : i32
    %mul3A_764 = vector.broadcast %mul3A_763 : i32 to vector<16xi32>
    %mul3A_765 = arith.muli %and3A_762, %mul3A_764 : vector<16xi32>
    %add3A_766 = arith.addi %add3A_759, %mul3A_765 : vector<16xi32>
    %and3A_767 = arith.constant 127 : i32
    %and3A_768 = vector.broadcast %and3A_767 : i32 to vector<16xi32>
    %and3A_769 = arith.andi %get3A_746, %and3A_768 : vector<16xi32>
    %add3A_770 = arith.addi %add3A_766, %and3A_769 : vector<16xi32>
    %add3A_771 = vector.broadcast %mul3A_32 : i32 to vector<16xi32>
    %add3A_772 = arith.addi %add3A_770, %add3A_771 : vector<16xi32>
    %swap3A_773 = arith.index_cast %mul3A_742 : i32 to index
    %swap3A_774 = tpu.vector_load %arg10[%swap3A_773] {strides = array<i32>} : memref<1024xi32, #tpu.memory_space<vmem>>, vector<16xi32>,
    tpu.vector_store %arg10[%swap3A_773], %add3A_772 {strides = array<i32>} : memref<1024xi32, #tpu.memory_space<vmem>>, vector<16xi32>,
    %get3A_775 = arith.index_cast %mul3A_742 : i32 to index
    %get3A_776 = tpu.vector_load %arg8[%get3A_775] {strides = array<i32>} : memref<1024xi32, #tpu.memory_space<vmem>>, vector<16xi32>,
    %get3A_777 = arith.index_cast %mul3A_742 : i32 to index
    %get3A_778 = tpu.vector_load %arg9[%get3A_777] {strides = array<i32>} : memref<1024xi32, #tpu.memory_space<vmem>>, vector<16xi32>,
    %shift_right_arithmetic3A_779 = arith.constant 3 : i32
    %shift_right_arithmetic3A_780 = vector.broadcast %shift_right_arithmetic3A_779 : i32 to vector<16xi32>
    %shift_right_arithmetic3A_781 = arith.shrsi %get3A_776, %shift_right_arithmetic3A_780 : vector<16xi32>
    %mul3A_782 = arith.constant 3072 : i32
    %mul3A_783 = vector.broadcast %mul3A_782 : i32 to vector<16xi32>
    %mul3A_784 = arith.muli %shift_right_arithmetic3A_781, %mul3A_783 : vector<16xi32>
    %shift_right_arithmetic3A_785 = arith.constant 7 : i32
    %shift_right_arithmetic3A_786 = vector.broadcast %shift_right_arithmetic3A_785 : i32 to vector<16xi32>
    %shift_right_arithmetic3A_787 = arith.shrsi %get3A_778, %shift_right_arithmetic3A_786 : vector<16xi32>
    %mul3A_788 = arith.constant 1024 : i32
    %mul3A_789 = vector.broadcast %mul3A_788 : i32 to vector<16xi32>
    %mul3A_790 = arith.muli %shift_right_arithmetic3A_787, %mul3A_789 : vector<16xi32>
    %add3A_791 = arith.addi %mul3A_784, %mul3A_790 : vector<16xi32>
    %and3A_792 = arith.constant 7 : i32
    %and3A_793 = vector.broadcast %and3A_792 : i32 to vector<16xi32>
    %and3A_794 = arith.andi %get3A_776, %and3A_793 : vector<16xi32>
    %mul3A_795 = arith.constant 128 : i32
    %mul3A_796 = vector.broadcast %mul3A_795 : i32 to vector<16xi32>
    %mul3A_797 = arith.muli %and3A_794, %mul3A_796 : vector<16xi32>
    %add3A_798 = arith.addi %add3A_791, %mul3A_797 : vector<16xi32>
    %and3A_799 = arith.constant 127 : i32
    %and3A_800 = vector.broadcast %and3A_799 : i32 to vector<16xi32>
    %and3A_801 = arith.andi %get3A_778, %and3A_800 : vector<16xi32>
    %add3A_802 = arith.addi %add3A_798, %and3A_801 : vector<16xi32>
    %add3A_803 = vector.broadcast %mul3A_32 : i32 to vector<16xi32>
    %add3A_804 = arith.addi %add3A_802, %add3A_803 : vector<16xi32>
    %swap3A_805 = arith.index_cast %mul3A_742 : i32 to index
    %swap3A_806 = tpu.vector_load %arg11[%swap3A_805] {strides = array<i32>} : memref<1024xi32, #tpu.memory_space<vmem>>, vector<16xi32>,
    tpu.vector_store %arg11[%swap3A_805], %add3A_804 {strides = array<i32>} : memref<1024xi32, #tpu.memory_space<vmem>>, vector<16xi32>,
    %scan3A_807 = arith.constant 11 : i32
    %mul3A_808 = arith.constant 16 : i32
    %mul3A_809 = arith.muli %scan3A_807, %mul3A_808 : i32
    %get3A_810 = arith.index_cast %mul3A_809 : i32 to index
    %get3A_811 = tpu.vector_load %arg6[%get3A_810] {strides = array<i32>} : memref<1024xi32, #tpu.memory_space<vmem>>, vector<16xi32>,
    %get3A_812 = arith.index_cast %mul3A_809 : i32 to index
    %get3A_813 = tpu.vector_load %arg7[%get3A_812] {strides = array<i32>} : memref<1024xi32, #tpu.memory_space<vmem>>, vector<16xi32>,
    %shift_right_arithmetic3A_814 = arith.constant 3 : i32
    %shift_right_arithmetic3A_815 = vector.broadcast %shift_right_arithmetic3A_814 : i32 to vector<16xi32>
    %shift_right_arithmetic3A_816 = arith.shrsi %get3A_811, %shift_right_arithmetic3A_815 : vector<16xi32>
    %mul3A_817 = arith.constant 3072 : i32
    %mul3A_818 = vector.broadcast %mul3A_817 : i32 to vector<16xi32>
    %mul3A_819 = arith.muli %shift_right_arithmetic3A_816, %mul3A_818 : vector<16xi32>
    %shift_right_arithmetic3A_820 = arith.constant 7 : i32
    %shift_right_arithmetic3A_821 = vector.broadcast %shift_right_arithmetic3A_820 : i32 to vector<16xi32>
    %shift_right_arithmetic3A_822 = arith.shrsi %get3A_813, %shift_right_arithmetic3A_821 : vector<16xi32>
    %mul3A_823 = arith.constant 1024 : i32
    %mul3A_824 = vector.broadcast %mul3A_823 : i32 to vector<16xi32>
    %mul3A_825 = arith.muli %shift_right_arithmetic3A_822, %mul3A_824 : vector<16xi32>
    %add3A_826 = arith.addi %mul3A_819, %mul3A_825 : vector<16xi32>
    %and3A_827 = arith.constant 7 : i32
    %and3A_828 = vector.broadcast %and3A_827 : i32 to vector<16xi32>
    %and3A_829 = arith.andi %get3A_811, %and3A_828 : vector<16xi32>
    %mul3A_830 = arith.constant 128 : i32
    %mul3A_831 = vector.broadcast %mul3A_830 : i32 to vector<16xi32>
    %mul3A_832 = arith.muli %and3A_829, %mul3A_831 : vector<16xi32>
    %add3A_833 = arith.addi %add3A_826, %mul3A_832 : vector<16xi32>
    %and3A_834 = arith.constant 127 : i32
    %and3A_835 = vector.broadcast %and3A_834 : i32 to vector<16xi32>
    %and3A_836 = arith.andi %get3A_813, %and3A_835 : vector<16xi32>
    %add3A_837 = arith.addi %add3A_833, %and3A_836 : vector<16xi32>
    %add3A_838 = vector.broadcast %mul3A_32 : i32 to vector<16xi32>
    %add3A_839 = arith.addi %add3A_837, %add3A_838 : vector<16xi32>
    %swap3A_840 = arith.index_cast %mul3A_809 : i32 to index
    %swap3A_841 = tpu.vector_load %arg10[%swap3A_840] {strides = array<i32>} : memref<1024xi32, #tpu.memory_space<vmem>>, vector<16xi32>,
    tpu.vector_store %arg10[%swap3A_840], %add3A_839 {strides = array<i32>} : memref<1024xi32, #tpu.memory_space<vmem>>, vector<16xi32>,
    %get3A_842 = arith.index_cast %mul3A_809 : i32 to index
    %get3A_843 = tpu.vector_load %arg8[%get3A_842] {strides = array<i32>} : memref<1024xi32, #tpu.memory_space<vmem>>, vector<16xi32>,
    %get3A_844 = arith.index_cast %mul3A_809 : i32 to index
    %get3A_845 = tpu.vector_load %arg9[%get3A_844] {strides = array<i32>} : memref<1024xi32, #tpu.memory_space<vmem>>, vector<16xi32>,
    %shift_right_arithmetic3A_846 = arith.constant 3 : i32
    %shift_right_arithmetic3A_847 = vector.broadcast %shift_right_arithmetic3A_846 : i32 to vector<16xi32>
    %shift_right_arithmetic3A_848 = arith.shrsi %get3A_843, %shift_right_arithmetic3A_847 : vector<16xi32>
    %mul3A_849 = arith.constant 3072 : i32
    %mul3A_850 = vector.broadcast %mul3A_849 : i32 to vector<16xi32>
    %mul3A_851 = arith.muli %shift_right_arithmetic3A_848, %mul3A_850 : vector<16xi32>
    %shift_right_arithmetic3A_852 = arith.constant 7 : i32
    %shift_right_arithmetic3A_853 = vector.broadcast %shift_right_arithmetic3A_852 : i32 to vector<16xi32>
    %shift_right_arithmetic3A_854 = arith.shrsi %get3A_845, %shift_right_arithmetic3A_853 : vector<16xi32>
    %mul3A_855 = arith.constant 1024 : i32
    %mul3A_856 = vector.broadcast %mul3A_855 : i32 to vector<16xi32>
    %mul3A_857 = arith.muli %shift_right_arithmetic3A_854, %mul3A_856 : vector<16xi32>
    %add3A_858 = arith.addi %mul3A_851, %mul3A_857 : vector<16xi32>
    %and3A_859 = arith.constant 7 : i32
    %and3A_860 = vector.broadcast %and3A_859 : i32 to vector<16xi32>
    %and3A_861 = arith.andi %get3A_843, %and3A_860 : vector<16xi32>
    %mul3A_862 = arith.constant 128 : i32
    %mul3A_863 = vector.broadcast %mul3A_862 : i32 to vector<16xi32>
    %mul3A_864 = arith.muli %and3A_861, %mul3A_863 : vector<16xi32>
    %add3A_865 = arith.addi %add3A_858, %mul3A_864 : vector<16xi32>
    %and3A_866 = arith.constant 127 : i32
    %and3A_867 = vector.broadcast %and3A_866 : i32 to vector<16xi32>
    %and3A_868 = arith.andi %get3A_845, %and3A_867 : vector<16xi32>
    %add3A_869 = arith.addi %add3A_865, %and3A_868 : vector<16xi32>
    %add3A_870 = vector.broadcast %mul3A_32 : i32 to vector<16xi32>
    %add3A_871 = arith.addi %add3A_869, %add3A_870 : vector<16xi32>
    %swap3A_872 = arith.index_cast %mul3A_809 : i32 to index
    %swap3A_873 = tpu.vector_load %arg11[%swap3A_872] {strides = array<i32>} : memref<1024xi32, #tpu.memory_space<vmem>>, vector<16xi32>,
    tpu.vector_store %arg11[%swap3A_872], %add3A_871 {strides = array<i32>} : memref<1024xi32, #tpu.memory_space<vmem>>, vector<16xi32>,
    %scan3A_874 = arith.constant 12 : i32
    %mul3A_875 = arith.constant 16 : i32
    %mul3A_876 = arith.muli %scan3A_874, %mul3A_875 : i32
    %get3A_877 = arith.index_cast %mul3A_876 : i32 to index
    %get3A_878 = tpu.vector_load %arg6[%get3A_877] {strides = array<i32>} : memref<1024xi32, #tpu.memory_space<vmem>>, vector<16xi32>,
    %get3A_879 = arith.index_cast %mul3A_876 : i32 to index
    %get3A_880 = tpu.vector_load %arg7[%get3A_879] {strides = array<i32>} : memref<1024xi32, #tpu.memory_space<vmem>>, vector<16xi32>,
    %shift_right_arithmetic3A_881 = arith.constant 3 : i32
    %shift_right_arithmetic3A_882 = vector.broadcast %shift_right_arithmetic3A_881 : i32 to vector<16xi32>
    %shift_right_arithmetic3A_883 = arith.shrsi %get3A_878, %shift_right_arithmetic3A_882 : vector<16xi32>
    %mul3A_884 = arith.constant 3072 : i32
    %mul3A_885 = vector.broadcast %mul3A_884 : i32 to vector<16xi32>
    %mul3A_886 = arith.muli %shift_right_arithmetic3A_883, %mul3A_885 : vector<16xi32>
    %shift_right_arithmetic3A_887 = arith.constant 7 : i32
    %shift_right_arithmetic3A_888 = vector.broadcast %shift_right_arithmetic3A_887 : i32 to vector<16xi32>
    %shift_right_arithmetic3A_889 = arith.shrsi %get3A_880, %shift_right_arithmetic3A_888 : vector<16xi32>
    %mul3A_890 = arith.constant 1024 : i32
    %mul3A_891 = vector.broadcast %mul3A_890 : i32 to vector<16xi32>
    %mul3A_892 = arith.muli %shift_right_arithmetic3A_889, %mul3A_891 : vector<16xi32>
    %add3A_893 = arith.addi %mul3A_886, %mul3A_892 : vector<16xi32>
    %and3A_894 = arith.constant 7 : i32
    %and3A_895 = vector.broadcast %and3A_894 : i32 to vector<16xi32>
    %and3A_896 = arith.andi %get3A_878, %and3A_895 : vector<16xi32>
    %mul3A_897 = arith.constant 128 : i32
    %mul3A_898 = vector.broadcast %mul3A_897 : i32 to vector<16xi32>
    %mul3A_899 = arith.muli %and3A_896, %mul3A_898 : vector<16xi32>
    %add3A_900 = arith.addi %add3A_893, %mul3A_899 : vector<16xi32>
    %and3A_901 = arith.constant 127 : i32
    %and3A_902 = vector.broadcast %and3A_901 : i32 to vector<16xi32>
    %and3A_903 = arith.andi %get3A_880, %and3A_902 : vector<16xi32>
    %add3A_904 = arith.addi %add3A_900, %and3A_903 : vector<16xi32>
    %add3A_905 = vector.broadcast %mul3A_32 : i32 to vector<16xi32>
    %add3A_906 = arith.addi %add3A_904, %add3A_905 : vector<16xi32>
    %swap3A_907 = arith.index_cast %mul3A_876 : i32 to index
    %swap3A_908 = tpu.vector_load %arg10[%swap3A_907] {strides = array<i32>} : memref<1024xi32, #tpu.memory_space<vmem>>, vector<16xi32>,
    tpu.vector_store %arg10[%swap3A_907], %add3A_906 {strides = array<i32>} : memref<1024xi32, #tpu.memory_space<vmem>>, vector<16xi32>,
    %get3A_909 = arith.index_cast %mul3A_876 : i32 to index
    %get3A_910 = tpu.vector_load %arg8[%get3A_909] {strides = array<i32>} : memref<1024xi32, #tpu.memory_space<vmem>>, vector<16xi32>,
    %get3A_911 = arith.index_cast %mul3A_876 : i32 to index
    %get3A_912 = tpu.vector_load %arg9[%get3A_911] {strides = array<i32>} : memref<1024xi32, #tpu.memory_space<vmem>>, vector<16xi32>,
    %shift_right_arithmetic3A_913 = arith.constant 3 : i32
    %shift_right_arithmetic3A_914 = vector.broadcast %shift_right_arithmetic3A_913 : i32 to vector<16xi32>
    %shift_right_arithmetic3A_915 = arith.shrsi %get3A_910, %shift_right_arithmetic3A_914 : vector<16xi32>
    %mul3A_916 = arith.constant 3072 : i32
    %mul3A_917 = vector.broadcast %mul3A_916 : i32 to vector<16xi32>
    %mul3A_918 = arith.muli %shift_right_arithmetic3A_915, %mul3A_917 : vector<16xi32>
    %shift_right_arithmetic3A_919 = arith.constant 7 : i32
    %shift_right_arithmetic3A_920 = vector.broadcast %shift_right_arithmetic3A_919 : i32 to vector<16xi32>
    %shift_right_arithmetic3A_921 = arith.shrsi %get3A_912, %shift_right_arithmetic3A_920 : vector<16xi32>
    %mul3A_922 = arith.constant 1024 : i32
    %mul3A_923 = vector.broadcast %mul3A_922 : i32 to vector<16xi32>
    %mul3A_924 = arith.muli %shift_right_arithmetic3A_921, %mul3A_923 : vector<16xi32>
    %add3A_925 = arith.addi %mul3A_918, %mul3A_924 : vector<16xi32>
    %and3A_926 = arith.constant 7 : i32
    %and3A_927 = vector.broadcast %and3A_926 : i32 to vector<16xi32>
    %and3A_928 = arith.andi %get3A_910, %and3A_927 : vector<16xi32>
    %mul3A_929 = arith.constant 128 : i32
    %mul3A_930 = vector.broadcast %mul3A_929 : i32 to vector<16xi32>
    %mul3A_931 = arith.muli %and3A_928, %mul3A_930 : vector<16xi32>
    %add3A_932 = arith.addi %add3A_925, %mul3A_931 : vector<16xi32>
    %and3A_933 = arith.constant 127 : i32
    %and3A_934 = vector.broadcast %and3A_933 : i32 to vector<16xi32>
    %and3A_935 = arith.andi %get3A_912, %and3A_934 : vector<16xi32>
    %add3A_936 = arith.addi %add3A_932, %and3A_935 : vector<16xi32>
    %add3A_937 = vector.broadcast %mul3A_32 : i32 to vector<16xi32>
    %add3A_938 = arith.addi %add3A_936, %add3A_937 : vector<16xi32>
    %swap3A_939 = arith.index_cast %mul3A_876 : i32 to index
    %swap3A_940 = tpu.vector_load %arg11[%swap3A_939] {strides = array<i32>} : memref<1024xi32, #tpu.memory_space<vmem>>, vector<16xi32>,
    tpu.vector_store %arg11[%swap3A_939], %add3A_938 {strides = array<i32>} : memref<1024xi32, #tpu.memory_space<vmem>>, vector<16xi32>,
    %scan3A_941 = arith.constant 13 : i32
    %mul3A_942 = arith.constant 16 : i32
    %mul3A_943 = arith.muli %scan3A_941, %mul3A_942 : i32
    %get3A_944 = arith.index_cast %mul3A_943 : i32 to index
    %get3A_945 = tpu.vector_load %arg6[%get3A_944] {strides = array<i32>} : memref<1024xi32, #tpu.memory_space<vmem>>, vector<16xi32>,
    %get3A_946 = arith.index_cast %mul3A_943 : i32 to index
    %get3A_947 = tpu.vector_load %arg7[%get3A_946] {strides = array<i32>} : memref<1024xi32, #tpu.memory_space<vmem>>, vector<16xi32>,
    %shift_right_arithmetic3A_948 = arith.constant 3 : i32
    %shift_right_arithmetic3A_949 = vector.broadcast %shift_right_arithmetic3A_948 : i32 to vector<16xi32>
    %shift_right_arithmetic3A_950 = arith.shrsi %get3A_945, %shift_right_arithmetic3A_949 : vector<16xi32>
    %mul3A_951 = arith.constant 3072 : i32
    %mul3A_952 = vector.broadcast %mul3A_951 : i32 to vector<16xi32>
    %mul3A_953 = arith.muli %shift_right_arithmetic3A_950, %mul3A_952 : vector<16xi32>
    %shift_right_arithmetic3A_954 = arith.constant 7 : i32
    %shift_right_arithmetic3A_955 = vector.broadcast %shift_right_arithmetic3A_954 : i32 to vector<16xi32>
    %shift_right_arithmetic3A_956 = arith.shrsi %get3A_947, %shift_right_arithmetic3A_955 : vector<16xi32>
    %mul3A_957 = arith.constant 1024 : i32
    %mul3A_958 = vector.broadcast %mul3A_957 : i32 to vector<16xi32>
    %mul3A_959 = arith.muli %shift_right_arithmetic3A_956, %mul3A_958 : vector<16xi32>
    %add3A_960 = arith.addi %mul3A_953, %mul3A_959 : vector<16xi32>
    %and3A_961 = arith.constant 7 : i32
    %and3A_962 = vector.broadcast %and3A_961 : i32 to vector<16xi32>
    %and3A_963 = arith.andi %get3A_945, %and3A_962 : vector<16xi32>
    %mul3A_964 = arith.constant 128 : i32
    %mul3A_965 = vector.broadcast %mul3A_964 : i32 to vector<16xi32>
    %mul3A_966 = arith.muli %and3A_963, %mul3A_965 : vector<16xi32>
    %add3A_967 = arith.addi %add3A_960, %mul3A_966 : vector<16xi32>
    %and3A_968 = arith.constant 127 : i32
    %and3A_969 = vector.broadcast %and3A_968 : i32 to vector<16xi32>
    %and3A_970 = arith.andi %get3A_947, %and3A_969 : vector<16xi32>
    %add3A_971 = arith.addi %add3A_967, %and3A_970 : vector<16xi32>
    %add3A_972 = vector.broadcast %mul3A_32 : i32 to vector<16xi32>
    %add3A_973 = arith.addi %add3A_971, %add3A_972 : vector<16xi32>
    %swap3A_974 = arith.index_cast %mul3A_943 : i32 to index
    %swap3A_975 = tpu.vector_load %arg10[%swap3A_974] {strides = array<i32>} : memref<1024xi32, #tpu.memory_space<vmem>>, vector<16xi32>,
    tpu.vector_store %arg10[%swap3A_974], %add3A_973 {strides = array<i32>} : memref<1024xi32, #tpu.memory_space<vmem>>, vector<16xi32>,
    %get3A_976 = arith.index_cast %mul3A_943 : i32 to index
    %get3A_977 = tpu.vector_load %arg8[%get3A_976] {strides = array<i32>} : memref<1024xi32, #tpu.memory_space<vmem>>, vector<16xi32>,
    %get3A_978 = arith.index_cast %mul3A_943 : i32 to index
    %get3A_979 = tpu.vector_load %arg9[%get3A_978] {strides = array<i32>} : memref<1024xi32, #tpu.memory_space<vmem>>, vector<16xi32>,
    %shift_right_arithmetic3A_980 = arith.constant 3 : i32
    %shift_right_arithmetic3A_981 = vector.broadcast %shift_right_arithmetic3A_980 : i32 to vector<16xi32>
    %shift_right_arithmetic3A_982 = arith.shrsi %get3A_977, %shift_right_arithmetic3A_981 : vector<16xi32>
    %mul3A_983 = arith.constant 3072 : i32
    %mul3A_984 = vector.broadcast %mul3A_983 : i32 to vector<16xi32>
    %mul3A_985 = arith.muli %shift_right_arithmetic3A_982, %mul3A_984 : vector<16xi32>
    %shift_right_arithmetic3A_986 = arith.constant 7 : i32
    %shift_right_arithmetic3A_987 = vector.broadcast %shift_right_arithmetic3A_986 : i32 to vector<16xi32>
    %shift_right_arithmetic3A_988 = arith.shrsi %get3A_979, %shift_right_arithmetic3A_987 : vector<16xi32>
    %mul3A_989 = arith.constant 1024 : i32
    %mul3A_990 = vector.broadcast %mul3A_989 : i32 to vector<16xi32>
    %mul3A_991 = arith.muli %shift_right_arithmetic3A_988, %mul3A_990 : vector<16xi32>
    %add3A_992 = arith.addi %mul3A_985, %mul3A_991 : vector<16xi32>
    %and3A_993 = arith.constant 7 : i32
    %and3A_994 = vector.broadcast %and3A_993 : i32 to vector<16xi32>
    %and3A_995 = arith.andi %get3A_977, %and3A_994 : vector<16xi32>
    %mul3A_996 = arith.constant 128 : i32
    %mul3A_997 = vector.broadcast %mul3A_996 : i32 to vector<16xi32>
    %mul3A_998 = arith.muli %and3A_995, %mul3A_997 : vector<16xi32>
    %add3A_999 = arith.addi %add3A_992, %mul3A_998 : vector<16xi32>
    %and3A_1000 = arith.constant 127 : i32
    %and3A_1001 = vector.broadcast %and3A_1000 : i32 to vector<16xi32>
    %and3A_1002 = arith.andi %get3A_979, %and3A_1001 : vector<16xi32>
    %add3A_1003 = arith.addi %add3A_999, %and3A_1002 : vector<16xi32>
    %add3A_1004 = vector.broadcast %mul3A_32 : i32 to vector<16xi32>
    %add3A_1005 = arith.addi %add3A_1003, %add3A_1004 : vector<16xi32>
    %swap3A_1006 = arith.index_cast %mul3A_943 : i32 to index
    %swap3A_1007 = tpu.vector_load %arg11[%swap3A_1006] {strides = array<i32>} : memref<1024xi32, #tpu.memory_space<vmem>>, vector<16xi32>,
    tpu.vector_store %arg11[%swap3A_1006], %add3A_1005 {strides = array<i32>} : memref<1024xi32, #tpu.memory_space<vmem>>, vector<16xi32>,
    %scan3A_1008 = arith.constant 14 : i32
    %mul3A_1009 = arith.constant 16 : i32
    %mul3A_1010 = arith.muli %scan3A_1008, %mul3A_1009 : i32
    %get3A_1011 = arith.index_cast %mul3A_1010 : i32 to index
    %get3A_1012 = tpu.vector_load %arg6[%get3A_1011] {strides = array<i32>} : memref<1024xi32, #tpu.memory_space<vmem>>, vector<16xi32>,
    %get3A_1013 = arith.index_cast %mul3A_1010 : i32 to index
    %get3A_1014 = tpu.vector_load %arg7[%get3A_1013] {strides = array<i32>} : memref<1024xi32, #tpu.memory_space<vmem>>, vector<16xi32>,
    %shift_right_arithmetic3A_1015 = arith.constant 3 : i32
    %shift_right_arithmetic3A_1016 = vector.broadcast %shift_right_arithmetic3A_1015 : i32 to vector<16xi32>
    %shift_right_arithmetic3A_1017 = arith.shrsi %get3A_1012, %shift_right_arithmetic3A_1016 : vector<16xi32>
    %mul3A_1018 = arith.constant 3072 : i32
    %mul3A_1019 = vector.broadcast %mul3A_1018 : i32 to vector<16xi32>
    %mul3A_1020 = arith.muli %shift_right_arithmetic3A_1017, %mul3A_1019 : vector<16xi32>
    %shift_right_arithmetic3A_1021 = arith.constant 7 : i32
    %shift_right_arithmetic3A_1022 = vector.broadcast %shift_right_arithmetic3A_1021 : i32 to vector<16xi32>
    %shift_right_arithmetic3A_1023 = arith.shrsi %get3A_1014, %shift_right_arithmetic3A_1022 : vector<16xi32>
    %mul3A_1024 = arith.constant 1024 : i32
    %mul3A_1025 = vector.broadcast %mul3A_1024 : i32 to vector<16xi32>
    %mul3A_1026 = arith.muli %shift_right_arithmetic3A_1023, %mul3A_1025 : vector<16xi32>
    %add3A_1027 = arith.addi %mul3A_1020, %mul3A_1026 : vector<16xi32>
    %and3A_1028 = arith.constant 7 : i32
    %and3A_1029 = vector.broadcast %and3A_1028 : i32 to vector<16xi32>
    %and3A_1030 = arith.andi %get3A_1012, %and3A_1029 : vector<16xi32>
    %mul3A_1031 = arith.constant 128 : i32
    %mul3A_1032 = vector.broadcast %mul3A_1031 : i32 to vector<16xi32>
    %mul3A_1033 = arith.muli %and3A_1030, %mul3A_1032 : vector<16xi32>
    %add3A_1034 = arith.addi %add3A_1027, %mul3A_1033 : vector<16xi32>
    %and3A_1035 = arith.constant 127 : i32
    %and3A_1036 = vector.broadcast %and3A_1035 : i32 to vector<16xi32>
    %and3A_1037 = arith.andi %get3A_1014, %and3A_1036 : vector<16xi32>
    %add3A_1038 = arith.addi %add3A_1034, %and3A_1037 : vector<16xi32>
    %add3A_1039 = vector.broadcast %mul3A_32 : i32 to vector<16xi32>
    %add3A_1040 = arith.addi %add3A_1038, %add3A_1039 : vector<16xi32>
    %swap3A_1041 = arith.index_cast %mul3A_1010 : i32 to index
    %swap3A_1042 = tpu.vector_load %arg10[%swap3A_1041] {strides = array<i32>} : memref<1024xi32, #tpu.memory_space<vmem>>, vector<16xi32>,
    tpu.vector_store %arg10[%swap3A_1041], %add3A_1040 {strides = array<i32>} : memref<1024xi32, #tpu.memory_space<vmem>>, vector<16xi32>,
    %get3A_1043 = arith.index_cast %mul3A_1010 : i32 to index
    %get3A_1044 = tpu.vector_load %arg8[%get3A_1043] {strides = array<i32>} : memref<1024xi32, #tpu.memory_space<vmem>>, vector<16xi32>,
    %get3A_1045 = arith.index_cast %mul3A_1010 : i32 to index
    %get3A_1046 = tpu.vector_load %arg9[%get3A_1045] {strides = array<i32>} : memref<1024xi32, #tpu.memory_space<vmem>>, vector<16xi32>,
    %shift_right_arithmetic3A_1047 = arith.constant 3 : i32
    %shift_right_arithmetic3A_1048 = vector.broadcast %shift_right_arithmetic3A_1047 : i32 to vector<16xi32>
    %shift_right_arithmetic3A_1049 = arith.shrsi %get3A_1044, %shift_right_arithmetic3A_1048 : vector<16xi32>
    %mul3A_1050 = arith.constant 3072 : i32
    %mul3A_1051 = vector.broadcast %mul3A_1050 : i32 to vector<16xi32>
    %mul3A_1052 = arith.muli %shift_right_arithmetic3A_1049, %mul3A_1051 : vector<16xi32>
    %shift_right_arithmetic3A_1053 = arith.constant 7 : i32
    %shift_right_arithmetic3A_1054 = vector.broadcast %shift_right_arithmetic3A_1053 : i32 to vector<16xi32>
    %shift_right_arithmetic3A_1055 = arith.shrsi %get3A_1046, %shift_right_arithmetic3A_1054 : vector<16xi32>
    %mul3A_1056 = arith.constant 1024 : i32
    %mul3A_1057 = vector.broadcast %mul3A_1056 : i32 to vector<16xi32>
    %mul3A_1058 = arith.muli %shift_right_arithmetic3A_1055, %mul3A_1057 : vector<16xi32>
    %add3A_1059 = arith.addi %mul3A_1052, %mul3A_1058 : vector<16xi32>
    %and3A_1060 = arith.constant 7 : i32
    %and3A_1061 = vector.broadcast %and3A_1060 : i32 to vector<16xi32>
    %and3A_1062 = arith.andi %get3A_1044, %and3A_1061 : vector<16xi32>
    %mul3A_1063 = arith.constant 128 : i32
    %mul3A_1064 = vector.broadcast %mul3A_1063 : i32 to vector<16xi32>
    %mul3A_1065 = arith.muli %and3A_1062, %mul3A_1064 : vector<16xi32>
    %add3A_1066 = arith.addi %add3A_1059, %mul3A_1065 : vector<16xi32>
    %and3A_1067 = arith.constant 127 : i32
    %and3A_1068 = vector.broadcast %and3A_1067 : i32 to vector<16xi32>
    %and3A_1069 = arith.andi %get3A_1046, %and3A_1068 : vector<16xi32>
    %add3A_1070 = arith.addi %add3A_1066, %and3A_1069 : vector<16xi32>
    %add3A_1071 = vector.broadcast %mul3A_32 : i32 to vector<16xi32>
    %add3A_1072 = arith.addi %add3A_1070, %add3A_1071 : vector<16xi32>
    %swap3A_1073 = arith.index_cast %mul3A_1010 : i32 to index
    %swap3A_1074 = tpu.vector_load %arg11[%swap3A_1073] {strides = array<i32>} : memref<1024xi32, #tpu.memory_space<vmem>>, vector<16xi32>,
    tpu.vector_store %arg11[%swap3A_1073], %add3A_1072 {strides = array<i32>} : memref<1024xi32, #tpu.memory_space<vmem>>, vector<16xi32>,
    %scan3A_1075 = arith.constant 15 : i32
    %mul3A_1076 = arith.constant 16 : i32
    %mul3A_1077 = arith.muli %scan3A_1075, %mul3A_1076 : i32
    %get3A_1078 = arith.index_cast %mul3A_1077 : i32 to index
    %get3A_1079 = tpu.vector_load %arg6[%get3A_1078] {strides = array<i32>} : memref<1024xi32, #tpu.memory_space<vmem>>, vector<16xi32>,
    %get3A_1080 = arith.index_cast %mul3A_1077 : i32 to index
    %get3A_1081 = tpu.vector_load %arg7[%get3A_1080] {strides = array<i32>} : memref<1024xi32, #tpu.memory_space<vmem>>, vector<16xi32>,
    %shift_right_arithmetic3A_1082 = arith.constant 3 : i32
    %shift_right_arithmetic3A_1083 = vector.broadcast %shift_right_arithmetic3A_1082 : i32 to vector<16xi32>
    %shift_right_arithmetic3A_1084 = arith.shrsi %get3A_1079, %shift_right_arithmetic3A_1083 : vector<16xi32>
    %mul3A_1085 = arith.constant 3072 : i32
    %mul3A_1086 = vector.broadcast %mul3A_1085 : i32 to vector<16xi32>
    %mul3A_1087 = arith.muli %shift_right_arithmetic3A_1084, %mul3A_1086 : vector<16xi32>
    %shift_right_arithmetic3A_1088 = arith.constant 7 : i32
    %shift_right_arithmetic3A_1089 = vector.broadcast %shift_right_arithmetic3A_1088 : i32 to vector<16xi32>
    %shift_right_arithmetic3A_1090 = arith.shrsi %get3A_1081, %shift_right_arithmetic3A_1089 : vector<16xi32>
    %mul3A_1091 = arith.constant 1024 : i32
    %mul3A_1092 = vector.broadcast %mul3A_1091 : i32 to vector<16xi32>
    %mul3A_1093 = arith.muli %shift_right_arithmetic3A_1090, %mul3A_1092 : vector<16xi32>
    %add3A_1094 = arith.addi %mul3A_1087, %mul3A_1093 : vector<16xi32>
    %and3A_1095 = arith.constant 7 : i32
    %and3A_1096 = vector.broadcast %and3A_1095 : i32 to vector<16xi32>
    %and3A_1097 = arith.andi %get3A_1079, %and3A_1096 : vector<16xi32>
    %mul3A_1098 = arith.constant 128 : i32
    %mul3A_1099 = vector.broadcast %mul3A_1098 : i32 to vector<16xi32>
    %mul3A_1100 = arith.muli %and3A_1097, %mul3A_1099 : vector<16xi32>
    %add3A_1101 = arith.addi %add3A_1094, %mul3A_1100 : vector<16xi32>
    %and3A_1102 = arith.constant 127 : i32
    %and3A_1103 = vector.broadcast %and3A_1102 : i32 to vector<16xi32>
    %and3A_1104 = arith.andi %get3A_1081, %and3A_1103 : vector<16xi32>
    %add3A_1105 = arith.addi %add3A_1101, %and3A_1104 : vector<16xi32>
    %add3A_1106 = vector.broadcast %mul3A_32 : i32 to vector<16xi32>
    %add3A_1107 = arith.addi %add3A_1105, %add3A_1106 : vector<16xi32>
    %swap3A_1108 = arith.index_cast %mul3A_1077 : i32 to index
    %swap3A_1109 = tpu.vector_load %arg10[%swap3A_1108] {strides = array<i32>} : memref<1024xi32, #tpu.memory_space<vmem>>, vector<16xi32>,
    tpu.vector_store %arg10[%swap3A_1108], %add3A_1107 {strides = array<i32>} : memref<1024xi32, #tpu.memory_space<vmem>>, vector<16xi32>,
    %get3A_1110 = arith.index_cast %mul3A_1077 : i32 to index
    %get3A_1111 = tpu.vector_load %arg8[%get3A_1110] {strides = array<i32>} : memref<1024xi32, #tpu.memory_space<vmem>>, vector<16xi32>,
    %get3A_1112 = arith.index_cast %mul3A_1077 : i32 to index
    %get3A_1113 = tpu.vector_load %arg9[%get3A_1112] {strides = array<i32>} : memref<1024xi32, #tpu.memory_space<vmem>>, vector<16xi32>,
    %shift_right_arithmetic3A_1114 = arith.constant 3 : i32
    %shift_right_arithmetic3A_1115 = vector.broadcast %shift_right_arithmetic3A_1114 : i32 to vector<16xi32>
    %shift_right_arithmetic3A_1116 = arith.shrsi %get3A_1111, %shift_right_arithmetic3A_1115 : vector<16xi32>
    %mul3A_1117 = arith.constant 3072 : i32
    %mul3A_1118 = vector.broadcast %mul3A_1117 : i32 to vector<16xi32>
    %mul3A_1119 = arith.muli %shift_right_arithmetic3A_1116, %mul3A_1118 : vector<16xi32>
    %shift_right_arithmetic3A_1120 = arith.constant 7 : i32
    %shift_right_arithmetic3A_1121 = vector.broadcast %shift_right_arithmetic3A_1120 : i32 to vector<16xi32>
    %shift_right_arithmetic3A_1122 = arith.shrsi %get3A_1113, %shift_right_arithmetic3A_1121 : vector<16xi32>
    %mul3A_1123 = arith.constant 1024 : i32
    %mul3A_1124 = vector.broadcast %mul3A_1123 : i32 to vector<16xi32>
    %mul3A_1125 = arith.muli %shift_right_arithmetic3A_1122, %mul3A_1124 : vector<16xi32>
    %add3A_1126 = arith.addi %mul3A_1119, %mul3A_1125 : vector<16xi32>
    %and3A_1127 = arith.constant 7 : i32
    %and3A_1128 = vector.broadcast %and3A_1127 : i32 to vector<16xi32>
    %and3A_1129 = arith.andi %get3A_1111, %and3A_1128 : vector<16xi32>
    %mul3A_1130 = arith.constant 128 : i32
    %mul3A_1131 = vector.broadcast %mul3A_1130 : i32 to vector<16xi32>
    %mul3A_1132 = arith.muli %and3A_1129, %mul3A_1131 : vector<16xi32>
    %add3A_1133 = arith.addi %add3A_1126, %mul3A_1132 : vector<16xi32>
    %and3A_1134 = arith.constant 127 : i32
    %and3A_1135 = vector.broadcast %and3A_1134 : i32 to vector<16xi32>
    %and3A_1136 = arith.andi %get3A_1113, %and3A_1135 : vector<16xi32>
    %add3A_1137 = arith.addi %add3A_1133, %and3A_1136 : vector<16xi32>
    %add3A_1138 = vector.broadcast %mul3A_32 : i32 to vector<16xi32>
    %add3A_1139 = arith.addi %add3A_1137, %add3A_1138 : vector<16xi32>
    %swap3A_1140 = arith.index_cast %mul3A_1077 : i32 to index
    %swap3A_1141 = tpu.vector_load %arg11[%swap3A_1140] {strides = array<i32>} : memref<1024xi32, #tpu.memory_space<vmem>>, vector<16xi32>,
    tpu.vector_store %arg11[%swap3A_1140], %add3A_1139 {strides = array<i32>} : memref<1024xi32, #tpu.memory_space<vmem>>, vector<16xi32>,
    %scan3A_1142 = arith.constant 16 : i32
    %mul3A_1143 = arith.constant 16 : i32
    %mul3A_1144 = arith.muli %scan3A_1142, %mul3A_1143 : i32
    %get3A_1145 = arith.index_cast %mul3A_1144 : i32 to index
    %get3A_1146 = tpu.vector_load %arg6[%get3A_1145] {strides = array<i32>} : memref<1024xi32, #tpu.memory_space<vmem>>, vector<16xi32>,
    %get3A_1147 = arith.index_cast %mul3A_1144 : i32 to index
    %get3A_1148 = tpu.vector_load %arg7[%get3A_1147] {strides = array<i32>} : memref<1024xi32, #tpu.memory_space<vmem>>, vector<16xi32>,
    %shift_right_arithmetic3A_1149 = arith.constant 3 : i32
    %shift_right_arithmetic3A_1150 = vector.broadcast %shift_right_arithmetic3A_1149 : i32 to vector<16xi32>
    %shift_right_arithmetic3A_1151 = arith.shrsi %get3A_1146, %shift_right_arithmetic3A_1150 : vector<16xi32>
    %mul3A_1152 = arith.constant 3072 : i32
    %mul3A_1153 = vector.broadcast %mul3A_1152 : i32 to vector<16xi32>
    %mul3A_1154 = arith.muli %shift_right_arithmetic3A_1151, %mul3A_1153 : vector<16xi32>
    %shift_right_arithmetic3A_1155 = arith.constant 7 : i32
    %shift_right_arithmetic3A_1156 = vector.broadcast %shift_right_arithmetic3A_1155 : i32 to vector<16xi32>
    %shift_right_arithmetic3A_1157 = arith.shrsi %get3A_1148, %shift_right_arithmetic3A_1156 : vector<16xi32>
    %mul3A_1158 = arith.constant 1024 : i32
    %mul3A_1159 = vector.broadcast %mul3A_1158 : i32 to vector<16xi32>
    %mul3A_1160 = arith.muli %shift_right_arithmetic3A_1157, %mul3A_1159 : vector<16xi32>
    %add3A_1161 = arith.addi %mul3A_1154, %mul3A_1160 : vector<16xi32>
    %and3A_1162 = arith.constant 7 : i32
    %and3A_1163 = vector.broadcast %and3A_1162 : i32 to vector<16xi32>
    %and3A_1164 = arith.andi %get3A_1146, %and3A_1163 : vector<16xi32>
    %mul3A_1165 = arith.constant 128 : i32
    %mul3A_1166 = vector.broadcast %mul3A_1165 : i32 to vector<16xi32>
    %mul3A_1167 = arith.muli %and3A_1164, %mul3A_1166 : vector<16xi32>
    %add3A_1168 = arith.addi %add3A_1161, %mul3A_1167 : vector<16xi32>
    %and3A_1169 = arith.constant 127 : i32
    %and3A_1170 = vector.broadcast %and3A_1169 : i32 to vector<16xi32>
    %and3A_1171 = arith.andi %get3A_1148, %and3A_1170 : vector<16xi32>
    %add3A_1172 = arith.addi %add3A_1168, %and3A_1171 : vector<16xi32>
    %add3A_1173 = vector.broadcast %mul3A_32 : i32 to vector<16xi32>
    %add3A_1174 = arith.addi %add3A_1172, %add3A_1173 : vector<16xi32>
    %swap3A_1175 = arith.index_cast %mul3A_1144 : i32 to index
    %swap3A_1176 = tpu.vector_load %arg10[%swap3A_1175] {strides = array<i32>} : memref<1024xi32, #tpu.memory_space<vmem>>, vector<16xi32>,
    tpu.vector_store %arg10[%swap3A_1175], %add3A_1174 {strides = array<i32>} : memref<1024xi32, #tpu.memory_space<vmem>>, vector<16xi32>,
    %get3A_1177 = arith.index_cast %mul3A_1144 : i32 to index
    %get3A_1178 = tpu.vector_load %arg8[%get3A_1177] {strides = array<i32>} : memref<1024xi32, #tpu.memory_space<vmem>>, vector<16xi32>,
    %get3A_1179 = arith.index_cast %mul3A_1144 : i32 to index
    %get3A_1180 = tpu.vector_load %arg9[%get3A_1179] {strides = array<i32>} : memref<1024xi32, #tpu.memory_space<vmem>>, vector<16xi32>,
    %shift_right_arithmetic3A_1181 = arith.constant 3 : i32
    %shift_right_arithmetic3A_1182 = vector.broadcast %shift_right_arithmetic3A_1181 : i32 to vector<16xi32>
    %shift_right_arithmetic3A_1183 = arith.shrsi %get3A_1178, %shift_right_arithmetic3A_1182 : vector<16xi32>
    %mul3A_1184 = arith.constant 3072 : i32
    %mul3A_1185 = vector.broadcast %mul3A_1184 : i32 to vector<16xi32>
    %mul3A_1186 = arith.muli %shift_right_arithmetic3A_1183, %mul3A_1185 : vector<16xi32>
    %shift_right_arithmetic3A_1187 = arith.constant 7 : i32
    %shift_right_arithmetic3A_1188 = vector.broadcast %shift_right_arithmetic3A_1187 : i32 to vector<16xi32>
    %shift_right_arithmetic3A_1189 = arith.shrsi %get3A_1180, %shift_right_arithmetic3A_1188 : vector<16xi32>
    %mul3A_1190 = arith.constant 1024 : i32
    %mul3A_1191 = vector.broadcast %mul3A_1190 : i32 to vector<16xi32>
    %mul3A_1192 = arith.muli %shift_right_arithmetic3A_1189, %mul3A_1191 : vector<16xi32>
    %add3A_1193 = arith.addi %mul3A_1186, %mul3A_1192 : vector<16xi32>
    %and3A_1194 = arith.constant 7 : i32
    %and3A_1195 = vector.broadcast %and3A_1194 : i32 to vector<16xi32>
    %and3A_1196 = arith.andi %get3A_1178, %and3A_1195 : vector<16xi32>
    %mul3A_1197 = arith.constant 128 : i32
    %mul3A_1198 = vector.broadcast %mul3A_1197 : i32 to vector<16xi32>
    %mul3A_1199 = arith.muli %and3A_1196, %mul3A_1198 : vector<16xi32>
    %add3A_1200 = arith.addi %add3A_1193, %mul3A_1199 : vector<16xi32>
    %and3A_1201 = arith.constant 127 : i32
    %and3A_1202 = vector.broadcast %and3A_1201 : i32 to vector<16xi32>
    %and3A_1203 = arith.andi %get3A_1180, %and3A_1202 : vector<16xi32>
    %add3A_1204 = arith.addi %add3A_1200, %and3A_1203 : vector<16xi32>
    %add3A_1205 = vector.broadcast %mul3A_32 : i32 to vector<16xi32>
    %add3A_1206 = arith.addi %add3A_1204, %add3A_1205 : vector<16xi32>
    %swap3A_1207 = arith.index_cast %mul3A_1144 : i32 to index
    %swap3A_1208 = tpu.vector_load %arg11[%swap3A_1207] {strides = array<i32>} : memref<1024xi32, #tpu.memory_space<vmem>>, vector<16xi32>,
    tpu.vector_store %arg11[%swap3A_1207], %add3A_1206 {strides = array<i32>} : memref<1024xi32, #tpu.memory_space<vmem>>, vector<16xi32>,
    %scan3A_1209 = arith.constant 17 : i32
    %mul3A_1210 = arith.constant 16 : i32
    %mul3A_1211 = arith.muli %scan3A_1209, %mul3A_1210 : i32
    %get3A_1212 = arith.index_cast %mul3A_1211 : i32 to index
    %get3A_1213 = tpu.vector_load %arg6[%get3A_1212] {strides = array<i32>} : memref<1024xi32, #tpu.memory_space<vmem>>, vector<16xi32>,
    %get3A_1214 = arith.index_cast %mul3A_1211 : i32 to index
    %get3A_1215 = tpu.vector_load %arg7[%get3A_1214] {strides = array<i32>} : memref<1024xi32, #tpu.memory_space<vmem>>, vector<16xi32>,
    %shift_right_arithmetic3A_1216 = arith.constant 3 : i32
    %shift_right_arithmetic3A_1217 = vector.broadcast %shift_right_arithmetic3A_1216 : i32 to vector<16xi32>
    %shift_right_arithmetic3A_1218 = arith.shrsi %get3A_1213, %shift_right_arithmetic3A_1217 : vector<16xi32>
    %mul3A_1219 = arith.constant 3072 : i32
    %mul3A_1220 = vector.broadcast %mul3A_1219 : i32 to vector<16xi32>
    %mul3A_1221 = arith.muli %shift_right_arithmetic3A_1218, %mul3A_1220 : vector<16xi32>
    %shift_right_arithmetic3A_1222 = arith.constant 7 : i32
    %shift_right_arithmetic3A_1223 = vector.broadcast %shift_right_arithmetic3A_1222 : i32 to vector<16xi32>
    %shift_right_arithmetic3A_1224 = arith.shrsi %get3A_1215, %shift_right_arithmetic3A_1223 : vector<16xi32>
    %mul3A_1225 = arith.constant 1024 : i32
    %mul3A_1226 = vector.broadcast %mul3A_1225 : i32 to vector<16xi32>
    %mul3A_1227 = arith.muli %shift_right_arithmetic3A_1224, %mul3A_1226 : vector<16xi32>
    %add3A_1228 = arith.addi %mul3A_1221, %mul3A_1227 : vector<16xi32>
    %and3A_1229 = arith.constant 7 : i32
    %and3A_1230 = vector.broadcast %and3A_1229 : i32 to vector<16xi32>
    %and3A_1231 = arith.andi %get3A_1213, %and3A_1230 : vector<16xi32>
    %mul3A_1232 = arith.constant 128 : i32
    %mul3A_1233 = vector.broadcast %mul3A_1232 : i32 to vector<16xi32>
    %mul3A_1234 = arith.muli %and3A_1231, %mul3A_1233 : vector<16xi32>
    %add3A_1235 = arith.addi %add3A_1228, %mul3A_1234 : vector<16xi32>
    %and3A_1236 = arith.constant 127 : i32
    %and3A_1237 = vector.broadcast %and3A_1236 : i32 to vector<16xi32>
    %and3A_1238 = arith.andi %get3A_1215, %and3A_1237 : vector<16xi32>
    %add3A_1239 = arith.addi %add3A_1235, %and3A_1238 : vector<16xi32>
    %add3A_1240 = vector.broadcast %mul3A_32 : i32 to vector<16xi32>
    %add3A_1241 = arith.addi %add3A_1239, %add3A_1240 : vector<16xi32>
    %swap3A_1242 = arith.index_cast %mul3A_1211 : i32 to index
    %swap3A_1243 = tpu.vector_load %arg10[%swap3A_1242] {strides = array<i32>} : memref<1024xi32, #tpu.memory_space<vmem>>, vector<16xi32>,
    tpu.vector_store %arg10[%swap3A_1242], %add3A_1241 {strides = array<i32>} : memref<1024xi32, #tpu.memory_space<vmem>>, vector<16xi32>,
    %get3A_1244 = arith.index_cast %mul3A_1211 : i32 to index
    %get3A_1245 = tpu.vector_load %arg8[%get3A_1244] {strides = array<i32>} : memref<1024xi32, #tpu.memory_space<vmem>>, vector<16xi32>,
    %get3A_1246 = arith.index_cast %mul3A_1211 : i32 to index
    %get3A_1247 = tpu.vector_load %arg9[%get3A_1246] {strides = array<i32>} : memref<1024xi32, #tpu.memory_space<vmem>>, vector<16xi32>,
    %shift_right_arithmetic3A_1248 = arith.constant 3 : i32
    %shift_right_arithmetic3A_1249 = vector.broadcast %shift_right_arithmetic3A_1248 : i32 to vector<16xi32>
    %shift_right_arithmetic3A_1250 = arith.shrsi %get3A_1245, %shift_right_arithmetic3A_1249 : vector<16xi32>
    %mul3A_1251 = arith.constant 3072 : i32
    %mul3A_1252 = vector.broadcast %mul3A_1251 : i32 to vector<16xi32>
    %mul3A_1253 = arith.muli %shift_right_arithmetic3A_1250, %mul3A_1252 : vector<16xi32>
    %shift_right_arithmetic3A_1254 = arith.constant 7 : i32
    %shift_right_arithmetic3A_1255 = vector.broadcast %shift_right_arithmetic3A_1254 : i32 to vector<16xi32>
    %shift_right_arithmetic3A_1256 = arith.shrsi %get3A_1247, %shift_right_arithmetic3A_1255 : vector<16xi32>
    %mul3A_1257 = arith.constant 1024 : i32
    %mul3A_1258 = vector.broadcast %mul3A_1257 : i32 to vector<16xi32>
    %mul3A_1259 = arith.muli %shift_right_arithmetic3A_1256, %mul3A_1258 : vector<16xi32>
    %add3A_1260 = arith.addi %mul3A_1253, %mul3A_1259 : vector<16xi32>
    %and3A_1261 = arith.constant 7 : i32
    %and3A_1262 = vector.broadcast %and3A_1261 : i32 to vector<16xi32>
    %and3A_1263 = arith.andi %get3A_1245, %and3A_1262 : vector<16xi32>
    %mul3A_1264 = arith.constant 128 : i32
    %mul3A_1265 = vector.broadcast %mul3A_1264 : i32 to vector<16xi32>
    %mul3A_1266 = arith.muli %and3A_1263, %mul3A_1265 : vector<16xi32>
    %add3A_1267 = arith.addi %add3A_1260, %mul3A_1266 : vector<16xi32>
    %and3A_1268 = arith.constant 127 : i32
    %and3A_1269 = vector.broadcast %and3A_1268 : i32 to vector<16xi32>
    %and3A_1270 = arith.andi %get3A_1247, %and3A_1269 : vector<16xi32>
    %add3A_1271 = arith.addi %add3A_1267, %and3A_1270 : vector<16xi32>
    %add3A_1272 = vector.broadcast %mul3A_32 : i32 to vector<16xi32>
    %add3A_1273 = arith.addi %add3A_1271, %add3A_1272 : vector<16xi32>
    %swap3A_1274 = arith.index_cast %mul3A_1211 : i32 to index
    %swap3A_1275 = tpu.vector_load %arg11[%swap3A_1274] {strides = array<i32>} : memref<1024xi32, #tpu.memory_space<vmem>>, vector<16xi32>,
    tpu.vector_store %arg11[%swap3A_1274], %add3A_1273 {strides = array<i32>} : memref<1024xi32, #tpu.memory_space<vmem>>, vector<16xi32>,
    %scan3A_1276 = arith.constant 18 : i32
    %mul3A_1277 = arith.constant 16 : i32
    %mul3A_1278 = arith.muli %scan3A_1276, %mul3A_1277 : i32
    %get3A_1279 = arith.index_cast %mul3A_1278 : i32 to index
    %get3A_1280 = tpu.vector_load %arg6[%get3A_1279] {strides = array<i32>} : memref<1024xi32, #tpu.memory_space<vmem>>, vector<16xi32>,
    %get3A_1281 = arith.index_cast %mul3A_1278 : i32 to index
    %get3A_1282 = tpu.vector_load %arg7[%get3A_1281] {strides = array<i32>} : memref<1024xi32, #tpu.memory_space<vmem>>, vector<16xi32>,
    %shift_right_arithmetic3A_1283 = arith.constant 3 : i32
    %shift_right_arithmetic3A_1284 = vector.broadcast %shift_right_arithmetic3A_1283 : i32 to vector<16xi32>
    %shift_right_arithmetic3A_1285 = arith.shrsi %get3A_1280, %shift_right_arithmetic3A_1284 : vector<16xi32>
    %mul3A_1286 = arith.constant 3072 : i32
    %mul3A_1287 = vector.broadcast %mul3A_1286 : i32 to vector<16xi32>
    %mul3A_1288 = arith.muli %shift_right_arithmetic3A_1285, %mul3A_1287 : vector<16xi32>
    %shift_right_arithmetic3A_1289 = arith.constant 7 : i32
    %shift_right_arithmetic3A_1290 = vector.broadcast %shift_right_arithmetic3A_1289 : i32 to vector<16xi32>
    %shift_right_arithmetic3A_1291 = arith.shrsi %get3A_1282, %shift_right_arithmetic3A_1290 : vector<16xi32>
    %mul3A_1292 = arith.constant 1024 : i32
    %mul3A_1293 = vector.broadcast %mul3A_1292 : i32 to vector<16xi32>
    %mul3A_1294 = arith.muli %shift_right_arithmetic3A_1291, %mul3A_1293 : vector<16xi32>
    %add3A_1295 = arith.addi %mul3A_1288, %mul3A_1294 : vector<16xi32>
    %and3A_1296 = arith.constant 7 : i32
    %and3A_1297 = vector.broadcast %and3A_1296 : i32 to vector<16xi32>
    %and3A_1298 = arith.andi %get3A_1280, %and3A_1297 : vector<16xi32>
    %mul3A_1299 = arith.constant 128 : i32
    %mul3A_1300 = vector.broadcast %mul3A_1299 : i32 to vector<16xi32>
    %mul3A_1301 = arith.muli %and3A_1298, %mul3A_1300 : vector<16xi32>
    %add3A_1302 = arith.addi %add3A_1295, %mul3A_1301 : vector<16xi32>
    %and3A_1303 = arith.constant 127 : i32
    %and3A_1304 = vector.broadcast %and3A_1303 : i32 to vector<16xi32>
    %and3A_1305 = arith.andi %get3A_1282, %and3A_1304 : vector<16xi32>
    %add3A_1306 = arith.addi %add3A_1302, %and3A_1305 : vector<16xi32>
    %add3A_1307 = vector.broadcast %mul3A_32 : i32 to vector<16xi32>
    %add3A_1308 = arith.addi %add3A_1306, %add3A_1307 : vector<16xi32>
    %swap3A_1309 = arith.index_cast %mul3A_1278 : i32 to index
    %swap3A_1310 = tpu.vector_load %arg10[%swap3A_1309] {strides = array<i32>} : memref<1024xi32, #tpu.memory_space<vmem>>, vector<16xi32>,
    tpu.vector_store %arg10[%swap3A_1309], %add3A_1308 {strides = array<i32>} : memref<1024xi32, #tpu.memory_space<vmem>>, vector<16xi32>,
    %get3A_1311 = arith.index_cast %mul3A_1278 : i32 to index
    %get3A_1312 = tpu.vector_load %arg8[%get3A_1311] {strides = array<i32>} : memref<1024xi32, #tpu.memory_space<vmem>>, vector<16xi32>,
    %get3A_1313 = arith.index_cast %mul3A_1278 : i32 to index
    %get3A_1314 = tpu.vector_load %arg9[%get3A_1313] {strides = array<i32>} : memref<1024xi32, #tpu.memory_space<vmem>>, vector<16xi32>,
    %shift_right_arithmetic3A_1315 = arith.constant 3 : i32
    %shift_right_arithmetic3A_1316 = vector.broadcast %shift_right_arithmetic3A_1315 : i32 to vector<16xi32>
    %shift_right_arithmetic3A_1317 = arith.shrsi %get3A_1312, %shift_right_arithmetic3A_1316 : vector<16xi32>
    %mul3A_1318 = arith.constant 3072 : i32
    %mul3A_1319 = vector.broadcast %mul3A_1318 : i32 to vector<16xi32>
    %mul3A_1320 = arith.muli %shift_right_arithmetic3A_1317, %mul3A_1319 : vector<16xi32>
    %shift_right_arithmetic3A_1321 = arith.constant 7 : i32
    %shift_right_arithmetic3A_1322 = vector.broadcast %shift_right_arithmetic3A_1321 : i32 to vector<16xi32>
    %shift_right_arithmetic3A_1323 = arith.shrsi %get3A_1314, %shift_right_arithmetic3A_1322 : vector<16xi32>
    %mul3A_1324 = arith.constant 1024 : i32
    %mul3A_1325 = vector.broadcast %mul3A_1324 : i32 to vector<16xi32>
    %mul3A_1326 = arith.muli %shift_right_arithmetic3A_1323, %mul3A_1325 : vector<16xi32>
    %add3A_1327 = arith.addi %mul3A_1320, %mul3A_1326 : vector<16xi32>
    %and3A_1328 = arith.constant 7 : i32
    %and3A_1329 = vector.broadcast %and3A_1328 : i32 to vector<16xi32>
    %and3A_1330 = arith.andi %get3A_1312, %and3A_1329 : vector<16xi32>
    %mul3A_1331 = arith.constant 128 : i32
    %mul3A_1332 = vector.broadcast %mul3A_1331 : i32 to vector<16xi32>
    %mul3A_1333 = arith.muli %and3A_1330, %mul3A_1332 : vector<16xi32>
    %add3A_1334 = arith.addi %add3A_1327, %mul3A_1333 : vector<16xi32>
    %and3A_1335 = arith.constant 127 : i32
    %and3A_1336 = vector.broadcast %and3A_1335 : i32 to vector<16xi32>
    %and3A_1337 = arith.andi %get3A_1314, %and3A_1336 : vector<16xi32>
    %add3A_1338 = arith.addi %add3A_1334, %and3A_1337 : vector<16xi32>
    %add3A_1339 = vector.broadcast %mul3A_32 : i32 to vector<16xi32>
    %add3A_1340 = arith.addi %add3A_1338, %add3A_1339 : vector<16xi32>
    %swap3A_1341 = arith.index_cast %mul3A_1278 : i32 to index
    %swap3A_1342 = tpu.vector_load %arg11[%swap3A_1341] {strides = array<i32>} : memref<1024xi32, #tpu.memory_space<vmem>>, vector<16xi32>,
    tpu.vector_store %arg11[%swap3A_1341], %add3A_1340 {strides = array<i32>} : memref<1024xi32, #tpu.memory_space<vmem>>, vector<16xi32>,
    %scan3A_1343 = arith.constant 19 : i32
    %mul3A_1344 = arith.constant 16 : i32
    %mul3A_1345 = arith.muli %scan3A_1343, %mul3A_1344 : i32
    %get3A_1346 = arith.index_cast %mul3A_1345 : i32 to index
    %get3A_1347 = tpu.vector_load %arg6[%get3A_1346] {strides = array<i32>} : memref<1024xi32, #tpu.memory_space<vmem>>, vector<16xi32>,
    %get3A_1348 = arith.index_cast %mul3A_1345 : i32 to index
    %get3A_1349 = tpu.vector_load %arg7[%get3A_1348] {strides = array<i32>} : memref<1024xi32, #tpu.memory_space<vmem>>, vector<16xi32>,
    %shift_right_arithmetic3A_1350 = arith.constant 3 : i32
    %shift_right_arithmetic3A_1351 = vector.broadcast %shift_right_arithmetic3A_1350 : i32 to vector<16xi32>
    %shift_right_arithmetic3A_1352 = arith.shrsi %get3A_1347, %shift_right_arithmetic3A_1351 : vector<16xi32>
    %mul3A_1353 = arith.constant 3072 : i32
    %mul3A_1354 = vector.broadcast %mul3A_1353 : i32 to vector<16xi32>
    %mul3A_1355 = arith.muli %shift_right_arithmetic3A_1352, %mul3A_1354 : vector<16xi32>
    %shift_right_arithmetic3A_1356 = arith.constant 7 : i32
    %shift_right_arithmetic3A_1357 = vector.broadcast %shift_right_arithmetic3A_1356 : i32 to vector<16xi32>
    %shift_right_arithmetic3A_1358 = arith.shrsi %get3A_1349, %shift_right_arithmetic3A_1357 : vector<16xi32>
    %mul3A_1359 = arith.constant 1024 : i32
    %mul3A_1360 = vector.broadcast %mul3A_1359 : i32 to vector<16xi32>
    %mul3A_1361 = arith.muli %shift_right_arithmetic3A_1358, %mul3A_1360 : vector<16xi32>
    %add3A_1362 = arith.addi %mul3A_1355, %mul3A_1361 : vector<16xi32>
    %and3A_1363 = arith.constant 7 : i32
    %and3A_1364 = vector.broadcast %and3A_1363 : i32 to vector<16xi32>
    %and3A_1365 = arith.andi %get3A_1347, %and3A_1364 : vector<16xi32>
    %mul3A_1366 = arith.constant 128 : i32
    %mul3A_1367 = vector.broadcast %mul3A_1366 : i32 to vector<16xi32>
    %mul3A_1368 = arith.muli %and3A_1365, %mul3A_1367 : vector<16xi32>
    %add3A_1369 = arith.addi %add3A_1362, %mul3A_1368 : vector<16xi32>
    %and3A_1370 = arith.constant 127 : i32
    %and3A_1371 = vector.broadcast %and3A_1370 : i32 to vector<16xi32>
    %and3A_1372 = arith.andi %get3A_1349, %and3A_1371 : vector<16xi32>
    %add3A_1373 = arith.addi %add3A_1369, %and3A_1372 : vector<16xi32>
    %add3A_1374 = vector.broadcast %mul3A_32 : i32 to vector<16xi32>
    %add3A_1375 = arith.addi %add3A_1373, %add3A_1374 : vector<16xi32>
    %swap3A_1376 = arith.index_cast %mul3A_1345 : i32 to index
    %swap3A_1377 = tpu.vector_load %arg10[%swap3A_1376] {strides = array<i32>} : memref<1024xi32, #tpu.memory_space<vmem>>, vector<16xi32>,
    tpu.vector_store %arg10[%swap3A_1376], %add3A_1375 {strides = array<i32>} : memref<1024xi32, #tpu.memory_space<vmem>>, vector<16xi32>,
    %get3A_1378 = arith.index_cast %mul3A_1345 : i32 to index
    %get3A_1379 = tpu.vector_load %arg8[%get3A_1378] {strides = array<i32>} : memref<1024xi32, #tpu.memory_space<vmem>>, vector<16xi32>,
    %get3A_1380 = arith.index_cast %mul3A_1345 : i32 to index
    %get3A_1381 = tpu.vector_load %arg9[%get3A_1380] {strides = array<i32>} : memref<1024xi32, #tpu.memory_space<vmem>>, vector<16xi32>,
    %shift_right_arithmetic3A_1382 = arith.constant 3 : i32
    %shift_right_arithmetic3A_1383 = vector.broadcast %shift_right_arithmetic3A_1382 : i32 to vector<16xi32>
    %shift_right_arithmetic3A_1384 = arith.shrsi %get3A_1379, %shift_right_arithmetic3A_1383 : vector<16xi32>
    %mul3A_1385 = arith.constant 3072 : i32
    %mul3A_1386 = vector.broadcast %mul3A_1385 : i32 to vector<16xi32>
    %mul3A_1387 = arith.muli %shift_right_arithmetic3A_1384, %mul3A_1386 : vector<16xi32>
    %shift_right_arithmetic3A_1388 = arith.constant 7 : i32
    %shift_right_arithmetic3A_1389 = vector.broadcast %shift_right_arithmetic3A_1388 : i32 to vector<16xi32>
    %shift_right_arithmetic3A_1390 = arith.shrsi %get3A_1381, %shift_right_arithmetic3A_1389 : vector<16xi32>
    %mul3A_1391 = arith.constant 1024 : i32
    %mul3A_1392 = vector.broadcast %mul3A_1391 : i32 to vector<16xi32>
    %mul3A_1393 = arith.muli %shift_right_arithmetic3A_1390, %mul3A_1392 : vector<16xi32>
    %add3A_1394 = arith.addi %mul3A_1387, %mul3A_1393 : vector<16xi32>
    %and3A_1395 = arith.constant 7 : i32
    %and3A_1396 = vector.broadcast %and3A_1395 : i32 to vector<16xi32>
    %and3A_1397 = arith.andi %get3A_1379, %and3A_1396 : vector<16xi32>
    %mul3A_1398 = arith.constant 128 : i32
    %mul3A_1399 = vector.broadcast %mul3A_1398 : i32 to vector<16xi32>
    %mul3A_1400 = arith.muli %and3A_1397, %mul3A_1399 : vector<16xi32>
    %add3A_1401 = arith.addi %add3A_1394, %mul3A_1400 : vector<16xi32>
    %and3A_1402 = arith.constant 127 : i32
    %and3A_1403 = vector.broadcast %and3A_1402 : i32 to vector<16xi32>
    %and3A_1404 = arith.andi %get3A_1381, %and3A_1403 : vector<16xi32>
    %add3A_1405 = arith.addi %add3A_1401, %and3A_1404 : vector<16xi32>
    %add3A_1406 = vector.broadcast %mul3A_32 : i32 to vector<16xi32>
    %add3A_1407 = arith.addi %add3A_1405, %add3A_1406 : vector<16xi32>
    %swap3A_1408 = arith.index_cast %mul3A_1345 : i32 to index
    %swap3A_1409 = tpu.vector_load %arg11[%swap3A_1408] {strides = array<i32>} : memref<1024xi32, #tpu.memory_space<vmem>>, vector<16xi32>,
    tpu.vector_store %arg11[%swap3A_1408], %add3A_1407 {strides = array<i32>} : memref<1024xi32, #tpu.memory_space<vmem>>, vector<16xi32>,
    %scan3A_1410 = arith.constant 20 : i32
    %mul3A_1411 = arith.constant 16 : i32
    %mul3A_1412 = arith.muli %scan3A_1410, %mul3A_1411 : i32
    %get3A_1413 = arith.index_cast %mul3A_1412 : i32 to index
    %get3A_1414 = tpu.vector_load %arg6[%get3A_1413] {strides = array<i32>} : memref<1024xi32, #tpu.memory_space<vmem>>, vector<16xi32>,
    %get3A_1415 = arith.index_cast %mul3A_1412 : i32 to index
    %get3A_1416 = tpu.vector_load %arg7[%get3A_1415] {strides = array<i32>} : memref<1024xi32, #tpu.memory_space<vmem>>, vector<16xi32>,
    %shift_right_arithmetic3A_1417 = arith.constant 3 : i32
    %shift_right_arithmetic3A_1418 = vector.broadcast %shift_right_arithmetic3A_1417 : i32 to vector<16xi32>
    %shift_right_arithmetic3A_1419 = arith.shrsi %get3A_1414, %shift_right_arithmetic3A_1418 : vector<16xi32>
    %mul3A_1420 = arith.constant 3072 : i32
    %mul3A_1421 = vector.broadcast %mul3A_1420 : i32 to vector<16xi32>
    %mul3A_1422 = arith.muli %shift_right_arithmetic3A_1419, %mul3A_1421 : vector<16xi32>
    %shift_right_arithmetic3A_1423 = arith.constant 7 : i32
    %shift_right_arithmetic3A_1424 = vector.broadcast %shift_right_arithmetic3A_1423 : i32 to vector<16xi32>
    %shift_right_arithmetic3A_1425 = arith.shrsi %get3A_1416, %shift_right_arithmetic3A_1424 : vector<16xi32>
    %mul3A_1426 = arith.constant 1024 : i32
    %mul3A_1427 = vector.broadcast %mul3A_1426 : i32 to vector<16xi32>
    %mul3A_1428 = arith.muli %shift_right_arithmetic3A_1425, %mul3A_1427 : vector<16xi32>
    %add3A_1429 = arith.addi %mul3A_1422, %mul3A_1428 : vector<16xi32>
    %and3A_1430 = arith.constant 7 : i32
    %and3A_1431 = vector.broadcast %and3A_1430 : i32 to vector<16xi32>
    %and3A_1432 = arith.andi %get3A_1414, %and3A_1431 : vector<16xi32>
    %mul3A_1433 = arith.constant 128 : i32
    %mul3A_1434 = vector.broadcast %mul3A_1433 : i32 to vector<16xi32>
    %mul3A_1435 = arith.muli %and3A_1432, %mul3A_1434 : vector<16xi32>
    %add3A_1436 = arith.addi %add3A_1429, %mul3A_1435 : vector<16xi32>
    %and3A_1437 = arith.constant 127 : i32
    %and3A_1438 = vector.broadcast %and3A_1437 : i32 to vector<16xi32>
    %and3A_1439 = arith.andi %get3A_1416, %and3A_1438 : vector<16xi32>
    %add3A_1440 = arith.addi %add3A_1436, %and3A_1439 : vector<16xi32>
    %add3A_1441 = vector.broadcast %mul3A_32 : i32 to vector<16xi32>
    %add3A_1442 = arith.addi %add3A_1440, %add3A_1441 : vector<16xi32>
    %swap3A_1443 = arith.index_cast %mul3A_1412 : i32 to index
    %swap3A_1444 = tpu.vector_load %arg10[%swap3A_1443] {strides = array<i32>} : memref<1024xi32, #tpu.memory_space<vmem>>, vector<16xi32>,
    tpu.vector_store %arg10[%swap3A_1443], %add3A_1442 {strides = array<i32>} : memref<1024xi32, #tpu.memory_space<vmem>>, vector<16xi32>,
    %get3A_1445 = arith.index_cast %mul3A_1412 : i32 to index
    %get3A_1446 = tpu.vector_load %arg8[%get3A_1445] {strides = array<i32>} : memref<1024xi32, #tpu.memory_space<vmem>>, vector<16xi32>,
    %get3A_1447 = arith.index_cast %mul3A_1412 : i32 to index
    %get3A_1448 = tpu.vector_load %arg9[%get3A_1447] {strides = array<i32>} : memref<1024xi32, #tpu.memory_space<vmem>>, vector<16xi32>,
    %shift_right_arithmetic3A_1449 = arith.constant 3 : i32
    %shift_right_arithmetic3A_1450 = vector.broadcast %shift_right_arithmetic3A_1449 : i32 to vector<16xi32>
    %shift_right_arithmetic3A_1451 = arith.shrsi %get3A_1446, %shift_right_arithmetic3A_1450 : vector<16xi32>
    %mul3A_1452 = arith.constant 3072 : i32
    %mul3A_1453 = vector.broadcast %mul3A_1452 : i32 to vector<16xi32>
    %mul3A_1454 = arith.muli %shift_right_arithmetic3A_1451, %mul3A_1453 : vector<16xi32>
    %shift_right_arithmetic3A_1455 = arith.constant 7 : i32
    %shift_right_arithmetic3A_1456 = vector.broadcast %shift_right_arithmetic3A_1455 : i32 to vector<16xi32>
    %shift_right_arithmetic3A_1457 = arith.shrsi %get3A_1448, %shift_right_arithmetic3A_1456 : vector<16xi32>
    %mul3A_1458 = arith.constant 1024 : i32
    %mul3A_1459 = vector.broadcast %mul3A_1458 : i32 to vector<16xi32>
    %mul3A_1460 = arith.muli %shift_right_arithmetic3A_1457, %mul3A_1459 : vector<16xi32>
    %add3A_1461 = arith.addi %mul3A_1454, %mul3A_1460 : vector<16xi32>
    %and3A_1462 = arith.constant 7 : i32
    %and3A_1463 = vector.broadcast %and3A_1462 : i32 to vector<16xi32>
    %and3A_1464 = arith.andi %get3A_1446, %and3A_1463 : vector<16xi32>
    %mul3A_1465 = arith.constant 128 : i32
    %mul3A_1466 = vector.broadcast %mul3A_1465 : i32 to vector<16xi32>
    %mul3A_1467 = arith.muli %and3A_1464, %mul3A_1466 : vector<16xi32>
    %add3A_1468 = arith.addi %add3A_1461, %mul3A_1467 : vector<16xi32>
    %and3A_1469 = arith.constant 127 : i32
    %and3A_1470 = vector.broadcast %and3A_1469 : i32 to vector<16xi32>
    %and3A_1471 = arith.andi %get3A_1448, %and3A_1470 : vector<16xi32>
    %add3A_1472 = arith.addi %add3A_1468, %and3A_1471 : vector<16xi32>
    %add3A_1473 = vector.broadcast %mul3A_32 : i32 to vector<16xi32>
    %add3A_1474 = arith.addi %add3A_1472, %add3A_1473 : vector<16xi32>
    %swap3A_1475 = arith.index_cast %mul3A_1412 : i32 to index
    %swap3A_1476 = tpu.vector_load %arg11[%swap3A_1475] {strides = array<i32>} : memref<1024xi32, #tpu.memory_space<vmem>>, vector<16xi32>,
    tpu.vector_store %arg11[%swap3A_1475], %add3A_1474 {strides = array<i32>} : memref<1024xi32, #tpu.memory_space<vmem>>, vector<16xi32>,
    %scan3A_1477 = arith.constant 21 : i32
    %mul3A_1478 = arith.constant 16 : i32
    %mul3A_1479 = arith.muli %scan3A_1477, %mul3A_1478 : i32
    %get3A_1480 = arith.index_cast %mul3A_1479 : i32 to index
    %get3A_1481 = tpu.vector_load %arg6[%get3A_1480] {strides = array<i32>} : memref<1024xi32, #tpu.memory_space<vmem>>, vector<16xi32>,
    %get3A_1482 = arith.index_cast %mul3A_1479 : i32 to index
    %get3A_1483 = tpu.vector_load %arg7[%get3A_1482] {strides = array<i32>} : memref<1024xi32, #tpu.memory_space<vmem>>, vector<16xi32>,
    %shift_right_arithmetic3A_1484 = arith.constant 3 : i32
    %shift_right_arithmetic3A_1485 = vector.broadcast %shift_right_arithmetic3A_1484 : i32 to vector<16xi32>
    %shift_right_arithmetic3A_1486 = arith.shrsi %get3A_1481, %shift_right_arithmetic3A_1485 : vector<16xi32>
    %mul3A_1487 = arith.constant 3072 : i32
    %mul3A_1488 = vector.broadcast %mul3A_1487 : i32 to vector<16xi32>
    %mul3A_1489 = arith.muli %shift_right_arithmetic3A_1486, %mul3A_1488 : vector<16xi32>
    %shift_right_arithmetic3A_1490 = arith.constant 7 : i32
    %shift_right_arithmetic3A_1491 = vector.broadcast %shift_right_arithmetic3A_1490 : i32 to vector<16xi32>
    %shift_right_arithmetic3A_1492 = arith.shrsi %get3A_1483, %shift_right_arithmetic3A_1491 : vector<16xi32>
    %mul3A_1493 = arith.constant 1024 : i32
    %mul3A_1494 = vector.broadcast %mul3A_1493 : i32 to vector<16xi32>
    %mul3A_1495 = arith.muli %shift_right_arithmetic3A_1492, %mul3A_1494 : vector<16xi32>
    %add3A_1496 = arith.addi %mul3A_1489, %mul3A_1495 : vector<16xi32>
    %and3A_1497 = arith.constant 7 : i32
    %and3A_1498 = vector.broadcast %and3A_1497 : i32 to vector<16xi32>
    %and3A_1499 = arith.andi %get3A_1481, %and3A_1498 : vector<16xi32>
    %mul3A_1500 = arith.constant 128 : i32
    %mul3A_1501 = vector.broadcast %mul3A_1500 : i32 to vector<16xi32>
    %mul3A_1502 = arith.muli %and3A_1499, %mul3A_1501 : vector<16xi32>
    %add3A_1503 = arith.addi %add3A_1496, %mul3A_1502 : vector<16xi32>
    %and3A_1504 = arith.constant 127 : i32
    %and3A_1505 = vector.broadcast %and3A_1504 : i32 to vector<16xi32>
    %and3A_1506 = arith.andi %get3A_1483, %and3A_1505 : vector<16xi32>
    %add3A_1507 = arith.addi %add3A_1503, %and3A_1506 : vector<16xi32>
    %add3A_1508 = vector.broadcast %mul3A_32 : i32 to vector<16xi32>
    %add3A_1509 = arith.addi %add3A_1507, %add3A_1508 : vector<16xi32>
    %swap3A_1510 = arith.index_cast %mul3A_1479 : i32 to index
    %swap3A_1511 = tpu.vector_load %arg10[%swap3A_1510] {strides = array<i32>} : memref<1024xi32, #tpu.memory_space<vmem>>, vector<16xi32>,
    tpu.vector_store %arg10[%swap3A_1510], %add3A_1509 {strides = array<i32>} : memref<1024xi32, #tpu.memory_space<vmem>>, vector<16xi32>,
    %get3A_1512 = arith.index_cast %mul3A_1479 : i32 to index
    %get3A_1513 = tpu.vector_load %arg8[%get3A_1512] {strides = array<i32>} : memref<1024xi32, #tpu.memory_space<vmem>>, vector<16xi32>,
    %get3A_1514 = arith.index_cast %mul3A_1479 : i32 to index
    %get3A_1515 = tpu.vector_load %arg9[%get3A_1514] {strides = array<i32>} : memref<1024xi32, #tpu.memory_space<vmem>>, vector<16xi32>,
    %shift_right_arithmetic3A_1516 = arith.constant 3 : i32
    %shift_right_arithmetic3A_1517 = vector.broadcast %shift_right_arithmetic3A_1516 : i32 to vector<16xi32>
    %shift_right_arithmetic3A_1518 = arith.shrsi %get3A_1513, %shift_right_arithmetic3A_1517 : vector<16xi32>
    %mul3A_1519 = arith.constant 3072 : i32
    %mul3A_1520 = vector.broadcast %mul3A_1519 : i32 to vector<16xi32>
    %mul3A_1521 = arith.muli %shift_right_arithmetic3A_1518, %mul3A_1520 : vector<16xi32>
    %shift_right_arithmetic3A_1522 = arith.constant 7 : i32
    %shift_right_arithmetic3A_1523 = vector.broadcast %shift_right_arithmetic3A_1522 : i32 to vector<16xi32>
    %shift_right_arithmetic3A_1524 = arith.shrsi %get3A_1515, %shift_right_arithmetic3A_1523 : vector<16xi32>
    %mul3A_1525 = arith.constant 1024 : i32
    %mul3A_1526 = vector.broadcast %mul3A_1525 : i32 to vector<16xi32>
    %mul3A_1527 = arith.muli %shift_right_arithmetic3A_1524, %mul3A_1526 : vector<16xi32>
    %add3A_1528 = arith.addi %mul3A_1521, %mul3A_1527 : vector<16xi32>
    %and3A_1529 = arith.constant 7 : i32
    %and3A_1530 = vector.broadcast %and3A_1529 : i32 to vector<16xi32>
    %and3A_1531 = arith.andi %get3A_1513, %and3A_1530 : vector<16xi32>
    %mul3A_1532 = arith.constant 128 : i32
    %mul3A_1533 = vector.broadcast %mul3A_1532 : i32 to vector<16xi32>
    %mul3A_1534 = arith.muli %and3A_1531, %mul3A_1533 : vector<16xi32>
    %add3A_1535 = arith.addi %add3A_1528, %mul3A_1534 : vector<16xi32>
    %and3A_1536 = arith.constant 127 : i32
    %and3A_1537 = vector.broadcast %and3A_1536 : i32 to vector<16xi32>
    %and3A_1538 = arith.andi %get3A_1515, %and3A_1537 : vector<16xi32>
    %add3A_1539 = arith.addi %add3A_1535, %and3A_1538 : vector<16xi32>
    %add3A_1540 = vector.broadcast %mul3A_32 : i32 to vector<16xi32>
    %add3A_1541 = arith.addi %add3A_1539, %add3A_1540 : vector<16xi32>
    %swap3A_1542 = arith.index_cast %mul3A_1479 : i32 to index
    %swap3A_1543 = tpu.vector_load %arg11[%swap3A_1542] {strides = array<i32>} : memref<1024xi32, #tpu.memory_space<vmem>>, vector<16xi32>,
    tpu.vector_store %arg11[%swap3A_1542], %add3A_1541 {strides = array<i32>} : memref<1024xi32, #tpu.memory_space<vmem>>, vector<16xi32>,
    %scan3A_1544 = arith.constant 22 : i32
    %mul3A_1545 = arith.constant 16 : i32
    %mul3A_1546 = arith.muli %scan3A_1544, %mul3A_1545 : i32
    %get3A_1547 = arith.index_cast %mul3A_1546 : i32 to index
    %get3A_1548 = tpu.vector_load %arg6[%get3A_1547] {strides = array<i32>} : memref<1024xi32, #tpu.memory_space<vmem>>, vector<16xi32>,
    %get3A_1549 = arith.index_cast %mul3A_1546 : i32 to index
    %get3A_1550 = tpu.vector_load %arg7[%get3A_1549] {strides = array<i32>} : memref<1024xi32, #tpu.memory_space<vmem>>, vector<16xi32>,
    %shift_right_arithmetic3A_1551 = arith.constant 3 : i32
    %shift_right_arithmetic3A_1552 = vector.broadcast %shift_right_arithmetic3A_1551 : i32 to vector<16xi32>
    %shift_right_arithmetic3A_1553 = arith.shrsi %get3A_1548, %shift_right_arithmetic3A_1552 : vector<16xi32>
    %mul3A_1554 = arith.constant 3072 : i32
    %mul3A_1555 = vector.broadcast %mul3A_1554 : i32 to vector<16xi32>
    %mul3A_1556 = arith.muli %shift_right_arithmetic3A_1553, %mul3A_1555 : vector<16xi32>
    %shift_right_arithmetic3A_1557 = arith.constant 7 : i32
    %shift_right_arithmetic3A_1558 = vector.broadcast %shift_right_arithmetic3A_1557 : i32 to vector<16xi32>
    %shift_right_arithmetic3A_1559 = arith.shrsi %get3A_1550, %shift_right_arithmetic3A_1558 : vector<16xi32>
    %mul3A_1560 = arith.constant 1024 : i32
    %mul3A_1561 = vector.broadcast %mul3A_1560 : i32 to vector<16xi32>
    %mul3A_1562 = arith.muli %shift_right_arithmetic3A_1559, %mul3A_1561 : vector<16xi32>
    %add3A_1563 = arith.addi %mul3A_1556, %mul3A_1562 : vector<16xi32>
    %and3A_1564 = arith.constant 7 : i32
    %and3A_1565 = vector.broadcast %and3A_1564 : i32 to vector<16xi32>
    %and3A_1566 = arith.andi %get3A_1548, %and3A_1565 : vector<16xi32>
    %mul3A_1567 = arith.constant 128 : i32
    %mul3A_1568 = vector.broadcast %mul3A_1567 : i32 to vector<16xi32>
    %mul3A_1569 = arith.muli %and3A_1566, %mul3A_1568 : vector<16xi32>
    %add3A_1570 = arith.addi %add3A_1563, %mul3A_1569 : vector<16xi32>
    %and3A_1571 = arith.constant 127 : i32
    %and3A_1572 = vector.broadcast %and3A_1571 : i32 to vector<16xi32>
    %and3A_1573 = arith.andi %get3A_1550, %and3A_1572 : vector<16xi32>
    %add3A_1574 = arith.addi %add3A_1570, %and3A_1573 : vector<16xi32>
    %add3A_1575 = vector.broadcast %mul3A_32 : i32 to vector<16xi32>
    %add3A_1576 = arith.addi %add3A_1574, %add3A_1575 : vector<16xi32>
    %swap3A_1577 = arith.index_cast %mul3A_1546 : i32 to index
    %swap3A_1578 = tpu.vector_load %arg10[%swap3A_1577] {strides = array<i32>} : memref<1024xi32, #tpu.memory_space<vmem>>, vector<16xi32>,
    tpu.vector_store %arg10[%swap3A_1577], %add3A_1576 {strides = array<i32>} : memref<1024xi32, #tpu.memory_space<vmem>>, vector<16xi32>,
    %get3A_1579 = arith.index_cast %mul3A_1546 : i32 to index
    %get3A_1580 = tpu.vector_load %arg8[%get3A_1579] {strides = array<i32>} : memref<1024xi32, #tpu.memory_space<vmem>>, vector<16xi32>,
    %get3A_1581 = arith.index_cast %mul3A_1546 : i32 to index
    %get3A_1582 = tpu.vector_load %arg9[%get3A_1581] {strides = array<i32>} : memref<1024xi32, #tpu.memory_space<vmem>>, vector<16xi32>,
    %shift_right_arithmetic3A_1583 = arith.constant 3 : i32
    %shift_right_arithmetic3A_1584 = vector.broadcast %shift_right_arithmetic3A_1583 : i32 to vector<16xi32>
    %shift_right_arithmetic3A_1585 = arith.shrsi %get3A_1580, %shift_right_arithmetic3A_1584 : vector<16xi32>
    %mul3A_1586 = arith.constant 3072 : i32
    %mul3A_1587 = vector.broadcast %mul3A_1586 : i32 to vector<16xi32>
    %mul3A_1588 = arith.muli %shift_right_arithmetic3A_1585, %mul3A_1587 : vector<16xi32>
    %shift_right_arithmetic3A_1589 = arith.constant 7 : i32
    %shift_right_arithmetic3A_1590 = vector.broadcast %shift_right_arithmetic3A_1589 : i32 to vector<16xi32>
    %shift_right_arithmetic3A_1591 = arith.shrsi %get3A_1582, %shift_right_arithmetic3A_1590 : vector<16xi32>
    %mul3A_1592 = arith.constant 1024 : i32
    %mul3A_1593 = vector.broadcast %mul3A_1592 : i32 to vector<16xi32>
    %mul3A_1594 = arith.muli %shift_right_arithmetic3A_1591, %mul3A_1593 : vector<16xi32>
    %add3A_1595 = arith.addi %mul3A_1588, %mul3A_1594 : vector<16xi32>
    %and3A_1596 = arith.constant 7 : i32
    %and3A_1597 = vector.broadcast %and3A_1596 : i32 to vector<16xi32>
    %and3A_1598 = arith.andi %get3A_1580, %and3A_1597 : vector<16xi32>
    %mul3A_1599 = arith.constant 128 : i32
    %mul3A_1600 = vector.broadcast %mul3A_1599 : i32 to vector<16xi32>
    %mul3A_1601 = arith.muli %and3A_1598, %mul3A_1600 : vector<16xi32>
    %add3A_1602 = arith.addi %add3A_1595, %mul3A_1601 : vector<16xi32>
    %and3A_1603 = arith.constant 127 : i32
    %and3A_1604 = vector.broadcast %and3A_1603 : i32 to vector<16xi32>
    %and3A_1605 = arith.andi %get3A_1582, %and3A_1604 : vector<16xi32>
    %add3A_1606 = arith.addi %add3A_1602, %and3A_1605 : vector<16xi32>
    %add3A_1607 = vector.broadcast %mul3A_32 : i32 to vector<16xi32>
    %add3A_1608 = arith.addi %add3A_1606, %add3A_1607 : vector<16xi32>
    %swap3A_1609 = arith.index_cast %mul3A_1546 : i32 to index
    %swap3A_1610 = tpu.vector_load %arg11[%swap3A_1609] {strides = array<i32>} : memref<1024xi32, #tpu.memory_space<vmem>>, vector<16xi32>,
    tpu.vector_store %arg11[%swap3A_1609], %add3A_1608 {strides = array<i32>} : memref<1024xi32, #tpu.memory_space<vmem>>, vector<16xi32>,
    %scan3A_1611 = arith.constant 23 : i32
    %mul3A_1612 = arith.constant 16 : i32
    %mul3A_1613 = arith.muli %scan3A_1611, %mul3A_1612 : i32
    %get3A_1614 = arith.index_cast %mul3A_1613 : i32 to index
    %get3A_1615 = tpu.vector_load %arg6[%get3A_1614] {strides = array<i32>} : memref<1024xi32, #tpu.memory_space<vmem>>, vector<16xi32>,
    %get3A_1616 = arith.index_cast %mul3A_1613 : i32 to index
    %get3A_1617 = tpu.vector_load %arg7[%get3A_1616] {strides = array<i32>} : memref<1024xi32, #tpu.memory_space<vmem>>, vector<16xi32>,
    %shift_right_arithmetic3A_1618 = arith.constant 3 : i32
    %shift_right_arithmetic3A_1619 = vector.broadcast %shift_right_arithmetic3A_1618 : i32 to vector<16xi32>
    %shift_right_arithmetic3A_1620 = arith.shrsi %get3A_1615, %shift_right_arithmetic3A_1619 : vector<16xi32>
    %mul3A_1621 = arith.constant 3072 : i32
    %mul3A_1622 = vector.broadcast %mul3A_1621 : i32 to vector<16xi32>
    %mul3A_1623 = arith.muli %shift_right_arithmetic3A_1620, %mul3A_1622 : vector<16xi32>
    %shift_right_arithmetic3A_1624 = arith.constant 7 : i32
    %shift_right_arithmetic3A_1625 = vector.broadcast %shift_right_arithmetic3A_1624 : i32 to vector<16xi32>
    %shift_right_arithmetic3A_1626 = arith.shrsi %get3A_1617, %shift_right_arithmetic3A_1625 : vector<16xi32>
    %mul3A_1627 = arith.constant 1024 : i32
    %mul3A_1628 = vector.broadcast %mul3A_1627 : i32 to vector<16xi32>
    %mul3A_1629 = arith.muli %shift_right_arithmetic3A_1626, %mul3A_1628 : vector<16xi32>
    %add3A_1630 = arith.addi %mul3A_1623, %mul3A_1629 : vector<16xi32>
    %and3A_1631 = arith.constant 7 : i32
    %and3A_1632 = vector.broadcast %and3A_1631 : i32 to vector<16xi32>
    %and3A_1633 = arith.andi %get3A_1615, %and3A_1632 : vector<16xi32>
    %mul3A_1634 = arith.constant 128 : i32
    %mul3A_1635 = vector.broadcast %mul3A_1634 : i32 to vector<16xi32>
    %mul3A_1636 = arith.muli %and3A_1633, %mul3A_1635 : vector<16xi32>
    %add3A_1637 = arith.addi %add3A_1630, %mul3A_1636 : vector<16xi32>
    %and3A_1638 = arith.constant 127 : i32
    %and3A_1639 = vector.broadcast %and3A_1638 : i32 to vector<16xi32>
    %and3A_1640 = arith.andi %get3A_1617, %and3A_1639 : vector<16xi32>
    %add3A_1641 = arith.addi %add3A_1637, %and3A_1640 : vector<16xi32>
    %add3A_1642 = vector.broadcast %mul3A_32 : i32 to vector<16xi32>
    %add3A_1643 = arith.addi %add3A_1641, %add3A_1642 : vector<16xi32>
    %swap3A_1644 = arith.index_cast %mul3A_1613 : i32 to index
    %swap3A_1645 = tpu.vector_load %arg10[%swap3A_1644] {strides = array<i32>} : memref<1024xi32, #tpu.memory_space<vmem>>, vector<16xi32>,
    tpu.vector_store %arg10[%swap3A_1644], %add3A_1643 {strides = array<i32>} : memref<1024xi32, #tpu.memory_space<vmem>>, vector<16xi32>,
    %get3A_1646 = arith.index_cast %mul3A_1613 : i32 to index
    %get3A_1647 = tpu.vector_load %arg8[%get3A_1646] {strides = array<i32>} : memref<1024xi32, #tpu.memory_space<vmem>>, vector<16xi32>,
    %get3A_1648 = arith.index_cast %mul3A_1613 : i32 to index
    %get3A_1649 = tpu.vector_load %arg9[%get3A_1648] {strides = array<i32>} : memref<1024xi32, #tpu.memory_space<vmem>>, vector<16xi32>,
    %shift_right_arithmetic3A_1650 = arith.constant 3 : i32
    %shift_right_arithmetic3A_1651 = vector.broadcast %shift_right_arithmetic3A_1650 : i32 to vector<16xi32>
    %shift_right_arithmetic3A_1652 = arith.shrsi %get3A_1647, %shift_right_arithmetic3A_1651 : vector<16xi32>
    %mul3A_1653 = arith.constant 3072 : i32
    %mul3A_1654 = vector.broadcast %mul3A_1653 : i32 to vector<16xi32>
    %mul3A_1655 = arith.muli %shift_right_arithmetic3A_1652, %mul3A_1654 : vector<16xi32>
    %shift_right_arithmetic3A_1656 = arith.constant 7 : i32
    %shift_right_arithmetic3A_1657 = vector.broadcast %shift_right_arithmetic3A_1656 : i32 to vector<16xi32>
    %shift_right_arithmetic3A_1658 = arith.shrsi %get3A_1649, %shift_right_arithmetic3A_1657 : vector<16xi32>
    %mul3A_1659 = arith.constant 1024 : i32
    %mul3A_1660 = vector.broadcast %mul3A_1659 : i32 to vector<16xi32>
    %mul3A_1661 = arith.muli %shift_right_arithmetic3A_1658, %mul3A_1660 : vector<16xi32>
    %add3A_1662 = arith.addi %mul3A_1655, %mul3A_1661 : vector<16xi32>
    %and3A_1663 = arith.constant 7 : i32
    %and3A_1664 = vector.broadcast %and3A_1663 : i32 to vector<16xi32>
    %and3A_1665 = arith.andi %get3A_1647, %and3A_1664 : vector<16xi32>
    %mul3A_1666 = arith.constant 128 : i32
    %mul3A_1667 = vector.broadcast %mul3A_1666 : i32 to vector<16xi32>
    %mul3A_1668 = arith.muli %and3A_1665, %mul3A_1667 : vector<16xi32>
    %add3A_1669 = arith.addi %add3A_1662, %mul3A_1668 : vector<16xi32>
    %and3A_1670 = arith.constant 127 : i32
    %and3A_1671 = vector.broadcast %and3A_1670 : i32 to vector<16xi32>
    %and3A_1672 = arith.andi %get3A_1649, %and3A_1671 : vector<16xi32>
    %add3A_1673 = arith.addi %add3A_1669, %and3A_1672 : vector<16xi32>
    %add3A_1674 = vector.broadcast %mul3A_32 : i32 to vector<16xi32>
    %add3A_1675 = arith.addi %add3A_1673, %add3A_1674 : vector<16xi32>
    %swap3A_1676 = arith.index_cast %mul3A_1613 : i32 to index
    %swap3A_1677 = tpu.vector_load %arg11[%swap3A_1676] {strides = array<i32>} : memref<1024xi32, #tpu.memory_space<vmem>>, vector<16xi32>,
    tpu.vector_store %arg11[%swap3A_1676], %add3A_1675 {strides = array<i32>} : memref<1024xi32, #tpu.memory_space<vmem>>, vector<16xi32>,
    %scan3A_1678 = arith.constant 24 : i32
    %mul3A_1679 = arith.constant 16 : i32
    %mul3A_1680 = arith.muli %scan3A_1678, %mul3A_1679 : i32
    %get3A_1681 = arith.index_cast %mul3A_1680 : i32 to index
    %get3A_1682 = tpu.vector_load %arg6[%get3A_1681] {strides = array<i32>} : memref<1024xi32, #tpu.memory_space<vmem>>, vector<16xi32>,
    %get3A_1683 = arith.index_cast %mul3A_1680 : i32 to index
    %get3A_1684 = tpu.vector_load %arg7[%get3A_1683] {strides = array<i32>} : memref<1024xi32, #tpu.memory_space<vmem>>, vector<16xi32>,
    %shift_right_arithmetic3A_1685 = arith.constant 3 : i32
    %shift_right_arithmetic3A_1686 = vector.broadcast %shift_right_arithmetic3A_1685 : i32 to vector<16xi32>
    %shift_right_arithmetic3A_1687 = arith.shrsi %get3A_1682, %shift_right_arithmetic3A_1686 : vector<16xi32>
    %mul3A_1688 = arith.constant 3072 : i32
    %mul3A_1689 = vector.broadcast %mul3A_1688 : i32 to vector<16xi32>
    %mul3A_1690 = arith.muli %shift_right_arithmetic3A_1687, %mul3A_1689 : vector<16xi32>
    %shift_right_arithmetic3A_1691 = arith.constant 7 : i32
    %shift_right_arithmetic3A_1692 = vector.broadcast %shift_right_arithmetic3A_1691 : i32 to vector<16xi32>
    %shift_right_arithmetic3A_1693 = arith.shrsi %get3A_1684, %shift_right_arithmetic3A_1692 : vector<16xi32>
    %mul3A_1694 = arith.constant 1024 : i32
    %mul3A_1695 = vector.broadcast %mul3A_1694 : i32 to vector<16xi32>
    %mul3A_1696 = arith.muli %shift_right_arithmetic3A_1693, %mul3A_1695 : vector<16xi32>
    %add3A_1697 = arith.addi %mul3A_1690, %mul3A_1696 : vector<16xi32>
    %and3A_1698 = arith.constant 7 : i32
    %and3A_1699 = vector.broadcast %and3A_1698 : i32 to vector<16xi32>
    %and3A_1700 = arith.andi %get3A_1682, %and3A_1699 : vector<16xi32>
    %mul3A_1701 = arith.constant 128 : i32
    %mul3A_1702 = vector.broadcast %mul3A_1701 : i32 to vector<16xi32>
    %mul3A_1703 = arith.muli %and3A_1700, %mul3A_1702 : vector<16xi32>
    %add3A_1704 = arith.addi %add3A_1697, %mul3A_1703 : vector<16xi32>
    %and3A_1705 = arith.constant 127 : i32
    %and3A_1706 = vector.broadcast %and3A_1705 : i32 to vector<16xi32>
    %and3A_1707 = arith.andi %get3A_1684, %and3A_1706 : vector<16xi32>
    %add3A_1708 = arith.addi %add3A_1704, %and3A_1707 : vector<16xi32>
    %add3A_1709 = vector.broadcast %mul3A_32 : i32 to vector<16xi32>
    %add3A_1710 = arith.addi %add3A_1708, %add3A_1709 : vector<16xi32>
    %swap3A_1711 = arith.index_cast %mul3A_1680 : i32 to index
    %swap3A_1712 = tpu.vector_load %arg10[%swap3A_1711] {strides = array<i32>} : memref<1024xi32, #tpu.memory_space<vmem>>, vector<16xi32>,
    tpu.vector_store %arg10[%swap3A_1711], %add3A_1710 {strides = array<i32>} : memref<1024xi32, #tpu.memory_space<vmem>>, vector<16xi32>,
    %get3A_1713 = arith.index_cast %mul3A_1680 : i32 to index
    %get3A_1714 = tpu.vector_load %arg8[%get3A_1713] {strides = array<i32>} : memref<1024xi32, #tpu.memory_space<vmem>>, vector<16xi32>,
    %get3A_1715 = arith.index_cast %mul3A_1680 : i32 to index
    %get3A_1716 = tpu.vector_load %arg9[%get3A_1715] {strides = array<i32>} : memref<1024xi32, #tpu.memory_space<vmem>>, vector<16xi32>,
    %shift_right_arithmetic3A_1717 = arith.constant 3 : i32
    %shift_right_arithmetic3A_1718 = vector.broadcast %shift_right_arithmetic3A_1717 : i32 to vector<16xi32>
    %shift_right_arithmetic3A_1719 = arith.shrsi %get3A_1714, %shift_right_arithmetic3A_1718 : vector<16xi32>
    %mul3A_1720 = arith.constant 3072 : i32
    %mul3A_1721 = vector.broadcast %mul3A_1720 : i32 to vector<16xi32>
    %mul3A_1722 = arith.muli %shift_right_arithmetic3A_1719, %mul3A_1721 : vector<16xi32>
    %shift_right_arithmetic3A_1723 = arith.constant 7 : i32
    %shift_right_arithmetic3A_1724 = vector.broadcast %shift_right_arithmetic3A_1723 : i32 to vector<16xi32>
    %shift_right_arithmetic3A_1725 = arith.shrsi %get3A_1716, %shift_right_arithmetic3A_1724 : vector<16xi32>
    %mul3A_1726 = arith.constant 1024 : i32
    %mul3A_1727 = vector.broadcast %mul3A_1726 : i32 to vector<16xi32>
    %mul3A_1728 = arith.muli %shift_right_arithmetic3A_1725, %mul3A_1727 : vector<16xi32>
    %add3A_1729 = arith.addi %mul3A_1722, %mul3A_1728 : vector<16xi32>
    %and3A_1730 = arith.constant 7 : i32
    %and3A_1731 = vector.broadcast %and3A_1730 : i32 to vector<16xi32>
    %and3A_1732 = arith.andi %get3A_1714, %and3A_1731 : vector<16xi32>
    %mul3A_1733 = arith.constant 128 : i32
    %mul3A_1734 = vector.broadcast %mul3A_1733 : i32 to vector<16xi32>
    %mul3A_1735 = arith.muli %and3A_1732, %mul3A_1734 : vector<16xi32>
    %add3A_1736 = arith.addi %add3A_1729, %mul3A_1735 : vector<16xi32>
    %and3A_1737 = arith.constant 127 : i32
    %and3A_1738 = vector.broadcast %and3A_1737 : i32 to vector<16xi32>
    %and3A_1739 = arith.andi %get3A_1716, %and3A_1738 : vector<16xi32>
    %add3A_1740 = arith.addi %add3A_1736, %and3A_1739 : vector<16xi32>
    %add3A_1741 = vector.broadcast %mul3A_32 : i32 to vector<16xi32>
    %add3A_1742 = arith.addi %add3A_1740, %add3A_1741 : vector<16xi32>
    %swap3A_1743 = arith.index_cast %mul3A_1680 : i32 to index
    %swap3A_1744 = tpu.vector_load %arg11[%swap3A_1743] {strides = array<i32>} : memref<1024xi32, #tpu.memory_space<vmem>>, vector<16xi32>,
    tpu.vector_store %arg11[%swap3A_1743], %add3A_1742 {strides = array<i32>} : memref<1024xi32, #tpu.memory_space<vmem>>, vector<16xi32>,
    %scan3A_1745 = arith.constant 25 : i32
    %mul3A_1746 = arith.constant 16 : i32
    %mul3A_1747 = arith.muli %scan3A_1745, %mul3A_1746 : i32
    %get3A_1748 = arith.index_cast %mul3A_1747 : i32 to index
    %get3A_1749 = tpu.vector_load %arg6[%get3A_1748] {strides = array<i32>} : memref<1024xi32, #tpu.memory_space<vmem>>, vector<16xi32>,
    %get3A_1750 = arith.index_cast %mul3A_1747 : i32 to index
    %get3A_1751 = tpu.vector_load %arg7[%get3A_1750] {strides = array<i32>} : memref<1024xi32, #tpu.memory_space<vmem>>, vector<16xi32>,
    %shift_right_arithmetic3A_1752 = arith.constant 3 : i32
    %shift_right_arithmetic3A_1753 = vector.broadcast %shift_right_arithmetic3A_1752 : i32 to vector<16xi32>
    %shift_right_arithmetic3A_1754 = arith.shrsi %get3A_1749, %shift_right_arithmetic3A_1753 : vector<16xi32>
    %mul3A_1755 = arith.constant 3072 : i32
    %mul3A_1756 = vector.broadcast %mul3A_1755 : i32 to vector<16xi32>
    %mul3A_1757 = arith.muli %shift_right_arithmetic3A_1754, %mul3A_1756 : vector<16xi32>
    %shift_right_arithmetic3A_1758 = arith.constant 7 : i32
    %shift_right_arithmetic3A_1759 = vector.broadcast %shift_right_arithmetic3A_1758 : i32 to vector<16xi32>
    %shift_right_arithmetic3A_1760 = arith.shrsi %get3A_1751, %shift_right_arithmetic3A_1759 : vector<16xi32>
    %mul3A_1761 = arith.constant 1024 : i32
    %mul3A_1762 = vector.broadcast %mul3A_1761 : i32 to vector<16xi32>
    %mul3A_1763 = arith.muli %shift_right_arithmetic3A_1760, %mul3A_1762 : vector<16xi32>
    %add3A_1764 = arith.addi %mul3A_1757, %mul3A_1763 : vector<16xi32>
    %and3A_1765 = arith.constant 7 : i32
    %and3A_1766 = vector.broadcast %and3A_1765 : i32 to vector<16xi32>
    %and3A_1767 = arith.andi %get3A_1749, %and3A_1766 : vector<16xi32>
    %mul3A_1768 = arith.constant 128 : i32
    %mul3A_1769 = vector.broadcast %mul3A_1768 : i32 to vector<16xi32>
    %mul3A_1770 = arith.muli %and3A_1767, %mul3A_1769 : vector<16xi32>
    %add3A_1771 = arith.addi %add3A_1764, %mul3A_1770 : vector<16xi32>
    %and3A_1772 = arith.constant 127 : i32
    %and3A_1773 = vector.broadcast %and3A_1772 : i32 to vector<16xi32>
    %and3A_1774 = arith.andi %get3A_1751, %and3A_1773 : vector<16xi32>
    %add3A_1775 = arith.addi %add3A_1771, %and3A_1774 : vector<16xi32>
    %add3A_1776 = vector.broadcast %mul3A_32 : i32 to vector<16xi32>
    %add3A_1777 = arith.addi %add3A_1775, %add3A_1776 : vector<16xi32>
    %swap3A_1778 = arith.index_cast %mul3A_1747 : i32 to index
    %swap3A_1779 = tpu.vector_load %arg10[%swap3A_1778] {strides = array<i32>} : memref<1024xi32, #tpu.memory_space<vmem>>, vector<16xi32>,
    tpu.vector_store %arg10[%swap3A_1778], %add3A_1777 {strides = array<i32>} : memref<1024xi32, #tpu.memory_space<vmem>>, vector<16xi32>,
    %get3A_1780 = arith.index_cast %mul3A_1747 : i32 to index
    %get3A_1781 = tpu.vector_load %arg8[%get3A_1780] {strides = array<i32>} : memref<1024xi32, #tpu.memory_space<vmem>>, vector<16xi32>,
    %get3A_1782 = arith.index_cast %mul3A_1747 : i32 to index
    %get3A_1783 = tpu.vector_load %arg9[%get3A_1782] {strides = array<i32>} : memref<1024xi32, #tpu.memory_space<vmem>>, vector<16xi32>,
    %shift_right_arithmetic3A_1784 = arith.constant 3 : i32
    %shift_right_arithmetic3A_1785 = vector.broadcast %shift_right_arithmetic3A_1784 : i32 to vector<16xi32>
    %shift_right_arithmetic3A_1786 = arith.shrsi %get3A_1781, %shift_right_arithmetic3A_1785 : vector<16xi32>
    %mul3A_1787 = arith.constant 3072 : i32
    %mul3A_1788 = vector.broadcast %mul3A_1787 : i32 to vector<16xi32>
    %mul3A_1789 = arith.muli %shift_right_arithmetic3A_1786, %mul3A_1788 : vector<16xi32>
    %shift_right_arithmetic3A_1790 = arith.constant 7 : i32
    %shift_right_arithmetic3A_1791 = vector.broadcast %shift_right_arithmetic3A_1790 : i32 to vector<16xi32>
    %shift_right_arithmetic3A_1792 = arith.shrsi %get3A_1783, %shift_right_arithmetic3A_1791 : vector<16xi32>
    %mul3A_1793 = arith.constant 1024 : i32
    %mul3A_1794 = vector.broadcast %mul3A_1793 : i32 to vector<16xi32>
    %mul3A_1795 = arith.muli %shift_right_arithmetic3A_1792, %mul3A_1794 : vector<16xi32>
    %add3A_1796 = arith.addi %mul3A_1789, %mul3A_1795 : vector<16xi32>
    %and3A_1797 = arith.constant 7 : i32
    %and3A_1798 = vector.broadcast %and3A_1797 : i32 to vector<16xi32>
    %and3A_1799 = arith.andi %get3A_1781, %and3A_1798 : vector<16xi32>
    %mul3A_1800 = arith.constant 128 : i32
    %mul3A_1801 = vector.broadcast %mul3A_1800 : i32 to vector<16xi32>
    %mul3A_1802 = arith.muli %and3A_1799, %mul3A_1801 : vector<16xi32>
    %add3A_1803 = arith.addi %add3A_1796, %mul3A_1802 : vector<16xi32>
    %and3A_1804 = arith.constant 127 : i32
    %and3A_1805 = vector.broadcast %and3A_1804 : i32 to vector<16xi32>
    %and3A_1806 = arith.andi %get3A_1783, %and3A_1805 : vector<16xi32>
    %add3A_1807 = arith.addi %add3A_1803, %and3A_1806 : vector<16xi32>
    %add3A_1808 = vector.broadcast %mul3A_32 : i32 to vector<16xi32>
    %add3A_1809 = arith.addi %add3A_1807, %add3A_1808 : vector<16xi32>
    %swap3A_1810 = arith.index_cast %mul3A_1747 : i32 to index
    %swap3A_1811 = tpu.vector_load %arg11[%swap3A_1810] {strides = array<i32>} : memref<1024xi32, #tpu.memory_space<vmem>>, vector<16xi32>,
    tpu.vector_store %arg11[%swap3A_1810], %add3A_1809 {strides = array<i32>} : memref<1024xi32, #tpu.memory_space<vmem>>, vector<16xi32>,
    %scan3A_1812 = arith.constant 26 : i32
    %mul3A_1813 = arith.constant 16 : i32
    %mul3A_1814 = arith.muli %scan3A_1812, %mul3A_1813 : i32
    %get3A_1815 = arith.index_cast %mul3A_1814 : i32 to index
    %get3A_1816 = tpu.vector_load %arg6[%get3A_1815] {strides = array<i32>} : memref<1024xi32, #tpu.memory_space<vmem>>, vector<16xi32>,
    %get3A_1817 = arith.index_cast %mul3A_1814 : i32 to index
    %get3A_1818 = tpu.vector_load %arg7[%get3A_1817] {strides = array<i32>} : memref<1024xi32, #tpu.memory_space<vmem>>, vector<16xi32>,
    %shift_right_arithmetic3A_1819 = arith.constant 3 : i32
    %shift_right_arithmetic3A_1820 = vector.broadcast %shift_right_arithmetic3A_1819 : i32 to vector<16xi32>
    %shift_right_arithmetic3A_1821 = arith.shrsi %get3A_1816, %shift_right_arithmetic3A_1820 : vector<16xi32>
    %mul3A_1822 = arith.constant 3072 : i32
    %mul3A_1823 = vector.broadcast %mul3A_1822 : i32 to vector<16xi32>
    %mul3A_1824 = arith.muli %shift_right_arithmetic3A_1821, %mul3A_1823 : vector<16xi32>
    %shift_right_arithmetic3A_1825 = arith.constant 7 : i32
    %shift_right_arithmetic3A_1826 = vector.broadcast %shift_right_arithmetic3A_1825 : i32 to vector<16xi32>
    %shift_right_arithmetic3A_1827 = arith.shrsi %get3A_1818, %shift_right_arithmetic3A_1826 : vector<16xi32>
    %mul3A_1828 = arith.constant 1024 : i32
    %mul3A_1829 = vector.broadcast %mul3A_1828 : i32 to vector<16xi32>
    %mul3A_1830 = arith.muli %shift_right_arithmetic3A_1827, %mul3A_1829 : vector<16xi32>
    %add3A_1831 = arith.addi %mul3A_1824, %mul3A_1830 : vector<16xi32>
    %and3A_1832 = arith.constant 7 : i32
    %and3A_1833 = vector.broadcast %and3A_1832 : i32 to vector<16xi32>
    %and3A_1834 = arith.andi %get3A_1816, %and3A_1833 : vector<16xi32>
    %mul3A_1835 = arith.constant 128 : i32
    %mul3A_1836 = vector.broadcast %mul3A_1835 : i32 to vector<16xi32>
    %mul3A_1837 = arith.muli %and3A_1834, %mul3A_1836 : vector<16xi32>
    %add3A_1838 = arith.addi %add3A_1831, %mul3A_1837 : vector<16xi32>
    %and3A_1839 = arith.constant 127 : i32
    %and3A_1840 = vector.broadcast %and3A_1839 : i32 to vector<16xi32>
    %and3A_1841 = arith.andi %get3A_1818, %and3A_1840 : vector<16xi32>
    %add3A_1842 = arith.addi %add3A_1838, %and3A_1841 : vector<16xi32>
    %add3A_1843 = vector.broadcast %mul3A_32 : i32 to vector<16xi32>
    %add3A_1844 = arith.addi %add3A_1842, %add3A_1843 : vector<16xi32>
    %swap3A_1845 = arith.index_cast %mul3A_1814 : i32 to index
    %swap3A_1846 = tpu.vector_load %arg10[%swap3A_1845] {strides = array<i32>} : memref<1024xi32, #tpu.memory_space<vmem>>, vector<16xi32>,
    tpu.vector_store %arg10[%swap3A_1845], %add3A_1844 {strides = array<i32>} : memref<1024xi32, #tpu.memory_space<vmem>>, vector<16xi32>,
    %get3A_1847 = arith.index_cast %mul3A_1814 : i32 to index
    %get3A_1848 = tpu.vector_load %arg8[%get3A_1847] {strides = array<i32>} : memref<1024xi32, #tpu.memory_space<vmem>>, vector<16xi32>,
    %get3A_1849 = arith.index_cast %mul3A_1814 : i32 to index
    %get3A_1850 = tpu.vector_load %arg9[%get3A_1849] {strides = array<i32>} : memref<1024xi32, #tpu.memory_space<vmem>>, vector<16xi32>,
    %shift_right_arithmetic3A_1851 = arith.constant 3 : i32
    %shift_right_arithmetic3A_1852 = vector.broadcast %shift_right_arithmetic3A_1851 : i32 to vector<16xi32>
    %shift_right_arithmetic3A_1853 = arith.shrsi %get3A_1848, %shift_right_arithmetic3A_1852 : vector<16xi32>
    %mul3A_1854 = arith.constant 3072 : i32
    %mul3A_1855 = vector.broadcast %mul3A_1854 : i32 to vector<16xi32>
    %mul3A_1856 = arith.muli %shift_right_arithmetic3A_1853, %mul3A_1855 : vector<16xi32>
    %shift_right_arithmetic3A_1857 = arith.constant 7 : i32
    %shift_right_arithmetic3A_1858 = vector.broadcast %shift_right_arithmetic3A_1857 : i32 to vector<16xi32>
    %shift_right_arithmetic3A_1859 = arith.shrsi %get3A_1850, %shift_right_arithmetic3A_1858 : vector<16xi32>
    %mul3A_1860 = arith.constant 1024 : i32
    %mul3A_1861 = vector.broadcast %mul3A_1860 : i32 to vector<16xi32>
    %mul3A_1862 = arith.muli %shift_right_arithmetic3A_1859, %mul3A_1861 : vector<16xi32>
    %add3A_1863 = arith.addi %mul3A_1856, %mul3A_1862 : vector<16xi32>
    %and3A_1864 = arith.constant 7 : i32
    %and3A_1865 = vector.broadcast %and3A_1864 : i32 to vector<16xi32>
    %and3A_1866 = arith.andi %get3A_1848, %and3A_1865 : vector<16xi32>
    %mul3A_1867 = arith.constant 128 : i32
    %mul3A_1868 = vector.broadcast %mul3A_1867 : i32 to vector<16xi32>
    %mul3A_1869 = arith.muli %and3A_1866, %mul3A_1868 : vector<16xi32>
    %add3A_1870 = arith.addi %add3A_1863, %mul3A_1869 : vector<16xi32>
    %and3A_1871 = arith.constant 127 : i32
    %and3A_1872 = vector.broadcast %and3A_1871 : i32 to vector<16xi32>
    %and3A_1873 = arith.andi %get3A_1850, %and3A_1872 : vector<16xi32>
    %add3A_1874 = arith.addi %add3A_1870, %and3A_1873 : vector<16xi32>
    %add3A_1875 = vector.broadcast %mul3A_32 : i32 to vector<16xi32>
    %add3A_1876 = arith.addi %add3A_1874, %add3A_1875 : vector<16xi32>
    %swap3A_1877 = arith.index_cast %mul3A_1814 : i32 to index
    %swap3A_1878 = tpu.vector_load %arg11[%swap3A_1877] {strides = array<i32>} : memref<1024xi32, #tpu.memory_space<vmem>>, vector<16xi32>,
    tpu.vector_store %arg11[%swap3A_1877], %add3A_1876 {strides = array<i32>} : memref<1024xi32, #tpu.memory_space<vmem>>, vector<16xi32>,
    %scan3A_1879 = arith.constant 27 : i32
    %mul3A_1880 = arith.constant 16 : i32
    %mul3A_1881 = arith.muli %scan3A_1879, %mul3A_1880 : i32
    %get3A_1882 = arith.index_cast %mul3A_1881 : i32 to index
    %get3A_1883 = tpu.vector_load %arg6[%get3A_1882] {strides = array<i32>} : memref<1024xi32, #tpu.memory_space<vmem>>, vector<16xi32>,
    %get3A_1884 = arith.index_cast %mul3A_1881 : i32 to index
    %get3A_1885 = tpu.vector_load %arg7[%get3A_1884] {strides = array<i32>} : memref<1024xi32, #tpu.memory_space<vmem>>, vector<16xi32>,
    %shift_right_arithmetic3A_1886 = arith.constant 3 : i32
    %shift_right_arithmetic3A_1887 = vector.broadcast %shift_right_arithmetic3A_1886 : i32 to vector<16xi32>
    %shift_right_arithmetic3A_1888 = arith.shrsi %get3A_1883, %shift_right_arithmetic3A_1887 : vector<16xi32>
    %mul3A_1889 = arith.constant 3072 : i32
    %mul3A_1890 = vector.broadcast %mul3A_1889 : i32 to vector<16xi32>
    %mul3A_1891 = arith.muli %shift_right_arithmetic3A_1888, %mul3A_1890 : vector<16xi32>
    %shift_right_arithmetic3A_1892 = arith.constant 7 : i32
    %shift_right_arithmetic3A_1893 = vector.broadcast %shift_right_arithmetic3A_1892 : i32 to vector<16xi32>
    %shift_right_arithmetic3A_1894 = arith.shrsi %get3A_1885, %shift_right_arithmetic3A_1893 : vector<16xi32>
    %mul3A_1895 = arith.constant 1024 : i32
    %mul3A_1896 = vector.broadcast %mul3A_1895 : i32 to vector<16xi32>
    %mul3A_1897 = arith.muli %shift_right_arithmetic3A_1894, %mul3A_1896 : vector<16xi32>
    %add3A_1898 = arith.addi %mul3A_1891, %mul3A_1897 : vector<16xi32>
    %and3A_1899 = arith.constant 7 : i32
    %and3A_1900 = vector.broadcast %and3A_1899 : i32 to vector<16xi32>
    %and3A_1901 = arith.andi %get3A_1883, %and3A_1900 : vector<16xi32>
    %mul3A_1902 = arith.constant 128 : i32
    %mul3A_1903 = vector.broadcast %mul3A_1902 : i32 to vector<16xi32>
    %mul3A_1904 = arith.muli %and3A_1901, %mul3A_1903 : vector<16xi32>
    %add3A_1905 = arith.addi %add3A_1898, %mul3A_1904 : vector<16xi32>
    %and3A_1906 = arith.constant 127 : i32
    %and3A_1907 = vector.broadcast %and3A_1906 : i32 to vector<16xi32>
    %and3A_1908 = arith.andi %get3A_1885, %and3A_1907 : vector<16xi32>
    %add3A_1909 = arith.addi %add3A_1905, %and3A_1908 : vector<16xi32>
    %add3A_1910 = vector.broadcast %mul3A_32 : i32 to vector<16xi32>
    %add3A_1911 = arith.addi %add3A_1909, %add3A_1910 : vector<16xi32>
    %swap3A_1912 = arith.index_cast %mul3A_1881 : i32 to index
    %swap3A_1913 = tpu.vector_load %arg10[%swap3A_1912] {strides = array<i32>} : memref<1024xi32, #tpu.memory_space<vmem>>, vector<16xi32>,
    tpu.vector_store %arg10[%swap3A_1912], %add3A_1911 {strides = array<i32>} : memref<1024xi32, #tpu.memory_space<vmem>>, vector<16xi32>,
    %get3A_1914 = arith.index_cast %mul3A_1881 : i32 to index
    %get3A_1915 = tpu.vector_load %arg8[%get3A_1914] {strides = array<i32>} : memref<1024xi32, #tpu.memory_space<vmem>>, vector<16xi32>,
    %get3A_1916 = arith.index_cast %mul3A_1881 : i32 to index
    %get3A_1917 = tpu.vector_load %arg9[%get3A_1916] {strides = array<i32>} : memref<1024xi32, #tpu.memory_space<vmem>>, vector<16xi32>,
    %shift_right_arithmetic3A_1918 = arith.constant 3 : i32
    %shift_right_arithmetic3A_1919 = vector.broadcast %shift_right_arithmetic3A_1918 : i32 to vector<16xi32>
    %shift_right_arithmetic3A_1920 = arith.shrsi %get3A_1915, %shift_right_arithmetic3A_1919 : vector<16xi32>
    %mul3A_1921 = arith.constant 3072 : i32
    %mul3A_1922 = vector.broadcast %mul3A_1921 : i32 to vector<16xi32>
    %mul3A_1923 = arith.muli %shift_right_arithmetic3A_1920, %mul3A_1922 : vector<16xi32>
    %shift_right_arithmetic3A_1924 = arith.constant 7 : i32
    %shift_right_arithmetic3A_1925 = vector.broadcast %shift_right_arithmetic3A_1924 : i32 to vector<16xi32>
    %shift_right_arithmetic3A_1926 = arith.shrsi %get3A_1917, %shift_right_arithmetic3A_1925 : vector<16xi32>
    %mul3A_1927 = arith.constant 1024 : i32
    %mul3A_1928 = vector.broadcast %mul3A_1927 : i32 to vector<16xi32>
    %mul3A_1929 = arith.muli %shift_right_arithmetic3A_1926, %mul3A_1928 : vector<16xi32>
    %add3A_1930 = arith.addi %mul3A_1923, %mul3A_1929 : vector<16xi32>
    %and3A_1931 = arith.constant 7 : i32
    %and3A_1932 = vector.broadcast %and3A_1931 : i32 to vector<16xi32>
    %and3A_1933 = arith.andi %get3A_1915, %and3A_1932 : vector<16xi32>
    %mul3A_1934 = arith.constant 128 : i32
    %mul3A_1935 = vector.broadcast %mul3A_1934 : i32 to vector<16xi32>
    %mul3A_1936 = arith.muli %and3A_1933, %mul3A_1935 : vector<16xi32>
    %add3A_1937 = arith.addi %add3A_1930, %mul3A_1936 : vector<16xi32>
    %and3A_1938 = arith.constant 127 : i32
    %and3A_1939 = vector.broadcast %and3A_1938 : i32 to vector<16xi32>
    %and3A_1940 = arith.andi %get3A_1917, %and3A_1939 : vector<16xi32>
    %add3A_1941 = arith.addi %add3A_1937, %and3A_1940 : vector<16xi32>
    %add3A_1942 = vector.broadcast %mul3A_32 : i32 to vector<16xi32>
    %add3A_1943 = arith.addi %add3A_1941, %add3A_1942 : vector<16xi32>
    %swap3A_1944 = arith.index_cast %mul3A_1881 : i32 to index
    %swap3A_1945 = tpu.vector_load %arg11[%swap3A_1944] {strides = array<i32>} : memref<1024xi32, #tpu.memory_space<vmem>>, vector<16xi32>,
    tpu.vector_store %arg11[%swap3A_1944], %add3A_1943 {strides = array<i32>} : memref<1024xi32, #tpu.memory_space<vmem>>, vector<16xi32>,
    %scan3A_1946 = arith.constant 28 : i32
    %mul3A_1947 = arith.constant 16 : i32
    %mul3A_1948 = arith.muli %scan3A_1946, %mul3A_1947 : i32
    %get3A_1949 = arith.index_cast %mul3A_1948 : i32 to index
    %get3A_1950 = tpu.vector_load %arg6[%get3A_1949] {strides = array<i32>} : memref<1024xi32, #tpu.memory_space<vmem>>, vector<16xi32>,
    %get3A_1951 = arith.index_cast %mul3A_1948 : i32 to index
    %get3A_1952 = tpu.vector_load %arg7[%get3A_1951] {strides = array<i32>} : memref<1024xi32, #tpu.memory_space<vmem>>, vector<16xi32>,
    %shift_right_arithmetic3A_1953 = arith.constant 3 : i32
    %shift_right_arithmetic3A_1954 = vector.broadcast %shift_right_arithmetic3A_1953 : i32 to vector<16xi32>
    %shift_right_arithmetic3A_1955 = arith.shrsi %get3A_1950, %shift_right_arithmetic3A_1954 : vector<16xi32>
    %mul3A_1956 = arith.constant 3072 : i32
    %mul3A_1957 = vector.broadcast %mul3A_1956 : i32 to vector<16xi32>
    %mul3A_1958 = arith.muli %shift_right_arithmetic3A_1955, %mul3A_1957 : vector<16xi32>
    %shift_right_arithmetic3A_1959 = arith.constant 7 : i32
    %shift_right_arithmetic3A_1960 = vector.broadcast %shift_right_arithmetic3A_1959 : i32 to vector<16xi32>
    %shift_right_arithmetic3A_1961 = arith.shrsi %get3A_1952, %shift_right_arithmetic3A_1960 : vector<16xi32>
    %mul3A_1962 = arith.constant 1024 : i32
    %mul3A_1963 = vector.broadcast %mul3A_1962 : i32 to vector<16xi32>
    %mul3A_1964 = arith.muli %shift_right_arithmetic3A_1961, %mul3A_1963 : vector<16xi32>
    %add3A_1965 = arith.addi %mul3A_1958, %mul3A_1964 : vector<16xi32>
    %and3A_1966 = arith.constant 7 : i32
    %and3A_1967 = vector.broadcast %and3A_1966 : i32 to vector<16xi32>
    %and3A_1968 = arith.andi %get3A_1950, %and3A_1967 : vector<16xi32>
    %mul3A_1969 = arith.constant 128 : i32
    %mul3A_1970 = vector.broadcast %mul3A_1969 : i32 to vector<16xi32>
    %mul3A_1971 = arith.muli %and3A_1968, %mul3A_1970 : vector<16xi32>
    %add3A_1972 = arith.addi %add3A_1965, %mul3A_1971 : vector<16xi32>
    %and3A_1973 = arith.constant 127 : i32
    %and3A_1974 = vector.broadcast %and3A_1973 : i32 to vector<16xi32>
    %and3A_1975 = arith.andi %get3A_1952, %and3A_1974 : vector<16xi32>
    %add3A_1976 = arith.addi %add3A_1972, %and3A_1975 : vector<16xi32>
    %add3A_1977 = vector.broadcast %mul3A_32 : i32 to vector<16xi32>
    %add3A_1978 = arith.addi %add3A_1976, %add3A_1977 : vector<16xi32>
    %swap3A_1979 = arith.index_cast %mul3A_1948 : i32 to index
    %swap3A_1980 = tpu.vector_load %arg10[%swap3A_1979] {strides = array<i32>} : memref<1024xi32, #tpu.memory_space<vmem>>, vector<16xi32>,
    tpu.vector_store %arg10[%swap3A_1979], %add3A_1978 {strides = array<i32>} : memref<1024xi32, #tpu.memory_space<vmem>>, vector<16xi32>,
    %get3A_1981 = arith.index_cast %mul3A_1948 : i32 to index
    %get3A_1982 = tpu.vector_load %arg8[%get3A_1981] {strides = array<i32>} : memref<1024xi32, #tpu.memory_space<vmem>>, vector<16xi32>,
    %get3A_1983 = arith.index_cast %mul3A_1948 : i32 to index
    %get3A_1984 = tpu.vector_load %arg9[%get3A_1983] {strides = array<i32>} : memref<1024xi32, #tpu.memory_space<vmem>>, vector<16xi32>,
    %shift_right_arithmetic3A_1985 = arith.constant 3 : i32
    %shift_right_arithmetic3A_1986 = vector.broadcast %shift_right_arithmetic3A_1985 : i32 to vector<16xi32>
    %shift_right_arithmetic3A_1987 = arith.shrsi %get3A_1982, %shift_right_arithmetic3A_1986 : vector<16xi32>
    %mul3A_1988 = arith.constant 3072 : i32
    %mul3A_1989 = vector.broadcast %mul3A_1988 : i32 to vector<16xi32>
    %mul3A_1990 = arith.muli %shift_right_arithmetic3A_1987, %mul3A_1989 : vector<16xi32>
    %shift_right_arithmetic3A_1991 = arith.constant 7 : i32
    %shift_right_arithmetic3A_1992 = vector.broadcast %shift_right_arithmetic3A_1991 : i32 to vector<16xi32>
    %shift_right_arithmetic3A_1993 = arith.shrsi %get3A_1984, %shift_right_arithmetic3A_1992 : vector<16xi32>
    %mul3A_1994 = arith.constant 1024 : i32
    %mul3A_1995 = vector.broadcast %mul3A_1994 : i32 to vector<16xi32>
    %mul3A_1996 = arith.muli %shift_right_arithmetic3A_1993, %mul3A_1995 : vector<16xi32>
    %add3A_1997 = arith.addi %mul3A_1990, %mul3A_1996 : vector<16xi32>
    %and3A_1998 = arith.constant 7 : i32
    %and3A_1999 = vector.broadcast %and3A_1998 : i32 to vector<16xi32>
    %and3A_2000 = arith.andi %get3A_1982, %and3A_1999 : vector<16xi32>
    %mul3A_2001 = arith.constant 128 : i32
    %mul3A_2002 = vector.broadcast %mul3A_2001 : i32 to vector<16xi32>
    %mul3A_2003 = arith.muli %and3A_2000, %mul3A_2002 : vector<16xi32>
    %add3A_2004 = arith.addi %add3A_1997, %mul3A_2003 : vector<16xi32>
    %and3A_2005 = arith.constant 127 : i32
    %and3A_2006 = vector.broadcast %and3A_2005 : i32 to vector<16xi32>
    %and3A_2007 = arith.andi %get3A_1984, %and3A_2006 : vector<16xi32>
    %add3A_2008 = arith.addi %add3A_2004, %and3A_2007 : vector<16xi32>
    %add3A_2009 = vector.broadcast %mul3A_32 : i32 to vector<16xi32>
    %add3A_2010 = arith.addi %add3A_2008, %add3A_2009 : vector<16xi32>
    %swap3A_2011 = arith.index_cast %mul3A_1948 : i32 to index
    %swap3A_2012 = tpu.vector_load %arg11[%swap3A_2011] {strides = array<i32>} : memref<1024xi32, #tpu.memory_space<vmem>>, vector<16xi32>,
    tpu.vector_store %arg11[%swap3A_2011], %add3A_2010 {strides = array<i32>} : memref<1024xi32, #tpu.memory_space<vmem>>, vector<16xi32>,
    %scan3A_2013 = arith.constant 29 : i32
    %mul3A_2014 = arith.constant 16 : i32
    %mul3A_2015 = arith.muli %scan3A_2013, %mul3A_2014 : i32
    %get3A_2016 = arith.index_cast %mul3A_2015 : i32 to index
    %get3A_2017 = tpu.vector_load %arg6[%get3A_2016] {strides = array<i32>} : memref<1024xi32, #tpu.memory_space<vmem>>, vector<16xi32>,
    %get3A_2018 = arith.index_cast %mul3A_2015 : i32 to index
    %get3A_2019 = tpu.vector_load %arg7[%get3A_2018] {strides = array<i32>} : memref<1024xi32, #tpu.memory_space<vmem>>, vector<16xi32>,
    %shift_right_arithmetic3A_2020 = arith.constant 3 : i32
    %shift_right_arithmetic3A_2021 = vector.broadcast %shift_right_arithmetic3A_2020 : i32 to vector<16xi32>
    %shift_right_arithmetic3A_2022 = arith.shrsi %get3A_2017, %shift_right_arithmetic3A_2021 : vector<16xi32>
    %mul3A_2023 = arith.constant 3072 : i32
    %mul3A_2024 = vector.broadcast %mul3A_2023 : i32 to vector<16xi32>
    %mul3A_2025 = arith.muli %shift_right_arithmetic3A_2022, %mul3A_2024 : vector<16xi32>
    %shift_right_arithmetic3A_2026 = arith.constant 7 : i32
    %shift_right_arithmetic3A_2027 = vector.broadcast %shift_right_arithmetic3A_2026 : i32 to vector<16xi32>
    %shift_right_arithmetic3A_2028 = arith.shrsi %get3A_2019, %shift_right_arithmetic3A_2027 : vector<16xi32>
    %mul3A_2029 = arith.constant 1024 : i32
    %mul3A_2030 = vector.broadcast %mul3A_2029 : i32 to vector<16xi32>
    %mul3A_2031 = arith.muli %shift_right_arithmetic3A_2028, %mul3A_2030 : vector<16xi32>
    %add3A_2032 = arith.addi %mul3A_2025, %mul3A_2031 : vector<16xi32>
    %and3A_2033 = arith.constant 7 : i32
    %and3A_2034 = vector.broadcast %and3A_2033 : i32 to vector<16xi32>
    %and3A_2035 = arith.andi %get3A_2017, %and3A_2034 : vector<16xi32>
    %mul3A_2036 = arith.constant 128 : i32
    %mul3A_2037 = vector.broadcast %mul3A_2036 : i32 to vector<16xi32>
    %mul3A_2038 = arith.muli %and3A_2035, %mul3A_2037 : vector<16xi32>
    %add3A_2039 = arith.addi %add3A_2032, %mul3A_2038 : vector<16xi32>
    %and3A_2040 = arith.constant 127 : i32
    %and3A_2041 = vector.broadcast %and3A_2040 : i32 to vector<16xi32>
    %and3A_2042 = arith.andi %get3A_2019, %and3A_2041 : vector<16xi32>
    %add3A_2043 = arith.addi %add3A_2039, %and3A_2042 : vector<16xi32>
    %add3A_2044 = vector.broadcast %mul3A_32 : i32 to vector<16xi32>
    %add3A_2045 = arith.addi %add3A_2043, %add3A_2044 : vector<16xi32>
    %swap3A_2046 = arith.index_cast %mul3A_2015 : i32 to index
    %swap3A_2047 = tpu.vector_load %arg10[%swap3A_2046] {strides = array<i32>} : memref<1024xi32, #tpu.memory_space<vmem>>, vector<16xi32>,
    tpu.vector_store %arg10[%swap3A_2046], %add3A_2045 {strides = array<i32>} : memref<1024xi32, #tpu.memory_space<vmem>>, vector<16xi32>,
    %get3A_2048 = arith.index_cast %mul3A_2015 : i32 to index
    %get3A_2049 = tpu.vector_load %arg8[%get3A_2048] {strides = array<i32>} : memref<1024xi32, #tpu.memory_space<vmem>>, vector<16xi32>,
    %get3A_2050 = arith.index_cast %mul3A_2015 : i32 to index
    %get3A_2051 = tpu.vector_load %arg9[%get3A_2050] {strides = array<i32>} : memref<1024xi32, #tpu.memory_space<vmem>>, vector<16xi32>,
    %shift_right_arithmetic3A_2052 = arith.constant 3 : i32
    %shift_right_arithmetic3A_2053 = vector.broadcast %shift_right_arithmetic3A_2052 : i32 to vector<16xi32>
    %shift_right_arithmetic3A_2054 = arith.shrsi %get3A_2049, %shift_right_arithmetic3A_2053 : vector<16xi32>
    %mul3A_2055 = arith.constant 3072 : i32
    %mul3A_2056 = vector.broadcast %mul3A_2055 : i32 to vector<16xi32>
    %mul3A_2057 = arith.muli %shift_right_arithmetic3A_2054, %mul3A_2056 : vector<16xi32>
    %shift_right_arithmetic3A_2058 = arith.constant 7 : i32
    %shift_right_arithmetic3A_2059 = vector.broadcast %shift_right_arithmetic3A_2058 : i32 to vector<16xi32>
    %shift_right_arithmetic3A_2060 = arith.shrsi %get3A_2051, %shift_right_arithmetic3A_2059 : vector<16xi32>
    %mul3A_2061 = arith.constant 1024 : i32
    %mul3A_2062 = vector.broadcast %mul3A_2061 : i32 to vector<16xi32>
    %mul3A_2063 = arith.muli %shift_right_arithmetic3A_2060, %mul3A_2062 : vector<16xi32>
    %add3A_2064 = arith.addi %mul3A_2057, %mul3A_2063 : vector<16xi32>
    %and3A_2065 = arith.constant 7 : i32
    %and3A_2066 = vector.broadcast %and3A_2065 : i32 to vector<16xi32>
    %and3A_2067 = arith.andi %get3A_2049, %and3A_2066 : vector<16xi32>
    %mul3A_2068 = arith.constant 128 : i32
    %mul3A_2069 = vector.broadcast %mul3A_2068 : i32 to vector<16xi32>
    %mul3A_2070 = arith.muli %and3A_2067, %mul3A_2069 : vector<16xi32>
    %add3A_2071 = arith.addi %add3A_2064, %mul3A_2070 : vector<16xi32>
    %and3A_2072 = arith.constant 127 : i32
    %and3A_2073 = vector.broadcast %and3A_2072 : i32 to vector<16xi32>
    %and3A_2074 = arith.andi %get3A_2051, %and3A_2073 : vector<16xi32>
    %add3A_2075 = arith.addi %add3A_2071, %and3A_2074 : vector<16xi32>
    %add3A_2076 = vector.broadcast %mul3A_32 : i32 to vector<16xi32>
    %add3A_2077 = arith.addi %add3A_2075, %add3A_2076 : vector<16xi32>
    %swap3A_2078 = arith.index_cast %mul3A_2015 : i32 to index
    %swap3A_2079 = tpu.vector_load %arg11[%swap3A_2078] {strides = array<i32>} : memref<1024xi32, #tpu.memory_space<vmem>>, vector<16xi32>,
    tpu.vector_store %arg11[%swap3A_2078], %add3A_2077 {strides = array<i32>} : memref<1024xi32, #tpu.memory_space<vmem>>, vector<16xi32>,
    %scan3A_2080 = arith.constant 30 : i32
    %mul3A_2081 = arith.constant 16 : i32
    %mul3A_2082 = arith.muli %scan3A_2080, %mul3A_2081 : i32
    %get3A_2083 = arith.index_cast %mul3A_2082 : i32 to index
    %get3A_2084 = tpu.vector_load %arg6[%get3A_2083] {strides = array<i32>} : memref<1024xi32, #tpu.memory_space<vmem>>, vector<16xi32>,
    %get3A_2085 = arith.index_cast %mul3A_2082 : i32 to index
    %get3A_2086 = tpu.vector_load %arg7[%get3A_2085] {strides = array<i32>} : memref<1024xi32, #tpu.memory_space<vmem>>, vector<16xi32>,
    %shift_right_arithmetic3A_2087 = arith.constant 3 : i32
    %shift_right_arithmetic3A_2088 = vector.broadcast %shift_right_arithmetic3A_2087 : i32 to vector<16xi32>
    %shift_right_arithmetic3A_2089 = arith.shrsi %get3A_2084, %shift_right_arithmetic3A_2088 : vector<16xi32>
    %mul3A_2090 = arith.constant 3072 : i32
    %mul3A_2091 = vector.broadcast %mul3A_2090 : i32 to vector<16xi32>
    %mul3A_2092 = arith.muli %shift_right_arithmetic3A_2089, %mul3A_2091 : vector<16xi32>
    %shift_right_arithmetic3A_2093 = arith.constant 7 : i32
    %shift_right_arithmetic3A_2094 = vector.broadcast %shift_right_arithmetic3A_2093 : i32 to vector<16xi32>
    %shift_right_arithmetic3A_2095 = arith.shrsi %get3A_2086, %shift_right_arithmetic3A_2094 : vector<16xi32>
    %mul3A_2096 = arith.constant 1024 : i32
    %mul3A_2097 = vector.broadcast %mul3A_2096 : i32 to vector<16xi32>
    %mul3A_2098 = arith.muli %shift_right_arithmetic3A_2095, %mul3A_2097 : vector<16xi32>
    %add3A_2099 = arith.addi %mul3A_2092, %mul3A_2098 : vector<16xi32>
    %and3A_2100 = arith.constant 7 : i32
    %and3A_2101 = vector.broadcast %and3A_2100 : i32 to vector<16xi32>
    %and3A_2102 = arith.andi %get3A_2084, %and3A_2101 : vector<16xi32>
    %mul3A_2103 = arith.constant 128 : i32
    %mul3A_2104 = vector.broadcast %mul3A_2103 : i32 to vector<16xi32>
    %mul3A_2105 = arith.muli %and3A_2102, %mul3A_2104 : vector<16xi32>
    %add3A_2106 = arith.addi %add3A_2099, %mul3A_2105 : vector<16xi32>
    %and3A_2107 = arith.constant 127 : i32
    %and3A_2108 = vector.broadcast %and3A_2107 : i32 to vector<16xi32>
    %and3A_2109 = arith.andi %get3A_2086, %and3A_2108 : vector<16xi32>
    %add3A_2110 = arith.addi %add3A_2106, %and3A_2109 : vector<16xi32>
    %add3A_2111 = vector.broadcast %mul3A_32 : i32 to vector<16xi32>
    %add3A_2112 = arith.addi %add3A_2110, %add3A_2111 : vector<16xi32>
    %swap3A_2113 = arith.index_cast %mul3A_2082 : i32 to index
    %swap3A_2114 = tpu.vector_load %arg10[%swap3A_2113] {strides = array<i32>} : memref<1024xi32, #tpu.memory_space<vmem>>, vector<16xi32>,
    tpu.vector_store %arg10[%swap3A_2113], %add3A_2112 {strides = array<i32>} : memref<1024xi32, #tpu.memory_space<vmem>>, vector<16xi32>,
    %get3A_2115 = arith.index_cast %mul3A_2082 : i32 to index
    %get3A_2116 = tpu.vector_load %arg8[%get3A_2115] {strides = array<i32>} : memref<1024xi32, #tpu.memory_space<vmem>>, vector<16xi32>,
    %get3A_2117 = arith.index_cast %mul3A_2082 : i32 to index
    %get3A_2118 = tpu.vector_load %arg9[%get3A_2117] {strides = array<i32>} : memref<1024xi32, #tpu.memory_space<vmem>>, vector<16xi32>,
    %shift_right_arithmetic3A_2119 = arith.constant 3 : i32
    %shift_right_arithmetic3A_2120 = vector.broadcast %shift_right_arithmetic3A_2119 : i32 to vector<16xi32>
    %shift_right_arithmetic3A_2121 = arith.shrsi %get3A_2116, %shift_right_arithmetic3A_2120 : vector<16xi32>
    %mul3A_2122 = arith.constant 3072 : i32
    %mul3A_2123 = vector.broadcast %mul3A_2122 : i32 to vector<16xi32>
    %mul3A_2124 = arith.muli %shift_right_arithmetic3A_2121, %mul3A_2123 : vector<16xi32>
    %shift_right_arithmetic3A_2125 = arith.constant 7 : i32
    %shift_right_arithmetic3A_2126 = vector.broadcast %shift_right_arithmetic3A_2125 : i32 to vector<16xi32>
    %shift_right_arithmetic3A_2127 = arith.shrsi %get3A_2118, %shift_right_arithmetic3A_2126 : vector<16xi32>
    %mul3A_2128 = arith.constant 1024 : i32
    %mul3A_2129 = vector.broadcast %mul3A_2128 : i32 to vector<16xi32>
    %mul3A_2130 = arith.muli %shift_right_arithmetic3A_2127, %mul3A_2129 : vector<16xi32>
    %add3A_2131 = arith.addi %mul3A_2124, %mul3A_2130 : vector<16xi32>
    %and3A_2132 = arith.constant 7 : i32
    %and3A_2133 = vector.broadcast %and3A_2132 : i32 to vector<16xi32>
    %and3A_2134 = arith.andi %get3A_2116, %and3A_2133 : vector<16xi32>
    %mul3A_2135 = arith.constant 128 : i32
    %mul3A_2136 = vector.broadcast %mul3A_2135 : i32 to vector<16xi32>
    %mul3A_2137 = arith.muli %and3A_2134, %mul3A_2136 : vector<16xi32>
    %add3A_2138 = arith.addi %add3A_2131, %mul3A_2137 : vector<16xi32>
    %and3A_2139 = arith.constant 127 : i32
    %and3A_2140 = vector.broadcast %and3A_2139 : i32 to vector<16xi32>
    %and3A_2141 = arith.andi %get3A_2118, %and3A_2140 : vector<16xi32>
    %add3A_2142 = arith.addi %add3A_2138, %and3A_2141 : vector<16xi32>
    %add3A_2143 = vector.broadcast %mul3A_32 : i32 to vector<16xi32>
    %add3A_2144 = arith.addi %add3A_2142, %add3A_2143 : vector<16xi32>
    %swap3A_2145 = arith.index_cast %mul3A_2082 : i32 to index
    %swap3A_2146 = tpu.vector_load %arg11[%swap3A_2145] {strides = array<i32>} : memref<1024xi32, #tpu.memory_space<vmem>>, vector<16xi32>,
    tpu.vector_store %arg11[%swap3A_2145], %add3A_2144 {strides = array<i32>} : memref<1024xi32, #tpu.memory_space<vmem>>, vector<16xi32>,
    %scan3A_2147 = arith.constant 31 : i32
    %mul3A_2148 = arith.constant 16 : i32
    %mul3A_2149 = arith.muli %scan3A_2147, %mul3A_2148 : i32
    %get3A_2150 = arith.index_cast %mul3A_2149 : i32 to index
    %get3A_2151 = tpu.vector_load %arg6[%get3A_2150] {strides = array<i32>} : memref<1024xi32, #tpu.memory_space<vmem>>, vector<16xi32>,
    %get3A_2152 = arith.index_cast %mul3A_2149 : i32 to index
    %get3A_2153 = tpu.vector_load %arg7[%get3A_2152] {strides = array<i32>} : memref<1024xi32, #tpu.memory_space<vmem>>, vector<16xi32>,
    %shift_right_arithmetic3A_2154 = arith.constant 3 : i32
    %shift_right_arithmetic3A_2155 = vector.broadcast %shift_right_arithmetic3A_2154 : i32 to vector<16xi32>
    %shift_right_arithmetic3A_2156 = arith.shrsi %get3A_2151, %shift_right_arithmetic3A_2155 : vector<16xi32>
    %mul3A_2157 = arith.constant 3072 : i32
    %mul3A_2158 = vector.broadcast %mul3A_2157 : i32 to vector<16xi32>
    %mul3A_2159 = arith.muli %shift_right_arithmetic3A_2156, %mul3A_2158 : vector<16xi32>
    %shift_right_arithmetic3A_2160 = arith.constant 7 : i32
    %shift_right_arithmetic3A_2161 = vector.broadcast %shift_right_arithmetic3A_2160 : i32 to vector<16xi32>
    %shift_right_arithmetic3A_2162 = arith.shrsi %get3A_2153, %shift_right_arithmetic3A_2161 : vector<16xi32>
    %mul3A_2163 = arith.constant 1024 : i32
    %mul3A_2164 = vector.broadcast %mul3A_2163 : i32 to vector<16xi32>
    %mul3A_2165 = arith.muli %shift_right_arithmetic3A_2162, %mul3A_2164 : vector<16xi32>
    %add3A_2166 = arith.addi %mul3A_2159, %mul3A_2165 : vector<16xi32>
    %and3A_2167 = arith.constant 7 : i32
    %and3A_2168 = vector.broadcast %and3A_2167 : i32 to vector<16xi32>
    %and3A_2169 = arith.andi %get3A_2151, %and3A_2168 : vector<16xi32>
    %mul3A_2170 = arith.constant 128 : i32
    %mul3A_2171 = vector.broadcast %mul3A_2170 : i32 to vector<16xi32>
    %mul3A_2172 = arith.muli %and3A_2169, %mul3A_2171 : vector<16xi32>
    %add3A_2173 = arith.addi %add3A_2166, %mul3A_2172 : vector<16xi32>
    %and3A_2174 = arith.constant 127 : i32
    %and3A_2175 = vector.broadcast %and3A_2174 : i32 to vector<16xi32>
    %and3A_2176 = arith.andi %get3A_2153, %and3A_2175 : vector<16xi32>
    %add3A_2177 = arith.addi %add3A_2173, %and3A_2176 : vector<16xi32>
    %add3A_2178 = vector.broadcast %mul3A_32 : i32 to vector<16xi32>
    %add3A_2179 = arith.addi %add3A_2177, %add3A_2178 : vector<16xi32>
    %swap3A_2180 = arith.index_cast %mul3A_2149 : i32 to index
    %swap3A_2181 = tpu.vector_load %arg10[%swap3A_2180] {strides = array<i32>} : memref<1024xi32, #tpu.memory_space<vmem>>, vector<16xi32>,
    tpu.vector_store %arg10[%swap3A_2180], %add3A_2179 {strides = array<i32>} : memref<1024xi32, #tpu.memory_space<vmem>>, vector<16xi32>,
    %get3A_2182 = arith.index_cast %mul3A_2149 : i32 to index
    %get3A_2183 = tpu.vector_load %arg8[%get3A_2182] {strides = array<i32>} : memref<1024xi32, #tpu.memory_space<vmem>>, vector<16xi32>,
    %get3A_2184 = arith.index_cast %mul3A_2149 : i32 to index
    %get3A_2185 = tpu.vector_load %arg9[%get3A_2184] {strides = array<i32>} : memref<1024xi32, #tpu.memory_space<vmem>>, vector<16xi32>,
    %shift_right_arithmetic3A_2186 = arith.constant 3 : i32
    %shift_right_arithmetic3A_2187 = vector.broadcast %shift_right_arithmetic3A_2186 : i32 to vector<16xi32>
    %shift_right_arithmetic3A_2188 = arith.shrsi %get3A_2183, %shift_right_arithmetic3A_2187 : vector<16xi32>
    %mul3A_2189 = arith.constant 3072 : i32
    %mul3A_2190 = vector.broadcast %mul3A_2189 : i32 to vector<16xi32>
    %mul3A_2191 = arith.muli %shift_right_arithmetic3A_2188, %mul3A_2190 : vector<16xi32>
    %shift_right_arithmetic3A_2192 = arith.constant 7 : i32
    %shift_right_arithmetic3A_2193 = vector.broadcast %shift_right_arithmetic3A_2192 : i32 to vector<16xi32>
    %shift_right_arithmetic3A_2194 = arith.shrsi %get3A_2185, %shift_right_arithmetic3A_2193 : vector<16xi32>
    %mul3A_2195 = arith.constant 1024 : i32
    %mul3A_2196 = vector.broadcast %mul3A_2195 : i32 to vector<16xi32>
    %mul3A_2197 = arith.muli %shift_right_arithmetic3A_2194, %mul3A_2196 : vector<16xi32>
    %add3A_2198 = arith.addi %mul3A_2191, %mul3A_2197 : vector<16xi32>
    %and3A_2199 = arith.constant 7 : i32
    %and3A_2200 = vector.broadcast %and3A_2199 : i32 to vector<16xi32>
    %and3A_2201 = arith.andi %get3A_2183, %and3A_2200 : vector<16xi32>
    %mul3A_2202 = arith.constant 128 : i32
    %mul3A_2203 = vector.broadcast %mul3A_2202 : i32 to vector<16xi32>
    %mul3A_2204 = arith.muli %and3A_2201, %mul3A_2203 : vector<16xi32>
    %add3A_2205 = arith.addi %add3A_2198, %mul3A_2204 : vector<16xi32>
    %and3A_2206 = arith.constant 127 : i32
    %and3A_2207 = vector.broadcast %and3A_2206 : i32 to vector<16xi32>
    %and3A_2208 = arith.andi %get3A_2185, %and3A_2207 : vector<16xi32>
    %add3A_2209 = arith.addi %add3A_2205, %and3A_2208 : vector<16xi32>
    %add3A_2210 = vector.broadcast %mul3A_32 : i32 to vector<16xi32>
    %add3A_2211 = arith.addi %add3A_2209, %add3A_2210 : vector<16xi32>
    %swap3A_2212 = arith.index_cast %mul3A_2149 : i32 to index
    %swap3A_2213 = tpu.vector_load %arg11[%swap3A_2212] {strides = array<i32>} : memref<1024xi32, #tpu.memory_space<vmem>>, vector<16xi32>,
    tpu.vector_store %arg11[%swap3A_2212], %add3A_2211 {strides = array<i32>} : memref<1024xi32, #tpu.memory_space<vmem>>, vector<16xi32>,
    %scan3A_2214 = arith.constant 32 : i32
    %mul3A_2215 = arith.constant 16 : i32
    %mul3A_2216 = arith.muli %scan3A_2214, %mul3A_2215 : i32
    %get3A_2217 = arith.index_cast %mul3A_2216 : i32 to index
    %get3A_2218 = tpu.vector_load %arg6[%get3A_2217] {strides = array<i32>} : memref<1024xi32, #tpu.memory_space<vmem>>, vector<16xi32>,
    %get3A_2219 = arith.index_cast %mul3A_2216 : i32 to index
    %get3A_2220 = tpu.vector_load %arg7[%get3A_2219] {strides = array<i32>} : memref<1024xi32, #tpu.memory_space<vmem>>, vector<16xi32>,
    %shift_right_arithmetic3A_2221 = arith.constant 3 : i32
    %shift_right_arithmetic3A_2222 = vector.broadcast %shift_right_arithmetic3A_2221 : i32 to vector<16xi32>
    %shift_right_arithmetic3A_2223 = arith.shrsi %get3A_2218, %shift_right_arithmetic3A_2222 : vector<16xi32>
    %mul3A_2224 = arith.constant 3072 : i32
    %mul3A_2225 = vector.broadcast %mul3A_2224 : i32 to vector<16xi32>
    %mul3A_2226 = arith.muli %shift_right_arithmetic3A_2223, %mul3A_2225 : vector<16xi32>
    %shift_right_arithmetic3A_2227 = arith.constant 7 : i32
    %shift_right_arithmetic3A_2228 = vector.broadcast %shift_right_arithmetic3A_2227 : i32 to vector<16xi32>
    %shift_right_arithmetic3A_2229 = arith.shrsi %get3A_2220, %shift_right_arithmetic3A_2228 : vector<16xi32>
    %mul3A_2230 = arith.constant 1024 : i32
    %mul3A_2231 = vector.broadcast %mul3A_2230 : i32 to vector<16xi32>
    %mul3A_2232 = arith.muli %shift_right_arithmetic3A_2229, %mul3A_2231 : vector<16xi32>
    %add3A_2233 = arith.addi %mul3A_2226, %mul3A_2232 : vector<16xi32>
    %and3A_2234 = arith.constant 7 : i32
    %and3A_2235 = vector.broadcast %and3A_2234 : i32 to vector<16xi32>
    %and3A_2236 = arith.andi %get3A_2218, %and3A_2235 : vector<16xi32>
    %mul3A_2237 = arith.constant 128 : i32
    %mul3A_2238 = vector.broadcast %mul3A_2237 : i32 to vector<16xi32>
    %mul3A_2239 = arith.muli %and3A_2236, %mul3A_2238 : vector<16xi32>
    %add3A_2240 = arith.addi %add3A_2233, %mul3A_2239 : vector<16xi32>
    %and3A_2241 = arith.constant 127 : i32
    %and3A_2242 = vector.broadcast %and3A_2241 : i32 to vector<16xi32>
    %and3A_2243 = arith.andi %get3A_2220, %and3A_2242 : vector<16xi32>
    %add3A_2244 = arith.addi %add3A_2240, %and3A_2243 : vector<16xi32>
    %add3A_2245 = vector.broadcast %mul3A_32 : i32 to vector<16xi32>
    %add3A_2246 = arith.addi %add3A_2244, %add3A_2245 : vector<16xi32>
    %swap3A_2247 = arith.index_cast %mul3A_2216 : i32 to index
    %swap3A_2248 = tpu.vector_load %arg10[%swap3A_2247] {strides = array<i32>} : memref<1024xi32, #tpu.memory_space<vmem>>, vector<16xi32>,
    tpu.vector_store %arg10[%swap3A_2247], %add3A_2246 {strides = array<i32>} : memref<1024xi32, #tpu.memory_space<vmem>>, vector<16xi32>,
    %get3A_2249 = arith.index_cast %mul3A_2216 : i32 to index
    %get3A_2250 = tpu.vector_load %arg8[%get3A_2249] {strides = array<i32>} : memref<1024xi32, #tpu.memory_space<vmem>>, vector<16xi32>,
    %get3A_2251 = arith.index_cast %mul3A_2216 : i32 to index
    %get3A_2252 = tpu.vector_load %arg9[%get3A_2251] {strides = array<i32>} : memref<1024xi32, #tpu.memory_space<vmem>>, vector<16xi32>,
    %shift_right_arithmetic3A_2253 = arith.constant 3 : i32
    %shift_right_arithmetic3A_2254 = vector.broadcast %shift_right_arithmetic3A_2253 : i32 to vector<16xi32>
    %shift_right_arithmetic3A_2255 = arith.shrsi %get3A_2250, %shift_right_arithmetic3A_2254 : vector<16xi32>
    %mul3A_2256 = arith.constant 3072 : i32
    %mul3A_2257 = vector.broadcast %mul3A_2256 : i32 to vector<16xi32>
    %mul3A_2258 = arith.muli %shift_right_arithmetic3A_2255, %mul3A_2257 : vector<16xi32>
    %shift_right_arithmetic3A_2259 = arith.constant 7 : i32
    %shift_right_arithmetic3A_2260 = vector.broadcast %shift_right_arithmetic3A_2259 : i32 to vector<16xi32>
    %shift_right_arithmetic3A_2261 = arith.shrsi %get3A_2252, %shift_right_arithmetic3A_2260 : vector<16xi32>
    %mul3A_2262 = arith.constant 1024 : i32
    %mul3A_2263 = vector.broadcast %mul3A_2262 : i32 to vector<16xi32>
    %mul3A_2264 = arith.muli %shift_right_arithmetic3A_2261, %mul3A_2263 : vector<16xi32>
    %add3A_2265 = arith.addi %mul3A_2258, %mul3A_2264 : vector<16xi32>
    %and3A_2266 = arith.constant 7 : i32
    %and3A_2267 = vector.broadcast %and3A_2266 : i32 to vector<16xi32>
    %and3A_2268 = arith.andi %get3A_2250, %and3A_2267 : vector<16xi32>
    %mul3A_2269 = arith.constant 128 : i32
    %mul3A_2270 = vector.broadcast %mul3A_2269 : i32 to vector<16xi32>
    %mul3A_2271 = arith.muli %and3A_2268, %mul3A_2270 : vector<16xi32>
    %add3A_2272 = arith.addi %add3A_2265, %mul3A_2271 : vector<16xi32>
    %and3A_2273 = arith.constant 127 : i32
    %and3A_2274 = vector.broadcast %and3A_2273 : i32 to vector<16xi32>
    %and3A_2275 = arith.andi %get3A_2252, %and3A_2274 : vector<16xi32>
    %add3A_2276 = arith.addi %add3A_2272, %and3A_2275 : vector<16xi32>
    %add3A_2277 = vector.broadcast %mul3A_32 : i32 to vector<16xi32>
    %add3A_2278 = arith.addi %add3A_2276, %add3A_2277 : vector<16xi32>
    %swap3A_2279 = arith.index_cast %mul3A_2216 : i32 to index
    %swap3A_2280 = tpu.vector_load %arg11[%swap3A_2279] {strides = array<i32>} : memref<1024xi32, #tpu.memory_space<vmem>>, vector<16xi32>,
    tpu.vector_store %arg11[%swap3A_2279], %add3A_2278 {strides = array<i32>} : memref<1024xi32, #tpu.memory_space<vmem>>, vector<16xi32>,
    %scan3A_2281 = arith.constant 33 : i32
    %mul3A_2282 = arith.constant 16 : i32
    %mul3A_2283 = arith.muli %scan3A_2281, %mul3A_2282 : i32
    %get3A_2284 = arith.index_cast %mul3A_2283 : i32 to index
    %get3A_2285 = tpu.vector_load %arg6[%get3A_2284] {strides = array<i32>} : memref<1024xi32, #tpu.memory_space<vmem>>, vector<16xi32>,
    %get3A_2286 = arith.index_cast %mul3A_2283 : i32 to index
    %get3A_2287 = tpu.vector_load %arg7[%get3A_2286] {strides = array<i32>} : memref<1024xi32, #tpu.memory_space<vmem>>, vector<16xi32>,
    %shift_right_arithmetic3A_2288 = arith.constant 3 : i32
    %shift_right_arithmetic3A_2289 = vector.broadcast %shift_right_arithmetic3A_2288 : i32 to vector<16xi32>
    %shift_right_arithmetic3A_2290 = arith.shrsi %get3A_2285, %shift_right_arithmetic3A_2289 : vector<16xi32>
    %mul3A_2291 = arith.constant 3072 : i32
    %mul3A_2292 = vector.broadcast %mul3A_2291 : i32 to vector<16xi32>
    %mul3A_2293 = arith.muli %shift_right_arithmetic3A_2290, %mul3A_2292 : vector<16xi32>
    %shift_right_arithmetic3A_2294 = arith.constant 7 : i32
    %shift_right_arithmetic3A_2295 = vector.broadcast %shift_right_arithmetic3A_2294 : i32 to vector<16xi32>
    %shift_right_arithmetic3A_2296 = arith.shrsi %get3A_2287, %shift_right_arithmetic3A_2295 : vector<16xi32>
    %mul3A_2297 = arith.constant 1024 : i32
    %mul3A_2298 = vector.broadcast %mul3A_2297 : i32 to vector<16xi32>
    %mul3A_2299 = arith.muli %shift_right_arithmetic3A_2296, %mul3A_2298 : vector<16xi32>
    %add3A_2300 = arith.addi %mul3A_2293, %mul3A_2299 : vector<16xi32>
    %and3A_2301 = arith.constant 7 : i32
    %and3A_2302 = vector.broadcast %and3A_2301 : i32 to vector<16xi32>
    %and3A_2303 = arith.andi %get3A_2285, %and3A_2302 : vector<16xi32>
    %mul3A_2304 = arith.constant 128 : i32
    %mul3A_2305 = vector.broadcast %mul3A_2304 : i32 to vector<16xi32>
    %mul3A_2306 = arith.muli %and3A_2303, %mul3A_2305 : vector<16xi32>
    %add3A_2307 = arith.addi %add3A_2300, %mul3A_2306 : vector<16xi32>
    %and3A_2308 = arith.constant 127 : i32
    %and3A_2309 = vector.broadcast %and3A_2308 : i32 to vector<16xi32>
    %and3A_2310 = arith.andi %get3A_2287, %and3A_2309 : vector<16xi32>
    %add3A_2311 = arith.addi %add3A_2307, %and3A_2310 : vector<16xi32>
    %add3A_2312 = vector.broadcast %mul3A_32 : i32 to vector<16xi32>
    %add3A_2313 = arith.addi %add3A_2311, %add3A_2312 : vector<16xi32>
    %swap3A_2314 = arith.index_cast %mul3A_2283 : i32 to index
    %swap3A_2315 = tpu.vector_load %arg10[%swap3A_2314] {strides = array<i32>} : memref<1024xi32, #tpu.memory_space<vmem>>, vector<16xi32>,
    tpu.vector_store %arg10[%swap3A_2314], %add3A_2313 {strides = array<i32>} : memref<1024xi32, #tpu.memory_space<vmem>>, vector<16xi32>,
    %get3A_2316 = arith.index_cast %mul3A_2283 : i32 to index
    %get3A_2317 = tpu.vector_load %arg8[%get3A_2316] {strides = array<i32>} : memref<1024xi32, #tpu.memory_space<vmem>>, vector<16xi32>,
    %get3A_2318 = arith.index_cast %mul3A_2283 : i32 to index
    %get3A_2319 = tpu.vector_load %arg9[%get3A_2318] {strides = array<i32>} : memref<1024xi32, #tpu.memory_space<vmem>>, vector<16xi32>,
    %shift_right_arithmetic3A_2320 = arith.constant 3 : i32
    %shift_right_arithmetic3A_2321 = vector.broadcast %shift_right_arithmetic3A_2320 : i32 to vector<16xi32>
    %shift_right_arithmetic3A_2322 = arith.shrsi %get3A_2317, %shift_right_arithmetic3A_2321 : vector<16xi32>
    %mul3A_2323 = arith.constant 3072 : i32
    %mul3A_2324 = vector.broadcast %mul3A_2323 : i32 to vector<16xi32>
    %mul3A_2325 = arith.muli %shift_right_arithmetic3A_2322, %mul3A_2324 : vector<16xi32>
    %shift_right_arithmetic3A_2326 = arith.constant 7 : i32
    %shift_right_arithmetic3A_2327 = vector.broadcast %shift_right_arithmetic3A_2326 : i32 to vector<16xi32>
    %shift_right_arithmetic3A_2328 = arith.shrsi %get3A_2319, %shift_right_arithmetic3A_2327 : vector<16xi32>
    %mul3A_2329 = arith.constant 1024 : i32
    %mul3A_2330 = vector.broadcast %mul3A_2329 : i32 to vector<16xi32>
    %mul3A_2331 = arith.muli %shift_right_arithmetic3A_2328, %mul3A_2330 : vector<16xi32>
    %add3A_2332 = arith.addi %mul3A_2325, %mul3A_2331 : vector<16xi32>
    %and3A_2333 = arith.constant 7 : i32
    %and3A_2334 = vector.broadcast %and3A_2333 : i32 to vector<16xi32>
    %and3A_2335 = arith.andi %get3A_2317, %and3A_2334 : vector<16xi32>
    %mul3A_2336 = arith.constant 128 : i32
    %mul3A_2337 = vector.broadcast %mul3A_2336 : i32 to vector<16xi32>
    %mul3A_2338 = arith.muli %and3A_2335, %mul3A_2337 : vector<16xi32>
    %add3A_2339 = arith.addi %add3A_2332, %mul3A_2338 : vector<16xi32>
    %and3A_2340 = arith.constant 127 : i32
    %and3A_2341 = vector.broadcast %and3A_2340 : i32 to vector<16xi32>
    %and3A_2342 = arith.andi %get3A_2319, %and3A_2341 : vector<16xi32>
    %add3A_2343 = arith.addi %add3A_2339, %and3A_2342 : vector<16xi32>
    %add3A_2344 = vector.broadcast %mul3A_32 : i32 to vector<16xi32>
    %add3A_2345 = arith.addi %add3A_2343, %add3A_2344 : vector<16xi32>
    %swap3A_2346 = arith.index_cast %mul3A_2283 : i32 to index
    %swap3A_2347 = tpu.vector_load %arg11[%swap3A_2346] {strides = array<i32>} : memref<1024xi32, #tpu.memory_space<vmem>>, vector<16xi32>,
    tpu.vector_store %arg11[%swap3A_2346], %add3A_2345 {strides = array<i32>} : memref<1024xi32, #tpu.memory_space<vmem>>, vector<16xi32>,
    %scan3A_2348 = arith.constant 34 : i32
    %mul3A_2349 = arith.constant 16 : i32
    %mul3A_2350 = arith.muli %scan3A_2348, %mul3A_2349 : i32
    %get3A_2351 = arith.index_cast %mul3A_2350 : i32 to index
    %get3A_2352 = tpu.vector_load %arg6[%get3A_2351] {strides = array<i32>} : memref<1024xi32, #tpu.memory_space<vmem>>, vector<16xi32>,
    %get3A_2353 = arith.index_cast %mul3A_2350 : i32 to index
    %get3A_2354 = tpu.vector_load %arg7[%get3A_2353] {strides = array<i32>} : memref<1024xi32, #tpu.memory_space<vmem>>, vector<16xi32>,
    %shift_right_arithmetic3A_2355 = arith.constant 3 : i32
    %shift_right_arithmetic3A_2356 = vector.broadcast %shift_right_arithmetic3A_2355 : i32 to vector<16xi32>
    %shift_right_arithmetic3A_2357 = arith.shrsi %get3A_2352, %shift_right_arithmetic3A_2356 : vector<16xi32>
    %mul3A_2358 = arith.constant 3072 : i32
    %mul3A_2359 = vector.broadcast %mul3A_2358 : i32 to vector<16xi32>
    %mul3A_2360 = arith.muli %shift_right_arithmetic3A_2357, %mul3A_2359 : vector<16xi32>
    %shift_right_arithmetic3A_2361 = arith.constant 7 : i32
    %shift_right_arithmetic3A_2362 = vector.broadcast %shift_right_arithmetic3A_2361 : i32 to vector<16xi32>
    %shift_right_arithmetic3A_2363 = arith.shrsi %get3A_2354, %shift_right_arithmetic3A_2362 : vector<16xi32>
    %mul3A_2364 = arith.constant 1024 : i32
    %mul3A_2365 = vector.broadcast %mul3A_2364 : i32 to vector<16xi32>
    %mul3A_2366 = arith.muli %shift_right_arithmetic3A_2363, %mul3A_2365 : vector<16xi32>
    %add3A_2367 = arith.addi %mul3A_2360, %mul3A_2366 : vector<16xi32>
    %and3A_2368 = arith.constant 7 : i32
    %and3A_2369 = vector.broadcast %and3A_2368 : i32 to vector<16xi32>
    %and3A_2370 = arith.andi %get3A_2352, %and3A_2369 : vector<16xi32>
    %mul3A_2371 = arith.constant 128 : i32
    %mul3A_2372 = vector.broadcast %mul3A_2371 : i32 to vector<16xi32>
    %mul3A_2373 = arith.muli %and3A_2370, %mul3A_2372 : vector<16xi32>
    %add3A_2374 = arith.addi %add3A_2367, %mul3A_2373 : vector<16xi32>
    %and3A_2375 = arith.constant 127 : i32
    %and3A_2376 = vector.broadcast %and3A_2375 : i32 to vector<16xi32>
    %and3A_2377 = arith.andi %get3A_2354, %and3A_2376 : vector<16xi32>
    %add3A_2378 = arith.addi %add3A_2374, %and3A_2377 : vector<16xi32>
    %add3A_2379 = vector.broadcast %mul3A_32 : i32 to vector<16xi32>
    %add3A_2380 = arith.addi %add3A_2378, %add3A_2379 : vector<16xi32>
    %swap3A_2381 = arith.index_cast %mul3A_2350 : i32 to index
    %swap3A_2382 = tpu.vector_load %arg10[%swap3A_2381] {strides = array<i32>} : memref<1024xi32, #tpu.memory_space<vmem>>, vector<16xi32>,
    tpu.vector_store %arg10[%swap3A_2381], %add3A_2380 {strides = array<i32>} : memref<1024xi32, #tpu.memory_space<vmem>>, vector<16xi32>,
    %get3A_2383 = arith.index_cast %mul3A_2350 : i32 to index
    %get3A_2384 = tpu.vector_load %arg8[%get3A_2383] {strides = array<i32>} : memref<1024xi32, #tpu.memory_space<vmem>>, vector<16xi32>,
    %get3A_2385 = arith.index_cast %mul3A_2350 : i32 to index
    %get3A_2386 = tpu.vector_load %arg9[%get3A_2385] {strides = array<i32>} : memref<1024xi32, #tpu.memory_space<vmem>>, vector<16xi32>,
    %shift_right_arithmetic3A_2387 = arith.constant 3 : i32
    %shift_right_arithmetic3A_2388 = vector.broadcast %shift_right_arithmetic3A_2387 : i32 to vector<16xi32>
    %shift_right_arithmetic3A_2389 = arith.shrsi %get3A_2384, %shift_right_arithmetic3A_2388 : vector<16xi32>
    %mul3A_2390 = arith.constant 3072 : i32
    %mul3A_2391 = vector.broadcast %mul3A_2390 : i32 to vector<16xi32>
    %mul3A_2392 = arith.muli %shift_right_arithmetic3A_2389, %mul3A_2391 : vector<16xi32>
    %shift_right_arithmetic3A_2393 = arith.constant 7 : i32
    %shift_right_arithmetic3A_2394 = vector.broadcast %shift_right_arithmetic3A_2393 : i32 to vector<16xi32>
    %shift_right_arithmetic3A_2395 = arith.shrsi %get3A_2386, %shift_right_arithmetic3A_2394 : vector<16xi32>
    %mul3A_2396 = arith.constant 1024 : i32
    %mul3A_2397 = vector.broadcast %mul3A_2396 : i32 to vector<16xi32>
    %mul3A_2398 = arith.muli %shift_right_arithmetic3A_2395, %mul3A_2397 : vector<16xi32>
    %add3A_2399 = arith.addi %mul3A_2392, %mul3A_2398 : vector<16xi32>
    %and3A_2400 = arith.constant 7 : i32
    %and3A_2401 = vector.broadcast %and3A_2400 : i32 to vector<16xi32>
    %and3A_2402 = arith.andi %get3A_2384, %and3A_2401 : vector<16xi32>
    %mul3A_2403 = arith.constant 128 : i32
    %mul3A_2404 = vector.broadcast %mul3A_2403 : i32 to vector<16xi32>
    %mul3A_2405 = arith.muli %and3A_2402, %mul3A_2404 : vector<16xi32>
    %add3A_2406 = arith.addi %add3A_2399, %mul3A_2405 : vector<16xi32>
    %and3A_2407 = arith.constant 127 : i32
    %and3A_2408 = vector.broadcast %and3A_2407 : i32 to vector<16xi32>
    %and3A_2409 = arith.andi %get3A_2386, %and3A_2408 : vector<16xi32>
    %add3A_2410 = arith.addi %add3A_2406, %and3A_2409 : vector<16xi32>
    %add3A_2411 = vector.broadcast %mul3A_32 : i32 to vector<16xi32>
    %add3A_2412 = arith.addi %add3A_2410, %add3A_2411 : vector<16xi32>
    %swap3A_2413 = arith.index_cast %mul3A_2350 : i32 to index
    %swap3A_2414 = tpu.vector_load %arg11[%swap3A_2413] {strides = array<i32>} : memref<1024xi32, #tpu.memory_space<vmem>>, vector<16xi32>,
    tpu.vector_store %arg11[%swap3A_2413], %add3A_2412 {strides = array<i32>} : memref<1024xi32, #tpu.memory_space<vmem>>, vector<16xi32>,
    %scan3A_2415 = arith.constant 35 : i32
    %mul3A_2416 = arith.constant 16 : i32
    %mul3A_2417 = arith.muli %scan3A_2415, %mul3A_2416 : i32
    %get3A_2418 = arith.index_cast %mul3A_2417 : i32 to index
    %get3A_2419 = tpu.vector_load %arg6[%get3A_2418] {strides = array<i32>} : memref<1024xi32, #tpu.memory_space<vmem>>, vector<16xi32>,
    %get3A_2420 = arith.index_cast %mul3A_2417 : i32 to index
    %get3A_2421 = tpu.vector_load %arg7[%get3A_2420] {strides = array<i32>} : memref<1024xi32, #tpu.memory_space<vmem>>, vector<16xi32>,
    %shift_right_arithmetic3A_2422 = arith.constant 3 : i32
    %shift_right_arithmetic3A_2423 = vector.broadcast %shift_right_arithmetic3A_2422 : i32 to vector<16xi32>
    %shift_right_arithmetic3A_2424 = arith.shrsi %get3A_2419, %shift_right_arithmetic3A_2423 : vector<16xi32>
    %mul3A_2425 = arith.constant 3072 : i32
    %mul3A_2426 = vector.broadcast %mul3A_2425 : i32 to vector<16xi32>
    %mul3A_2427 = arith.muli %shift_right_arithmetic3A_2424, %mul3A_2426 : vector<16xi32>
    %shift_right_arithmetic3A_2428 = arith.constant 7 : i32
    %shift_right_arithmetic3A_2429 = vector.broadcast %shift_right_arithmetic3A_2428 : i32 to vector<16xi32>
    %shift_right_arithmetic3A_2430 = arith.shrsi %get3A_2421, %shift_right_arithmetic3A_2429 : vector<16xi32>
    %mul3A_2431 = arith.constant 1024 : i32
    %mul3A_2432 = vector.broadcast %mul3A_2431 : i32 to vector<16xi32>
    %mul3A_2433 = arith.muli %shift_right_arithmetic3A_2430, %mul3A_2432 : vector<16xi32>
    %add3A_2434 = arith.addi %mul3A_2427, %mul3A_2433 : vector<16xi32>
    %and3A_2435 = arith.constant 7 : i32
    %and3A_2436 = vector.broadcast %and3A_2435 : i32 to vector<16xi32>
    %and3A_2437 = arith.andi %get3A_2419, %and3A_2436 : vector<16xi32>
    %mul3A_2438 = arith.constant 128 : i32
    %mul3A_2439 = vector.broadcast %mul3A_2438 : i32 to vector<16xi32>
    %mul3A_2440 = arith.muli %and3A_2437, %mul3A_2439 : vector<16xi32>
    %add3A_2441 = arith.addi %add3A_2434, %mul3A_2440 : vector<16xi32>
    %and3A_2442 = arith.constant 127 : i32
    %and3A_2443 = vector.broadcast %and3A_2442 : i32 to vector<16xi32>
    %and3A_2444 = arith.andi %get3A_2421, %and3A_2443 : vector<16xi32>
    %add3A_2445 = arith.addi %add3A_2441, %and3A_2444 : vector<16xi32>
    %add3A_2446 = vector.broadcast %mul3A_32 : i32 to vector<16xi32>
    %add3A_2447 = arith.addi %add3A_2445, %add3A_2446 : vector<16xi32>
    %swap3A_2448 = arith.index_cast %mul3A_2417 : i32 to index
    %swap3A_2449 = tpu.vector_load %arg10[%swap3A_2448] {strides = array<i32>} : memref<1024xi32, #tpu.memory_space<vmem>>, vector<16xi32>,
    tpu.vector_store %arg10[%swap3A_2448], %add3A_2447 {strides = array<i32>} : memref<1024xi32, #tpu.memory_space<vmem>>, vector<16xi32>,
    %get3A_2450 = arith.index_cast %mul3A_2417 : i32 to index
    %get3A_2451 = tpu.vector_load %arg8[%get3A_2450] {strides = array<i32>} : memref<1024xi32, #tpu.memory_space<vmem>>, vector<16xi32>,
    %get3A_2452 = arith.index_cast %mul3A_2417 : i32 to index
    %get3A_2453 = tpu.vector_load %arg9[%get3A_2452] {strides = array<i32>} : memref<1024xi32, #tpu.memory_space<vmem>>, vector<16xi32>,
    %shift_right_arithmetic3A_2454 = arith.constant 3 : i32
    %shift_right_arithmetic3A_2455 = vector.broadcast %shift_right_arithmetic3A_2454 : i32 to vector<16xi32>
    %shift_right_arithmetic3A_2456 = arith.shrsi %get3A_2451, %shift_right_arithmetic3A_2455 : vector<16xi32>
    %mul3A_2457 = arith.constant 3072 : i32
    %mul3A_2458 = vector.broadcast %mul3A_2457 : i32 to vector<16xi32>
    %mul3A_2459 = arith.muli %shift_right_arithmetic3A_2456, %mul3A_2458 : vector<16xi32>
    %shift_right_arithmetic3A_2460 = arith.constant 7 : i32
    %shift_right_arithmetic3A_2461 = vector.broadcast %shift_right_arithmetic3A_2460 : i32 to vector<16xi32>
    %shift_right_arithmetic3A_2462 = arith.shrsi %get3A_2453, %shift_right_arithmetic3A_2461 : vector<16xi32>
    %mul3A_2463 = arith.constant 1024 : i32
    %mul3A_2464 = vector.broadcast %mul3A_2463 : i32 to vector<16xi32>
    %mul3A_2465 = arith.muli %shift_right_arithmetic3A_2462, %mul3A_2464 : vector<16xi32>
    %add3A_2466 = arith.addi %mul3A_2459, %mul3A_2465 : vector<16xi32>
    %and3A_2467 = arith.constant 7 : i32
    %and3A_2468 = vector.broadcast %and3A_2467 : i32 to vector<16xi32>
    %and3A_2469 = arith.andi %get3A_2451, %and3A_2468 : vector<16xi32>
    %mul3A_2470 = arith.constant 128 : i32
    %mul3A_2471 = vector.broadcast %mul3A_2470 : i32 to vector<16xi32>
    %mul3A_2472 = arith.muli %and3A_2469, %mul3A_2471 : vector<16xi32>
    %add3A_2473 = arith.addi %add3A_2466, %mul3A_2472 : vector<16xi32>
    %and3A_2474 = arith.constant 127 : i32
    %and3A_2475 = vector.broadcast %and3A_2474 : i32 to vector<16xi32>
    %and3A_2476 = arith.andi %get3A_2453, %and3A_2475 : vector<16xi32>
    %add3A_2477 = arith.addi %add3A_2473, %and3A_2476 : vector<16xi32>
    %add3A_2478 = vector.broadcast %mul3A_32 : i32 to vector<16xi32>
    %add3A_2479 = arith.addi %add3A_2477, %add3A_2478 : vector<16xi32>
    %swap3A_2480 = arith.index_cast %mul3A_2417 : i32 to index
    %swap3A_2481 = tpu.vector_load %arg11[%swap3A_2480] {strides = array<i32>} : memref<1024xi32, #tpu.memory_space<vmem>>, vector<16xi32>,
    tpu.vector_store %arg11[%swap3A_2480], %add3A_2479 {strides = array<i32>} : memref<1024xi32, #tpu.memory_space<vmem>>, vector<16xi32>,
    %scan3A_2482 = arith.constant 36 : i32
    %mul3A_2483 = arith.constant 16 : i32
    %mul3A_2484 = arith.muli %scan3A_2482, %mul3A_2483 : i32
    %get3A_2485 = arith.index_cast %mul3A_2484 : i32 to index
    %get3A_2486 = tpu.vector_load %arg6[%get3A_2485] {strides = array<i32>} : memref<1024xi32, #tpu.memory_space<vmem>>, vector<16xi32>,
    %get3A_2487 = arith.index_cast %mul3A_2484 : i32 to index
    %get3A_2488 = tpu.vector_load %arg7[%get3A_2487] {strides = array<i32>} : memref<1024xi32, #tpu.memory_space<vmem>>, vector<16xi32>,
    %shift_right_arithmetic3A_2489 = arith.constant 3 : i32
    %shift_right_arithmetic3A_2490 = vector.broadcast %shift_right_arithmetic3A_2489 : i32 to vector<16xi32>
    %shift_right_arithmetic3A_2491 = arith.shrsi %get3A_2486, %shift_right_arithmetic3A_2490 : vector<16xi32>
    %mul3A_2492 = arith.constant 3072 : i32
    %mul3A_2493 = vector.broadcast %mul3A_2492 : i32 to vector<16xi32>
    %mul3A_2494 = arith.muli %shift_right_arithmetic3A_2491, %mul3A_2493 : vector<16xi32>
    %shift_right_arithmetic3A_2495 = arith.constant 7 : i32
    %shift_right_arithmetic3A_2496 = vector.broadcast %shift_right_arithmetic3A_2495 : i32 to vector<16xi32>
    %shift_right_arithmetic3A_2497 = arith.shrsi %get3A_2488, %shift_right_arithmetic3A_2496 : vector<16xi32>
    %mul3A_2498 = arith.constant 1024 : i32
    %mul3A_2499 = vector.broadcast %mul3A_2498 : i32 to vector<16xi32>
    %mul3A_2500 = arith.muli %shift_right_arithmetic3A_2497, %mul3A_2499 : vector<16xi32>
    %add3A_2501 = arith.addi %mul3A_2494, %mul3A_2500 : vector<16xi32>
    %and3A_2502 = arith.constant 7 : i32
    %and3A_2503 = vector.broadcast %and3A_2502 : i32 to vector<16xi32>
    %and3A_2504 = arith.andi %get3A_2486, %and3A_2503 : vector<16xi32>
    %mul3A_2505 = arith.constant 128 : i32
    %mul3A_2506 = vector.broadcast %mul3A_2505 : i32 to vector<16xi32>
    %mul3A_2507 = arith.muli %and3A_2504, %mul3A_2506 : vector<16xi32>
    %add3A_2508 = arith.addi %add3A_2501, %mul3A_2507 : vector<16xi32>
    %and3A_2509 = arith.constant 127 : i32
    %and3A_2510 = vector.broadcast %and3A_2509 : i32 to vector<16xi32>
    %and3A_2511 = arith.andi %get3A_2488, %and3A_2510 : vector<16xi32>
    %add3A_2512 = arith.addi %add3A_2508, %and3A_2511 : vector<16xi32>
    %add3A_2513 = vector.broadcast %mul3A_32 : i32 to vector<16xi32>
    %add3A_2514 = arith.addi %add3A_2512, %add3A_2513 : vector<16xi32>
    %swap3A_2515 = arith.index_cast %mul3A_2484 : i32 to index
    %swap3A_2516 = tpu.vector_load %arg10[%swap3A_2515] {strides = array<i32>} : memref<1024xi32, #tpu.memory_space<vmem>>, vector<16xi32>,
    tpu.vector_store %arg10[%swap3A_2515], %add3A_2514 {strides = array<i32>} : memref<1024xi32, #tpu.memory_space<vmem>>, vector<16xi32>,
    %get3A_2517 = arith.index_cast %mul3A_2484 : i32 to index
    %get3A_2518 = tpu.vector_load %arg8[%get3A_2517] {strides = array<i32>} : memref<1024xi32, #tpu.memory_space<vmem>>, vector<16xi32>,
    %get3A_2519 = arith.index_cast %mul3A_2484 : i32 to index
    %get3A_2520 = tpu.vector_load %arg9[%get3A_2519] {strides = array<i32>} : memref<1024xi32, #tpu.memory_space<vmem>>, vector<16xi32>,
    %shift_right_arithmetic3A_2521 = arith.constant 3 : i32
    %shift_right_arithmetic3A_2522 = vector.broadcast %shift_right_arithmetic3A_2521 : i32 to vector<16xi32>
    %shift_right_arithmetic3A_2523 = arith.shrsi %get3A_2518, %shift_right_arithmetic3A_2522 : vector<16xi32>
    %mul3A_2524 = arith.constant 3072 : i32
    %mul3A_2525 = vector.broadcast %mul3A_2524 : i32 to vector<16xi32>
    %mul3A_2526 = arith.muli %shift_right_arithmetic3A_2523, %mul3A_2525 : vector<16xi32>
    %shift_right_arithmetic3A_2527 = arith.constant 7 : i32
    %shift_right_arithmetic3A_2528 = vector.broadcast %shift_right_arithmetic3A_2527 : i32 to vector<16xi32>
    %shift_right_arithmetic3A_2529 = arith.shrsi %get3A_2520, %shift_right_arithmetic3A_2528 : vector<16xi32>
    %mul3A_2530 = arith.constant 1024 : i32
    %mul3A_2531 = vector.broadcast %mul3A_2530 : i32 to vector<16xi32>
    %mul3A_2532 = arith.muli %shift_right_arithmetic3A_2529, %mul3A_2531 : vector<16xi32>
    %add3A_2533 = arith.addi %mul3A_2526, %mul3A_2532 : vector<16xi32>
    %and3A_2534 = arith.constant 7 : i32
    %and3A_2535 = vector.broadcast %and3A_2534 : i32 to vector<16xi32>
    %and3A_2536 = arith.andi %get3A_2518, %and3A_2535 : vector<16xi32>
    %mul3A_2537 = arith.constant 128 : i32
    %mul3A_2538 = vector.broadcast %mul3A_2537 : i32 to vector<16xi32>
    %mul3A_2539 = arith.muli %and3A_2536, %mul3A_2538 : vector<16xi32>
    %add3A_2540 = arith.addi %add3A_2533, %mul3A_2539 : vector<16xi32>
    %and3A_2541 = arith.constant 127 : i32
    %and3A_2542 = vector.broadcast %and3A_2541 : i32 to vector<16xi32>
    %and3A_2543 = arith.andi %get3A_2520, %and3A_2542 : vector<16xi32>
    %add3A_2544 = arith.addi %add3A_2540, %and3A_2543 : vector<16xi32>
    %add3A_2545 = vector.broadcast %mul3A_32 : i32 to vector<16xi32>
    %add3A_2546 = arith.addi %add3A_2544, %add3A_2545 : vector<16xi32>
    %swap3A_2547 = arith.index_cast %mul3A_2484 : i32 to index
    %swap3A_2548 = tpu.vector_load %arg11[%swap3A_2547] {strides = array<i32>} : memref<1024xi32, #tpu.memory_space<vmem>>, vector<16xi32>,
    tpu.vector_store %arg11[%swap3A_2547], %add3A_2546 {strides = array<i32>} : memref<1024xi32, #tpu.memory_space<vmem>>, vector<16xi32>,
    %scan3A_2549 = arith.constant 37 : i32
    %mul3A_2550 = arith.constant 16 : i32
    %mul3A_2551 = arith.muli %scan3A_2549, %mul3A_2550 : i32
    %get3A_2552 = arith.index_cast %mul3A_2551 : i32 to index
    %get3A_2553 = tpu.vector_load %arg6[%get3A_2552] {strides = array<i32>} : memref<1024xi32, #tpu.memory_space<vmem>>, vector<16xi32>,
    %get3A_2554 = arith.index_cast %mul3A_2551 : i32 to index
    %get3A_2555 = tpu.vector_load %arg7[%get3A_2554] {strides = array<i32>} : memref<1024xi32, #tpu.memory_space<vmem>>, vector<16xi32>,
    %shift_right_arithmetic3A_2556 = arith.constant 3 : i32
    %shift_right_arithmetic3A_2557 = vector.broadcast %shift_right_arithmetic3A_2556 : i32 to vector<16xi32>
    %shift_right_arithmetic3A_2558 = arith.shrsi %get3A_2553, %shift_right_arithmetic3A_2557 : vector<16xi32>
    %mul3A_2559 = arith.constant 3072 : i32
    %mul3A_2560 = vector.broadcast %mul3A_2559 : i32 to vector<16xi32>
    %mul3A_2561 = arith.muli %shift_right_arithmetic3A_2558, %mul3A_2560 : vector<16xi32>
    %shift_right_arithmetic3A_2562 = arith.constant 7 : i32
    %shift_right_arithmetic3A_2563 = vector.broadcast %shift_right_arithmetic3A_2562 : i32 to vector<16xi32>
    %shift_right_arithmetic3A_2564 = arith.shrsi %get3A_2555, %shift_right_arithmetic3A_2563 : vector<16xi32>
    %mul3A_2565 = arith.constant 1024 : i32
    %mul3A_2566 = vector.broadcast %mul3A_2565 : i32 to vector<16xi32>
    %mul3A_2567 = arith.muli %shift_right_arithmetic3A_2564, %mul3A_2566 : vector<16xi32>
    %add3A_2568 = arith.addi %mul3A_2561, %mul3A_2567 : vector<16xi32>
    %and3A_2569 = arith.constant 7 : i32
    %and3A_2570 = vector.broadcast %and3A_2569 : i32 to vector<16xi32>
    %and3A_2571 = arith.andi %get3A_2553, %and3A_2570 : vector<16xi32>
    %mul3A_2572 = arith.constant 128 : i32
    %mul3A_2573 = vector.broadcast %mul3A_2572 : i32 to vector<16xi32>
    %mul3A_2574 = arith.muli %and3A_2571, %mul3A_2573 : vector<16xi32>
    %add3A_2575 = arith.addi %add3A_2568, %mul3A_2574 : vector<16xi32>
    %and3A_2576 = arith.constant 127 : i32
    %and3A_2577 = vector.broadcast %and3A_2576 : i32 to vector<16xi32>
    %and3A_2578 = arith.andi %get3A_2555, %and3A_2577 : vector<16xi32>
    %add3A_2579 = arith.addi %add3A_2575, %and3A_2578 : vector<16xi32>
    %add3A_2580 = vector.broadcast %mul3A_32 : i32 to vector<16xi32>
    %add3A_2581 = arith.addi %add3A_2579, %add3A_2580 : vector<16xi32>
    %swap3A_2582 = arith.index_cast %mul3A_2551 : i32 to index
    %swap3A_2583 = tpu.vector_load %arg10[%swap3A_2582] {strides = array<i32>} : memref<1024xi32, #tpu.memory_space<vmem>>, vector<16xi32>,
    tpu.vector_store %arg10[%swap3A_2582], %add3A_2581 {strides = array<i32>} : memref<1024xi32, #tpu.memory_space<vmem>>, vector<16xi32>,
    %get3A_2584 = arith.index_cast %mul3A_2551 : i32 to index
    %get3A_2585 = tpu.vector_load %arg8[%get3A_2584] {strides = array<i32>} : memref<1024xi32, #tpu.memory_space<vmem>>, vector<16xi32>,
    %get3A_2586 = arith.index_cast %mul3A_2551 : i32 to index
    %get3A_2587 = tpu.vector_load %arg9[%get3A_2586] {strides = array<i32>} : memref<1024xi32, #tpu.memory_space<vmem>>, vector<16xi32>,
    %shift_right_arithmetic3A_2588 = arith.constant 3 : i32
    %shift_right_arithmetic3A_2589 = vector.broadcast %shift_right_arithmetic3A_2588 : i32 to vector<16xi32>
    %shift_right_arithmetic3A_2590 = arith.shrsi %get3A_2585, %shift_right_arithmetic3A_2589 : vector<16xi32>
    %mul3A_2591 = arith.constant 3072 : i32
    %mul3A_2592 = vector.broadcast %mul3A_2591 : i32 to vector<16xi32>
    %mul3A_2593 = arith.muli %shift_right_arithmetic3A_2590, %mul3A_2592 : vector<16xi32>
    %shift_right_arithmetic3A_2594 = arith.constant 7 : i32
    %shift_right_arithmetic3A_2595 = vector.broadcast %shift_right_arithmetic3A_2594 : i32 to vector<16xi32>
    %shift_right_arithmetic3A_2596 = arith.shrsi %get3A_2587, %shift_right_arithmetic3A_2595 : vector<16xi32>
    %mul3A_2597 = arith.constant 1024 : i32
    %mul3A_2598 = vector.broadcast %mul3A_2597 : i32 to vector<16xi32>
    %mul3A_2599 = arith.muli %shift_right_arithmetic3A_2596, %mul3A_2598 : vector<16xi32>
    %add3A_2600 = arith.addi %mul3A_2593, %mul3A_2599 : vector<16xi32>
    %and3A_2601 = arith.constant 7 : i32
    %and3A_2602 = vector.broadcast %and3A_2601 : i32 to vector<16xi32>
    %and3A_2603 = arith.andi %get3A_2585, %and3A_2602 : vector<16xi32>
    %mul3A_2604 = arith.constant 128 : i32
    %mul3A_2605 = vector.broadcast %mul3A_2604 : i32 to vector<16xi32>
    %mul3A_2606 = arith.muli %and3A_2603, %mul3A_2605 : vector<16xi32>
    %add3A_2607 = arith.addi %add3A_2600, %mul3A_2606 : vector<16xi32>
    %and3A_2608 = arith.constant 127 : i32
    %and3A_2609 = vector.broadcast %and3A_2608 : i32 to vector<16xi32>
    %and3A_2610 = arith.andi %get3A_2587, %and3A_2609 : vector<16xi32>
    %add3A_2611 = arith.addi %add3A_2607, %and3A_2610 : vector<16xi32>
    %add3A_2612 = vector.broadcast %mul3A_32 : i32 to vector<16xi32>
    %add3A_2613 = arith.addi %add3A_2611, %add3A_2612 : vector<16xi32>
    %swap3A_2614 = arith.index_cast %mul3A_2551 : i32 to index
    %swap3A_2615 = tpu.vector_load %arg11[%swap3A_2614] {strides = array<i32>} : memref<1024xi32, #tpu.memory_space<vmem>>, vector<16xi32>,
    tpu.vector_store %arg11[%swap3A_2614], %add3A_2613 {strides = array<i32>} : memref<1024xi32, #tpu.memory_space<vmem>>, vector<16xi32>,
    %scan3A_2616 = arith.constant 38 : i32
    %mul3A_2617 = arith.constant 16 : i32
    %mul3A_2618 = arith.muli %scan3A_2616, %mul3A_2617 : i32
    %get3A_2619 = arith.index_cast %mul3A_2618 : i32 to index
    %get3A_2620 = tpu.vector_load %arg6[%get3A_2619] {strides = array<i32>} : memref<1024xi32, #tpu.memory_space<vmem>>, vector<16xi32>,
    %get3A_2621 = arith.index_cast %mul3A_2618 : i32 to index
    %get3A_2622 = tpu.vector_load %arg7[%get3A_2621] {strides = array<i32>} : memref<1024xi32, #tpu.memory_space<vmem>>, vector<16xi32>,
    %shift_right_arithmetic3A_2623 = arith.constant 3 : i32
    %shift_right_arithmetic3A_2624 = vector.broadcast %shift_right_arithmetic3A_2623 : i32 to vector<16xi32>
    %shift_right_arithmetic3A_2625 = arith.shrsi %get3A_2620, %shift_right_arithmetic3A_2624 : vector<16xi32>
    %mul3A_2626 = arith.constant 3072 : i32
    %mul3A_2627 = vector.broadcast %mul3A_2626 : i32 to vector<16xi32>
    %mul3A_2628 = arith.muli %shift_right_arithmetic3A_2625, %mul3A_2627 : vector<16xi32>
    %shift_right_arithmetic3A_2629 = arith.constant 7 : i32
    %shift_right_arithmetic3A_2630 = vector.broadcast %shift_right_arithmetic3A_2629 : i32 to vector<16xi32>
    %shift_right_arithmetic3A_2631 = arith.shrsi %get3A_2622, %shift_right_arithmetic3A_2630 : vector<16xi32>
    %mul3A_2632 = arith.constant 1024 : i32
    %mul3A_2633 = vector.broadcast %mul3A_2632 : i32 to vector<16xi32>
    %mul3A_2634 = arith.muli %shift_right_arithmetic3A_2631, %mul3A_2633 : vector<16xi32>
    %add3A_2635 = arith.addi %mul3A_2628, %mul3A_2634 : vector<16xi32>
    %and3A_2636 = arith.constant 7 : i32
    %and3A_2637 = vector.broadcast %and3A_2636 : i32 to vector<16xi32>
    %and3A_2638 = arith.andi %get3A_2620, %and3A_2637 : vector<16xi32>
    %mul3A_2639 = arith.constant 128 : i32
    %mul3A_2640 = vector.broadcast %mul3A_2639 : i32 to vector<16xi32>
    %mul3A_2641 = arith.muli %and3A_2638, %mul3A_2640 : vector<16xi32>
    %add3A_2642 = arith.addi %add3A_2635, %mul3A_2641 : vector<16xi32>
    %and3A_2643 = arith.constant 127 : i32
    %and3A_2644 = vector.broadcast %and3A_2643 : i32 to vector<16xi32>
    %and3A_2645 = arith.andi %get3A_2622, %and3A_2644 : vector<16xi32>
    %add3A_2646 = arith.addi %add3A_2642, %and3A_2645 : vector<16xi32>
    %add3A_2647 = vector.broadcast %mul3A_32 : i32 to vector<16xi32>
    %add3A_2648 = arith.addi %add3A_2646, %add3A_2647 : vector<16xi32>
    %swap3A_2649 = arith.index_cast %mul3A_2618 : i32 to index
    %swap3A_2650 = tpu.vector_load %arg10[%swap3A_2649] {strides = array<i32>} : memref<1024xi32, #tpu.memory_space<vmem>>, vector<16xi32>,
    tpu.vector_store %arg10[%swap3A_2649], %add3A_2648 {strides = array<i32>} : memref<1024xi32, #tpu.memory_space<vmem>>, vector<16xi32>,
    %get3A_2651 = arith.index_cast %mul3A_2618 : i32 to index
    %get3A_2652 = tpu.vector_load %arg8[%get3A_2651] {strides = array<i32>} : memref<1024xi32, #tpu.memory_space<vmem>>, vector<16xi32>,
    %get3A_2653 = arith.index_cast %mul3A_2618 : i32 to index
    %get3A_2654 = tpu.vector_load %arg9[%get3A_2653] {strides = array<i32>} : memref<1024xi32, #tpu.memory_space<vmem>>, vector<16xi32>,
    %shift_right_arithmetic3A_2655 = arith.constant 3 : i32
    %shift_right_arithmetic3A_2656 = vector.broadcast %shift_right_arithmetic3A_2655 : i32 to vector<16xi32>
    %shift_right_arithmetic3A_2657 = arith.shrsi %get3A_2652, %shift_right_arithmetic3A_2656 : vector<16xi32>
    %mul3A_2658 = arith.constant 3072 : i32
    %mul3A_2659 = vector.broadcast %mul3A_2658 : i32 to vector<16xi32>
    %mul3A_2660 = arith.muli %shift_right_arithmetic3A_2657, %mul3A_2659 : vector<16xi32>
    %shift_right_arithmetic3A_2661 = arith.constant 7 : i32
    %shift_right_arithmetic3A_2662 = vector.broadcast %shift_right_arithmetic3A_2661 : i32 to vector<16xi32>
    %shift_right_arithmetic3A_2663 = arith.shrsi %get3A_2654, %shift_right_arithmetic3A_2662 : vector<16xi32>
    %mul3A_2664 = arith.constant 1024 : i32
    %mul3A_2665 = vector.broadcast %mul3A_2664 : i32 to vector<16xi32>
    %mul3A_2666 = arith.muli %shift_right_arithmetic3A_2663, %mul3A_2665 : vector<16xi32>
    %add3A_2667 = arith.addi %mul3A_2660, %mul3A_2666 : vector<16xi32>
    %and3A_2668 = arith.constant 7 : i32
    %and3A_2669 = vector.broadcast %and3A_2668 : i32 to vector<16xi32>
    %and3A_2670 = arith.andi %get3A_2652, %and3A_2669 : vector<16xi32>
    %mul3A_2671 = arith.constant 128 : i32
    %mul3A_2672 = vector.broadcast %mul3A_2671 : i32 to vector<16xi32>
    %mul3A_2673 = arith.muli %and3A_2670, %mul3A_2672 : vector<16xi32>
    %add3A_2674 = arith.addi %add3A_2667, %mul3A_2673 : vector<16xi32>
    %and3A_2675 = arith.constant 127 : i32
    %and3A_2676 = vector.broadcast %and3A_2675 : i32 to vector<16xi32>
    %and3A_2677 = arith.andi %get3A_2654, %and3A_2676 : vector<16xi32>
    %add3A_2678 = arith.addi %add3A_2674, %and3A_2677 : vector<16xi32>
    %add3A_2679 = vector.broadcast %mul3A_32 : i32 to vector<16xi32>
    %add3A_2680 = arith.addi %add3A_2678, %add3A_2679 : vector<16xi32>
    %swap3A_2681 = arith.index_cast %mul3A_2618 : i32 to index
    %swap3A_2682 = tpu.vector_load %arg11[%swap3A_2681] {strides = array<i32>} : memref<1024xi32, #tpu.memory_space<vmem>>, vector<16xi32>,
    tpu.vector_store %arg11[%swap3A_2681], %add3A_2680 {strides = array<i32>} : memref<1024xi32, #tpu.memory_space<vmem>>, vector<16xi32>,
    %scan3A_2683 = arith.constant 39 : i32
    %mul3A_2684 = arith.constant 16 : i32
    %mul3A_2685 = arith.muli %scan3A_2683, %mul3A_2684 : i32
    %get3A_2686 = arith.index_cast %mul3A_2685 : i32 to index
    %get3A_2687 = tpu.vector_load %arg6[%get3A_2686] {strides = array<i32>} : memref<1024xi32, #tpu.memory_space<vmem>>, vector<16xi32>,
    %get3A_2688 = arith.index_cast %mul3A_2685 : i32 to index
    %get3A_2689 = tpu.vector_load %arg7[%get3A_2688] {strides = array<i32>} : memref<1024xi32, #tpu.memory_space<vmem>>, vector<16xi32>,
    %shift_right_arithmetic3A_2690 = arith.constant 3 : i32
    %shift_right_arithmetic3A_2691 = vector.broadcast %shift_right_arithmetic3A_2690 : i32 to vector<16xi32>
    %shift_right_arithmetic3A_2692 = arith.shrsi %get3A_2687, %shift_right_arithmetic3A_2691 : vector<16xi32>
    %mul3A_2693 = arith.constant 3072 : i32
    %mul3A_2694 = vector.broadcast %mul3A_2693 : i32 to vector<16xi32>
    %mul3A_2695 = arith.muli %shift_right_arithmetic3A_2692, %mul3A_2694 : vector<16xi32>
    %shift_right_arithmetic3A_2696 = arith.constant 7 : i32
    %shift_right_arithmetic3A_2697 = vector.broadcast %shift_right_arithmetic3A_2696 : i32 to vector<16xi32>
    %shift_right_arithmetic3A_2698 = arith.shrsi %get3A_2689, %shift_right_arithmetic3A_2697 : vector<16xi32>
    %mul3A_2699 = arith.constant 1024 : i32
    %mul3A_2700 = vector.broadcast %mul3A_2699 : i32 to vector<16xi32>
    %mul3A_2701 = arith.muli %shift_right_arithmetic3A_2698, %mul3A_2700 : vector<16xi32>
    %add3A_2702 = arith.addi %mul3A_2695, %mul3A_2701 : vector<16xi32>
    %and3A_2703 = arith.constant 7 : i32
    %and3A_2704 = vector.broadcast %and3A_2703 : i32 to vector<16xi32>
    %and3A_2705 = arith.andi %get3A_2687, %and3A_2704 : vector<16xi32>
    %mul3A_2706 = arith.constant 128 : i32
    %mul3A_2707 = vector.broadcast %mul3A_2706 : i32 to vector<16xi32>
    %mul3A_2708 = arith.muli %and3A_2705, %mul3A_2707 : vector<16xi32>
    %add3A_2709 = arith.addi %add3A_2702, %mul3A_2708 : vector<16xi32>
    %and3A_2710 = arith.constant 127 : i32
    %and3A_2711 = vector.broadcast %and3A_2710 : i32 to vector<16xi32>
    %and3A_2712 = arith.andi %get3A_2689, %and3A_2711 : vector<16xi32>
    %add3A_2713 = arith.addi %add3A_2709, %and3A_2712 : vector<16xi32>
    %add3A_2714 = vector.broadcast %mul3A_32 : i32 to vector<16xi32>
    %add3A_2715 = arith.addi %add3A_2713, %add3A_2714 : vector<16xi32>
    %swap3A_2716 = arith.index_cast %mul3A_2685 : i32 to index
    %swap3A_2717 = tpu.vector_load %arg10[%swap3A_2716] {strides = array<i32>} : memref<1024xi32, #tpu.memory_space<vmem>>, vector<16xi32>,
    tpu.vector_store %arg10[%swap3A_2716], %add3A_2715 {strides = array<i32>} : memref<1024xi32, #tpu.memory_space<vmem>>, vector<16xi32>,
    %get3A_2718 = arith.index_cast %mul3A_2685 : i32 to index
    %get3A_2719 = tpu.vector_load %arg8[%get3A_2718] {strides = array<i32>} : memref<1024xi32, #tpu.memory_space<vmem>>, vector<16xi32>,
    %get3A_2720 = arith.index_cast %mul3A_2685 : i32 to index
    %get3A_2721 = tpu.vector_load %arg9[%get3A_2720] {strides = array<i32>} : memref<1024xi32, #tpu.memory_space<vmem>>, vector<16xi32>,
    %shift_right_arithmetic3A_2722 = arith.constant 3 : i32
    %shift_right_arithmetic3A_2723 = vector.broadcast %shift_right_arithmetic3A_2722 : i32 to vector<16xi32>
    %shift_right_arithmetic3A_2724 = arith.shrsi %get3A_2719, %shift_right_arithmetic3A_2723 : vector<16xi32>
    %mul3A_2725 = arith.constant 3072 : i32
    %mul3A_2726 = vector.broadcast %mul3A_2725 : i32 to vector<16xi32>
    %mul3A_2727 = arith.muli %shift_right_arithmetic3A_2724, %mul3A_2726 : vector<16xi32>
    %shift_right_arithmetic3A_2728 = arith.constant 7 : i32
    %shift_right_arithmetic3A_2729 = vector.broadcast %shift_right_arithmetic3A_2728 : i32 to vector<16xi32>
    %shift_right_arithmetic3A_2730 = arith.shrsi %get3A_2721, %shift_right_arithmetic3A_2729 : vector<16xi32>
    %mul3A_2731 = arith.constant 1024 : i32
    %mul3A_2732 = vector.broadcast %mul3A_2731 : i32 to vector<16xi32>
    %mul3A_2733 = arith.muli %shift_right_arithmetic3A_2730, %mul3A_2732 : vector<16xi32>
    %add3A_2734 = arith.addi %mul3A_2727, %mul3A_2733 : vector<16xi32>
    %and3A_2735 = arith.constant 7 : i32
    %and3A_2736 = vector.broadcast %and3A_2735 : i32 to vector<16xi32>
    %and3A_2737 = arith.andi %get3A_2719, %and3A_2736 : vector<16xi32>
    %mul3A_2738 = arith.constant 128 : i32
    %mul3A_2739 = vector.broadcast %mul3A_2738 : i32 to vector<16xi32>
    %mul3A_2740 = arith.muli %and3A_2737, %mul3A_2739 : vector<16xi32>
    %add3A_2741 = arith.addi %add3A_2734, %mul3A_2740 : vector<16xi32>
    %and3A_2742 = arith.constant 127 : i32
    %and3A_2743 = vector.broadcast %and3A_2742 : i32 to vector<16xi32>
    %and3A_2744 = arith.andi %get3A_2721, %and3A_2743 : vector<16xi32>
    %add3A_2745 = arith.addi %add3A_2741, %and3A_2744 : vector<16xi32>
    %add3A_2746 = vector.broadcast %mul3A_32 : i32 to vector<16xi32>
    %add3A_2747 = arith.addi %add3A_2745, %add3A_2746 : vector<16xi32>
    %swap3A_2748 = arith.index_cast %mul3A_2685 : i32 to index
    %swap3A_2749 = tpu.vector_load %arg11[%swap3A_2748] {strides = array<i32>} : memref<1024xi32, #tpu.memory_space<vmem>>, vector<16xi32>,
    tpu.vector_store %arg11[%swap3A_2748], %add3A_2747 {strides = array<i32>} : memref<1024xi32, #tpu.memory_space<vmem>>, vector<16xi32>,
    %scan3A_2750 = arith.constant 40 : i32
    %mul3A_2751 = arith.constant 16 : i32
    %mul3A_2752 = arith.muli %scan3A_2750, %mul3A_2751 : i32
    %get3A_2753 = arith.index_cast %mul3A_2752 : i32 to index
    %get3A_2754 = tpu.vector_load %arg6[%get3A_2753] {strides = array<i32>} : memref<1024xi32, #tpu.memory_space<vmem>>, vector<16xi32>,
    %get3A_2755 = arith.index_cast %mul3A_2752 : i32 to index
    %get3A_2756 = tpu.vector_load %arg7[%get3A_2755] {strides = array<i32>} : memref<1024xi32, #tpu.memory_space<vmem>>, vector<16xi32>,
    %shift_right_arithmetic3A_2757 = arith.constant 3 : i32
    %shift_right_arithmetic3A_2758 = vector.broadcast %shift_right_arithmetic3A_2757 : i32 to vector<16xi32>
    %shift_right_arithmetic3A_2759 = arith.shrsi %get3A_2754, %shift_right_arithmetic3A_2758 : vector<16xi32>
    %mul3A_2760 = arith.constant 3072 : i32
    %mul3A_2761 = vector.broadcast %mul3A_2760 : i32 to vector<16xi32>
    %mul3A_2762 = arith.muli %shift_right_arithmetic3A_2759, %mul3A_2761 : vector<16xi32>
    %shift_right_arithmetic3A_2763 = arith.constant 7 : i32
    %shift_right_arithmetic3A_2764 = vector.broadcast %shift_right_arithmetic3A_2763 : i32 to vector<16xi32>
    %shift_right_arithmetic3A_2765 = arith.shrsi %get3A_2756, %shift_right_arithmetic3A_2764 : vector<16xi32>
    %mul3A_2766 = arith.constant 1024 : i32
    %mul3A_2767 = vector.broadcast %mul3A_2766 : i32 to vector<16xi32>
    %mul3A_2768 = arith.muli %shift_right_arithmetic3A_2765, %mul3A_2767 : vector<16xi32>
    %add3A_2769 = arith.addi %mul3A_2762, %mul3A_2768 : vector<16xi32>
    %and3A_2770 = arith.constant 7 : i32
    %and3A_2771 = vector.broadcast %and3A_2770 : i32 to vector<16xi32>
    %and3A_2772 = arith.andi %get3A_2754, %and3A_2771 : vector<16xi32>
    %mul3A_2773 = arith.constant 128 : i32
    %mul3A_2774 = vector.broadcast %mul3A_2773 : i32 to vector<16xi32>
    %mul3A_2775 = arith.muli %and3A_2772, %mul3A_2774 : vector<16xi32>
    %add3A_2776 = arith.addi %add3A_2769, %mul3A_2775 : vector<16xi32>
    %and3A_2777 = arith.constant 127 : i32
    %and3A_2778 = vector.broadcast %and3A_2777 : i32 to vector<16xi32>
    %and3A_2779 = arith.andi %get3A_2756, %and3A_2778 : vector<16xi32>
    %add3A_2780 = arith.addi %add3A_2776, %and3A_2779 : vector<16xi32>
    %add3A_2781 = vector.broadcast %mul3A_32 : i32 to vector<16xi32>
    %add3A_2782 = arith.addi %add3A_2780, %add3A_2781 : vector<16xi32>
    %swap3A_2783 = arith.index_cast %mul3A_2752 : i32 to index
    %swap3A_2784 = tpu.vector_load %arg10[%swap3A_2783] {strides = array<i32>} : memref<1024xi32, #tpu.memory_space<vmem>>, vector<16xi32>,
    tpu.vector_store %arg10[%swap3A_2783], %add3A_2782 {strides = array<i32>} : memref<1024xi32, #tpu.memory_space<vmem>>, vector<16xi32>,
    %get3A_2785 = arith.index_cast %mul3A_2752 : i32 to index
    %get3A_2786 = tpu.vector_load %arg8[%get3A_2785] {strides = array<i32>} : memref<1024xi32, #tpu.memory_space<vmem>>, vector<16xi32>,
    %get3A_2787 = arith.index_cast %mul3A_2752 : i32 to index
    %get3A_2788 = tpu.vector_load %arg9[%get3A_2787] {strides = array<i32>} : memref<1024xi32, #tpu.memory_space<vmem>>, vector<16xi32>,
    %shift_right_arithmetic3A_2789 = arith.constant 3 : i32
    %shift_right_arithmetic3A_2790 = vector.broadcast %shift_right_arithmetic3A_2789 : i32 to vector<16xi32>
    %shift_right_arithmetic3A_2791 = arith.shrsi %get3A_2786, %shift_right_arithmetic3A_2790 : vector<16xi32>
    %mul3A_2792 = arith.constant 3072 : i32
    %mul3A_2793 = vector.broadcast %mul3A_2792 : i32 to vector<16xi32>
    %mul3A_2794 = arith.muli %shift_right_arithmetic3A_2791, %mul3A_2793 : vector<16xi32>
    %shift_right_arithmetic3A_2795 = arith.constant 7 : i32
    %shift_right_arithmetic3A_2796 = vector.broadcast %shift_right_arithmetic3A_2795 : i32 to vector<16xi32>
    %shift_right_arithmetic3A_2797 = arith.shrsi %get3A_2788, %shift_right_arithmetic3A_2796 : vector<16xi32>
    %mul3A_2798 = arith.constant 1024 : i32
    %mul3A_2799 = vector.broadcast %mul3A_2798 : i32 to vector<16xi32>
    %mul3A_2800 = arith.muli %shift_right_arithmetic3A_2797, %mul3A_2799 : vector<16xi32>
    %add3A_2801 = arith.addi %mul3A_2794, %mul3A_2800 : vector<16xi32>
    %and3A_2802 = arith.constant 7 : i32
    %and3A_2803 = vector.broadcast %and3A_2802 : i32 to vector<16xi32>
    %and3A_2804 = arith.andi %get3A_2786, %and3A_2803 : vector<16xi32>
    %mul3A_2805 = arith.constant 128 : i32
    %mul3A_2806 = vector.broadcast %mul3A_2805 : i32 to vector<16xi32>
    %mul3A_2807 = arith.muli %and3A_2804, %mul3A_2806 : vector<16xi32>
    %add3A_2808 = arith.addi %add3A_2801, %mul3A_2807 : vector<16xi32>
    %and3A_2809 = arith.constant 127 : i32
    %and3A_2810 = vector.broadcast %and3A_2809 : i32 to vector<16xi32>
    %and3A_2811 = arith.andi %get3A_2788, %and3A_2810 : vector<16xi32>
    %add3A_2812 = arith.addi %add3A_2808, %and3A_2811 : vector<16xi32>
    %add3A_2813 = vector.broadcast %mul3A_32 : i32 to vector<16xi32>
    %add3A_2814 = arith.addi %add3A_2812, %add3A_2813 : vector<16xi32>
    %swap3A_2815 = arith.index_cast %mul3A_2752 : i32 to index
    %swap3A_2816 = tpu.vector_load %arg11[%swap3A_2815] {strides = array<i32>} : memref<1024xi32, #tpu.memory_space<vmem>>, vector<16xi32>,
    tpu.vector_store %arg11[%swap3A_2815], %add3A_2814 {strides = array<i32>} : memref<1024xi32, #tpu.memory_space<vmem>>, vector<16xi32>,
    %scan3A_2817 = arith.constant 41 : i32
    %mul3A_2818 = arith.constant 16 : i32
    %mul3A_2819 = arith.muli %scan3A_2817, %mul3A_2818 : i32
    %get3A_2820 = arith.index_cast %mul3A_2819 : i32 to index
    %get3A_2821 = tpu.vector_load %arg6[%get3A_2820] {strides = array<i32>} : memref<1024xi32, #tpu.memory_space<vmem>>, vector<16xi32>,
    %get3A_2822 = arith.index_cast %mul3A_2819 : i32 to index
    %get3A_2823 = tpu.vector_load %arg7[%get3A_2822] {strides = array<i32>} : memref<1024xi32, #tpu.memory_space<vmem>>, vector<16xi32>,
    %shift_right_arithmetic3A_2824 = arith.constant 3 : i32
    %shift_right_arithmetic3A_2825 = vector.broadcast %shift_right_arithmetic3A_2824 : i32 to vector<16xi32>
    %shift_right_arithmetic3A_2826 = arith.shrsi %get3A_2821, %shift_right_arithmetic3A_2825 : vector<16xi32>
    %mul3A_2827 = arith.constant 3072 : i32
    %mul3A_2828 = vector.broadcast %mul3A_2827 : i32 to vector<16xi32>
    %mul3A_2829 = arith.muli %shift_right_arithmetic3A_2826, %mul3A_2828 : vector<16xi32>
    %shift_right_arithmetic3A_2830 = arith.constant 7 : i32
    %shift_right_arithmetic3A_2831 = vector.broadcast %shift_right_arithmetic3A_2830 : i32 to vector<16xi32>
    %shift_right_arithmetic3A_2832 = arith.shrsi %get3A_2823, %shift_right_arithmetic3A_2831 : vector<16xi32>
    %mul3A_2833 = arith.constant 1024 : i32
    %mul3A_2834 = vector.broadcast %mul3A_2833 : i32 to vector<16xi32>
    %mul3A_2835 = arith.muli %shift_right_arithmetic3A_2832, %mul3A_2834 : vector<16xi32>
    %add3A_2836 = arith.addi %mul3A_2829, %mul3A_2835 : vector<16xi32>
    %and3A_2837 = arith.constant 7 : i32
    %and3A_2838 = vector.broadcast %and3A_2837 : i32 to vector<16xi32>
    %and3A_2839 = arith.andi %get3A_2821, %and3A_2838 : vector<16xi32>
    %mul3A_2840 = arith.constant 128 : i32
    %mul3A_2841 = vector.broadcast %mul3A_2840 : i32 to vector<16xi32>
    %mul3A_2842 = arith.muli %and3A_2839, %mul3A_2841 : vector<16xi32>
    %add3A_2843 = arith.addi %add3A_2836, %mul3A_2842 : vector<16xi32>
    %and3A_2844 = arith.constant 127 : i32
    %and3A_2845 = vector.broadcast %and3A_2844 : i32 to vector<16xi32>
    %and3A_2846 = arith.andi %get3A_2823, %and3A_2845 : vector<16xi32>
    %add3A_2847 = arith.addi %add3A_2843, %and3A_2846 : vector<16xi32>
    %add3A_2848 = vector.broadcast %mul3A_32 : i32 to vector<16xi32>
    %add3A_2849 = arith.addi %add3A_2847, %add3A_2848 : vector<16xi32>
    %swap3A_2850 = arith.index_cast %mul3A_2819 : i32 to index
    %swap3A_2851 = tpu.vector_load %arg10[%swap3A_2850] {strides = array<i32>} : memref<1024xi32, #tpu.memory_space<vmem>>, vector<16xi32>,
    tpu.vector_store %arg10[%swap3A_2850], %add3A_2849 {strides = array<i32>} : memref<1024xi32, #tpu.memory_space<vmem>>, vector<16xi32>,
    %get3A_2852 = arith.index_cast %mul3A_2819 : i32 to index
    %get3A_2853 = tpu.vector_load %arg8[%get3A_2852] {strides = array<i32>} : memref<1024xi32, #tpu.memory_space<vmem>>, vector<16xi32>,
    %get3A_2854 = arith.index_cast %mul3A_2819 : i32 to index
    %get3A_2855 = tpu.vector_load %arg9[%get3A_2854] {strides = array<i32>} : memref<1024xi32, #tpu.memory_space<vmem>>, vector<16xi32>,
    %shift_right_arithmetic3A_2856 = arith.constant 3 : i32
    %shift_right_arithmetic3A_2857 = vector.broadcast %shift_right_arithmetic3A_2856 : i32 to vector<16xi32>
    %shift_right_arithmetic3A_2858 = arith.shrsi %get3A_2853, %shift_right_arithmetic3A_2857 : vector<16xi32>
    %mul3A_2859 = arith.constant 3072 : i32
    %mul3A_2860 = vector.broadcast %mul3A_2859 : i32 to vector<16xi32>
    %mul3A_2861 = arith.muli %shift_right_arithmetic3A_2858, %mul3A_2860 : vector<16xi32>
    %shift_right_arithmetic3A_2862 = arith.constant 7 : i32
    %shift_right_arithmetic3A_2863 = vector.broadcast %shift_right_arithmetic3A_2862 : i32 to vector<16xi32>
    %shift_right_arithmetic3A_2864 = arith.shrsi %get3A_2855, %shift_right_arithmetic3A_2863 : vector<16xi32>
    %mul3A_2865 = arith.constant 1024 : i32
    %mul3A_2866 = vector.broadcast %mul3A_2865 : i32 to vector<16xi32>
    %mul3A_2867 = arith.muli %shift_right_arithmetic3A_2864, %mul3A_2866 : vector<16xi32>
    %add3A_2868 = arith.addi %mul3A_2861, %mul3A_2867 : vector<16xi32>
    %and3A_2869 = arith.constant 7 : i32
    %and3A_2870 = vector.broadcast %and3A_2869 : i32 to vector<16xi32>
    %and3A_2871 = arith.andi %get3A_2853, %and3A_2870 : vector<16xi32>
    %mul3A_2872 = arith.constant 128 : i32
    %mul3A_2873 = vector.broadcast %mul3A_2872 : i32 to vector<16xi32>
    %mul3A_2874 = arith.muli %and3A_2871, %mul3A_2873 : vector<16xi32>
    %add3A_2875 = arith.addi %add3A_2868, %mul3A_2874 : vector<16xi32>
    %and3A_2876 = arith.constant 127 : i32
    %and3A_2877 = vector.broadcast %and3A_2876 : i32 to vector<16xi32>
    %and3A_2878 = arith.andi %get3A_2855, %and3A_2877 : vector<16xi32>
    %add3A_2879 = arith.addi %add3A_2875, %and3A_2878 : vector<16xi32>
    %add3A_2880 = vector.broadcast %mul3A_32 : i32 to vector<16xi32>
    %add3A_2881 = arith.addi %add3A_2879, %add3A_2880 : vector<16xi32>
    %swap3A_2882 = arith.index_cast %mul3A_2819 : i32 to index
    %swap3A_2883 = tpu.vector_load %arg11[%swap3A_2882] {strides = array<i32>} : memref<1024xi32, #tpu.memory_space<vmem>>, vector<16xi32>,
    tpu.vector_store %arg11[%swap3A_2882], %add3A_2881 {strides = array<i32>} : memref<1024xi32, #tpu.memory_space<vmem>>, vector<16xi32>,
    %scan3A_2884 = arith.constant 42 : i32
    %mul3A_2885 = arith.constant 16 : i32
    %mul3A_2886 = arith.muli %scan3A_2884, %mul3A_2885 : i32
    %get3A_2887 = arith.index_cast %mul3A_2886 : i32 to index
    %get3A_2888 = tpu.vector_load %arg6[%get3A_2887] {strides = array<i32>} : memref<1024xi32, #tpu.memory_space<vmem>>, vector<16xi32>,
    %get3A_2889 = arith.index_cast %mul3A_2886 : i32 to index
    %get3A_2890 = tpu.vector_load %arg7[%get3A_2889] {strides = array<i32>} : memref<1024xi32, #tpu.memory_space<vmem>>, vector<16xi32>,
    %shift_right_arithmetic3A_2891 = arith.constant 3 : i32
    %shift_right_arithmetic3A_2892 = vector.broadcast %shift_right_arithmetic3A_2891 : i32 to vector<16xi32>
    %shift_right_arithmetic3A_2893 = arith.shrsi %get3A_2888, %shift_right_arithmetic3A_2892 : vector<16xi32>
    %mul3A_2894 = arith.constant 3072 : i32
    %mul3A_2895 = vector.broadcast %mul3A_2894 : i32 to vector<16xi32>
    %mul3A_2896 = arith.muli %shift_right_arithmetic3A_2893, %mul3A_2895 : vector<16xi32>
    %shift_right_arithmetic3A_2897 = arith.constant 7 : i32
    %shift_right_arithmetic3A_2898 = vector.broadcast %shift_right_arithmetic3A_2897 : i32 to vector<16xi32>
    %shift_right_arithmetic3A_2899 = arith.shrsi %get3A_2890, %shift_right_arithmetic3A_2898 : vector<16xi32>
    %mul3A_2900 = arith.constant 1024 : i32
    %mul3A_2901 = vector.broadcast %mul3A_2900 : i32 to vector<16xi32>
    %mul3A_2902 = arith.muli %shift_right_arithmetic3A_2899, %mul3A_2901 : vector<16xi32>
    %add3A_2903 = arith.addi %mul3A_2896, %mul3A_2902 : vector<16xi32>
    %and3A_2904 = arith.constant 7 : i32
    %and3A_2905 = vector.broadcast %and3A_2904 : i32 to vector<16xi32>
    %and3A_2906 = arith.andi %get3A_2888, %and3A_2905 : vector<16xi32>
    %mul3A_2907 = arith.constant 128 : i32
    %mul3A_2908 = vector.broadcast %mul3A_2907 : i32 to vector<16xi32>
    %mul3A_2909 = arith.muli %and3A_2906, %mul3A_2908 : vector<16xi32>
    %add3A_2910 = arith.addi %add3A_2903, %mul3A_2909 : vector<16xi32>
    %and3A_2911 = arith.constant 127 : i32
    %and3A_2912 = vector.broadcast %and3A_2911 : i32 to vector<16xi32>
    %and3A_2913 = arith.andi %get3A_2890, %and3A_2912 : vector<16xi32>
    %add3A_2914 = arith.addi %add3A_2910, %and3A_2913 : vector<16xi32>
    %add3A_2915 = vector.broadcast %mul3A_32 : i32 to vector<16xi32>
    %add3A_2916 = arith.addi %add3A_2914, %add3A_2915 : vector<16xi32>
    %swap3A_2917 = arith.index_cast %mul3A_2886 : i32 to index
    %swap3A_2918 = tpu.vector_load %arg10[%swap3A_2917] {strides = array<i32>} : memref<1024xi32, #tpu.memory_space<vmem>>, vector<16xi32>,
    tpu.vector_store %arg10[%swap3A_2917], %add3A_2916 {strides = array<i32>} : memref<1024xi32, #tpu.memory_space<vmem>>, vector<16xi32>,
    %get3A_2919 = arith.index_cast %mul3A_2886 : i32 to index
    %get3A_2920 = tpu.vector_load %arg8[%get3A_2919] {strides = array<i32>} : memref<1024xi32, #tpu.memory_space<vmem>>, vector<16xi32>,
    %get3A_2921 = arith.index_cast %mul3A_2886 : i32 to index
    %get3A_2922 = tpu.vector_load %arg9[%get3A_2921] {strides = array<i32>} : memref<1024xi32, #tpu.memory_space<vmem>>, vector<16xi32>,
    %shift_right_arithmetic3A_2923 = arith.constant 3 : i32
    %shift_right_arithmetic3A_2924 = vector.broadcast %shift_right_arithmetic3A_2923 : i32 to vector<16xi32>
    %shift_right_arithmetic3A_2925 = arith.shrsi %get3A_2920, %shift_right_arithmetic3A_2924 : vector<16xi32>
    %mul3A_2926 = arith.constant 3072 : i32
    %mul3A_2927 = vector.broadcast %mul3A_2926 : i32 to vector<16xi32>
    %mul3A_2928 = arith.muli %shift_right_arithmetic3A_2925, %mul3A_2927 : vector<16xi32>
    %shift_right_arithmetic3A_2929 = arith.constant 7 : i32
    %shift_right_arithmetic3A_2930 = vector.broadcast %shift_right_arithmetic3A_2929 : i32 to vector<16xi32>
    %shift_right_arithmetic3A_2931 = arith.shrsi %get3A_2922, %shift_right_arithmetic3A_2930 : vector<16xi32>
    %mul3A_2932 = arith.constant 1024 : i32
    %mul3A_2933 = vector.broadcast %mul3A_2932 : i32 to vector<16xi32>
    %mul3A_2934 = arith.muli %shift_right_arithmetic3A_2931, %mul3A_2933 : vector<16xi32>
    %add3A_2935 = arith.addi %mul3A_2928, %mul3A_2934 : vector<16xi32>
    %and3A_2936 = arith.constant 7 : i32
    %and3A_2937 = vector.broadcast %and3A_2936 : i32 to vector<16xi32>
    %and3A_2938 = arith.andi %get3A_2920, %and3A_2937 : vector<16xi32>
    %mul3A_2939 = arith.constant 128 : i32
    %mul3A_2940 = vector.broadcast %mul3A_2939 : i32 to vector<16xi32>
    %mul3A_2941 = arith.muli %and3A_2938, %mul3A_2940 : vector<16xi32>
    %add3A_2942 = arith.addi %add3A_2935, %mul3A_2941 : vector<16xi32>
    %and3A_2943 = arith.constant 127 : i32
    %and3A_2944 = vector.broadcast %and3A_2943 : i32 to vector<16xi32>
    %and3A_2945 = arith.andi %get3A_2922, %and3A_2944 : vector<16xi32>
    %add3A_2946 = arith.addi %add3A_2942, %and3A_2945 : vector<16xi32>
    %add3A_2947 = vector.broadcast %mul3A_32 : i32 to vector<16xi32>
    %add3A_2948 = arith.addi %add3A_2946, %add3A_2947 : vector<16xi32>
    %swap3A_2949 = arith.index_cast %mul3A_2886 : i32 to index
    %swap3A_2950 = tpu.vector_load %arg11[%swap3A_2949] {strides = array<i32>} : memref<1024xi32, #tpu.memory_space<vmem>>, vector<16xi32>,
    tpu.vector_store %arg11[%swap3A_2949], %add3A_2948 {strides = array<i32>} : memref<1024xi32, #tpu.memory_space<vmem>>, vector<16xi32>,
    %scan3A_2951 = arith.constant 43 : i32
    %mul3A_2952 = arith.constant 16 : i32
    %mul3A_2953 = arith.muli %scan3A_2951, %mul3A_2952 : i32
    %get3A_2954 = arith.index_cast %mul3A_2953 : i32 to index
    %get3A_2955 = tpu.vector_load %arg6[%get3A_2954] {strides = array<i32>} : memref<1024xi32, #tpu.memory_space<vmem>>, vector<16xi32>,
    %get3A_2956 = arith.index_cast %mul3A_2953 : i32 to index
    %get3A_2957 = tpu.vector_load %arg7[%get3A_2956] {strides = array<i32>} : memref<1024xi32, #tpu.memory_space<vmem>>, vector<16xi32>,
    %shift_right_arithmetic3A_2958 = arith.constant 3 : i32
    %shift_right_arithmetic3A_2959 = vector.broadcast %shift_right_arithmetic3A_2958 : i32 to vector<16xi32>
    %shift_right_arithmetic3A_2960 = arith.shrsi %get3A_2955, %shift_right_arithmetic3A_2959 : vector<16xi32>
    %mul3A_2961 = arith.constant 3072 : i32
    %mul3A_2962 = vector.broadcast %mul3A_2961 : i32 to vector<16xi32>
    %mul3A_2963 = arith.muli %shift_right_arithmetic3A_2960, %mul3A_2962 : vector<16xi32>
    %shift_right_arithmetic3A_2964 = arith.constant 7 : i32
    %shift_right_arithmetic3A_2965 = vector.broadcast %shift_right_arithmetic3A_2964 : i32 to vector<16xi32>
    %shift_right_arithmetic3A_2966 = arith.shrsi %get3A_2957, %shift_right_arithmetic3A_2965 : vector<16xi32>
    %mul3A_2967 = arith.constant 1024 : i32
    %mul3A_2968 = vector.broadcast %mul3A_2967 : i32 to vector<16xi32>
    %mul3A_2969 = arith.muli %shift_right_arithmetic3A_2966, %mul3A_2968 : vector<16xi32>
    %add3A_2970 = arith.addi %mul3A_2963, %mul3A_2969 : vector<16xi32>
    %and3A_2971 = arith.constant 7 : i32
    %and3A_2972 = vector.broadcast %and3A_2971 : i32 to vector<16xi32>
    %and3A_2973 = arith.andi %get3A_2955, %and3A_2972 : vector<16xi32>
    %mul3A_2974 = arith.constant 128 : i32
    %mul3A_2975 = vector.broadcast %mul3A_2974 : i32 to vector<16xi32>
    %mul3A_2976 = arith.muli %and3A_2973, %mul3A_2975 : vector<16xi32>
    %add3A_2977 = arith.addi %add3A_2970, %mul3A_2976 : vector<16xi32>
    %and3A_2978 = arith.constant 127 : i32
    %and3A_2979 = vector.broadcast %and3A_2978 : i32 to vector<16xi32>
    %and3A_2980 = arith.andi %get3A_2957, %and3A_2979 : vector<16xi32>
    %add3A_2981 = arith.addi %add3A_2977, %and3A_2980 : vector<16xi32>
    %add3A_2982 = vector.broadcast %mul3A_32 : i32 to vector<16xi32>
    %add3A_2983 = arith.addi %add3A_2981, %add3A_2982 : vector<16xi32>
    %swap3A_2984 = arith.index_cast %mul3A_2953 : i32 to index
    %swap3A_2985 = tpu.vector_load %arg10[%swap3A_2984] {strides = array<i32>} : memref<1024xi32, #tpu.memory_space<vmem>>, vector<16xi32>,
    tpu.vector_store %arg10[%swap3A_2984], %add3A_2983 {strides = array<i32>} : memref<1024xi32, #tpu.memory_space<vmem>>, vector<16xi32>,
    %get3A_2986 = arith.index_cast %mul3A_2953 : i32 to index
    %get3A_2987 = tpu.vector_load %arg8[%get3A_2986] {strides = array<i32>} : memref<1024xi32, #tpu.memory_space<vmem>>, vector<16xi32>,
    %get3A_2988 = arith.index_cast %mul3A_2953 : i32 to index
    %get3A_2989 = tpu.vector_load %arg9[%get3A_2988] {strides = array<i32>} : memref<1024xi32, #tpu.memory_space<vmem>>, vector<16xi32>,
    %shift_right_arithmetic3A_2990 = arith.constant 3 : i32
    %shift_right_arithmetic3A_2991 = vector.broadcast %shift_right_arithmetic3A_2990 : i32 to vector<16xi32>
    %shift_right_arithmetic3A_2992 = arith.shrsi %get3A_2987, %shift_right_arithmetic3A_2991 : vector<16xi32>
    %mul3A_2993 = arith.constant 3072 : i32
    %mul3A_2994 = vector.broadcast %mul3A_2993 : i32 to vector<16xi32>
    %mul3A_2995 = arith.muli %shift_right_arithmetic3A_2992, %mul3A_2994 : vector<16xi32>
    %shift_right_arithmetic3A_2996 = arith.constant 7 : i32
    %shift_right_arithmetic3A_2997 = vector.broadcast %shift_right_arithmetic3A_2996 : i32 to vector<16xi32>
    %shift_right_arithmetic3A_2998 = arith.shrsi %get3A_2989, %shift_right_arithmetic3A_2997 : vector<16xi32>
    %mul3A_2999 = arith.constant 1024 : i32
    %mul3A_3000 = vector.broadcast %mul3A_2999 : i32 to vector<16xi32>
    %mul3A_3001 = arith.muli %shift_right_arithmetic3A_2998, %mul3A_3000 : vector<16xi32>
    %add3A_3002 = arith.addi %mul3A_2995, %mul3A_3001 : vector<16xi32>
    %and3A_3003 = arith.constant 7 : i32
    %and3A_3004 = vector.broadcast %and3A_3003 : i32 to vector<16xi32>
    %and3A_3005 = arith.andi %get3A_2987, %and3A_3004 : vector<16xi32>
    %mul3A_3006 = arith.constant 128 : i32
    %mul3A_3007 = vector.broadcast %mul3A_3006 : i32 to vector<16xi32>
    %mul3A_3008 = arith.muli %and3A_3005, %mul3A_3007 : vector<16xi32>
    %add3A_3009 = arith.addi %add3A_3002, %mul3A_3008 : vector<16xi32>
    %and3A_3010 = arith.constant 127 : i32
    %and3A_3011 = vector.broadcast %and3A_3010 : i32 to vector<16xi32>
    %and3A_3012 = arith.andi %get3A_2989, %and3A_3011 : vector<16xi32>
    %add3A_3013 = arith.addi %add3A_3009, %and3A_3012 : vector<16xi32>
    %add3A_3014 = vector.broadcast %mul3A_32 : i32 to vector<16xi32>
    %add3A_3015 = arith.addi %add3A_3013, %add3A_3014 : vector<16xi32>
    %swap3A_3016 = arith.index_cast %mul3A_2953 : i32 to index
    %swap3A_3017 = tpu.vector_load %arg11[%swap3A_3016] {strides = array<i32>} : memref<1024xi32, #tpu.memory_space<vmem>>, vector<16xi32>,
    tpu.vector_store %arg11[%swap3A_3016], %add3A_3015 {strides = array<i32>} : memref<1024xi32, #tpu.memory_space<vmem>>, vector<16xi32>,
    %scan3A_3018 = arith.constant 44 : i32
    %mul3A_3019 = arith.constant 16 : i32
    %mul3A_3020 = arith.muli %scan3A_3018, %mul3A_3019 : i32
    %get3A_3021 = arith.index_cast %mul3A_3020 : i32 to index
    %get3A_3022 = tpu.vector_load %arg6[%get3A_3021] {strides = array<i32>} : memref<1024xi32, #tpu.memory_space<vmem>>, vector<16xi32>,
    %get3A_3023 = arith.index_cast %mul3A_3020 : i32 to index
    %get3A_3024 = tpu.vector_load %arg7[%get3A_3023] {strides = array<i32>} : memref<1024xi32, #tpu.memory_space<vmem>>, vector<16xi32>,
    %shift_right_arithmetic3A_3025 = arith.constant 3 : i32
    %shift_right_arithmetic3A_3026 = vector.broadcast %shift_right_arithmetic3A_3025 : i32 to vector<16xi32>
    %shift_right_arithmetic3A_3027 = arith.shrsi %get3A_3022, %shift_right_arithmetic3A_3026 : vector<16xi32>
    %mul3A_3028 = arith.constant 3072 : i32
    %mul3A_3029 = vector.broadcast %mul3A_3028 : i32 to vector<16xi32>
    %mul3A_3030 = arith.muli %shift_right_arithmetic3A_3027, %mul3A_3029 : vector<16xi32>
    %shift_right_arithmetic3A_3031 = arith.constant 7 : i32
    %shift_right_arithmetic3A_3032 = vector.broadcast %shift_right_arithmetic3A_3031 : i32 to vector<16xi32>
    %shift_right_arithmetic3A_3033 = arith.shrsi %get3A_3024, %shift_right_arithmetic3A_3032 : vector<16xi32>
    %mul3A_3034 = arith.constant 1024 : i32
    %mul3A_3035 = vector.broadcast %mul3A_3034 : i32 to vector<16xi32>
    %mul3A_3036 = arith.muli %shift_right_arithmetic3A_3033, %mul3A_3035 : vector<16xi32>
    %add3A_3037 = arith.addi %mul3A_3030, %mul3A_3036 : vector<16xi32>
    %and3A_3038 = arith.constant 7 : i32
    %and3A_3039 = vector.broadcast %and3A_3038 : i32 to vector<16xi32>
    %and3A_3040 = arith.andi %get3A_3022, %and3A_3039 : vector<16xi32>
    %mul3A_3041 = arith.constant 128 : i32
    %mul3A_3042 = vector.broadcast %mul3A_3041 : i32 to vector<16xi32>
    %mul3A_3043 = arith.muli %and3A_3040, %mul3A_3042 : vector<16xi32>
    %add3A_3044 = arith.addi %add3A_3037, %mul3A_3043 : vector<16xi32>
    %and3A_3045 = arith.constant 127 : i32
    %and3A_3046 = vector.broadcast %and3A_3045 : i32 to vector<16xi32>
    %and3A_3047 = arith.andi %get3A_3024, %and3A_3046 : vector<16xi32>
    %add3A_3048 = arith.addi %add3A_3044, %and3A_3047 : vector<16xi32>
    %add3A_3049 = vector.broadcast %mul3A_32 : i32 to vector<16xi32>
    %add3A_3050 = arith.addi %add3A_3048, %add3A_3049 : vector<16xi32>
    %swap3A_3051 = arith.index_cast %mul3A_3020 : i32 to index
    %swap3A_3052 = tpu.vector_load %arg10[%swap3A_3051] {strides = array<i32>} : memref<1024xi32, #tpu.memory_space<vmem>>, vector<16xi32>,
    tpu.vector_store %arg10[%swap3A_3051], %add3A_3050 {strides = array<i32>} : memref<1024xi32, #tpu.memory_space<vmem>>, vector<16xi32>,
    %get3A_3053 = arith.index_cast %mul3A_3020 : i32 to index
    %get3A_3054 = tpu.vector_load %arg8[%get3A_3053] {strides = array<i32>} : memref<1024xi32, #tpu.memory_space<vmem>>, vector<16xi32>,
    %get3A_3055 = arith.index_cast %mul3A_3020 : i32 to index
    %get3A_3056 = tpu.vector_load %arg9[%get3A_3055] {strides = array<i32>} : memref<1024xi32, #tpu.memory_space<vmem>>, vector<16xi32>,
    %shift_right_arithmetic3A_3057 = arith.constant 3 : i32
    %shift_right_arithmetic3A_3058 = vector.broadcast %shift_right_arithmetic3A_3057 : i32 to vector<16xi32>
    %shift_right_arithmetic3A_3059 = arith.shrsi %get3A_3054, %shift_right_arithmetic3A_3058 : vector<16xi32>
    %mul3A_3060 = arith.constant 3072 : i32
    %mul3A_3061 = vector.broadcast %mul3A_3060 : i32 to vector<16xi32>
    %mul3A_3062 = arith.muli %shift_right_arithmetic3A_3059, %mul3A_3061 : vector<16xi32>
    %shift_right_arithmetic3A_3063 = arith.constant 7 : i32
    %shift_right_arithmetic3A_3064 = vector.broadcast %shift_right_arithmetic3A_3063 : i32 to vector<16xi32>
    %shift_right_arithmetic3A_3065 = arith.shrsi %get3A_3056, %shift_right_arithmetic3A_3064 : vector<16xi32>
    %mul3A_3066 = arith.constant 1024 : i32
    %mul3A_3067 = vector.broadcast %mul3A_3066 : i32 to vector<16xi32>
    %mul3A_3068 = arith.muli %shift_right_arithmetic3A_3065, %mul3A_3067 : vector<16xi32>
    %add3A_3069 = arith.addi %mul3A_3062, %mul3A_3068 : vector<16xi32>
    %and3A_3070 = arith.constant 7 : i32
    %and3A_3071 = vector.broadcast %and3A_3070 : i32 to vector<16xi32>
    %and3A_3072 = arith.andi %get3A_3054, %and3A_3071 : vector<16xi32>
    %mul3A_3073 = arith.constant 128 : i32
    %mul3A_3074 = vector.broadcast %mul3A_3073 : i32 to vector<16xi32>
    %mul3A_3075 = arith.muli %and3A_3072, %mul3A_3074 : vector<16xi32>
    %add3A_3076 = arith.addi %add3A_3069, %mul3A_3075 : vector<16xi32>
    %and3A_3077 = arith.constant 127 : i32
    %and3A_3078 = vector.broadcast %and3A_3077 : i32 to vector<16xi32>
    %and3A_3079 = arith.andi %get3A_3056, %and3A_3078 : vector<16xi32>
    %add3A_3080 = arith.addi %add3A_3076, %and3A_3079 : vector<16xi32>
    %add3A_3081 = vector.broadcast %mul3A_32 : i32 to vector<16xi32>
    %add3A_3082 = arith.addi %add3A_3080, %add3A_3081 : vector<16xi32>
    %swap3A_3083 = arith.index_cast %mul3A_3020 : i32 to index
    %swap3A_3084 = tpu.vector_load %arg11[%swap3A_3083] {strides = array<i32>} : memref<1024xi32, #tpu.memory_space<vmem>>, vector<16xi32>,
    tpu.vector_store %arg11[%swap3A_3083], %add3A_3082 {strides = array<i32>} : memref<1024xi32, #tpu.memory_space<vmem>>, vector<16xi32>,
    %scan3A_3085 = arith.constant 45 : i32
    %mul3A_3086 = arith.constant 16 : i32
    %mul3A_3087 = arith.muli %scan3A_3085, %mul3A_3086 : i32
    %get3A_3088 = arith.index_cast %mul3A_3087 : i32 to index
    %get3A_3089 = tpu.vector_load %arg6[%get3A_3088] {strides = array<i32>} : memref<1024xi32, #tpu.memory_space<vmem>>, vector<16xi32>,
    %get3A_3090 = arith.index_cast %mul3A_3087 : i32 to index
    %get3A_3091 = tpu.vector_load %arg7[%get3A_3090] {strides = array<i32>} : memref<1024xi32, #tpu.memory_space<vmem>>, vector<16xi32>,
    %shift_right_arithmetic3A_3092 = arith.constant 3 : i32
    %shift_right_arithmetic3A_3093 = vector.broadcast %shift_right_arithmetic3A_3092 : i32 to vector<16xi32>
    %shift_right_arithmetic3A_3094 = arith.shrsi %get3A_3089, %shift_right_arithmetic3A_3093 : vector<16xi32>
    %mul3A_3095 = arith.constant 3072 : i32
    %mul3A_3096 = vector.broadcast %mul3A_3095 : i32 to vector<16xi32>
    %mul3A_3097 = arith.muli %shift_right_arithmetic3A_3094, %mul3A_3096 : vector<16xi32>
    %shift_right_arithmetic3A_3098 = arith.constant 7 : i32
    %shift_right_arithmetic3A_3099 = vector.broadcast %shift_right_arithmetic3A_3098 : i32 to vector<16xi32>
    %shift_right_arithmetic3A_3100 = arith.shrsi %get3A_3091, %shift_right_arithmetic3A_3099 : vector<16xi32>
    %mul3A_3101 = arith.constant 1024 : i32
    %mul3A_3102 = vector.broadcast %mul3A_3101 : i32 to vector<16xi32>
    %mul3A_3103 = arith.muli %shift_right_arithmetic3A_3100, %mul3A_3102 : vector<16xi32>
    %add3A_3104 = arith.addi %mul3A_3097, %mul3A_3103 : vector<16xi32>
    %and3A_3105 = arith.constant 7 : i32
    %and3A_3106 = vector.broadcast %and3A_3105 : i32 to vector<16xi32>
    %and3A_3107 = arith.andi %get3A_3089, %and3A_3106 : vector<16xi32>
    %mul3A_3108 = arith.constant 128 : i32
    %mul3A_3109 = vector.broadcast %mul3A_3108 : i32 to vector<16xi32>
    %mul3A_3110 = arith.muli %and3A_3107, %mul3A_3109 : vector<16xi32>
    %add3A_3111 = arith.addi %add3A_3104, %mul3A_3110 : vector<16xi32>
    %and3A_3112 = arith.constant 127 : i32
    %and3A_3113 = vector.broadcast %and3A_3112 : i32 to vector<16xi32>
    %and3A_3114 = arith.andi %get3A_3091, %and3A_3113 : vector<16xi32>
    %add3A_3115 = arith.addi %add3A_3111, %and3A_3114 : vector<16xi32>
    %add3A_3116 = vector.broadcast %mul3A_32 : i32 to vector<16xi32>
    %add3A_3117 = arith.addi %add3A_3115, %add3A_3116 : vector<16xi32>
    %swap3A_3118 = arith.index_cast %mul3A_3087 : i32 to index
    %swap3A_3119 = tpu.vector_load %arg10[%swap3A_3118] {strides = array<i32>} : memref<1024xi32, #tpu.memory_space<vmem>>, vector<16xi32>,
    tpu.vector_store %arg10[%swap3A_3118], %add3A_3117 {strides = array<i32>} : memref<1024xi32, #tpu.memory_space<vmem>>, vector<16xi32>,
    %get3A_3120 = arith.index_cast %mul3A_3087 : i32 to index
    %get3A_3121 = tpu.vector_load %arg8[%get3A_3120] {strides = array<i32>} : memref<1024xi32, #tpu.memory_space<vmem>>, vector<16xi32>,
    %get3A_3122 = arith.index_cast %mul3A_3087 : i32 to index
    %get3A_3123 = tpu.vector_load %arg9[%get3A_3122] {strides = array<i32>} : memref<1024xi32, #tpu.memory_space<vmem>>, vector<16xi32>,
    %shift_right_arithmetic3A_3124 = arith.constant 3 : i32
    %shift_right_arithmetic3A_3125 = vector.broadcast %shift_right_arithmetic3A_3124 : i32 to vector<16xi32>
    %shift_right_arithmetic3A_3126 = arith.shrsi %get3A_3121, %shift_right_arithmetic3A_3125 : vector<16xi32>
    %mul3A_3127 = arith.constant 3072 : i32
    %mul3A_3128 = vector.broadcast %mul3A_3127 : i32 to vector<16xi32>
    %mul3A_3129 = arith.muli %shift_right_arithmetic3A_3126, %mul3A_3128 : vector<16xi32>
    %shift_right_arithmetic3A_3130 = arith.constant 7 : i32
    %shift_right_arithmetic3A_3131 = vector.broadcast %shift_right_arithmetic3A_3130 : i32 to vector<16xi32>
    %shift_right_arithmetic3A_3132 = arith.shrsi %get3A_3123, %shift_right_arithmetic3A_3131 : vector<16xi32>
    %mul3A_3133 = arith.constant 1024 : i32
    %mul3A_3134 = vector.broadcast %mul3A_3133 : i32 to vector<16xi32>
    %mul3A_3135 = arith.muli %shift_right_arithmetic3A_3132, %mul3A_3134 : vector<16xi32>
    %add3A_3136 = arith.addi %mul3A_3129, %mul3A_3135 : vector<16xi32>
    %and3A_3137 = arith.constant 7 : i32
    %and3A_3138 = vector.broadcast %and3A_3137 : i32 to vector<16xi32>
    %and3A_3139 = arith.andi %get3A_3121, %and3A_3138 : vector<16xi32>
    %mul3A_3140 = arith.constant 128 : i32
    %mul3A_3141 = vector.broadcast %mul3A_3140 : i32 to vector<16xi32>
    %mul3A_3142 = arith.muli %and3A_3139, %mul3A_3141 : vector<16xi32>
    %add3A_3143 = arith.addi %add3A_3136, %mul3A_3142 : vector<16xi32>
    %and3A_3144 = arith.constant 127 : i32
    %and3A_3145 = vector.broadcast %and3A_3144 : i32 to vector<16xi32>
    %and3A_3146 = arith.andi %get3A_3123, %and3A_3145 : vector<16xi32>
    %add3A_3147 = arith.addi %add3A_3143, %and3A_3146 : vector<16xi32>
    %add3A_3148 = vector.broadcast %mul3A_32 : i32 to vector<16xi32>
    %add3A_3149 = arith.addi %add3A_3147, %add3A_3148 : vector<16xi32>
    %swap3A_3150 = arith.index_cast %mul3A_3087 : i32 to index
    %swap3A_3151 = tpu.vector_load %arg11[%swap3A_3150] {strides = array<i32>} : memref<1024xi32, #tpu.memory_space<vmem>>, vector<16xi32>,
    tpu.vector_store %arg11[%swap3A_3150], %add3A_3149 {strides = array<i32>} : memref<1024xi32, #tpu.memory_space<vmem>>, vector<16xi32>,
    %scan3A_3152 = arith.constant 46 : i32
    %mul3A_3153 = arith.constant 16 : i32
    %mul3A_3154 = arith.muli %scan3A_3152, %mul3A_3153 : i32
    %get3A_3155 = arith.index_cast %mul3A_3154 : i32 to index
    %get3A_3156 = tpu.vector_load %arg6[%get3A_3155] {strides = array<i32>} : memref<1024xi32, #tpu.memory_space<vmem>>, vector<16xi32>,
    %get3A_3157 = arith.index_cast %mul3A_3154 : i32 to index
    %get3A_3158 = tpu.vector_load %arg7[%get3A_3157] {strides = array<i32>} : memref<1024xi32, #tpu.memory_space<vmem>>, vector<16xi32>,
    %shift_right_arithmetic3A_3159 = arith.constant 3 : i32
    %shift_right_arithmetic3A_3160 = vector.broadcast %shift_right_arithmetic3A_3159 : i32 to vector<16xi32>
    %shift_right_arithmetic3A_3161 = arith.shrsi %get3A_3156, %shift_right_arithmetic3A_3160 : vector<16xi32>
    %mul3A_3162 = arith.constant 3072 : i32
    %mul3A_3163 = vector.broadcast %mul3A_3162 : i32 to vector<16xi32>
    %mul3A_3164 = arith.muli %shift_right_arithmetic3A_3161, %mul3A_3163 : vector<16xi32>
    %shift_right_arithmetic3A_3165 = arith.constant 7 : i32
    %shift_right_arithmetic3A_3166 = vector.broadcast %shift_right_arithmetic3A_3165 : i32 to vector<16xi32>
    %shift_right_arithmetic3A_3167 = arith.shrsi %get3A_3158, %shift_right_arithmetic3A_3166 : vector<16xi32>
    %mul3A_3168 = arith.constant 1024 : i32
    %mul3A_3169 = vector.broadcast %mul3A_3168 : i32 to vector<16xi32>
    %mul3A_3170 = arith.muli %shift_right_arithmetic3A_3167, %mul3A_3169 : vector<16xi32>
    %add3A_3171 = arith.addi %mul3A_3164, %mul3A_3170 : vector<16xi32>
    %and3A_3172 = arith.constant 7 : i32
    %and3A_3173 = vector.broadcast %and3A_3172 : i32 to vector<16xi32>
    %and3A_3174 = arith.andi %get3A_3156, %and3A_3173 : vector<16xi32>
    %mul3A_3175 = arith.constant 128 : i32
    %mul3A_3176 = vector.broadcast %mul3A_3175 : i32 to vector<16xi32>
    %mul3A_3177 = arith.muli %and3A_3174, %mul3A_3176 : vector<16xi32>
    %add3A_3178 = arith.addi %add3A_3171, %mul3A_3177 : vector<16xi32>
    %and3A_3179 = arith.constant 127 : i32
    %and3A_3180 = vector.broadcast %and3A_3179 : i32 to vector<16xi32>
    %and3A_3181 = arith.andi %get3A_3158, %and3A_3180 : vector<16xi32>
    %add3A_3182 = arith.addi %add3A_3178, %and3A_3181 : vector<16xi32>
    %add3A_3183 = vector.broadcast %mul3A_32 : i32 to vector<16xi32>
    %add3A_3184 = arith.addi %add3A_3182, %add3A_3183 : vector<16xi32>
    %swap3A_3185 = arith.index_cast %mul3A_3154 : i32 to index
    %swap3A_3186 = tpu.vector_load %arg10[%swap3A_3185] {strides = array<i32>} : memref<1024xi32, #tpu.memory_space<vmem>>, vector<16xi32>,
    tpu.vector_store %arg10[%swap3A_3185], %add3A_3184 {strides = array<i32>} : memref<1024xi32, #tpu.memory_space<vmem>>, vector<16xi32>,
    %get3A_3187 = arith.index_cast %mul3A_3154 : i32 to index
    %get3A_3188 = tpu.vector_load %arg8[%get3A_3187] {strides = array<i32>} : memref<1024xi32, #tpu.memory_space<vmem>>, vector<16xi32>,
    %get3A_3189 = arith.index_cast %mul3A_3154 : i32 to index
    %get3A_3190 = tpu.vector_load %arg9[%get3A_3189] {strides = array<i32>} : memref<1024xi32, #tpu.memory_space<vmem>>, vector<16xi32>,
    %shift_right_arithmetic3A_3191 = arith.constant 3 : i32
    %shift_right_arithmetic3A_3192 = vector.broadcast %shift_right_arithmetic3A_3191 : i32 to vector<16xi32>
    %shift_right_arithmetic3A_3193 = arith.shrsi %get3A_3188, %shift_right_arithmetic3A_3192 : vector<16xi32>
    %mul3A_3194 = arith.constant 3072 : i32
    %mul3A_3195 = vector.broadcast %mul3A_3194 : i32 to vector<16xi32>
    %mul3A_3196 = arith.muli %shift_right_arithmetic3A_3193, %mul3A_3195 : vector<16xi32>
    %shift_right_arithmetic3A_3197 = arith.constant 7 : i32
    %shift_right_arithmetic3A_3198 = vector.broadcast %shift_right_arithmetic3A_3197 : i32 to vector<16xi32>
    %shift_right_arithmetic3A_3199 = arith.shrsi %get3A_3190, %shift_right_arithmetic3A_3198 : vector<16xi32>
    %mul3A_3200 = arith.constant 1024 : i32
    %mul3A_3201 = vector.broadcast %mul3A_3200 : i32 to vector<16xi32>
    %mul3A_3202 = arith.muli %shift_right_arithmetic3A_3199, %mul3A_3201 : vector<16xi32>
    %add3A_3203 = arith.addi %mul3A_3196, %mul3A_3202 : vector<16xi32>
    %and3A_3204 = arith.constant 7 : i32
    %and3A_3205 = vector.broadcast %and3A_3204 : i32 to vector<16xi32>
    %and3A_3206 = arith.andi %get3A_3188, %and3A_3205 : vector<16xi32>
    %mul3A_3207 = arith.constant 128 : i32
    %mul3A_3208 = vector.broadcast %mul3A_3207 : i32 to vector<16xi32>
    %mul3A_3209 = arith.muli %and3A_3206, %mul3A_3208 : vector<16xi32>
    %add3A_3210 = arith.addi %add3A_3203, %mul3A_3209 : vector<16xi32>
    %and3A_3211 = arith.constant 127 : i32
    %and3A_3212 = vector.broadcast %and3A_3211 : i32 to vector<16xi32>
    %and3A_3213 = arith.andi %get3A_3190, %and3A_3212 : vector<16xi32>
    %add3A_3214 = arith.addi %add3A_3210, %and3A_3213 : vector<16xi32>
    %add3A_3215 = vector.broadcast %mul3A_32 : i32 to vector<16xi32>
    %add3A_3216 = arith.addi %add3A_3214, %add3A_3215 : vector<16xi32>
    %swap3A_3217 = arith.index_cast %mul3A_3154 : i32 to index
    %swap3A_3218 = tpu.vector_load %arg11[%swap3A_3217] {strides = array<i32>} : memref<1024xi32, #tpu.memory_space<vmem>>, vector<16xi32>,
    tpu.vector_store %arg11[%swap3A_3217], %add3A_3216 {strides = array<i32>} : memref<1024xi32, #tpu.memory_space<vmem>>, vector<16xi32>,
    %scan3A_3219 = arith.constant 47 : i32
    %mul3A_3220 = arith.constant 16 : i32
    %mul3A_3221 = arith.muli %scan3A_3219, %mul3A_3220 : i32
    %get3A_3222 = arith.index_cast %mul3A_3221 : i32 to index
    %get3A_3223 = tpu.vector_load %arg6[%get3A_3222] {strides = array<i32>} : memref<1024xi32, #tpu.memory_space<vmem>>, vector<16xi32>,
    %get3A_3224 = arith.index_cast %mul3A_3221 : i32 to index
    %get3A_3225 = tpu.vector_load %arg7[%get3A_3224] {strides = array<i32>} : memref<1024xi32, #tpu.memory_space<vmem>>, vector<16xi32>,
    %shift_right_arithmetic3A_3226 = arith.constant 3 : i32
    %shift_right_arithmetic3A_3227 = vector.broadcast %shift_right_arithmetic3A_3226 : i32 to vector<16xi32>
    %shift_right_arithmetic3A_3228 = arith.shrsi %get3A_3223, %shift_right_arithmetic3A_3227 : vector<16xi32>
    %mul3A_3229 = arith.constant 3072 : i32
    %mul3A_3230 = vector.broadcast %mul3A_3229 : i32 to vector<16xi32>
    %mul3A_3231 = arith.muli %shift_right_arithmetic3A_3228, %mul3A_3230 : vector<16xi32>
    %shift_right_arithmetic3A_3232 = arith.constant 7 : i32
    %shift_right_arithmetic3A_3233 = vector.broadcast %shift_right_arithmetic3A_3232 : i32 to vector<16xi32>
    %shift_right_arithmetic3A_3234 = arith.shrsi %get3A_3225, %shift_right_arithmetic3A_3233 : vector<16xi32>
    %mul3A_3235 = arith.constant 1024 : i32
    %mul3A_3236 = vector.broadcast %mul3A_3235 : i32 to vector<16xi32>
    %mul3A_3237 = arith.muli %shift_right_arithmetic3A_3234, %mul3A_3236 : vector<16xi32>
    %add3A_3238 = arith.addi %mul3A_3231, %mul3A_3237 : vector<16xi32>
    %and3A_3239 = arith.constant 7 : i32
    %and3A_3240 = vector.broadcast %and3A_3239 : i32 to vector<16xi32>
    %and3A_3241 = arith.andi %get3A_3223, %and3A_3240 : vector<16xi32>
    %mul3A_3242 = arith.constant 128 : i32
    %mul3A_3243 = vector.broadcast %mul3A_3242 : i32 to vector<16xi32>
    %mul3A_3244 = arith.muli %and3A_3241, %mul3A_3243 : vector<16xi32>
    %add3A_3245 = arith.addi %add3A_3238, %mul3A_3244 : vector<16xi32>
    %and3A_3246 = arith.constant 127 : i32
    %and3A_3247 = vector.broadcast %and3A_3246 : i32 to vector<16xi32>
    %and3A_3248 = arith.andi %get3A_3225, %and3A_3247 : vector<16xi32>
    %add3A_3249 = arith.addi %add3A_3245, %and3A_3248 : vector<16xi32>
    %add3A_3250 = vector.broadcast %mul3A_32 : i32 to vector<16xi32>
    %add3A_3251 = arith.addi %add3A_3249, %add3A_3250 : vector<16xi32>
    %swap3A_3252 = arith.index_cast %mul3A_3221 : i32 to index
    %swap3A_3253 = tpu.vector_load %arg10[%swap3A_3252] {strides = array<i32>} : memref<1024xi32, #tpu.memory_space<vmem>>, vector<16xi32>,
    tpu.vector_store %arg10[%swap3A_3252], %add3A_3251 {strides = array<i32>} : memref<1024xi32, #tpu.memory_space<vmem>>, vector<16xi32>,
    %get3A_3254 = arith.index_cast %mul3A_3221 : i32 to index
    %get3A_3255 = tpu.vector_load %arg8[%get3A_3254] {strides = array<i32>} : memref<1024xi32, #tpu.memory_space<vmem>>, vector<16xi32>,
    %get3A_3256 = arith.index_cast %mul3A_3221 : i32 to index
    %get3A_3257 = tpu.vector_load %arg9[%get3A_3256] {strides = array<i32>} : memref<1024xi32, #tpu.memory_space<vmem>>, vector<16xi32>,
    %shift_right_arithmetic3A_3258 = arith.constant 3 : i32
    %shift_right_arithmetic3A_3259 = vector.broadcast %shift_right_arithmetic3A_3258 : i32 to vector<16xi32>
    %shift_right_arithmetic3A_3260 = arith.shrsi %get3A_3255, %shift_right_arithmetic3A_3259 : vector<16xi32>
    %mul3A_3261 = arith.constant 3072 : i32
    %mul3A_3262 = vector.broadcast %mul3A_3261 : i32 to vector<16xi32>
    %mul3A_3263 = arith.muli %shift_right_arithmetic3A_3260, %mul3A_3262 : vector<16xi32>
    %shift_right_arithmetic3A_3264 = arith.constant 7 : i32
    %shift_right_arithmetic3A_3265 = vector.broadcast %shift_right_arithmetic3A_3264 : i32 to vector<16xi32>
    %shift_right_arithmetic3A_3266 = arith.shrsi %get3A_3257, %shift_right_arithmetic3A_3265 : vector<16xi32>
    %mul3A_3267 = arith.constant 1024 : i32
    %mul3A_3268 = vector.broadcast %mul3A_3267 : i32 to vector<16xi32>
    %mul3A_3269 = arith.muli %shift_right_arithmetic3A_3266, %mul3A_3268 : vector<16xi32>
    %add3A_3270 = arith.addi %mul3A_3263, %mul3A_3269 : vector<16xi32>
    %and3A_3271 = arith.constant 7 : i32
    %and3A_3272 = vector.broadcast %and3A_3271 : i32 to vector<16xi32>
    %and3A_3273 = arith.andi %get3A_3255, %and3A_3272 : vector<16xi32>
    %mul3A_3274 = arith.constant 128 : i32
    %mul3A_3275 = vector.broadcast %mul3A_3274 : i32 to vector<16xi32>
    %mul3A_3276 = arith.muli %and3A_3273, %mul3A_3275 : vector<16xi32>
    %add3A_3277 = arith.addi %add3A_3270, %mul3A_3276 : vector<16xi32>
    %and3A_3278 = arith.constant 127 : i32
    %and3A_3279 = vector.broadcast %and3A_3278 : i32 to vector<16xi32>
    %and3A_3280 = arith.andi %get3A_3257, %and3A_3279 : vector<16xi32>
    %add3A_3281 = arith.addi %add3A_3277, %and3A_3280 : vector<16xi32>
    %add3A_3282 = vector.broadcast %mul3A_32 : i32 to vector<16xi32>
    %add3A_3283 = arith.addi %add3A_3281, %add3A_3282 : vector<16xi32>
    %swap3A_3284 = arith.index_cast %mul3A_3221 : i32 to index
    %swap3A_3285 = tpu.vector_load %arg11[%swap3A_3284] {strides = array<i32>} : memref<1024xi32, #tpu.memory_space<vmem>>, vector<16xi32>,
    tpu.vector_store %arg11[%swap3A_3284], %add3A_3283 {strides = array<i32>} : memref<1024xi32, #tpu.memory_space<vmem>>, vector<16xi32>,
    %scan3A_3286 = arith.constant 48 : i32
    %mul3A_3287 = arith.constant 16 : i32
    %mul3A_3288 = arith.muli %scan3A_3286, %mul3A_3287 : i32
    %get3A_3289 = arith.index_cast %mul3A_3288 : i32 to index
    %get3A_3290 = tpu.vector_load %arg6[%get3A_3289] {strides = array<i32>} : memref<1024xi32, #tpu.memory_space<vmem>>, vector<16xi32>,
    %get3A_3291 = arith.index_cast %mul3A_3288 : i32 to index
    %get3A_3292 = tpu.vector_load %arg7[%get3A_3291] {strides = array<i32>} : memref<1024xi32, #tpu.memory_space<vmem>>, vector<16xi32>,
    %shift_right_arithmetic3A_3293 = arith.constant 3 : i32
    %shift_right_arithmetic3A_3294 = vector.broadcast %shift_right_arithmetic3A_3293 : i32 to vector<16xi32>
    %shift_right_arithmetic3A_3295 = arith.shrsi %get3A_3290, %shift_right_arithmetic3A_3294 : vector<16xi32>
    %mul3A_3296 = arith.constant 3072 : i32
    %mul3A_3297 = vector.broadcast %mul3A_3296 : i32 to vector<16xi32>
    %mul3A_3298 = arith.muli %shift_right_arithmetic3A_3295, %mul3A_3297 : vector<16xi32>
    %shift_right_arithmetic3A_3299 = arith.constant 7 : i32
    %shift_right_arithmetic3A_3300 = vector.broadcast %shift_right_arithmetic3A_3299 : i32 to vector<16xi32>
    %shift_right_arithmetic3A_3301 = arith.shrsi %get3A_3292, %shift_right_arithmetic3A_3300 : vector<16xi32>
    %mul3A_3302 = arith.constant 1024 : i32
    %mul3A_3303 = vector.broadcast %mul3A_3302 : i32 to vector<16xi32>
    %mul3A_3304 = arith.muli %shift_right_arithmetic3A_3301, %mul3A_3303 : vector<16xi32>
    %add3A_3305 = arith.addi %mul3A_3298, %mul3A_3304 : vector<16xi32>
    %and3A_3306 = arith.constant 7 : i32
    %and3A_3307 = vector.broadcast %and3A_3306 : i32 to vector<16xi32>
    %and3A_3308 = arith.andi %get3A_3290, %and3A_3307 : vector<16xi32>
    %mul3A_3309 = arith.constant 128 : i32
    %mul3A_3310 = vector.broadcast %mul3A_3309 : i32 to vector<16xi32>
    %mul3A_3311 = arith.muli %and3A_3308, %mul3A_3310 : vector<16xi32>
    %add3A_3312 = arith.addi %add3A_3305, %mul3A_3311 : vector<16xi32>
    %and3A_3313 = arith.constant 127 : i32
    %and3A_3314 = vector.broadcast %and3A_3313 : i32 to vector<16xi32>
    %and3A_3315 = arith.andi %get3A_3292, %and3A_3314 : vector<16xi32>
    %add3A_3316 = arith.addi %add3A_3312, %and3A_3315 : vector<16xi32>
    %add3A_3317 = vector.broadcast %mul3A_32 : i32 to vector<16xi32>
    %add3A_3318 = arith.addi %add3A_3316, %add3A_3317 : vector<16xi32>
    %swap3A_3319 = arith.index_cast %mul3A_3288 : i32 to index
    %swap3A_3320 = tpu.vector_load %arg10[%swap3A_3319] {strides = array<i32>} : memref<1024xi32, #tpu.memory_space<vmem>>, vector<16xi32>,
    tpu.vector_store %arg10[%swap3A_3319], %add3A_3318 {strides = array<i32>} : memref<1024xi32, #tpu.memory_space<vmem>>, vector<16xi32>,
    %get3A_3321 = arith.index_cast %mul3A_3288 : i32 to index
    %get3A_3322 = tpu.vector_load %arg8[%get3A_3321] {strides = array<i32>} : memref<1024xi32, #tpu.memory_space<vmem>>, vector<16xi32>,
    %get3A_3323 = arith.index_cast %mul3A_3288 : i32 to index
    %get3A_3324 = tpu.vector_load %arg9[%get3A_3323] {strides = array<i32>} : memref<1024xi32, #tpu.memory_space<vmem>>, vector<16xi32>,
    %shift_right_arithmetic3A_3325 = arith.constant 3 : i32
    %shift_right_arithmetic3A_3326 = vector.broadcast %shift_right_arithmetic3A_3325 : i32 to vector<16xi32>
    %shift_right_arithmetic3A_3327 = arith.shrsi %get3A_3322, %shift_right_arithmetic3A_3326 : vector<16xi32>
    %mul3A_3328 = arith.constant 3072 : i32
    %mul3A_3329 = vector.broadcast %mul3A_3328 : i32 to vector<16xi32>
    %mul3A_3330 = arith.muli %shift_right_arithmetic3A_3327, %mul3A_3329 : vector<16xi32>
    %shift_right_arithmetic3A_3331 = arith.constant 7 : i32
    %shift_right_arithmetic3A_3332 = vector.broadcast %shift_right_arithmetic3A_3331 : i32 to vector<16xi32>
    %shift_right_arithmetic3A_3333 = arith.shrsi %get3A_3324, %shift_right_arithmetic3A_3332 : vector<16xi32>
    %mul3A_3334 = arith.constant 1024 : i32
    %mul3A_3335 = vector.broadcast %mul3A_3334 : i32 to vector<16xi32>
    %mul3A_3336 = arith.muli %shift_right_arithmetic3A_3333, %mul3A_3335 : vector<16xi32>
    %add3A_3337 = arith.addi %mul3A_3330, %mul3A_3336 : vector<16xi32>
    %and3A_3338 = arith.constant 7 : i32
    %and3A_3339 = vector.broadcast %and3A_3338 : i32 to vector<16xi32>
    %and3A_3340 = arith.andi %get3A_3322, %and3A_3339 : vector<16xi32>
    %mul3A_3341 = arith.constant 128 : i32
    %mul3A_3342 = vector.broadcast %mul3A_3341 : i32 to vector<16xi32>
    %mul3A_3343 = arith.muli %and3A_3340, %mul3A_3342 : vector<16xi32>
    %add3A_3344 = arith.addi %add3A_3337, %mul3A_3343 : vector<16xi32>
    %and3A_3345 = arith.constant 127 : i32
    %and3A_3346 = vector.broadcast %and3A_3345 : i32 to vector<16xi32>
    %and3A_3347 = arith.andi %get3A_3324, %and3A_3346 : vector<16xi32>
    %add3A_3348 = arith.addi %add3A_3344, %and3A_3347 : vector<16xi32>
    %add3A_3349 = vector.broadcast %mul3A_32 : i32 to vector<16xi32>
    %add3A_3350 = arith.addi %add3A_3348, %add3A_3349 : vector<16xi32>
    %swap3A_3351 = arith.index_cast %mul3A_3288 : i32 to index
    %swap3A_3352 = tpu.vector_load %arg11[%swap3A_3351] {strides = array<i32>} : memref<1024xi32, #tpu.memory_space<vmem>>, vector<16xi32>,
    tpu.vector_store %arg11[%swap3A_3351], %add3A_3350 {strides = array<i32>} : memref<1024xi32, #tpu.memory_space<vmem>>, vector<16xi32>,
    %scan3A_3353 = arith.constant 49 : i32
    %mul3A_3354 = arith.constant 16 : i32
    %mul3A_3355 = arith.muli %scan3A_3353, %mul3A_3354 : i32
    %get3A_3356 = arith.index_cast %mul3A_3355 : i32 to index
    %get3A_3357 = tpu.vector_load %arg6[%get3A_3356] {strides = array<i32>} : memref<1024xi32, #tpu.memory_space<vmem>>, vector<16xi32>,
    %get3A_3358 = arith.index_cast %mul3A_3355 : i32 to index
    %get3A_3359 = tpu.vector_load %arg7[%get3A_3358] {strides = array<i32>} : memref<1024xi32, #tpu.memory_space<vmem>>, vector<16xi32>,
    %shift_right_arithmetic3A_3360 = arith.constant 3 : i32
    %shift_right_arithmetic3A_3361 = vector.broadcast %shift_right_arithmetic3A_3360 : i32 to vector<16xi32>
    %shift_right_arithmetic3A_3362 = arith.shrsi %get3A_3357, %shift_right_arithmetic3A_3361 : vector<16xi32>
    %mul3A_3363 = arith.constant 3072 : i32
    %mul3A_3364 = vector.broadcast %mul3A_3363 : i32 to vector<16xi32>
    %mul3A_3365 = arith.muli %shift_right_arithmetic3A_3362, %mul3A_3364 : vector<16xi32>
    %shift_right_arithmetic3A_3366 = arith.constant 7 : i32
    %shift_right_arithmetic3A_3367 = vector.broadcast %shift_right_arithmetic3A_3366 : i32 to vector<16xi32>
    %shift_right_arithmetic3A_3368 = arith.shrsi %get3A_3359, %shift_right_arithmetic3A_3367 : vector<16xi32>
    %mul3A_3369 = arith.constant 1024 : i32
    %mul3A_3370 = vector.broadcast %mul3A_3369 : i32 to vector<16xi32>
    %mul3A_3371 = arith.muli %shift_right_arithmetic3A_3368, %mul3A_3370 : vector<16xi32>
    %add3A_3372 = arith.addi %mul3A_3365, %mul3A_3371 : vector<16xi32>
    %and3A_3373 = arith.constant 7 : i32
    %and3A_3374 = vector.broadcast %and3A_3373 : i32 to vector<16xi32>
    %and3A_3375 = arith.andi %get3A_3357, %and3A_3374 : vector<16xi32>
    %mul3A_3376 = arith.constant 128 : i32
    %mul3A_3377 = vector.broadcast %mul3A_3376 : i32 to vector<16xi32>
    %mul3A_3378 = arith.muli %and3A_3375, %mul3A_3377 : vector<16xi32>
    %add3A_3379 = arith.addi %add3A_3372, %mul3A_3378 : vector<16xi32>
    %and3A_3380 = arith.constant 127 : i32
    %and3A_3381 = vector.broadcast %and3A_3380 : i32 to vector<16xi32>
    %and3A_3382 = arith.andi %get3A_3359, %and3A_3381 : vector<16xi32>
    %add3A_3383 = arith.addi %add3A_3379, %and3A_3382 : vector<16xi32>
    %add3A_3384 = vector.broadcast %mul3A_32 : i32 to vector<16xi32>
    %add3A_3385 = arith.addi %add3A_3383, %add3A_3384 : vector<16xi32>
    %swap3A_3386 = arith.index_cast %mul3A_3355 : i32 to index
    %swap3A_3387 = tpu.vector_load %arg10[%swap3A_3386] {strides = array<i32>} : memref<1024xi32, #tpu.memory_space<vmem>>, vector<16xi32>,
    tpu.vector_store %arg10[%swap3A_3386], %add3A_3385 {strides = array<i32>} : memref<1024xi32, #tpu.memory_space<vmem>>, vector<16xi32>,
    %get3A_3388 = arith.index_cast %mul3A_3355 : i32 to index
    %get3A_3389 = tpu.vector_load %arg8[%get3A_3388] {strides = array<i32>} : memref<1024xi32, #tpu.memory_space<vmem>>, vector<16xi32>,
    %get3A_3390 = arith.index_cast %mul3A_3355 : i32 to index
    %get3A_3391 = tpu.vector_load %arg9[%get3A_3390] {strides = array<i32>} : memref<1024xi32, #tpu.memory_space<vmem>>, vector<16xi32>,
    %shift_right_arithmetic3A_3392 = arith.constant 3 : i32
    %shift_right_arithmetic3A_3393 = vector.broadcast %shift_right_arithmetic3A_3392 : i32 to vector<16xi32>
    %shift_right_arithmetic3A_3394 = arith.shrsi %get3A_3389, %shift_right_arithmetic3A_3393 : vector<16xi32>
    %mul3A_3395 = arith.constant 3072 : i32
    %mul3A_3396 = vector.broadcast %mul3A_3395 : i32 to vector<16xi32>
    %mul3A_3397 = arith.muli %shift_right_arithmetic3A_3394, %mul3A_3396 : vector<16xi32>
    %shift_right_arithmetic3A_3398 = arith.constant 7 : i32
    %shift_right_arithmetic3A_3399 = vector.broadcast %shift_right_arithmetic3A_3398 : i32 to vector<16xi32>
    %shift_right_arithmetic3A_3400 = arith.shrsi %get3A_3391, %shift_right_arithmetic3A_3399 : vector<16xi32>
    %mul3A_3401 = arith.constant 1024 : i32
    %mul3A_3402 = vector.broadcast %mul3A_3401 : i32 to vector<16xi32>
    %mul3A_3403 = arith.muli %shift_right_arithmetic3A_3400, %mul3A_3402 : vector<16xi32>
    %add3A_3404 = arith.addi %mul3A_3397, %mul3A_3403 : vector<16xi32>
    %and3A_3405 = arith.constant 7 : i32
    %and3A_3406 = vector.broadcast %and3A_3405 : i32 to vector<16xi32>
    %and3A_3407 = arith.andi %get3A_3389, %and3A_3406 : vector<16xi32>
    %mul3A_3408 = arith.constant 128 : i32
    %mul3A_3409 = vector.broadcast %mul3A_3408 : i32 to vector<16xi32>
    %mul3A_3410 = arith.muli %and3A_3407, %mul3A_3409 : vector<16xi32>
    %add3A_3411 = arith.addi %add3A_3404, %mul3A_3410 : vector<16xi32>
    %and3A_3412 = arith.constant 127 : i32
    %and3A_3413 = vector.broadcast %and3A_3412 : i32 to vector<16xi32>
    %and3A_3414 = arith.andi %get3A_3391, %and3A_3413 : vector<16xi32>
    %add3A_3415 = arith.addi %add3A_3411, %and3A_3414 : vector<16xi32>
    %add3A_3416 = vector.broadcast %mul3A_32 : i32 to vector<16xi32>
    %add3A_3417 = arith.addi %add3A_3415, %add3A_3416 : vector<16xi32>
    %swap3A_3418 = arith.index_cast %mul3A_3355 : i32 to index
    %swap3A_3419 = tpu.vector_load %arg11[%swap3A_3418] {strides = array<i32>} : memref<1024xi32, #tpu.memory_space<vmem>>, vector<16xi32>,
    tpu.vector_store %arg11[%swap3A_3418], %add3A_3417 {strides = array<i32>} : memref<1024xi32, #tpu.memory_space<vmem>>, vector<16xi32>,
    %scan3A_3420 = arith.constant 50 : i32
    %mul3A_3421 = arith.constant 16 : i32
    %mul3A_3422 = arith.muli %scan3A_3420, %mul3A_3421 : i32
    %get3A_3423 = arith.index_cast %mul3A_3422 : i32 to index
    %get3A_3424 = tpu.vector_load %arg6[%get3A_3423] {strides = array<i32>} : memref<1024xi32, #tpu.memory_space<vmem>>, vector<16xi32>,
    %get3A_3425 = arith.index_cast %mul3A_3422 : i32 to index
    %get3A_3426 = tpu.vector_load %arg7[%get3A_3425] {strides = array<i32>} : memref<1024xi32, #tpu.memory_space<vmem>>, vector<16xi32>,
    %shift_right_arithmetic3A_3427 = arith.constant 3 : i32
    %shift_right_arithmetic3A_3428 = vector.broadcast %shift_right_arithmetic3A_3427 : i32 to vector<16xi32>
    %shift_right_arithmetic3A_3429 = arith.shrsi %get3A_3424, %shift_right_arithmetic3A_3428 : vector<16xi32>
    %mul3A_3430 = arith.constant 3072 : i32
    %mul3A_3431 = vector.broadcast %mul3A_3430 : i32 to vector<16xi32>
    %mul3A_3432 = arith.muli %shift_right_arithmetic3A_3429, %mul3A_3431 : vector<16xi32>
    %shift_right_arithmetic3A_3433 = arith.constant 7 : i32
    %shift_right_arithmetic3A_3434 = vector.broadcast %shift_right_arithmetic3A_3433 : i32 to vector<16xi32>
    %shift_right_arithmetic3A_3435 = arith.shrsi %get3A_3426, %shift_right_arithmetic3A_3434 : vector<16xi32>
    %mul3A_3436 = arith.constant 1024 : i32
    %mul3A_3437 = vector.broadcast %mul3A_3436 : i32 to vector<16xi32>
    %mul3A_3438 = arith.muli %shift_right_arithmetic3A_3435, %mul3A_3437 : vector<16xi32>
    %add3A_3439 = arith.addi %mul3A_3432, %mul3A_3438 : vector<16xi32>
    %and3A_3440 = arith.constant 7 : i32
    %and3A_3441 = vector.broadcast %and3A_3440 : i32 to vector<16xi32>
    %and3A_3442 = arith.andi %get3A_3424, %and3A_3441 : vector<16xi32>
    %mul3A_3443 = arith.constant 128 : i32
    %mul3A_3444 = vector.broadcast %mul3A_3443 : i32 to vector<16xi32>
    %mul3A_3445 = arith.muli %and3A_3442, %mul3A_3444 : vector<16xi32>
    %add3A_3446 = arith.addi %add3A_3439, %mul3A_3445 : vector<16xi32>
    %and3A_3447 = arith.constant 127 : i32
    %and3A_3448 = vector.broadcast %and3A_3447 : i32 to vector<16xi32>
    %and3A_3449 = arith.andi %get3A_3426, %and3A_3448 : vector<16xi32>
    %add3A_3450 = arith.addi %add3A_3446, %and3A_3449 : vector<16xi32>
    %add3A_3451 = vector.broadcast %mul3A_32 : i32 to vector<16xi32>
    %add3A_3452 = arith.addi %add3A_3450, %add3A_3451 : vector<16xi32>
    %swap3A_3453 = arith.index_cast %mul3A_3422 : i32 to index
    %swap3A_3454 = tpu.vector_load %arg10[%swap3A_3453] {strides = array<i32>} : memref<1024xi32, #tpu.memory_space<vmem>>, vector<16xi32>,
    tpu.vector_store %arg10[%swap3A_3453], %add3A_3452 {strides = array<i32>} : memref<1024xi32, #tpu.memory_space<vmem>>, vector<16xi32>,
    %get3A_3455 = arith.index_cast %mul3A_3422 : i32 to index
    %get3A_3456 = tpu.vector_load %arg8[%get3A_3455] {strides = array<i32>} : memref<1024xi32, #tpu.memory_space<vmem>>, vector<16xi32>,
    %get3A_3457 = arith.index_cast %mul3A_3422 : i32 to index
    %get3A_3458 = tpu.vector_load %arg9[%get3A_3457] {strides = array<i32>} : memref<1024xi32, #tpu.memory_space<vmem>>, vector<16xi32>,
    %shift_right_arithmetic3A_3459 = arith.constant 3 : i32
    %shift_right_arithmetic3A_3460 = vector.broadcast %shift_right_arithmetic3A_3459 : i32 to vector<16xi32>
    %shift_right_arithmetic3A_3461 = arith.shrsi %get3A_3456, %shift_right_arithmetic3A_3460 : vector<16xi32>
    %mul3A_3462 = arith.constant 3072 : i32
    %mul3A_3463 = vector.broadcast %mul3A_3462 : i32 to vector<16xi32>
    %mul3A_3464 = arith.muli %shift_right_arithmetic3A_3461, %mul3A_3463 : vector<16xi32>
    %shift_right_arithmetic3A_3465 = arith.constant 7 : i32
    %shift_right_arithmetic3A_3466 = vector.broadcast %shift_right_arithmetic3A_3465 : i32 to vector<16xi32>
    %shift_right_arithmetic3A_3467 = arith.shrsi %get3A_3458, %shift_right_arithmetic3A_3466 : vector<16xi32>
    %mul3A_3468 = arith.constant 1024 : i32
    %mul3A_3469 = vector.broadcast %mul3A_3468 : i32 to vector<16xi32>
    %mul3A_3470 = arith.muli %shift_right_arithmetic3A_3467, %mul3A_3469 : vector<16xi32>
    %add3A_3471 = arith.addi %mul3A_3464, %mul3A_3470 : vector<16xi32>
    %and3A_3472 = arith.constant 7 : i32
    %and3A_3473 = vector.broadcast %and3A_3472 : i32 to vector<16xi32>
    %and3A_3474 = arith.andi %get3A_3456, %and3A_3473 : vector<16xi32>
    %mul3A_3475 = arith.constant 128 : i32
    %mul3A_3476 = vector.broadcast %mul3A_3475 : i32 to vector<16xi32>
    %mul3A_3477 = arith.muli %and3A_3474, %mul3A_3476 : vector<16xi32>
    %add3A_3478 = arith.addi %add3A_3471, %mul3A_3477 : vector<16xi32>
    %and3A_3479 = arith.constant 127 : i32
    %and3A_3480 = vector.broadcast %and3A_3479 : i32 to vector<16xi32>
    %and3A_3481 = arith.andi %get3A_3458, %and3A_3480 : vector<16xi32>
    %add3A_3482 = arith.addi %add3A_3478, %and3A_3481 : vector<16xi32>
    %add3A_3483 = vector.broadcast %mul3A_32 : i32 to vector<16xi32>
    %add3A_3484 = arith.addi %add3A_3482, %add3A_3483 : vector<16xi32>
    %swap3A_3485 = arith.index_cast %mul3A_3422 : i32 to index
    %swap3A_3486 = tpu.vector_load %arg11[%swap3A_3485] {strides = array<i32>} : memref<1024xi32, #tpu.memory_space<vmem>>, vector<16xi32>,
    tpu.vector_store %arg11[%swap3A_3485], %add3A_3484 {strides = array<i32>} : memref<1024xi32, #tpu.memory_space<vmem>>, vector<16xi32>,
    %scan3A_3487 = arith.constant 51 : i32
    %mul3A_3488 = arith.constant 16 : i32
    %mul3A_3489 = arith.muli %scan3A_3487, %mul3A_3488 : i32
    %get3A_3490 = arith.index_cast %mul3A_3489 : i32 to index
    %get3A_3491 = tpu.vector_load %arg6[%get3A_3490] {strides = array<i32>} : memref<1024xi32, #tpu.memory_space<vmem>>, vector<16xi32>,
    %get3A_3492 = arith.index_cast %mul3A_3489 : i32 to index
    %get3A_3493 = tpu.vector_load %arg7[%get3A_3492] {strides = array<i32>} : memref<1024xi32, #tpu.memory_space<vmem>>, vector<16xi32>,
    %shift_right_arithmetic3A_3494 = arith.constant 3 : i32
    %shift_right_arithmetic3A_3495 = vector.broadcast %shift_right_arithmetic3A_3494 : i32 to vector<16xi32>
    %shift_right_arithmetic3A_3496 = arith.shrsi %get3A_3491, %shift_right_arithmetic3A_3495 : vector<16xi32>
    %mul3A_3497 = arith.constant 3072 : i32
    %mul3A_3498 = vector.broadcast %mul3A_3497 : i32 to vector<16xi32>
    %mul3A_3499 = arith.muli %shift_right_arithmetic3A_3496, %mul3A_3498 : vector<16xi32>
    %shift_right_arithmetic3A_3500 = arith.constant 7 : i32
    %shift_right_arithmetic3A_3501 = vector.broadcast %shift_right_arithmetic3A_3500 : i32 to vector<16xi32>
    %shift_right_arithmetic3A_3502 = arith.shrsi %get3A_3493, %shift_right_arithmetic3A_3501 : vector<16xi32>
    %mul3A_3503 = arith.constant 1024 : i32
    %mul3A_3504 = vector.broadcast %mul3A_3503 : i32 to vector<16xi32>
    %mul3A_3505 = arith.muli %shift_right_arithmetic3A_3502, %mul3A_3504 : vector<16xi32>
    %add3A_3506 = arith.addi %mul3A_3499, %mul3A_3505 : vector<16xi32>
    %and3A_3507 = arith.constant 7 : i32
    %and3A_3508 = vector.broadcast %and3A_3507 : i32 to vector<16xi32>
    %and3A_3509 = arith.andi %get3A_3491, %and3A_3508 : vector<16xi32>
    %mul3A_3510 = arith.constant 128 : i32
    %mul3A_3511 = vector.broadcast %mul3A_3510 : i32 to vector<16xi32>
    %mul3A_3512 = arith.muli %and3A_3509, %mul3A_3511 : vector<16xi32>
    %add3A_3513 = arith.addi %add3A_3506, %mul3A_3512 : vector<16xi32>
    %and3A_3514 = arith.constant 127 : i32
    %and3A_3515 = vector.broadcast %and3A_3514 : i32 to vector<16xi32>
    %and3A_3516 = arith.andi %get3A_3493, %and3A_3515 : vector<16xi32>
    %add3A_3517 = arith.addi %add3A_3513, %and3A_3516 : vector<16xi32>
    %add3A_3518 = vector.broadcast %mul3A_32 : i32 to vector<16xi32>
    %add3A_3519 = arith.addi %add3A_3517, %add3A_3518 : vector<16xi32>
    %swap3A_3520 = arith.index_cast %mul3A_3489 : i32 to index
    %swap3A_3521 = tpu.vector_load %arg10[%swap3A_3520] {strides = array<i32>} : memref<1024xi32, #tpu.memory_space<vmem>>, vector<16xi32>,
    tpu.vector_store %arg10[%swap3A_3520], %add3A_3519 {strides = array<i32>} : memref<1024xi32, #tpu.memory_space<vmem>>, vector<16xi32>,
    %get3A_3522 = arith.index_cast %mul3A_3489 : i32 to index
    %get3A_3523 = tpu.vector_load %arg8[%get3A_3522] {strides = array<i32>} : memref<1024xi32, #tpu.memory_space<vmem>>, vector<16xi32>,
    %get3A_3524 = arith.index_cast %mul3A_3489 : i32 to index
    %get3A_3525 = tpu.vector_load %arg9[%get3A_3524] {strides = array<i32>} : memref<1024xi32, #tpu.memory_space<vmem>>, vector<16xi32>,
    %shift_right_arithmetic3A_3526 = arith.constant 3 : i32
    %shift_right_arithmetic3A_3527 = vector.broadcast %shift_right_arithmetic3A_3526 : i32 to vector<16xi32>
    %shift_right_arithmetic3A_3528 = arith.shrsi %get3A_3523, %shift_right_arithmetic3A_3527 : vector<16xi32>
    %mul3A_3529 = arith.constant 3072 : i32
    %mul3A_3530 = vector.broadcast %mul3A_3529 : i32 to vector<16xi32>
    %mul3A_3531 = arith.muli %shift_right_arithmetic3A_3528, %mul3A_3530 : vector<16xi32>
    %shift_right_arithmetic3A_3532 = arith.constant 7 : i32
    %shift_right_arithmetic3A_3533 = vector.broadcast %shift_right_arithmetic3A_3532 : i32 to vector<16xi32>
    %shift_right_arithmetic3A_3534 = arith.shrsi %get3A_3525, %shift_right_arithmetic3A_3533 : vector<16xi32>
    %mul3A_3535 = arith.constant 1024 : i32
    %mul3A_3536 = vector.broadcast %mul3A_3535 : i32 to vector<16xi32>
    %mul3A_3537 = arith.muli %shift_right_arithmetic3A_3534, %mul3A_3536 : vector<16xi32>
    %add3A_3538 = arith.addi %mul3A_3531, %mul3A_3537 : vector<16xi32>
    %and3A_3539 = arith.constant 7 : i32
    %and3A_3540 = vector.broadcast %and3A_3539 : i32 to vector<16xi32>
    %and3A_3541 = arith.andi %get3A_3523, %and3A_3540 : vector<16xi32>
    %mul3A_3542 = arith.constant 128 : i32
    %mul3A_3543 = vector.broadcast %mul3A_3542 : i32 to vector<16xi32>
    %mul3A_3544 = arith.muli %and3A_3541, %mul3A_3543 : vector<16xi32>
    %add3A_3545 = arith.addi %add3A_3538, %mul3A_3544 : vector<16xi32>
    %and3A_3546 = arith.constant 127 : i32
    %and3A_3547 = vector.broadcast %and3A_3546 : i32 to vector<16xi32>
    %and3A_3548 = arith.andi %get3A_3525, %and3A_3547 : vector<16xi32>
    %add3A_3549 = arith.addi %add3A_3545, %and3A_3548 : vector<16xi32>
    %add3A_3550 = vector.broadcast %mul3A_32 : i32 to vector<16xi32>
    %add3A_3551 = arith.addi %add3A_3549, %add3A_3550 : vector<16xi32>
    %swap3A_3552 = arith.index_cast %mul3A_3489 : i32 to index
    %swap3A_3553 = tpu.vector_load %arg11[%swap3A_3552] {strides = array<i32>} : memref<1024xi32, #tpu.memory_space<vmem>>, vector<16xi32>,
    tpu.vector_store %arg11[%swap3A_3552], %add3A_3551 {strides = array<i32>} : memref<1024xi32, #tpu.memory_space<vmem>>, vector<16xi32>,
    %scan3A_3554 = arith.constant 52 : i32
    %mul3A_3555 = arith.constant 16 : i32
    %mul3A_3556 = arith.muli %scan3A_3554, %mul3A_3555 : i32
    %get3A_3557 = arith.index_cast %mul3A_3556 : i32 to index
    %get3A_3558 = tpu.vector_load %arg6[%get3A_3557] {strides = array<i32>} : memref<1024xi32, #tpu.memory_space<vmem>>, vector<16xi32>,
    %get3A_3559 = arith.index_cast %mul3A_3556 : i32 to index
    %get3A_3560 = tpu.vector_load %arg7[%get3A_3559] {strides = array<i32>} : memref<1024xi32, #tpu.memory_space<vmem>>, vector<16xi32>,
    %shift_right_arithmetic3A_3561 = arith.constant 3 : i32
    %shift_right_arithmetic3A_3562 = vector.broadcast %shift_right_arithmetic3A_3561 : i32 to vector<16xi32>
    %shift_right_arithmetic3A_3563 = arith.shrsi %get3A_3558, %shift_right_arithmetic3A_3562 : vector<16xi32>
    %mul3A_3564 = arith.constant 3072 : i32
    %mul3A_3565 = vector.broadcast %mul3A_3564 : i32 to vector<16xi32>
    %mul3A_3566 = arith.muli %shift_right_arithmetic3A_3563, %mul3A_3565 : vector<16xi32>
    %shift_right_arithmetic3A_3567 = arith.constant 7 : i32
    %shift_right_arithmetic3A_3568 = vector.broadcast %shift_right_arithmetic3A_3567 : i32 to vector<16xi32>
    %shift_right_arithmetic3A_3569 = arith.shrsi %get3A_3560, %shift_right_arithmetic3A_3568 : vector<16xi32>
    %mul3A_3570 = arith.constant 1024 : i32
    %mul3A_3571 = vector.broadcast %mul3A_3570 : i32 to vector<16xi32>
    %mul3A_3572 = arith.muli %shift_right_arithmetic3A_3569, %mul3A_3571 : vector<16xi32>
    %add3A_3573 = arith.addi %mul3A_3566, %mul3A_3572 : vector<16xi32>
    %and3A_3574 = arith.constant 7 : i32
    %and3A_3575 = vector.broadcast %and3A_3574 : i32 to vector<16xi32>
    %and3A_3576 = arith.andi %get3A_3558, %and3A_3575 : vector<16xi32>
    %mul3A_3577 = arith.constant 128 : i32
    %mul3A_3578 = vector.broadcast %mul3A_3577 : i32 to vector<16xi32>
    %mul3A_3579 = arith.muli %and3A_3576, %mul3A_3578 : vector<16xi32>
    %add3A_3580 = arith.addi %add3A_3573, %mul3A_3579 : vector<16xi32>
    %and3A_3581 = arith.constant 127 : i32
    %and3A_3582 = vector.broadcast %and3A_3581 : i32 to vector<16xi32>
    %and3A_3583 = arith.andi %get3A_3560, %and3A_3582 : vector<16xi32>
    %add3A_3584 = arith.addi %add3A_3580, %and3A_3583 : vector<16xi32>
    %add3A_3585 = vector.broadcast %mul3A_32 : i32 to vector<16xi32>
    %add3A_3586 = arith.addi %add3A_3584, %add3A_3585 : vector<16xi32>
    %swap3A_3587 = arith.index_cast %mul3A_3556 : i32 to index
    %swap3A_3588 = tpu.vector_load %arg10[%swap3A_3587] {strides = array<i32>} : memref<1024xi32, #tpu.memory_space<vmem>>, vector<16xi32>,
    tpu.vector_store %arg10[%swap3A_3587], %add3A_3586 {strides = array<i32>} : memref<1024xi32, #tpu.memory_space<vmem>>, vector<16xi32>,
    %get3A_3589 = arith.index_cast %mul3A_3556 : i32 to index
    %get3A_3590 = tpu.vector_load %arg8[%get3A_3589] {strides = array<i32>} : memref<1024xi32, #tpu.memory_space<vmem>>, vector<16xi32>,
    %get3A_3591 = arith.index_cast %mul3A_3556 : i32 to index
    %get3A_3592 = tpu.vector_load %arg9[%get3A_3591] {strides = array<i32>} : memref<1024xi32, #tpu.memory_space<vmem>>, vector<16xi32>,
    %shift_right_arithmetic3A_3593 = arith.constant 3 : i32
    %shift_right_arithmetic3A_3594 = vector.broadcast %shift_right_arithmetic3A_3593 : i32 to vector<16xi32>
    %shift_right_arithmetic3A_3595 = arith.shrsi %get3A_3590, %shift_right_arithmetic3A_3594 : vector<16xi32>
    %mul3A_3596 = arith.constant 3072 : i32
    %mul3A_3597 = vector.broadcast %mul3A_3596 : i32 to vector<16xi32>
    %mul3A_3598 = arith.muli %shift_right_arithmetic3A_3595, %mul3A_3597 : vector<16xi32>
    %shift_right_arithmetic3A_3599 = arith.constant 7 : i32
    %shift_right_arithmetic3A_3600 = vector.broadcast %shift_right_arithmetic3A_3599 : i32 to vector<16xi32>
    %shift_right_arithmetic3A_3601 = arith.shrsi %get3A_3592, %shift_right_arithmetic3A_3600 : vector<16xi32>
    %mul3A_3602 = arith.constant 1024 : i32
    %mul3A_3603 = vector.broadcast %mul3A_3602 : i32 to vector<16xi32>
    %mul3A_3604 = arith.muli %shift_right_arithmetic3A_3601, %mul3A_3603 : vector<16xi32>
    %add3A_3605 = arith.addi %mul3A_3598, %mul3A_3604 : vector<16xi32>
    %and3A_3606 = arith.constant 7 : i32
    %and3A_3607 = vector.broadcast %and3A_3606 : i32 to vector<16xi32>
    %and3A_3608 = arith.andi %get3A_3590, %and3A_3607 : vector<16xi32>
    %mul3A_3609 = arith.constant 128 : i32
    %mul3A_3610 = vector.broadcast %mul3A_3609 : i32 to vector<16xi32>
    %mul3A_3611 = arith.muli %and3A_3608, %mul3A_3610 : vector<16xi32>
    %add3A_3612 = arith.addi %add3A_3605, %mul3A_3611 : vector<16xi32>
    %and3A_3613 = arith.constant 127 : i32
    %and3A_3614 = vector.broadcast %and3A_3613 : i32 to vector<16xi32>
    %and3A_3615 = arith.andi %get3A_3592, %and3A_3614 : vector<16xi32>
    %add3A_3616 = arith.addi %add3A_3612, %and3A_3615 : vector<16xi32>
    %add3A_3617 = vector.broadcast %mul3A_32 : i32 to vector<16xi32>
    %add3A_3618 = arith.addi %add3A_3616, %add3A_3617 : vector<16xi32>
    %swap3A_3619 = arith.index_cast %mul3A_3556 : i32 to index
    %swap3A_3620 = tpu.vector_load %arg11[%swap3A_3619] {strides = array<i32>} : memref<1024xi32, #tpu.memory_space<vmem>>, vector<16xi32>,
    tpu.vector_store %arg11[%swap3A_3619], %add3A_3618 {strides = array<i32>} : memref<1024xi32, #tpu.memory_space<vmem>>, vector<16xi32>,
    %scan3A_3621 = arith.constant 53 : i32
    %mul3A_3622 = arith.constant 16 : i32
    %mul3A_3623 = arith.muli %scan3A_3621, %mul3A_3622 : i32
    %get3A_3624 = arith.index_cast %mul3A_3623 : i32 to index
    %get3A_3625 = tpu.vector_load %arg6[%get3A_3624] {strides = array<i32>} : memref<1024xi32, #tpu.memory_space<vmem>>, vector<16xi32>,
    %get3A_3626 = arith.index_cast %mul3A_3623 : i32 to index
    %get3A_3627 = tpu.vector_load %arg7[%get3A_3626] {strides = array<i32>} : memref<1024xi32, #tpu.memory_space<vmem>>, vector<16xi32>,
    %shift_right_arithmetic3A_3628 = arith.constant 3 : i32
    %shift_right_arithmetic3A_3629 = vector.broadcast %shift_right_arithmetic3A_3628 : i32 to vector<16xi32>
    %shift_right_arithmetic3A_3630 = arith.shrsi %get3A_3625, %shift_right_arithmetic3A_3629 : vector<16xi32>
    %mul3A_3631 = arith.constant 3072 : i32
    %mul3A_3632 = vector.broadcast %mul3A_3631 : i32 to vector<16xi32>
    %mul3A_3633 = arith.muli %shift_right_arithmetic3A_3630, %mul3A_3632 : vector<16xi32>
    %shift_right_arithmetic3A_3634 = arith.constant 7 : i32
    %shift_right_arithmetic3A_3635 = vector.broadcast %shift_right_arithmetic3A_3634 : i32 to vector<16xi32>
    %shift_right_arithmetic3A_3636 = arith.shrsi %get3A_3627, %shift_right_arithmetic3A_3635 : vector<16xi32>
    %mul3A_3637 = arith.constant 1024 : i32
    %mul3A_3638 = vector.broadcast %mul3A_3637 : i32 to vector<16xi32>
    %mul3A_3639 = arith.muli %shift_right_arithmetic3A_3636, %mul3A_3638 : vector<16xi32>
    %add3A_3640 = arith.addi %mul3A_3633, %mul3A_3639 : vector<16xi32>
    %and3A_3641 = arith.constant 7 : i32
    %and3A_3642 = vector.broadcast %and3A_3641 : i32 to vector<16xi32>
    %and3A_3643 = arith.andi %get3A_3625, %and3A_3642 : vector<16xi32>
    %mul3A_3644 = arith.constant 128 : i32
    %mul3A_3645 = vector.broadcast %mul3A_3644 : i32 to vector<16xi32>
    %mul3A_3646 = arith.muli %and3A_3643, %mul3A_3645 : vector<16xi32>
    %add3A_3647 = arith.addi %add3A_3640, %mul3A_3646 : vector<16xi32>
    %and3A_3648 = arith.constant 127 : i32
    %and3A_3649 = vector.broadcast %and3A_3648 : i32 to vector<16xi32>
    %and3A_3650 = arith.andi %get3A_3627, %and3A_3649 : vector<16xi32>
    %add3A_3651 = arith.addi %add3A_3647, %and3A_3650 : vector<16xi32>
    %add3A_3652 = vector.broadcast %mul3A_32 : i32 to vector<16xi32>
    %add3A_3653 = arith.addi %add3A_3651, %add3A_3652 : vector<16xi32>
    %swap3A_3654 = arith.index_cast %mul3A_3623 : i32 to index
    %swap3A_3655 = tpu.vector_load %arg10[%swap3A_3654] {strides = array<i32>} : memref<1024xi32, #tpu.memory_space<vmem>>, vector<16xi32>,
    tpu.vector_store %arg10[%swap3A_3654], %add3A_3653 {strides = array<i32>} : memref<1024xi32, #tpu.memory_space<vmem>>, vector<16xi32>,
    %get3A_3656 = arith.index_cast %mul3A_3623 : i32 to index
    %get3A_3657 = tpu.vector_load %arg8[%get3A_3656] {strides = array<i32>} : memref<1024xi32, #tpu.memory_space<vmem>>, vector<16xi32>,
    %get3A_3658 = arith.index_cast %mul3A_3623 : i32 to index
    %get3A_3659 = tpu.vector_load %arg9[%get3A_3658] {strides = array<i32>} : memref<1024xi32, #tpu.memory_space<vmem>>, vector<16xi32>,
    %shift_right_arithmetic3A_3660 = arith.constant 3 : i32
    %shift_right_arithmetic3A_3661 = vector.broadcast %shift_right_arithmetic3A_3660 : i32 to vector<16xi32>
    %shift_right_arithmetic3A_3662 = arith.shrsi %get3A_3657, %shift_right_arithmetic3A_3661 : vector<16xi32>
    %mul3A_3663 = arith.constant 3072 : i32
    %mul3A_3664 = vector.broadcast %mul3A_3663 : i32 to vector<16xi32>
    %mul3A_3665 = arith.muli %shift_right_arithmetic3A_3662, %mul3A_3664 : vector<16xi32>
    %shift_right_arithmetic3A_3666 = arith.constant 7 : i32
    %shift_right_arithmetic3A_3667 = vector.broadcast %shift_right_arithmetic3A_3666 : i32 to vector<16xi32>
    %shift_right_arithmetic3A_3668 = arith.shrsi %get3A_3659, %shift_right_arithmetic3A_3667 : vector<16xi32>
    %mul3A_3669 = arith.constant 1024 : i32
    %mul3A_3670 = vector.broadcast %mul3A_3669 : i32 to vector<16xi32>
    %mul3A_3671 = arith.muli %shift_right_arithmetic3A_3668, %mul3A_3670 : vector<16xi32>
    %add3A_3672 = arith.addi %mul3A_3665, %mul3A_3671 : vector<16xi32>
    %and3A_3673 = arith.constant 7 : i32
    %and3A_3674 = vector.broadcast %and3A_3673 : i32 to vector<16xi32>
    %and3A_3675 = arith.andi %get3A_3657, %and3A_3674 : vector<16xi32>
    %mul3A_3676 = arith.constant 128 : i32
    %mul3A_3677 = vector.broadcast %mul3A_3676 : i32 to vector<16xi32>
    %mul3A_3678 = arith.muli %and3A_3675, %mul3A_3677 : vector<16xi32>
    %add3A_3679 = arith.addi %add3A_3672, %mul3A_3678 : vector<16xi32>
    %and3A_3680 = arith.constant 127 : i32
    %and3A_3681 = vector.broadcast %and3A_3680 : i32 to vector<16xi32>
    %and3A_3682 = arith.andi %get3A_3659, %and3A_3681 : vector<16xi32>
    %add3A_3683 = arith.addi %add3A_3679, %and3A_3682 : vector<16xi32>
    %add3A_3684 = vector.broadcast %mul3A_32 : i32 to vector<16xi32>
    %add3A_3685 = arith.addi %add3A_3683, %add3A_3684 : vector<16xi32>
    %swap3A_3686 = arith.index_cast %mul3A_3623 : i32 to index
    %swap3A_3687 = tpu.vector_load %arg11[%swap3A_3686] {strides = array<i32>} : memref<1024xi32, #tpu.memory_space<vmem>>, vector<16xi32>,
    tpu.vector_store %arg11[%swap3A_3686], %add3A_3685 {strides = array<i32>} : memref<1024xi32, #tpu.memory_space<vmem>>, vector<16xi32>,
    %scan3A_3688 = arith.constant 54 : i32
    %mul3A_3689 = arith.constant 16 : i32
    %mul3A_3690 = arith.muli %scan3A_3688, %mul3A_3689 : i32
    %get3A_3691 = arith.index_cast %mul3A_3690 : i32 to index
    %get3A_3692 = tpu.vector_load %arg6[%get3A_3691] {strides = array<i32>} : memref<1024xi32, #tpu.memory_space<vmem>>, vector<16xi32>,
    %get3A_3693 = arith.index_cast %mul3A_3690 : i32 to index
    %get3A_3694 = tpu.vector_load %arg7[%get3A_3693] {strides = array<i32>} : memref<1024xi32, #tpu.memory_space<vmem>>, vector<16xi32>,
    %shift_right_arithmetic3A_3695 = arith.constant 3 : i32
    %shift_right_arithmetic3A_3696 = vector.broadcast %shift_right_arithmetic3A_3695 : i32 to vector<16xi32>
    %shift_right_arithmetic3A_3697 = arith.shrsi %get3A_3692, %shift_right_arithmetic3A_3696 : vector<16xi32>
    %mul3A_3698 = arith.constant 3072 : i32
    %mul3A_3699 = vector.broadcast %mul3A_3698 : i32 to vector<16xi32>
    %mul3A_3700 = arith.muli %shift_right_arithmetic3A_3697, %mul3A_3699 : vector<16xi32>
    %shift_right_arithmetic3A_3701 = arith.constant 7 : i32
    %shift_right_arithmetic3A_3702 = vector.broadcast %shift_right_arithmetic3A_3701 : i32 to vector<16xi32>
    %shift_right_arithmetic3A_3703 = arith.shrsi %get3A_3694, %shift_right_arithmetic3A_3702 : vector<16xi32>
    %mul3A_3704 = arith.constant 1024 : i32
    %mul3A_3705 = vector.broadcast %mul3A_3704 : i32 to vector<16xi32>
    %mul3A_3706 = arith.muli %shift_right_arithmetic3A_3703, %mul3A_3705 : vector<16xi32>
    %add3A_3707 = arith.addi %mul3A_3700, %mul3A_3706 : vector<16xi32>
    %and3A_3708 = arith.constant 7 : i32
    %and3A_3709 = vector.broadcast %and3A_3708 : i32 to vector<16xi32>
    %and3A_3710 = arith.andi %get3A_3692, %and3A_3709 : vector<16xi32>
    %mul3A_3711 = arith.constant 128 : i32
    %mul3A_3712 = vector.broadcast %mul3A_3711 : i32 to vector<16xi32>
    %mul3A_3713 = arith.muli %and3A_3710, %mul3A_3712 : vector<16xi32>
    %add3A_3714 = arith.addi %add3A_3707, %mul3A_3713 : vector<16xi32>
    %and3A_3715 = arith.constant 127 : i32
    %and3A_3716 = vector.broadcast %and3A_3715 : i32 to vector<16xi32>
    %and3A_3717 = arith.andi %get3A_3694, %and3A_3716 : vector<16xi32>
    %add3A_3718 = arith.addi %add3A_3714, %and3A_3717 : vector<16xi32>
    %add3A_3719 = vector.broadcast %mul3A_32 : i32 to vector<16xi32>
    %add3A_3720 = arith.addi %add3A_3718, %add3A_3719 : vector<16xi32>
    %swap3A_3721 = arith.index_cast %mul3A_3690 : i32 to index
    %swap3A_3722 = tpu.vector_load %arg10[%swap3A_3721] {strides = array<i32>} : memref<1024xi32, #tpu.memory_space<vmem>>, vector<16xi32>,
    tpu.vector_store %arg10[%swap3A_3721], %add3A_3720 {strides = array<i32>} : memref<1024xi32, #tpu.memory_space<vmem>>, vector<16xi32>,
    %get3A_3723 = arith.index_cast %mul3A_3690 : i32 to index
    %get3A_3724 = tpu.vector_load %arg8[%get3A_3723] {strides = array<i32>} : memref<1024xi32, #tpu.memory_space<vmem>>, vector<16xi32>,
    %get3A_3725 = arith.index_cast %mul3A_3690 : i32 to index
    %get3A_3726 = tpu.vector_load %arg9[%get3A_3725] {strides = array<i32>} : memref<1024xi32, #tpu.memory_space<vmem>>, vector<16xi32>,
    %shift_right_arithmetic3A_3727 = arith.constant 3 : i32
    %shift_right_arithmetic3A_3728 = vector.broadcast %shift_right_arithmetic3A_3727 : i32 to vector<16xi32>
    %shift_right_arithmetic3A_3729 = arith.shrsi %get3A_3724, %shift_right_arithmetic3A_3728 : vector<16xi32>
    %mul3A_3730 = arith.constant 3072 : i32
    %mul3A_3731 = vector.broadcast %mul3A_3730 : i32 to vector<16xi32>
    %mul3A_3732 = arith.muli %shift_right_arithmetic3A_3729, %mul3A_3731 : vector<16xi32>
    %shift_right_arithmetic3A_3733 = arith.constant 7 : i32
    %shift_right_arithmetic3A_3734 = vector.broadcast %shift_right_arithmetic3A_3733 : i32 to vector<16xi32>
    %shift_right_arithmetic3A_3735 = arith.shrsi %get3A_3726, %shift_right_arithmetic3A_3734 : vector<16xi32>
    %mul3A_3736 = arith.constant 1024 : i32
    %mul3A_3737 = vector.broadcast %mul3A_3736 : i32 to vector<16xi32>
    %mul3A_3738 = arith.muli %shift_right_arithmetic3A_3735, %mul3A_3737 : vector<16xi32>
    %add3A_3739 = arith.addi %mul3A_3732, %mul3A_3738 : vector<16xi32>
    %and3A_3740 = arith.constant 7 : i32
    %and3A_3741 = vector.broadcast %and3A_3740 : i32 to vector<16xi32>
    %and3A_3742 = arith.andi %get3A_3724, %and3A_3741 : vector<16xi32>
    %mul3A_3743 = arith.constant 128 : i32
    %mul3A_3744 = vector.broadcast %mul3A_3743 : i32 to vector<16xi32>
    %mul3A_3745 = arith.muli %and3A_3742, %mul3A_3744 : vector<16xi32>
    %add3A_3746 = arith.addi %add3A_3739, %mul3A_3745 : vector<16xi32>
    %and3A_3747 = arith.constant 127 : i32
    %and3A_3748 = vector.broadcast %and3A_3747 : i32 to vector<16xi32>
    %and3A_3749 = arith.andi %get3A_3726, %and3A_3748 : vector<16xi32>
    %add3A_3750 = arith.addi %add3A_3746, %and3A_3749 : vector<16xi32>
    %add3A_3751 = vector.broadcast %mul3A_32 : i32 to vector<16xi32>
    %add3A_3752 = arith.addi %add3A_3750, %add3A_3751 : vector<16xi32>
    %swap3A_3753 = arith.index_cast %mul3A_3690 : i32 to index
    %swap3A_3754 = tpu.vector_load %arg11[%swap3A_3753] {strides = array<i32>} : memref<1024xi32, #tpu.memory_space<vmem>>, vector<16xi32>,
    tpu.vector_store %arg11[%swap3A_3753], %add3A_3752 {strides = array<i32>} : memref<1024xi32, #tpu.memory_space<vmem>>, vector<16xi32>,
    %scan3A_3755 = arith.constant 55 : i32
    %mul3A_3756 = arith.constant 16 : i32
    %mul3A_3757 = arith.muli %scan3A_3755, %mul3A_3756 : i32
    %get3A_3758 = arith.index_cast %mul3A_3757 : i32 to index
    %get3A_3759 = tpu.vector_load %arg6[%get3A_3758] {strides = array<i32>} : memref<1024xi32, #tpu.memory_space<vmem>>, vector<16xi32>,
    %get3A_3760 = arith.index_cast %mul3A_3757 : i32 to index
    %get3A_3761 = tpu.vector_load %arg7[%get3A_3760] {strides = array<i32>} : memref<1024xi32, #tpu.memory_space<vmem>>, vector<16xi32>,
    %shift_right_arithmetic3A_3762 = arith.constant 3 : i32
    %shift_right_arithmetic3A_3763 = vector.broadcast %shift_right_arithmetic3A_3762 : i32 to vector<16xi32>
    %shift_right_arithmetic3A_3764 = arith.shrsi %get3A_3759, %shift_right_arithmetic3A_3763 : vector<16xi32>
    %mul3A_3765 = arith.constant 3072 : i32
    %mul3A_3766 = vector.broadcast %mul3A_3765 : i32 to vector<16xi32>
    %mul3A_3767 = arith.muli %shift_right_arithmetic3A_3764, %mul3A_3766 : vector<16xi32>
    %shift_right_arithmetic3A_3768 = arith.constant 7 : i32
    %shift_right_arithmetic3A_3769 = vector.broadcast %shift_right_arithmetic3A_3768 : i32 to vector<16xi32>
    %shift_right_arithmetic3A_3770 = arith.shrsi %get3A_3761, %shift_right_arithmetic3A_3769 : vector<16xi32>
    %mul3A_3771 = arith.constant 1024 : i32
    %mul3A_3772 = vector.broadcast %mul3A_3771 : i32 to vector<16xi32>
    %mul3A_3773 = arith.muli %shift_right_arithmetic3A_3770, %mul3A_3772 : vector<16xi32>
    %add3A_3774 = arith.addi %mul3A_3767, %mul3A_3773 : vector<16xi32>
    %and3A_3775 = arith.constant 7 : i32
    %and3A_3776 = vector.broadcast %and3A_3775 : i32 to vector<16xi32>
    %and3A_3777 = arith.andi %get3A_3759, %and3A_3776 : vector<16xi32>
    %mul3A_3778 = arith.constant 128 : i32
    %mul3A_3779 = vector.broadcast %mul3A_3778 : i32 to vector<16xi32>
    %mul3A_3780 = arith.muli %and3A_3777, %mul3A_3779 : vector<16xi32>
    %add3A_3781 = arith.addi %add3A_3774, %mul3A_3780 : vector<16xi32>
    %and3A_3782 = arith.constant 127 : i32
    %and3A_3783 = vector.broadcast %and3A_3782 : i32 to vector<16xi32>
    %and3A_3784 = arith.andi %get3A_3761, %and3A_3783 : vector<16xi32>
    %add3A_3785 = arith.addi %add3A_3781, %and3A_3784 : vector<16xi32>
    %add3A_3786 = vector.broadcast %mul3A_32 : i32 to vector<16xi32>
    %add3A_3787 = arith.addi %add3A_3785, %add3A_3786 : vector<16xi32>
    %swap3A_3788 = arith.index_cast %mul3A_3757 : i32 to index
    %swap3A_3789 = tpu.vector_load %arg10[%swap3A_3788] {strides = array<i32>} : memref<1024xi32, #tpu.memory_space<vmem>>, vector<16xi32>,
    tpu.vector_store %arg10[%swap3A_3788], %add3A_3787 {strides = array<i32>} : memref<1024xi32, #tpu.memory_space<vmem>>, vector<16xi32>,
    %get3A_3790 = arith.index_cast %mul3A_3757 : i32 to index
    %get3A_3791 = tpu.vector_load %arg8[%get3A_3790] {strides = array<i32>} : memref<1024xi32, #tpu.memory_space<vmem>>, vector<16xi32>,
    %get3A_3792 = arith.index_cast %mul3A_3757 : i32 to index
    %get3A_3793 = tpu.vector_load %arg9[%get3A_3792] {strides = array<i32>} : memref<1024xi32, #tpu.memory_space<vmem>>, vector<16xi32>,
    %shift_right_arithmetic3A_3794 = arith.constant 3 : i32
    %shift_right_arithmetic3A_3795 = vector.broadcast %shift_right_arithmetic3A_3794 : i32 to vector<16xi32>
    %shift_right_arithmetic3A_3796 = arith.shrsi %get3A_3791, %shift_right_arithmetic3A_3795 : vector<16xi32>
    %mul3A_3797 = arith.constant 3072 : i32
    %mul3A_3798 = vector.broadcast %mul3A_3797 : i32 to vector<16xi32>
    %mul3A_3799 = arith.muli %shift_right_arithmetic3A_3796, %mul3A_3798 : vector<16xi32>
    %shift_right_arithmetic3A_3800 = arith.constant 7 : i32
    %shift_right_arithmetic3A_3801 = vector.broadcast %shift_right_arithmetic3A_3800 : i32 to vector<16xi32>
    %shift_right_arithmetic3A_3802 = arith.shrsi %get3A_3793, %shift_right_arithmetic3A_3801 : vector<16xi32>
    %mul3A_3803 = arith.constant 1024 : i32
    %mul3A_3804 = vector.broadcast %mul3A_3803 : i32 to vector<16xi32>
    %mul3A_3805 = arith.muli %shift_right_arithmetic3A_3802, %mul3A_3804 : vector<16xi32>
    %add3A_3806 = arith.addi %mul3A_3799, %mul3A_3805 : vector<16xi32>
    %and3A_3807 = arith.constant 7 : i32
    %and3A_3808 = vector.broadcast %and3A_3807 : i32 to vector<16xi32>
    %and3A_3809 = arith.andi %get3A_3791, %and3A_3808 : vector<16xi32>
    %mul3A_3810 = arith.constant 128 : i32
    %mul3A_3811 = vector.broadcast %mul3A_3810 : i32 to vector<16xi32>
    %mul3A_3812 = arith.muli %and3A_3809, %mul3A_3811 : vector<16xi32>
    %add3A_3813 = arith.addi %add3A_3806, %mul3A_3812 : vector<16xi32>
    %and3A_3814 = arith.constant 127 : i32
    %and3A_3815 = vector.broadcast %and3A_3814 : i32 to vector<16xi32>
    %and3A_3816 = arith.andi %get3A_3793, %and3A_3815 : vector<16xi32>
    %add3A_3817 = arith.addi %add3A_3813, %and3A_3816 : vector<16xi32>
    %add3A_3818 = vector.broadcast %mul3A_32 : i32 to vector<16xi32>
    %add3A_3819 = arith.addi %add3A_3817, %add3A_3818 : vector<16xi32>
    %swap3A_3820 = arith.index_cast %mul3A_3757 : i32 to index
    %swap3A_3821 = tpu.vector_load %arg11[%swap3A_3820] {strides = array<i32>} : memref<1024xi32, #tpu.memory_space<vmem>>, vector<16xi32>,
    tpu.vector_store %arg11[%swap3A_3820], %add3A_3819 {strides = array<i32>} : memref<1024xi32, #tpu.memory_space<vmem>>, vector<16xi32>,
    %scan3A_3822 = arith.constant 56 : i32
    %mul3A_3823 = arith.constant 16 : i32
    %mul3A_3824 = arith.muli %scan3A_3822, %mul3A_3823 : i32
    %get3A_3825 = arith.index_cast %mul3A_3824 : i32 to index
    %get3A_3826 = tpu.vector_load %arg6[%get3A_3825] {strides = array<i32>} : memref<1024xi32, #tpu.memory_space<vmem>>, vector<16xi32>,
    %get3A_3827 = arith.index_cast %mul3A_3824 : i32 to index
    %get3A_3828 = tpu.vector_load %arg7[%get3A_3827] {strides = array<i32>} : memref<1024xi32, #tpu.memory_space<vmem>>, vector<16xi32>,
    %shift_right_arithmetic3A_3829 = arith.constant 3 : i32
    %shift_right_arithmetic3A_3830 = vector.broadcast %shift_right_arithmetic3A_3829 : i32 to vector<16xi32>
    %shift_right_arithmetic3A_3831 = arith.shrsi %get3A_3826, %shift_right_arithmetic3A_3830 : vector<16xi32>
    %mul3A_3832 = arith.constant 3072 : i32
    %mul3A_3833 = vector.broadcast %mul3A_3832 : i32 to vector<16xi32>
    %mul3A_3834 = arith.muli %shift_right_arithmetic3A_3831, %mul3A_3833 : vector<16xi32>
    %shift_right_arithmetic3A_3835 = arith.constant 7 : i32
    %shift_right_arithmetic3A_3836 = vector.broadcast %shift_right_arithmetic3A_3835 : i32 to vector<16xi32>
    %shift_right_arithmetic3A_3837 = arith.shrsi %get3A_3828, %shift_right_arithmetic3A_3836 : vector<16xi32>
    %mul3A_3838 = arith.constant 1024 : i32
    %mul3A_3839 = vector.broadcast %mul3A_3838 : i32 to vector<16xi32>
    %mul3A_3840 = arith.muli %shift_right_arithmetic3A_3837, %mul3A_3839 : vector<16xi32>
    %add3A_3841 = arith.addi %mul3A_3834, %mul3A_3840 : vector<16xi32>
    %and3A_3842 = arith.constant 7 : i32
    %and3A_3843 = vector.broadcast %and3A_3842 : i32 to vector<16xi32>
    %and3A_3844 = arith.andi %get3A_3826, %and3A_3843 : vector<16xi32>
    %mul3A_3845 = arith.constant 128 : i32
    %mul3A_3846 = vector.broadcast %mul3A_3845 : i32 to vector<16xi32>
    %mul3A_3847 = arith.muli %and3A_3844, %mul3A_3846 : vector<16xi32>
    %add3A_3848 = arith.addi %add3A_3841, %mul3A_3847 : vector<16xi32>
    %and3A_3849 = arith.constant 127 : i32
    %and3A_3850 = vector.broadcast %and3A_3849 : i32 to vector<16xi32>
    %and3A_3851 = arith.andi %get3A_3828, %and3A_3850 : vector<16xi32>
    %add3A_3852 = arith.addi %add3A_3848, %and3A_3851 : vector<16xi32>
    %add3A_3853 = vector.broadcast %mul3A_32 : i32 to vector<16xi32>
    %add3A_3854 = arith.addi %add3A_3852, %add3A_3853 : vector<16xi32>
    %swap3A_3855 = arith.index_cast %mul3A_3824 : i32 to index
    %swap3A_3856 = tpu.vector_load %arg10[%swap3A_3855] {strides = array<i32>} : memref<1024xi32, #tpu.memory_space<vmem>>, vector<16xi32>,
    tpu.vector_store %arg10[%swap3A_3855], %add3A_3854 {strides = array<i32>} : memref<1024xi32, #tpu.memory_space<vmem>>, vector<16xi32>,
    %get3A_3857 = arith.index_cast %mul3A_3824 : i32 to index
    %get3A_3858 = tpu.vector_load %arg8[%get3A_3857] {strides = array<i32>} : memref<1024xi32, #tpu.memory_space<vmem>>, vector<16xi32>,
    %get3A_3859 = arith.index_cast %mul3A_3824 : i32 to index
    %get3A_3860 = tpu.vector_load %arg9[%get3A_3859] {strides = array<i32>} : memref<1024xi32, #tpu.memory_space<vmem>>, vector<16xi32>,
    %shift_right_arithmetic3A_3861 = arith.constant 3 : i32
    %shift_right_arithmetic3A_3862 = vector.broadcast %shift_right_arithmetic3A_3861 : i32 to vector<16xi32>
    %shift_right_arithmetic3A_3863 = arith.shrsi %get3A_3858, %shift_right_arithmetic3A_3862 : vector<16xi32>
    %mul3A_3864 = arith.constant 3072 : i32
    %mul3A_3865 = vector.broadcast %mul3A_3864 : i32 to vector<16xi32>
    %mul3A_3866 = arith.muli %shift_right_arithmetic3A_3863, %mul3A_3865 : vector<16xi32>
    %shift_right_arithmetic3A_3867 = arith.constant 7 : i32
    %shift_right_arithmetic3A_3868 = vector.broadcast %shift_right_arithmetic3A_3867 : i32 to vector<16xi32>
    %shift_right_arithmetic3A_3869 = arith.shrsi %get3A_3860, %shift_right_arithmetic3A_3868 : vector<16xi32>
    %mul3A_3870 = arith.constant 1024 : i32
    %mul3A_3871 = vector.broadcast %mul3A_3870 : i32 to vector<16xi32>
    %mul3A_3872 = arith.muli %shift_right_arithmetic3A_3869, %mul3A_3871 : vector<16xi32>
    %add3A_3873 = arith.addi %mul3A_3866, %mul3A_3872 : vector<16xi32>
    %and3A_3874 = arith.constant 7 : i32
    %and3A_3875 = vector.broadcast %and3A_3874 : i32 to vector<16xi32>
    %and3A_3876 = arith.andi %get3A_3858, %and3A_3875 : vector<16xi32>
    %mul3A_3877 = arith.constant 128 : i32
    %mul3A_3878 = vector.broadcast %mul3A_3877 : i32 to vector<16xi32>
    %mul3A_3879 = arith.muli %and3A_3876, %mul3A_3878 : vector<16xi32>
    %add3A_3880 = arith.addi %add3A_3873, %mul3A_3879 : vector<16xi32>
    %and3A_3881 = arith.constant 127 : i32
    %and3A_3882 = vector.broadcast %and3A_3881 : i32 to vector<16xi32>
    %and3A_3883 = arith.andi %get3A_3860, %and3A_3882 : vector<16xi32>
    %add3A_3884 = arith.addi %add3A_3880, %and3A_3883 : vector<16xi32>
    %add3A_3885 = vector.broadcast %mul3A_32 : i32 to vector<16xi32>
    %add3A_3886 = arith.addi %add3A_3884, %add3A_3885 : vector<16xi32>
    %swap3A_3887 = arith.index_cast %mul3A_3824 : i32 to index
    %swap3A_3888 = tpu.vector_load %arg11[%swap3A_3887] {strides = array<i32>} : memref<1024xi32, #tpu.memory_space<vmem>>, vector<16xi32>,
    tpu.vector_store %arg11[%swap3A_3887], %add3A_3886 {strides = array<i32>} : memref<1024xi32, #tpu.memory_space<vmem>>, vector<16xi32>,
    %scan3A_3889 = arith.constant 57 : i32
    %mul3A_3890 = arith.constant 16 : i32
    %mul3A_3891 = arith.muli %scan3A_3889, %mul3A_3890 : i32
    %get3A_3892 = arith.index_cast %mul3A_3891 : i32 to index
    %get3A_3893 = tpu.vector_load %arg6[%get3A_3892] {strides = array<i32>} : memref<1024xi32, #tpu.memory_space<vmem>>, vector<16xi32>,
    %get3A_3894 = arith.index_cast %mul3A_3891 : i32 to index
    %get3A_3895 = tpu.vector_load %arg7[%get3A_3894] {strides = array<i32>} : memref<1024xi32, #tpu.memory_space<vmem>>, vector<16xi32>,
    %shift_right_arithmetic3A_3896 = arith.constant 3 : i32
    %shift_right_arithmetic3A_3897 = vector.broadcast %shift_right_arithmetic3A_3896 : i32 to vector<16xi32>
    %shift_right_arithmetic3A_3898 = arith.shrsi %get3A_3893, %shift_right_arithmetic3A_3897 : vector<16xi32>
    %mul3A_3899 = arith.constant 3072 : i32
    %mul3A_3900 = vector.broadcast %mul3A_3899 : i32 to vector<16xi32>
    %mul3A_3901 = arith.muli %shift_right_arithmetic3A_3898, %mul3A_3900 : vector<16xi32>
    %shift_right_arithmetic3A_3902 = arith.constant 7 : i32
    %shift_right_arithmetic3A_3903 = vector.broadcast %shift_right_arithmetic3A_3902 : i32 to vector<16xi32>
    %shift_right_arithmetic3A_3904 = arith.shrsi %get3A_3895, %shift_right_arithmetic3A_3903 : vector<16xi32>
    %mul3A_3905 = arith.constant 1024 : i32
    %mul3A_3906 = vector.broadcast %mul3A_3905 : i32 to vector<16xi32>
    %mul3A_3907 = arith.muli %shift_right_arithmetic3A_3904, %mul3A_3906 : vector<16xi32>
    %add3A_3908 = arith.addi %mul3A_3901, %mul3A_3907 : vector<16xi32>
    %and3A_3909 = arith.constant 7 : i32
    %and3A_3910 = vector.broadcast %and3A_3909 : i32 to vector<16xi32>
    %and3A_3911 = arith.andi %get3A_3893, %and3A_3910 : vector<16xi32>
    %mul3A_3912 = arith.constant 128 : i32
    %mul3A_3913 = vector.broadcast %mul3A_3912 : i32 to vector<16xi32>
    %mul3A_3914 = arith.muli %and3A_3911, %mul3A_3913 : vector<16xi32>
    %add3A_3915 = arith.addi %add3A_3908, %mul3A_3914 : vector<16xi32>
    %and3A_3916 = arith.constant 127 : i32
    %and3A_3917 = vector.broadcast %and3A_3916 : i32 to vector<16xi32>
    %and3A_3918 = arith.andi %get3A_3895, %and3A_3917 : vector<16xi32>
    %add3A_3919 = arith.addi %add3A_3915, %and3A_3918 : vector<16xi32>
    %add3A_3920 = vector.broadcast %mul3A_32 : i32 to vector<16xi32>
    %add3A_3921 = arith.addi %add3A_3919, %add3A_3920 : vector<16xi32>
    %swap3A_3922 = arith.index_cast %mul3A_3891 : i32 to index
    %swap3A_3923 = tpu.vector_load %arg10[%swap3A_3922] {strides = array<i32>} : memref<1024xi32, #tpu.memory_space<vmem>>, vector<16xi32>,
    tpu.vector_store %arg10[%swap3A_3922], %add3A_3921 {strides = array<i32>} : memref<1024xi32, #tpu.memory_space<vmem>>, vector<16xi32>,
    %get3A_3924 = arith.index_cast %mul3A_3891 : i32 to index
    %get3A_3925 = tpu.vector_load %arg8[%get3A_3924] {strides = array<i32>} : memref<1024xi32, #tpu.memory_space<vmem>>, vector<16xi32>,
    %get3A_3926 = arith.index_cast %mul3A_3891 : i32 to index
    %get3A_3927 = tpu.vector_load %arg9[%get3A_3926] {strides = array<i32>} : memref<1024xi32, #tpu.memory_space<vmem>>, vector<16xi32>,
    %shift_right_arithmetic3A_3928 = arith.constant 3 : i32
    %shift_right_arithmetic3A_3929 = vector.broadcast %shift_right_arithmetic3A_3928 : i32 to vector<16xi32>
    %shift_right_arithmetic3A_3930 = arith.shrsi %get3A_3925, %shift_right_arithmetic3A_3929 : vector<16xi32>
    %mul3A_3931 = arith.constant 3072 : i32
    %mul3A_3932 = vector.broadcast %mul3A_3931 : i32 to vector<16xi32>
    %mul3A_3933 = arith.muli %shift_right_arithmetic3A_3930, %mul3A_3932 : vector<16xi32>
    %shift_right_arithmetic3A_3934 = arith.constant 7 : i32
    %shift_right_arithmetic3A_3935 = vector.broadcast %shift_right_arithmetic3A_3934 : i32 to vector<16xi32>
    %shift_right_arithmetic3A_3936 = arith.shrsi %get3A_3927, %shift_right_arithmetic3A_3935 : vector<16xi32>
    %mul3A_3937 = arith.constant 1024 : i32
    %mul3A_3938 = vector.broadcast %mul3A_3937 : i32 to vector<16xi32>
    %mul3A_3939 = arith.muli %shift_right_arithmetic3A_3936, %mul3A_3938 : vector<16xi32>
    %add3A_3940 = arith.addi %mul3A_3933, %mul3A_3939 : vector<16xi32>
    %and3A_3941 = arith.constant 7 : i32
    %and3A_3942 = vector.broadcast %and3A_3941 : i32 to vector<16xi32>
    %and3A_3943 = arith.andi %get3A_3925, %and3A_3942 : vector<16xi32>
    %mul3A_3944 = arith.constant 128 : i32
    %mul3A_3945 = vector.broadcast %mul3A_3944 : i32 to vector<16xi32>
    %mul3A_3946 = arith.muli %and3A_3943, %mul3A_3945 : vector<16xi32>
    %add3A_3947 = arith.addi %add3A_3940, %mul3A_3946 : vector<16xi32>
    %and3A_3948 = arith.constant 127 : i32
    %and3A_3949 = vector.broadcast %and3A_3948 : i32 to vector<16xi32>
    %and3A_3950 = arith.andi %get3A_3927, %and3A_3949 : vector<16xi32>
    %add3A_3951 = arith.addi %add3A_3947, %and3A_3950 : vector<16xi32>
    %add3A_3952 = vector.broadcast %mul3A_32 : i32 to vector<16xi32>
    %add3A_3953 = arith.addi %add3A_3951, %add3A_3952 : vector<16xi32>
    %swap3A_3954 = arith.index_cast %mul3A_3891 : i32 to index
    %swap3A_3955 = tpu.vector_load %arg11[%swap3A_3954] {strides = array<i32>} : memref<1024xi32, #tpu.memory_space<vmem>>, vector<16xi32>,
    tpu.vector_store %arg11[%swap3A_3954], %add3A_3953 {strides = array<i32>} : memref<1024xi32, #tpu.memory_space<vmem>>, vector<16xi32>,
    %scan3A_3956 = arith.constant 58 : i32
    %mul3A_3957 = arith.constant 16 : i32
    %mul3A_3958 = arith.muli %scan3A_3956, %mul3A_3957 : i32
    %get3A_3959 = arith.index_cast %mul3A_3958 : i32 to index
    %get3A_3960 = tpu.vector_load %arg6[%get3A_3959] {strides = array<i32>} : memref<1024xi32, #tpu.memory_space<vmem>>, vector<16xi32>,
    %get3A_3961 = arith.index_cast %mul3A_3958 : i32 to index
    %get3A_3962 = tpu.vector_load %arg7[%get3A_3961] {strides = array<i32>} : memref<1024xi32, #tpu.memory_space<vmem>>, vector<16xi32>,
    %shift_right_arithmetic3A_3963 = arith.constant 3 : i32
    %shift_right_arithmetic3A_3964 = vector.broadcast %shift_right_arithmetic3A_3963 : i32 to vector<16xi32>
    %shift_right_arithmetic3A_3965 = arith.shrsi %get3A_3960, %shift_right_arithmetic3A_3964 : vector<16xi32>
    %mul3A_3966 = arith.constant 3072 : i32
    %mul3A_3967 = vector.broadcast %mul3A_3966 : i32 to vector<16xi32>
    %mul3A_3968 = arith.muli %shift_right_arithmetic3A_3965, %mul3A_3967 : vector<16xi32>
    %shift_right_arithmetic3A_3969 = arith.constant 7 : i32
    %shift_right_arithmetic3A_3970 = vector.broadcast %shift_right_arithmetic3A_3969 : i32 to vector<16xi32>
    %shift_right_arithmetic3A_3971 = arith.shrsi %get3A_3962, %shift_right_arithmetic3A_3970 : vector<16xi32>
    %mul3A_3972 = arith.constant 1024 : i32
    %mul3A_3973 = vector.broadcast %mul3A_3972 : i32 to vector<16xi32>
    %mul3A_3974 = arith.muli %shift_right_arithmetic3A_3971, %mul3A_3973 : vector<16xi32>
    %add3A_3975 = arith.addi %mul3A_3968, %mul3A_3974 : vector<16xi32>
    %and3A_3976 = arith.constant 7 : i32
    %and3A_3977 = vector.broadcast %and3A_3976 : i32 to vector<16xi32>
    %and3A_3978 = arith.andi %get3A_3960, %and3A_3977 : vector<16xi32>
    %mul3A_3979 = arith.constant 128 : i32
    %mul3A_3980 = vector.broadcast %mul3A_3979 : i32 to vector<16xi32>
    %mul3A_3981 = arith.muli %and3A_3978, %mul3A_3980 : vector<16xi32>
    %add3A_3982 = arith.addi %add3A_3975, %mul3A_3981 : vector<16xi32>
    %and3A_3983 = arith.constant 127 : i32
    %and3A_3984 = vector.broadcast %and3A_3983 : i32 to vector<16xi32>
    %and3A_3985 = arith.andi %get3A_3962, %and3A_3984 : vector<16xi32>
    %add3A_3986 = arith.addi %add3A_3982, %and3A_3985 : vector<16xi32>
    %add3A_3987 = vector.broadcast %mul3A_32 : i32 to vector<16xi32>
    %add3A_3988 = arith.addi %add3A_3986, %add3A_3987 : vector<16xi32>
    %swap3A_3989 = arith.index_cast %mul3A_3958 : i32 to index
    %swap3A_3990 = tpu.vector_load %arg10[%swap3A_3989] {strides = array<i32>} : memref<1024xi32, #tpu.memory_space<vmem>>, vector<16xi32>,
    tpu.vector_store %arg10[%swap3A_3989], %add3A_3988 {strides = array<i32>} : memref<1024xi32, #tpu.memory_space<vmem>>, vector<16xi32>,
    %get3A_3991 = arith.index_cast %mul3A_3958 : i32 to index
    %get3A_3992 = tpu.vector_load %arg8[%get3A_3991] {strides = array<i32>} : memref<1024xi32, #tpu.memory_space<vmem>>, vector<16xi32>,
    %get3A_3993 = arith.index_cast %mul3A_3958 : i32 to index
    %get3A_3994 = tpu.vector_load %arg9[%get3A_3993] {strides = array<i32>} : memref<1024xi32, #tpu.memory_space<vmem>>, vector<16xi32>,
    %shift_right_arithmetic3A_3995 = arith.constant 3 : i32
    %shift_right_arithmetic3A_3996 = vector.broadcast %shift_right_arithmetic3A_3995 : i32 to vector<16xi32>
    %shift_right_arithmetic3A_3997 = arith.shrsi %get3A_3992, %shift_right_arithmetic3A_3996 : vector<16xi32>
    %mul3A_3998 = arith.constant 3072 : i32
    %mul3A_3999 = vector.broadcast %mul3A_3998 : i32 to vector<16xi32>
    %mul3A_4000 = arith.muli %shift_right_arithmetic3A_3997, %mul3A_3999 : vector<16xi32>
    %shift_right_arithmetic3A_4001 = arith.constant 7 : i32
    %shift_right_arithmetic3A_4002 = vector.broadcast %shift_right_arithmetic3A_4001 : i32 to vector<16xi32>
    %shift_right_arithmetic3A_4003 = arith.shrsi %get3A_3994, %shift_right_arithmetic3A_4002 : vector<16xi32>
    %mul3A_4004 = arith.constant 1024 : i32
    %mul3A_4005 = vector.broadcast %mul3A_4004 : i32 to vector<16xi32>
    %mul3A_4006 = arith.muli %shift_right_arithmetic3A_4003, %mul3A_4005 : vector<16xi32>
    %add3A_4007 = arith.addi %mul3A_4000, %mul3A_4006 : vector<16xi32>
    %and3A_4008 = arith.constant 7 : i32
    %and3A_4009 = vector.broadcast %and3A_4008 : i32 to vector<16xi32>
    %and3A_4010 = arith.andi %get3A_3992, %and3A_4009 : vector<16xi32>
    %mul3A_4011 = arith.constant 128 : i32
    %mul3A_4012 = vector.broadcast %mul3A_4011 : i32 to vector<16xi32>
    %mul3A_4013 = arith.muli %and3A_4010, %mul3A_4012 : vector<16xi32>
    %add3A_4014 = arith.addi %add3A_4007, %mul3A_4013 : vector<16xi32>
    %and3A_4015 = arith.constant 127 : i32
    %and3A_4016 = vector.broadcast %and3A_4015 : i32 to vector<16xi32>
    %and3A_4017 = arith.andi %get3A_3994, %and3A_4016 : vector<16xi32>
    %add3A_4018 = arith.addi %add3A_4014, %and3A_4017 : vector<16xi32>
    %add3A_4019 = vector.broadcast %mul3A_32 : i32 to vector<16xi32>
    %add3A_4020 = arith.addi %add3A_4018, %add3A_4019 : vector<16xi32>
    %swap3A_4021 = arith.index_cast %mul3A_3958 : i32 to index
    %swap3A_4022 = tpu.vector_load %arg11[%swap3A_4021] {strides = array<i32>} : memref<1024xi32, #tpu.memory_space<vmem>>, vector<16xi32>,
    tpu.vector_store %arg11[%swap3A_4021], %add3A_4020 {strides = array<i32>} : memref<1024xi32, #tpu.memory_space<vmem>>, vector<16xi32>,
    %scan3A_4023 = arith.constant 59 : i32
    %mul3A_4024 = arith.constant 16 : i32
    %mul3A_4025 = arith.muli %scan3A_4023, %mul3A_4024 : i32
    %get3A_4026 = arith.index_cast %mul3A_4025 : i32 to index
    %get3A_4027 = tpu.vector_load %arg6[%get3A_4026] {strides = array<i32>} : memref<1024xi32, #tpu.memory_space<vmem>>, vector<16xi32>,
    %get3A_4028 = arith.index_cast %mul3A_4025 : i32 to index
    %get3A_4029 = tpu.vector_load %arg7[%get3A_4028] {strides = array<i32>} : memref<1024xi32, #tpu.memory_space<vmem>>, vector<16xi32>,
    %shift_right_arithmetic3A_4030 = arith.constant 3 : i32
    %shift_right_arithmetic3A_4031 = vector.broadcast %shift_right_arithmetic3A_4030 : i32 to vector<16xi32>
    %shift_right_arithmetic3A_4032 = arith.shrsi %get3A_4027, %shift_right_arithmetic3A_4031 : vector<16xi32>
    %mul3A_4033 = arith.constant 3072 : i32
    %mul3A_4034 = vector.broadcast %mul3A_4033 : i32 to vector<16xi32>
    %mul3A_4035 = arith.muli %shift_right_arithmetic3A_4032, %mul3A_4034 : vector<16xi32>
    %shift_right_arithmetic3A_4036 = arith.constant 7 : i32
    %shift_right_arithmetic3A_4037 = vector.broadcast %shift_right_arithmetic3A_4036 : i32 to vector<16xi32>
    %shift_right_arithmetic3A_4038 = arith.shrsi %get3A_4029, %shift_right_arithmetic3A_4037 : vector<16xi32>
    %mul3A_4039 = arith.constant 1024 : i32
    %mul3A_4040 = vector.broadcast %mul3A_4039 : i32 to vector<16xi32>
    %mul3A_4041 = arith.muli %shift_right_arithmetic3A_4038, %mul3A_4040 : vector<16xi32>
    %add3A_4042 = arith.addi %mul3A_4035, %mul3A_4041 : vector<16xi32>
    %and3A_4043 = arith.constant 7 : i32
    %and3A_4044 = vector.broadcast %and3A_4043 : i32 to vector<16xi32>
    %and3A_4045 = arith.andi %get3A_4027, %and3A_4044 : vector<16xi32>
    %mul3A_4046 = arith.constant 128 : i32
    %mul3A_4047 = vector.broadcast %mul3A_4046 : i32 to vector<16xi32>
    %mul3A_4048 = arith.muli %and3A_4045, %mul3A_4047 : vector<16xi32>
    %add3A_4049 = arith.addi %add3A_4042, %mul3A_4048 : vector<16xi32>
    %and3A_4050 = arith.constant 127 : i32
    %and3A_4051 = vector.broadcast %and3A_4050 : i32 to vector<16xi32>
    %and3A_4052 = arith.andi %get3A_4029, %and3A_4051 : vector<16xi32>
    %add3A_4053 = arith.addi %add3A_4049, %and3A_4052 : vector<16xi32>
    %add3A_4054 = vector.broadcast %mul3A_32 : i32 to vector<16xi32>
    %add3A_4055 = arith.addi %add3A_4053, %add3A_4054 : vector<16xi32>
    %swap3A_4056 = arith.index_cast %mul3A_4025 : i32 to index
    %swap3A_4057 = tpu.vector_load %arg10[%swap3A_4056] {strides = array<i32>} : memref<1024xi32, #tpu.memory_space<vmem>>, vector<16xi32>,
    tpu.vector_store %arg10[%swap3A_4056], %add3A_4055 {strides = array<i32>} : memref<1024xi32, #tpu.memory_space<vmem>>, vector<16xi32>,
    %get3A_4058 = arith.index_cast %mul3A_4025 : i32 to index
    %get3A_4059 = tpu.vector_load %arg8[%get3A_4058] {strides = array<i32>} : memref<1024xi32, #tpu.memory_space<vmem>>, vector<16xi32>,
    %get3A_4060 = arith.index_cast %mul3A_4025 : i32 to index
    %get3A_4061 = tpu.vector_load %arg9[%get3A_4060] {strides = array<i32>} : memref<1024xi32, #tpu.memory_space<vmem>>, vector<16xi32>,
    %shift_right_arithmetic3A_4062 = arith.constant 3 : i32
    %shift_right_arithmetic3A_4063 = vector.broadcast %shift_right_arithmetic3A_4062 : i32 to vector<16xi32>
    %shift_right_arithmetic3A_4064 = arith.shrsi %get3A_4059, %shift_right_arithmetic3A_4063 : vector<16xi32>
    %mul3A_4065 = arith.constant 3072 : i32
    %mul3A_4066 = vector.broadcast %mul3A_4065 : i32 to vector<16xi32>
    %mul3A_4067 = arith.muli %shift_right_arithmetic3A_4064, %mul3A_4066 : vector<16xi32>
    %shift_right_arithmetic3A_4068 = arith.constant 7 : i32
    %shift_right_arithmetic3A_4069 = vector.broadcast %shift_right_arithmetic3A_4068 : i32 to vector<16xi32>
    %shift_right_arithmetic3A_4070 = arith.shrsi %get3A_4061, %shift_right_arithmetic3A_4069 : vector<16xi32>
    %mul3A_4071 = arith.constant 1024 : i32
    %mul3A_4072 = vector.broadcast %mul3A_4071 : i32 to vector<16xi32>
    %mul3A_4073 = arith.muli %shift_right_arithmetic3A_4070, %mul3A_4072 : vector<16xi32>
    %add3A_4074 = arith.addi %mul3A_4067, %mul3A_4073 : vector<16xi32>
    %and3A_4075 = arith.constant 7 : i32
    %and3A_4076 = vector.broadcast %and3A_4075 : i32 to vector<16xi32>
    %and3A_4077 = arith.andi %get3A_4059, %and3A_4076 : vector<16xi32>
    %mul3A_4078 = arith.constant 128 : i32
    %mul3A_4079 = vector.broadcast %mul3A_4078 : i32 to vector<16xi32>
    %mul3A_4080 = arith.muli %and3A_4077, %mul3A_4079 : vector<16xi32>
    %add3A_4081 = arith.addi %add3A_4074, %mul3A_4080 : vector<16xi32>
    %and3A_4082 = arith.constant 127 : i32
    %and3A_4083 = vector.broadcast %and3A_4082 : i32 to vector<16xi32>
    %and3A_4084 = arith.andi %get3A_4061, %and3A_4083 : vector<16xi32>
    %add3A_4085 = arith.addi %add3A_4081, %and3A_4084 : vector<16xi32>
    %add3A_4086 = vector.broadcast %mul3A_32 : i32 to vector<16xi32>
    %add3A_4087 = arith.addi %add3A_4085, %add3A_4086 : vector<16xi32>
    %swap3A_4088 = arith.index_cast %mul3A_4025 : i32 to index
    %swap3A_4089 = tpu.vector_load %arg11[%swap3A_4088] {strides = array<i32>} : memref<1024xi32, #tpu.memory_space<vmem>>, vector<16xi32>,
    tpu.vector_store %arg11[%swap3A_4088], %add3A_4087 {strides = array<i32>} : memref<1024xi32, #tpu.memory_space<vmem>>, vector<16xi32>,
    %scan3A_4090 = arith.constant 60 : i32
    %mul3A_4091 = arith.constant 16 : i32
    %mul3A_4092 = arith.muli %scan3A_4090, %mul3A_4091 : i32
    %get3A_4093 = arith.index_cast %mul3A_4092 : i32 to index
    %get3A_4094 = tpu.vector_load %arg6[%get3A_4093] {strides = array<i32>} : memref<1024xi32, #tpu.memory_space<vmem>>, vector<16xi32>,
    %get3A_4095 = arith.index_cast %mul3A_4092 : i32 to index
    %get3A_4096 = tpu.vector_load %arg7[%get3A_4095] {strides = array<i32>} : memref<1024xi32, #tpu.memory_space<vmem>>, vector<16xi32>,
    %shift_right_arithmetic3A_4097 = arith.constant 3 : i32
    %shift_right_arithmetic3A_4098 = vector.broadcast %shift_right_arithmetic3A_4097 : i32 to vector<16xi32>
    %shift_right_arithmetic3A_4099 = arith.shrsi %get3A_4094, %shift_right_arithmetic3A_4098 : vector<16xi32>
    %mul3A_4100 = arith.constant 3072 : i32
    %mul3A_4101 = vector.broadcast %mul3A_4100 : i32 to vector<16xi32>
    %mul3A_4102 = arith.muli %shift_right_arithmetic3A_4099, %mul3A_4101 : vector<16xi32>
    %shift_right_arithmetic3A_4103 = arith.constant 7 : i32
    %shift_right_arithmetic3A_4104 = vector.broadcast %shift_right_arithmetic3A_4103 : i32 to vector<16xi32>
    %shift_right_arithmetic3A_4105 = arith.shrsi %get3A_4096, %shift_right_arithmetic3A_4104 : vector<16xi32>
    %mul3A_4106 = arith.constant 1024 : i32
    %mul3A_4107 = vector.broadcast %mul3A_4106 : i32 to vector<16xi32>
    %mul3A_4108 = arith.muli %shift_right_arithmetic3A_4105, %mul3A_4107 : vector<16xi32>
    %add3A_4109 = arith.addi %mul3A_4102, %mul3A_4108 : vector<16xi32>
    %and3A_4110 = arith.constant 7 : i32
    %and3A_4111 = vector.broadcast %and3A_4110 : i32 to vector<16xi32>
    %and3A_4112 = arith.andi %get3A_4094, %and3A_4111 : vector<16xi32>
    %mul3A_4113 = arith.constant 128 : i32
    %mul3A_4114 = vector.broadcast %mul3A_4113 : i32 to vector<16xi32>
    %mul3A_4115 = arith.muli %and3A_4112, %mul3A_4114 : vector<16xi32>
    %add3A_4116 = arith.addi %add3A_4109, %mul3A_4115 : vector<16xi32>
    %and3A_4117 = arith.constant 127 : i32
    %and3A_4118 = vector.broadcast %and3A_4117 : i32 to vector<16xi32>
    %and3A_4119 = arith.andi %get3A_4096, %and3A_4118 : vector<16xi32>
    %add3A_4120 = arith.addi %add3A_4116, %and3A_4119 : vector<16xi32>
    %add3A_4121 = vector.broadcast %mul3A_32 : i32 to vector<16xi32>
    %add3A_4122 = arith.addi %add3A_4120, %add3A_4121 : vector<16xi32>
    %swap3A_4123 = arith.index_cast %mul3A_4092 : i32 to index
    %swap3A_4124 = tpu.vector_load %arg10[%swap3A_4123] {strides = array<i32>} : memref<1024xi32, #tpu.memory_space<vmem>>, vector<16xi32>,
    tpu.vector_store %arg10[%swap3A_4123], %add3A_4122 {strides = array<i32>} : memref<1024xi32, #tpu.memory_space<vmem>>, vector<16xi32>,
    %get3A_4125 = arith.index_cast %mul3A_4092 : i32 to index
    %get3A_4126 = tpu.vector_load %arg8[%get3A_4125] {strides = array<i32>} : memref<1024xi32, #tpu.memory_space<vmem>>, vector<16xi32>,
    %get3A_4127 = arith.index_cast %mul3A_4092 : i32 to index
    %get3A_4128 = tpu.vector_load %arg9[%get3A_4127] {strides = array<i32>} : memref<1024xi32, #tpu.memory_space<vmem>>, vector<16xi32>,
    %shift_right_arithmetic3A_4129 = arith.constant 3 : i32
    %shift_right_arithmetic3A_4130 = vector.broadcast %shift_right_arithmetic3A_4129 : i32 to vector<16xi32>
    %shift_right_arithmetic3A_4131 = arith.shrsi %get3A_4126, %shift_right_arithmetic3A_4130 : vector<16xi32>
    %mul3A_4132 = arith.constant 3072 : i32
    %mul3A_4133 = vector.broadcast %mul3A_4132 : i32 to vector<16xi32>
    %mul3A_4134 = arith.muli %shift_right_arithmetic3A_4131, %mul3A_4133 : vector<16xi32>
    %shift_right_arithmetic3A_4135 = arith.constant 7 : i32
    %shift_right_arithmetic3A_4136 = vector.broadcast %shift_right_arithmetic3A_4135 : i32 to vector<16xi32>
    %shift_right_arithmetic3A_4137 = arith.shrsi %get3A_4128, %shift_right_arithmetic3A_4136 : vector<16xi32>
    %mul3A_4138 = arith.constant 1024 : i32
    %mul3A_4139 = vector.broadcast %mul3A_4138 : i32 to vector<16xi32>
    %mul3A_4140 = arith.muli %shift_right_arithmetic3A_4137, %mul3A_4139 : vector<16xi32>
    %add3A_4141 = arith.addi %mul3A_4134, %mul3A_4140 : vector<16xi32>
    %and3A_4142 = arith.constant 7 : i32
    %and3A_4143 = vector.broadcast %and3A_4142 : i32 to vector<16xi32>
    %and3A_4144 = arith.andi %get3A_4126, %and3A_4143 : vector<16xi32>
    %mul3A_4145 = arith.constant 128 : i32
    %mul3A_4146 = vector.broadcast %mul3A_4145 : i32 to vector<16xi32>
    %mul3A_4147 = arith.muli %and3A_4144, %mul3A_4146 : vector<16xi32>
    %add3A_4148 = arith.addi %add3A_4141, %mul3A_4147 : vector<16xi32>
    %and3A_4149 = arith.constant 127 : i32
    %and3A_4150 = vector.broadcast %and3A_4149 : i32 to vector<16xi32>
    %and3A_4151 = arith.andi %get3A_4128, %and3A_4150 : vector<16xi32>
    %add3A_4152 = arith.addi %add3A_4148, %and3A_4151 : vector<16xi32>
    %add3A_4153 = vector.broadcast %mul3A_32 : i32 to vector<16xi32>
    %add3A_4154 = arith.addi %add3A_4152, %add3A_4153 : vector<16xi32>
    %swap3A_4155 = arith.index_cast %mul3A_4092 : i32 to index
    %swap3A_4156 = tpu.vector_load %arg11[%swap3A_4155] {strides = array<i32>} : memref<1024xi32, #tpu.memory_space<vmem>>, vector<16xi32>,
    tpu.vector_store %arg11[%swap3A_4155], %add3A_4154 {strides = array<i32>} : memref<1024xi32, #tpu.memory_space<vmem>>, vector<16xi32>,
    %scan3A_4157 = arith.constant 61 : i32
    %mul3A_4158 = arith.constant 16 : i32
    %mul3A_4159 = arith.muli %scan3A_4157, %mul3A_4158 : i32
    %get3A_4160 = arith.index_cast %mul3A_4159 : i32 to index
    %get3A_4161 = tpu.vector_load %arg6[%get3A_4160] {strides = array<i32>} : memref<1024xi32, #tpu.memory_space<vmem>>, vector<16xi32>,
    %get3A_4162 = arith.index_cast %mul3A_4159 : i32 to index
    %get3A_4163 = tpu.vector_load %arg7[%get3A_4162] {strides = array<i32>} : memref<1024xi32, #tpu.memory_space<vmem>>, vector<16xi32>,
    %shift_right_arithmetic3A_4164 = arith.constant 3 : i32
    %shift_right_arithmetic3A_4165 = vector.broadcast %shift_right_arithmetic3A_4164 : i32 to vector<16xi32>
    %shift_right_arithmetic3A_4166 = arith.shrsi %get3A_4161, %shift_right_arithmetic3A_4165 : vector<16xi32>
    %mul3A_4167 = arith.constant 3072 : i32
    %mul3A_4168 = vector.broadcast %mul3A_4167 : i32 to vector<16xi32>
    %mul3A_4169 = arith.muli %shift_right_arithmetic3A_4166, %mul3A_4168 : vector<16xi32>
    %shift_right_arithmetic3A_4170 = arith.constant 7 : i32
    %shift_right_arithmetic3A_4171 = vector.broadcast %shift_right_arithmetic3A_4170 : i32 to vector<16xi32>
    %shift_right_arithmetic3A_4172 = arith.shrsi %get3A_4163, %shift_right_arithmetic3A_4171 : vector<16xi32>
    %mul3A_4173 = arith.constant 1024 : i32
    %mul3A_4174 = vector.broadcast %mul3A_4173 : i32 to vector<16xi32>
    %mul3A_4175 = arith.muli %shift_right_arithmetic3A_4172, %mul3A_4174 : vector<16xi32>
    %add3A_4176 = arith.addi %mul3A_4169, %mul3A_4175 : vector<16xi32>
    %and3A_4177 = arith.constant 7 : i32
    %and3A_4178 = vector.broadcast %and3A_4177 : i32 to vector<16xi32>
    %and3A_4179 = arith.andi %get3A_4161, %and3A_4178 : vector<16xi32>
    %mul3A_4180 = arith.constant 128 : i32
    %mul3A_4181 = vector.broadcast %mul3A_4180 : i32 to vector<16xi32>
    %mul3A_4182 = arith.muli %and3A_4179, %mul3A_4181 : vector<16xi32>
    %add3A_4183 = arith.addi %add3A_4176, %mul3A_4182 : vector<16xi32>
    %and3A_4184 = arith.constant 127 : i32
    %and3A_4185 = vector.broadcast %and3A_4184 : i32 to vector<16xi32>
    %and3A_4186 = arith.andi %get3A_4163, %and3A_4185 : vector<16xi32>
    %add3A_4187 = arith.addi %add3A_4183, %and3A_4186 : vector<16xi32>
    %add3A_4188 = vector.broadcast %mul3A_32 : i32 to vector<16xi32>
    %add3A_4189 = arith.addi %add3A_4187, %add3A_4188 : vector<16xi32>
    %swap3A_4190 = arith.index_cast %mul3A_4159 : i32 to index
    %swap3A_4191 = tpu.vector_load %arg10[%swap3A_4190] {strides = array<i32>} : memref<1024xi32, #tpu.memory_space<vmem>>, vector<16xi32>,
    tpu.vector_store %arg10[%swap3A_4190], %add3A_4189 {strides = array<i32>} : memref<1024xi32, #tpu.memory_space<vmem>>, vector<16xi32>,
    %get3A_4192 = arith.index_cast %mul3A_4159 : i32 to index
    %get3A_4193 = tpu.vector_load %arg8[%get3A_4192] {strides = array<i32>} : memref<1024xi32, #tpu.memory_space<vmem>>, vector<16xi32>,
    %get3A_4194 = arith.index_cast %mul3A_4159 : i32 to index
    %get3A_4195 = tpu.vector_load %arg9[%get3A_4194] {strides = array<i32>} : memref<1024xi32, #tpu.memory_space<vmem>>, vector<16xi32>,
    %shift_right_arithmetic3A_4196 = arith.constant 3 : i32
    %shift_right_arithmetic3A_4197 = vector.broadcast %shift_right_arithmetic3A_4196 : i32 to vector<16xi32>
    %shift_right_arithmetic3A_4198 = arith.shrsi %get3A_4193, %shift_right_arithmetic3A_4197 : vector<16xi32>
    %mul3A_4199 = arith.constant 3072 : i32
    %mul3A_4200 = vector.broadcast %mul3A_4199 : i32 to vector<16xi32>
    %mul3A_4201 = arith.muli %shift_right_arithmetic3A_4198, %mul3A_4200 : vector<16xi32>
    %shift_right_arithmetic3A_4202 = arith.constant 7 : i32
    %shift_right_arithmetic3A_4203 = vector.broadcast %shift_right_arithmetic3A_4202 : i32 to vector<16xi32>
    %shift_right_arithmetic3A_4204 = arith.shrsi %get3A_4195, %shift_right_arithmetic3A_4203 : vector<16xi32>
    %mul3A_4205 = arith.constant 1024 : i32
    %mul3A_4206 = vector.broadcast %mul3A_4205 : i32 to vector<16xi32>
    %mul3A_4207 = arith.muli %shift_right_arithmetic3A_4204, %mul3A_4206 : vector<16xi32>
    %add3A_4208 = arith.addi %mul3A_4201, %mul3A_4207 : vector<16xi32>
    %and3A_4209 = arith.constant 7 : i32
    %and3A_4210 = vector.broadcast %and3A_4209 : i32 to vector<16xi32>
    %and3A_4211 = arith.andi %get3A_4193, %and3A_4210 : vector<16xi32>
    %mul3A_4212 = arith.constant 128 : i32
    %mul3A_4213 = vector.broadcast %mul3A_4212 : i32 to vector<16xi32>
    %mul3A_4214 = arith.muli %and3A_4211, %mul3A_4213 : vector<16xi32>
    %add3A_4215 = arith.addi %add3A_4208, %mul3A_4214 : vector<16xi32>
    %and3A_4216 = arith.constant 127 : i32
    %and3A_4217 = vector.broadcast %and3A_4216 : i32 to vector<16xi32>
    %and3A_4218 = arith.andi %get3A_4195, %and3A_4217 : vector<16xi32>
    %add3A_4219 = arith.addi %add3A_4215, %and3A_4218 : vector<16xi32>
    %add3A_4220 = vector.broadcast %mul3A_32 : i32 to vector<16xi32>
    %add3A_4221 = arith.addi %add3A_4219, %add3A_4220 : vector<16xi32>
    %swap3A_4222 = arith.index_cast %mul3A_4159 : i32 to index
    %swap3A_4223 = tpu.vector_load %arg11[%swap3A_4222] {strides = array<i32>} : memref<1024xi32, #tpu.memory_space<vmem>>, vector<16xi32>,
    tpu.vector_store %arg11[%swap3A_4222], %add3A_4221 {strides = array<i32>} : memref<1024xi32, #tpu.memory_space<vmem>>, vector<16xi32>,
    %scan3A_4224 = arith.constant 62 : i32
    %mul3A_4225 = arith.constant 16 : i32
    %mul3A_4226 = arith.muli %scan3A_4224, %mul3A_4225 : i32
    %get3A_4227 = arith.index_cast %mul3A_4226 : i32 to index
    %get3A_4228 = tpu.vector_load %arg6[%get3A_4227] {strides = array<i32>} : memref<1024xi32, #tpu.memory_space<vmem>>, vector<16xi32>,
    %get3A_4229 = arith.index_cast %mul3A_4226 : i32 to index
    %get3A_4230 = tpu.vector_load %arg7[%get3A_4229] {strides = array<i32>} : memref<1024xi32, #tpu.memory_space<vmem>>, vector<16xi32>,
    %shift_right_arithmetic3A_4231 = arith.constant 3 : i32
    %shift_right_arithmetic3A_4232 = vector.broadcast %shift_right_arithmetic3A_4231 : i32 to vector<16xi32>
    %shift_right_arithmetic3A_4233 = arith.shrsi %get3A_4228, %shift_right_arithmetic3A_4232 : vector<16xi32>
    %mul3A_4234 = arith.constant 3072 : i32
    %mul3A_4235 = vector.broadcast %mul3A_4234 : i32 to vector<16xi32>
    %mul3A_4236 = arith.muli %shift_right_arithmetic3A_4233, %mul3A_4235 : vector<16xi32>
    %shift_right_arithmetic3A_4237 = arith.constant 7 : i32
    %shift_right_arithmetic3A_4238 = vector.broadcast %shift_right_arithmetic3A_4237 : i32 to vector<16xi32>
    %shift_right_arithmetic3A_4239 = arith.shrsi %get3A_4230, %shift_right_arithmetic3A_4238 : vector<16xi32>
    %mul3A_4240 = arith.constant 1024 : i32
    %mul3A_4241 = vector.broadcast %mul3A_4240 : i32 to vector<16xi32>
    %mul3A_4242 = arith.muli %shift_right_arithmetic3A_4239, %mul3A_4241 : vector<16xi32>
    %add3A_4243 = arith.addi %mul3A_4236, %mul3A_4242 : vector<16xi32>
    %and3A_4244 = arith.constant 7 : i32
    %and3A_4245 = vector.broadcast %and3A_4244 : i32 to vector<16xi32>
    %and3A_4246 = arith.andi %get3A_4228, %and3A_4245 : vector<16xi32>
    %mul3A_4247 = arith.constant 128 : i32
    %mul3A_4248 = vector.broadcast %mul3A_4247 : i32 to vector<16xi32>
    %mul3A_4249 = arith.muli %and3A_4246, %mul3A_4248 : vector<16xi32>
    %add3A_4250 = arith.addi %add3A_4243, %mul3A_4249 : vector<16xi32>
    %and3A_4251 = arith.constant 127 : i32
    %and3A_4252 = vector.broadcast %and3A_4251 : i32 to vector<16xi32>
    %and3A_4253 = arith.andi %get3A_4230, %and3A_4252 : vector<16xi32>
    %add3A_4254 = arith.addi %add3A_4250, %and3A_4253 : vector<16xi32>
    %add3A_4255 = vector.broadcast %mul3A_32 : i32 to vector<16xi32>
    %add3A_4256 = arith.addi %add3A_4254, %add3A_4255 : vector<16xi32>
    %swap3A_4257 = arith.index_cast %mul3A_4226 : i32 to index
    %swap3A_4258 = tpu.vector_load %arg10[%swap3A_4257] {strides = array<i32>} : memref<1024xi32, #tpu.memory_space<vmem>>, vector<16xi32>,
    tpu.vector_store %arg10[%swap3A_4257], %add3A_4256 {strides = array<i32>} : memref<1024xi32, #tpu.memory_space<vmem>>, vector<16xi32>,
    %get3A_4259 = arith.index_cast %mul3A_4226 : i32 to index
    %get3A_4260 = tpu.vector_load %arg8[%get3A_4259] {strides = array<i32>} : memref<1024xi32, #tpu.memory_space<vmem>>, vector<16xi32>,
    %get3A_4261 = arith.index_cast %mul3A_4226 : i32 to index
    %get3A_4262 = tpu.vector_load %arg9[%get3A_4261] {strides = array<i32>} : memref<1024xi32, #tpu.memory_space<vmem>>, vector<16xi32>,
    %shift_right_arithmetic3A_4263 = arith.constant 3 : i32
    %shift_right_arithmetic3A_4264 = vector.broadcast %shift_right_arithmetic3A_4263 : i32 to vector<16xi32>
    %shift_right_arithmetic3A_4265 = arith.shrsi %get3A_4260, %shift_right_arithmetic3A_4264 : vector<16xi32>
    %mul3A_4266 = arith.constant 3072 : i32
    %mul3A_4267 = vector.broadcast %mul3A_4266 : i32 to vector<16xi32>
    %mul3A_4268 = arith.muli %shift_right_arithmetic3A_4265, %mul3A_4267 : vector<16xi32>
    %shift_right_arithmetic3A_4269 = arith.constant 7 : i32
    %shift_right_arithmetic3A_4270 = vector.broadcast %shift_right_arithmetic3A_4269 : i32 to vector<16xi32>
    %shift_right_arithmetic3A_4271 = arith.shrsi %get3A_4262, %shift_right_arithmetic3A_4270 : vector<16xi32>
    %mul3A_4272 = arith.constant 1024 : i32
    %mul3A_4273 = vector.broadcast %mul3A_4272 : i32 to vector<16xi32>
    %mul3A_4274 = arith.muli %shift_right_arithmetic3A_4271, %mul3A_4273 : vector<16xi32>
    %add3A_4275 = arith.addi %mul3A_4268, %mul3A_4274 : vector<16xi32>
    %and3A_4276 = arith.constant 7 : i32
    %and3A_4277 = vector.broadcast %and3A_4276 : i32 to vector<16xi32>
    %and3A_4278 = arith.andi %get3A_4260, %and3A_4277 : vector<16xi32>
    %mul3A_4279 = arith.constant 128 : i32
    %mul3A_4280 = vector.broadcast %mul3A_4279 : i32 to vector<16xi32>
    %mul3A_4281 = arith.muli %and3A_4278, %mul3A_4280 : vector<16xi32>
    %add3A_4282 = arith.addi %add3A_4275, %mul3A_4281 : vector<16xi32>
    %and3A_4283 = arith.constant 127 : i32
    %and3A_4284 = vector.broadcast %and3A_4283 : i32 to vector<16xi32>
    %and3A_4285 = arith.andi %get3A_4262, %and3A_4284 : vector<16xi32>
    %add3A_4286 = arith.addi %add3A_4282, %and3A_4285 : vector<16xi32>
    %add3A_4287 = vector.broadcast %mul3A_32 : i32 to vector<16xi32>
    %add3A_4288 = arith.addi %add3A_4286, %add3A_4287 : vector<16xi32>
    %swap3A_4289 = arith.index_cast %mul3A_4226 : i32 to index
    %swap3A_4290 = tpu.vector_load %arg11[%swap3A_4289] {strides = array<i32>} : memref<1024xi32, #tpu.memory_space<vmem>>, vector<16xi32>,
    tpu.vector_store %arg11[%swap3A_4289], %add3A_4288 {strides = array<i32>} : memref<1024xi32, #tpu.memory_space<vmem>>, vector<16xi32>,
    %scan3A_4291 = arith.constant 63 : i32
    %mul3A_4292 = arith.constant 16 : i32
    %mul3A_4293 = arith.muli %scan3A_4291, %mul3A_4292 : i32
    %get3A_4294 = arith.index_cast %mul3A_4293 : i32 to index
    %get3A_4295 = tpu.vector_load %arg6[%get3A_4294] {strides = array<i32>} : memref<1024xi32, #tpu.memory_space<vmem>>, vector<16xi32>,
    %get3A_4296 = arith.index_cast %mul3A_4293 : i32 to index
    %get3A_4297 = tpu.vector_load %arg7[%get3A_4296] {strides = array<i32>} : memref<1024xi32, #tpu.memory_space<vmem>>, vector<16xi32>,
    %shift_right_arithmetic3A_4298 = arith.constant 3 : i32
    %shift_right_arithmetic3A_4299 = vector.broadcast %shift_right_arithmetic3A_4298 : i32 to vector<16xi32>
    %shift_right_arithmetic3A_4300 = arith.shrsi %get3A_4295, %shift_right_arithmetic3A_4299 : vector<16xi32>
    %mul3A_4301 = arith.constant 3072 : i32
    %mul3A_4302 = vector.broadcast %mul3A_4301 : i32 to vector<16xi32>
    %mul3A_4303 = arith.muli %shift_right_arithmetic3A_4300, %mul3A_4302 : vector<16xi32>
    %shift_right_arithmetic3A_4304 = arith.constant 7 : i32
    %shift_right_arithmetic3A_4305 = vector.broadcast %shift_right_arithmetic3A_4304 : i32 to vector<16xi32>
    %shift_right_arithmetic3A_4306 = arith.shrsi %get3A_4297, %shift_right_arithmetic3A_4305 : vector<16xi32>
    %mul3A_4307 = arith.constant 1024 : i32
    %mul3A_4308 = vector.broadcast %mul3A_4307 : i32 to vector<16xi32>
    %mul3A_4309 = arith.muli %shift_right_arithmetic3A_4306, %mul3A_4308 : vector<16xi32>
    %add3A_4310 = arith.addi %mul3A_4303, %mul3A_4309 : vector<16xi32>
    %and3A_4311 = arith.constant 7 : i32
    %and3A_4312 = vector.broadcast %and3A_4311 : i32 to vector<16xi32>
    %and3A_4313 = arith.andi %get3A_4295, %and3A_4312 : vector<16xi32>
    %mul3A_4314 = arith.constant 128 : i32
    %mul3A_4315 = vector.broadcast %mul3A_4314 : i32 to vector<16xi32>
    %mul3A_4316 = arith.muli %and3A_4313, %mul3A_4315 : vector<16xi32>
    %add3A_4317 = arith.addi %add3A_4310, %mul3A_4316 : vector<16xi32>
    %and3A_4318 = arith.constant 127 : i32
    %and3A_4319 = vector.broadcast %and3A_4318 : i32 to vector<16xi32>
    %and3A_4320 = arith.andi %get3A_4297, %and3A_4319 : vector<16xi32>
    %add3A_4321 = arith.addi %add3A_4317, %and3A_4320 : vector<16xi32>
    %add3A_4322 = vector.broadcast %mul3A_32 : i32 to vector<16xi32>
    %add3A_4323 = arith.addi %add3A_4321, %add3A_4322 : vector<16xi32>
    %swap3A_4324 = arith.index_cast %mul3A_4293 : i32 to index
    %swap3A_4325 = tpu.vector_load %arg10[%swap3A_4324] {strides = array<i32>} : memref<1024xi32, #tpu.memory_space<vmem>>, vector<16xi32>,
    tpu.vector_store %arg10[%swap3A_4324], %add3A_4323 {strides = array<i32>} : memref<1024xi32, #tpu.memory_space<vmem>>, vector<16xi32>,
    %get3A_4326 = arith.index_cast %mul3A_4293 : i32 to index
    %get3A_4327 = tpu.vector_load %arg8[%get3A_4326] {strides = array<i32>} : memref<1024xi32, #tpu.memory_space<vmem>>, vector<16xi32>,
    %get3A_4328 = arith.index_cast %mul3A_4293 : i32 to index
    %get3A_4329 = tpu.vector_load %arg9[%get3A_4328] {strides = array<i32>} : memref<1024xi32, #tpu.memory_space<vmem>>, vector<16xi32>,
    %shift_right_arithmetic3A_4330 = arith.constant 3 : i32
    %shift_right_arithmetic3A_4331 = vector.broadcast %shift_right_arithmetic3A_4330 : i32 to vector<16xi32>
    %shift_right_arithmetic3A_4332 = arith.shrsi %get3A_4327, %shift_right_arithmetic3A_4331 : vector<16xi32>
    %mul3A_4333 = arith.constant 3072 : i32
    %mul3A_4334 = vector.broadcast %mul3A_4333 : i32 to vector<16xi32>
    %mul3A_4335 = arith.muli %shift_right_arithmetic3A_4332, %mul3A_4334 : vector<16xi32>
    %shift_right_arithmetic3A_4336 = arith.constant 7 : i32
    %shift_right_arithmetic3A_4337 = vector.broadcast %shift_right_arithmetic3A_4336 : i32 to vector<16xi32>
    %shift_right_arithmetic3A_4338 = arith.shrsi %get3A_4329, %shift_right_arithmetic3A_4337 : vector<16xi32>
    %mul3A_4339 = arith.constant 1024 : i32
    %mul3A_4340 = vector.broadcast %mul3A_4339 : i32 to vector<16xi32>
    %mul3A_4341 = arith.muli %shift_right_arithmetic3A_4338, %mul3A_4340 : vector<16xi32>
    %add3A_4342 = arith.addi %mul3A_4335, %mul3A_4341 : vector<16xi32>
    %and3A_4343 = arith.constant 7 : i32
    %and3A_4344 = vector.broadcast %and3A_4343 : i32 to vector<16xi32>
    %and3A_4345 = arith.andi %get3A_4327, %and3A_4344 : vector<16xi32>
    %mul3A_4346 = arith.constant 128 : i32
    %mul3A_4347 = vector.broadcast %mul3A_4346 : i32 to vector<16xi32>
    %mul3A_4348 = arith.muli %and3A_4345, %mul3A_4347 : vector<16xi32>
    %add3A_4349 = arith.addi %add3A_4342, %mul3A_4348 : vector<16xi32>
    %and3A_4350 = arith.constant 127 : i32
    %and3A_4351 = vector.broadcast %and3A_4350 : i32 to vector<16xi32>
    %and3A_4352 = arith.andi %get3A_4329, %and3A_4351 : vector<16xi32>
    %add3A_4353 = arith.addi %add3A_4349, %and3A_4352 : vector<16xi32>
    %add3A_4354 = vector.broadcast %mul3A_32 : i32 to vector<16xi32>
    %add3A_4355 = arith.addi %add3A_4353, %add3A_4354 : vector<16xi32>
    %swap3A_4356 = arith.index_cast %mul3A_4293 : i32 to index
    %swap3A_4357 = tpu.vector_load %arg11[%swap3A_4356] {strides = array<i32>} : memref<1024xi32, #tpu.memory_space<vmem>>, vector<16xi32>,
    tpu.vector_store %arg11[%swap3A_4356], %add3A_4355 {strides = array<i32>} : memref<1024xi32, #tpu.memory_space<vmem>>, vector<16xi32>,
    %scan3A_4358 = arith.constant 64 : i32
    %dma_start3A_4359 = arith.constant 0 : i32
    %dma_start3A_4360 = tpu.memref_slice %arg12[%dma_start3A_4359] : memref<1024xf32, #tpu.memory_space<vmem>> -> memref<128xf32, #tpu.memory_space<vmem>>
    %dma_start3A_4361 = arith.constant 0 : i32
    %dma_start3A_4362 = tpu.memref_slice %arg10[%dma_start3A_4361] : memref<1024xi32, #tpu.memory_space<vmem>> -> memref<128xi32, #tpu.memory_space<vmem>>
    %dma_start3A_4363 = arith.constant 0 : i32
    %dma_start3A_4364 = tpu.memref_slice %arg2[%dma_start3A_4363] : memref<2359296xf32, #tpu.memory_space<hbm>> -> memref<2359296xf32, #tpu.memory_space<hbm>>
    tpu.enqueue_indirect_dma source(%dma_start3A_4364 : memref<2359296xf32, #tpu.memory_space<hbm>>) target(%dma_start3A_4360 : memref<128xf32, #tpu.memory_space<vmem>>) offsets(%dma_start3A_4362 : memref<128xi32, #tpu.memory_space<vmem>>) semaphore(%arg14 : memref<!tpu.dma_semaphore, #tpu.memory_space<semaphore_mem>>)
    %dma_start3A_4365 = arith.constant 0 : i32
    %dma_start3A_4366 = tpu.memref_slice %arg13[%dma_start3A_4365] : memref<1024xf32, #tpu.memory_space<vmem>> -> memref<128xf32, #tpu.memory_space<vmem>>
    %dma_start3A_4367 = arith.constant 0 : i32
    %dma_start3A_4368 = tpu.memref_slice %arg11[%dma_start3A_4367] : memref<1024xi32, #tpu.memory_space<vmem>> -> memref<128xi32, #tpu.memory_space<vmem>>
    %dma_start3A_4369 = arith.constant 0 : i32
    %dma_start3A_4370 = tpu.memref_slice %arg2[%dma_start3A_4369] : memref<2359296xf32, #tpu.memory_space<hbm>> -> memref<2359296xf32, #tpu.memory_space<hbm>>
    tpu.enqueue_indirect_dma source(%dma_start3A_4370 : memref<2359296xf32, #tpu.memory_space<hbm>>) target(%dma_start3A_4366 : memref<128xf32, #tpu.memory_space<vmem>>) offsets(%dma_start3A_4368 : memref<128xi32, #tpu.memory_space<vmem>>) semaphore(%arg14 : memref<!tpu.dma_semaphore, #tpu.memory_space<semaphore_mem>>)
    %dma_start3A_4371 = arith.constant 128 : i32
    %dma_start3A_4372 = tpu.memref_slice %arg12[%dma_start3A_4371] : memref<1024xf32, #tpu.memory_space<vmem>> -> memref<128xf32, #tpu.memory_space<vmem>>
    %dma_start3A_4373 = arith.constant 128 : i32
    %dma_start3A_4374 = tpu.memref_slice %arg10[%dma_start3A_4373] : memref<1024xi32, #tpu.memory_space<vmem>> -> memref<128xi32, #tpu.memory_space<vmem>>
    %dma_start3A_4375 = arith.constant 0 : i32
    %dma_start3A_4376 = tpu.memref_slice %arg2[%dma_start3A_4375] : memref<2359296xf32, #tpu.memory_space<hbm>> -> memref<2359296xf32, #tpu.memory_space<hbm>>
    tpu.enqueue_indirect_dma source(%dma_start3A_4376 : memref<2359296xf32, #tpu.memory_space<hbm>>) target(%dma_start3A_4372 : memref<128xf32, #tpu.memory_space<vmem>>) offsets(%dma_start3A_4374 : memref<128xi32, #tpu.memory_space<vmem>>) semaphore(%arg14 : memref<!tpu.dma_semaphore, #tpu.memory_space<semaphore_mem>>)
    %dma_start3A_4377 = arith.constant 128 : i32
    %dma_start3A_4378 = tpu.memref_slice %arg13[%dma_start3A_4377] : memref<1024xf32, #tpu.memory_space<vmem>> -> memref<128xf32, #tpu.memory_space<vmem>>
    %dma_start3A_4379 = arith.constant 128 : i32
    %dma_start3A_4380 = tpu.memref_slice %arg11[%dma_start3A_4379] : memref<1024xi32, #tpu.memory_space<vmem>> -> memref<128xi32, #tpu.memory_space<vmem>>
    %dma_start3A_4381 = arith.constant 0 : i32
    %dma_start3A_4382 = tpu.memref_slice %arg2[%dma_start3A_4381] : memref<2359296xf32, #tpu.memory_space<hbm>> -> memref<2359296xf32, #tpu.memory_space<hbm>>
    tpu.enqueue_indirect_dma source(%dma_start3A_4382 : memref<2359296xf32, #tpu.memory_space<hbm>>) target(%dma_start3A_4378 : memref<128xf32, #tpu.memory_space<vmem>>) offsets(%dma_start3A_4380 : memref<128xi32, #tpu.memory_space<vmem>>) semaphore(%arg14 : memref<!tpu.dma_semaphore, #tpu.memory_space<semaphore_mem>>)
    %dma_start3A_4383 = arith.constant 256 : i32
    %dma_start3A_4384 = tpu.memref_slice %arg12[%dma_start3A_4383] : memref<1024xf32, #tpu.memory_space<vmem>> -> memref<128xf32, #tpu.memory_space<vmem>>
    %dma_start3A_4385 = arith.constant 256 : i32
    %dma_start3A_4386 = tpu.memref_slice %arg10[%dma_start3A_4385] : memref<1024xi32, #tpu.memory_space<vmem>> -> memref<128xi32, #tpu.memory_space<vmem>>
    %dma_start3A_4387 = arith.constant 0 : i32
    %dma_start3A_4388 = tpu.memref_slice %arg2[%dma_start3A_4387] : memref<2359296xf32, #tpu.memory_space<hbm>> -> memref<2359296xf32, #tpu.memory_space<hbm>>
    tpu.enqueue_indirect_dma source(%dma_start3A_4388 : memref<2359296xf32, #tpu.memory_space<hbm>>) target(%dma_start3A_4384 : memref<128xf32, #tpu.memory_space<vmem>>) offsets(%dma_start3A_4386 : memref<128xi32, #tpu.memory_space<vmem>>) semaphore(%arg14 : memref<!tpu.dma_semaphore, #tpu.memory_space<semaphore_mem>>)
    %dma_start3A_4389 = arith.constant 256 : i32
    %dma_start3A_4390 = tpu.memref_slice %arg13[%dma_start3A_4389] : memref<1024xf32, #tpu.memory_space<vmem>> -> memref<128xf32, #tpu.memory_space<vmem>>
    %dma_start3A_4391 = arith.constant 256 : i32
    %dma_start3A_4392 = tpu.memref_slice %arg11[%dma_start3A_4391] : memref<1024xi32, #tpu.memory_space<vmem>> -> memref<128xi32, #tpu.memory_space<vmem>>
    %dma_start3A_4393 = arith.constant 0 : i32
    %dma_start3A_4394 = tpu.memref_slice %arg2[%dma_start3A_4393] : memref<2359296xf32, #tpu.memory_space<hbm>> -> memref<2359296xf32, #tpu.memory_space<hbm>>
    tpu.enqueue_indirect_dma source(%dma_start3A_4394 : memref<2359296xf32, #tpu.memory_space<hbm>>) target(%dma_start3A_4390 : memref<128xf32, #tpu.memory_space<vmem>>) offsets(%dma_start3A_4392 : memref<128xi32, #tpu.memory_space<vmem>>) semaphore(%arg14 : memref<!tpu.dma_semaphore, #tpu.memory_space<semaphore_mem>>)
    %dma_start3A_4395 = arith.constant 384 : i32
    %dma_start3A_4396 = tpu.memref_slice %arg12[%dma_start3A_4395] : memref<1024xf32, #tpu.memory_space<vmem>> -> memref<128xf32, #tpu.memory_space<vmem>>
    %dma_start3A_4397 = arith.constant 384 : i32
    %dma_start3A_4398 = tpu.memref_slice %arg10[%dma_start3A_4397] : memref<1024xi32, #tpu.memory_space<vmem>> -> memref<128xi32, #tpu.memory_space<vmem>>
    %dma_start3A_4399 = arith.constant 0 : i32
    %dma_start3A_4400 = tpu.memref_slice %arg2[%dma_start3A_4399] : memref<2359296xf32, #tpu.memory_space<hbm>> -> memref<2359296xf32, #tpu.memory_space<hbm>>
    tpu.enqueue_indirect_dma source(%dma_start3A_4400 : memref<2359296xf32, #tpu.memory_space<hbm>>) target(%dma_start3A_4396 : memref<128xf32, #tpu.memory_space<vmem>>) offsets(%dma_start3A_4398 : memref<128xi32, #tpu.memory_space<vmem>>) semaphore(%arg14 : memref<!tpu.dma_semaphore, #tpu.memory_space<semaphore_mem>>)
    %dma_start3A_4401 = arith.constant 384 : i32
    %dma_start3A_4402 = tpu.memref_slice %arg13[%dma_start3A_4401] : memref<1024xf32, #tpu.memory_space<vmem>> -> memref<128xf32, #tpu.memory_space<vmem>>
    %dma_start3A_4403 = arith.constant 384 : i32
    %dma_start3A_4404 = tpu.memref_slice %arg11[%dma_start3A_4403] : memref<1024xi32, #tpu.memory_space<vmem>> -> memref<128xi32, #tpu.memory_space<vmem>>
    %dma_start3A_4405 = arith.constant 0 : i32
    %dma_start3A_4406 = tpu.memref_slice %arg2[%dma_start3A_4405] : memref<2359296xf32, #tpu.memory_space<hbm>> -> memref<2359296xf32, #tpu.memory_space<hbm>>
    tpu.enqueue_indirect_dma source(%dma_start3A_4406 : memref<2359296xf32, #tpu.memory_space<hbm>>) target(%dma_start3A_4402 : memref<128xf32, #tpu.memory_space<vmem>>) offsets(%dma_start3A_4404 : memref<128xi32, #tpu.memory_space<vmem>>) semaphore(%arg14 : memref<!tpu.dma_semaphore, #tpu.memory_space<semaphore_mem>>)
    %dma_start3A_4407 = arith.constant 512 : i32
    %dma_start3A_4408 = tpu.memref_slice %arg12[%dma_start3A_4407] : memref<1024xf32, #tpu.memory_space<vmem>> -> memref<128xf32, #tpu.memory_space<vmem>>
    %dma_start3A_4409 = arith.constant 512 : i32
    %dma_start3A_4410 = tpu.memref_slice %arg10[%dma_start3A_4409] : memref<1024xi32, #tpu.memory_space<vmem>> -> memref<128xi32, #tpu.memory_space<vmem>>
    %dma_start3A_4411 = arith.constant 0 : i32
    %dma_start3A_4412 = tpu.memref_slice %arg2[%dma_start3A_4411] : memref<2359296xf32, #tpu.memory_space<hbm>> -> memref<2359296xf32, #tpu.memory_space<hbm>>
    tpu.enqueue_indirect_dma source(%dma_start3A_4412 : memref<2359296xf32, #tpu.memory_space<hbm>>) target(%dma_start3A_4408 : memref<128xf32, #tpu.memory_space<vmem>>) offsets(%dma_start3A_4410 : memref<128xi32, #tpu.memory_space<vmem>>) semaphore(%arg14 : memref<!tpu.dma_semaphore, #tpu.memory_space<semaphore_mem>>)
    %dma_start3A_4413 = arith.constant 512 : i32
    %dma_start3A_4414 = tpu.memref_slice %arg13[%dma_start3A_4413] : memref<1024xf32, #tpu.memory_space<vmem>> -> memref<128xf32, #tpu.memory_space<vmem>>
    %dma_start3A_4415 = arith.constant 512 : i32
    %dma_start3A_4416 = tpu.memref_slice %arg11[%dma_start3A_4415] : memref<1024xi32, #tpu.memory_space<vmem>> -> memref<128xi32, #tpu.memory_space<vmem>>
    %dma_start3A_4417 = arith.constant 0 : i32
    %dma_start3A_4418 = tpu.memref_slice %arg2[%dma_start3A_4417] : memref<2359296xf32, #tpu.memory_space<hbm>> -> memref<2359296xf32, #tpu.memory_space<hbm>>
    tpu.enqueue_indirect_dma source(%dma_start3A_4418 : memref<2359296xf32, #tpu.memory_space<hbm>>) target(%dma_start3A_4414 : memref<128xf32, #tpu.memory_space<vmem>>) offsets(%dma_start3A_4416 : memref<128xi32, #tpu.memory_space<vmem>>) semaphore(%arg14 : memref<!tpu.dma_semaphore, #tpu.memory_space<semaphore_mem>>)
    %dma_start3A_4419 = arith.constant 640 : i32
    %dma_start3A_4420 = tpu.memref_slice %arg12[%dma_start3A_4419] : memref<1024xf32, #tpu.memory_space<vmem>> -> memref<128xf32, #tpu.memory_space<vmem>>
    %dma_start3A_4421 = arith.constant 640 : i32
    %dma_start3A_4422 = tpu.memref_slice %arg10[%dma_start3A_4421] : memref<1024xi32, #tpu.memory_space<vmem>> -> memref<128xi32, #tpu.memory_space<vmem>>
    %dma_start3A_4423 = arith.constant 0 : i32
    %dma_start3A_4424 = tpu.memref_slice %arg2[%dma_start3A_4423] : memref<2359296xf32, #tpu.memory_space<hbm>> -> memref<2359296xf32, #tpu.memory_space<hbm>>
    tpu.enqueue_indirect_dma source(%dma_start3A_4424 : memref<2359296xf32, #tpu.memory_space<hbm>>) target(%dma_start3A_4420 : memref<128xf32, #tpu.memory_space<vmem>>) offsets(%dma_start3A_4422 : memref<128xi32, #tpu.memory_space<vmem>>) semaphore(%arg14 : memref<!tpu.dma_semaphore, #tpu.memory_space<semaphore_mem>>)
    %dma_start3A_4425 = arith.constant 640 : i32
    %dma_start3A_4426 = tpu.memref_slice %arg13[%dma_start3A_4425] : memref<1024xf32, #tpu.memory_space<vmem>> -> memref<128xf32, #tpu.memory_space<vmem>>
    %dma_start3A_4427 = arith.constant 640 : i32
    %dma_start3A_4428 = tpu.memref_slice %arg11[%dma_start3A_4427] : memref<1024xi32, #tpu.memory_space<vmem>> -> memref<128xi32, #tpu.memory_space<vmem>>
    %dma_start3A_4429 = arith.constant 0 : i32
    %dma_start3A_4430 = tpu.memref_slice %arg2[%dma_start3A_4429] : memref<2359296xf32, #tpu.memory_space<hbm>> -> memref<2359296xf32, #tpu.memory_space<hbm>>
    tpu.enqueue_indirect_dma source(%dma_start3A_4430 : memref<2359296xf32, #tpu.memory_space<hbm>>) target(%dma_start3A_4426 : memref<128xf32, #tpu.memory_space<vmem>>) offsets(%dma_start3A_4428 : memref<128xi32, #tpu.memory_space<vmem>>) semaphore(%arg14 : memref<!tpu.dma_semaphore, #tpu.memory_space<semaphore_mem>>)
    %dma_start3A_4431 = arith.constant 768 : i32
    %dma_start3A_4432 = tpu.memref_slice %arg12[%dma_start3A_4431] : memref<1024xf32, #tpu.memory_space<vmem>> -> memref<128xf32, #tpu.memory_space<vmem>>
    %dma_start3A_4433 = arith.constant 768 : i32
    %dma_start3A_4434 = tpu.memref_slice %arg10[%dma_start3A_4433] : memref<1024xi32, #tpu.memory_space<vmem>> -> memref<128xi32, #tpu.memory_space<vmem>>
    %dma_start3A_4435 = arith.constant 0 : i32
    %dma_start3A_4436 = tpu.memref_slice %arg2[%dma_start3A_4435] : memref<2359296xf32, #tpu.memory_space<hbm>> -> memref<2359296xf32, #tpu.memory_space<hbm>>
    tpu.enqueue_indirect_dma source(%dma_start3A_4436 : memref<2359296xf32, #tpu.memory_space<hbm>>) target(%dma_start3A_4432 : memref<128xf32, #tpu.memory_space<vmem>>) offsets(%dma_start3A_4434 : memref<128xi32, #tpu.memory_space<vmem>>) semaphore(%arg14 : memref<!tpu.dma_semaphore, #tpu.memory_space<semaphore_mem>>)
    %dma_start3A_4437 = arith.constant 768 : i32
    %dma_start3A_4438 = tpu.memref_slice %arg13[%dma_start3A_4437] : memref<1024xf32, #tpu.memory_space<vmem>> -> memref<128xf32, #tpu.memory_space<vmem>>
    %dma_start3A_4439 = arith.constant 768 : i32
    %dma_start3A_4440 = tpu.memref_slice %arg11[%dma_start3A_4439] : memref<1024xi32, #tpu.memory_space<vmem>> -> memref<128xi32, #tpu.memory_space<vmem>>
    %dma_start3A_4441 = arith.constant 0 : i32
    %dma_start3A_4442 = tpu.memref_slice %arg2[%dma_start3A_4441] : memref<2359296xf32, #tpu.memory_space<hbm>> -> memref<2359296xf32, #tpu.memory_space<hbm>>
    tpu.enqueue_indirect_dma source(%dma_start3A_4442 : memref<2359296xf32, #tpu.memory_space<hbm>>) target(%dma_start3A_4438 : memref<128xf32, #tpu.memory_space<vmem>>) offsets(%dma_start3A_4440 : memref<128xi32, #tpu.memory_space<vmem>>) semaphore(%arg14 : memref<!tpu.dma_semaphore, #tpu.memory_space<semaphore_mem>>)
    %dma_start3A_4443 = arith.constant 896 : i32
    %dma_start3A_4444 = tpu.memref_slice %arg12[%dma_start3A_4443] : memref<1024xf32, #tpu.memory_space<vmem>> -> memref<128xf32, #tpu.memory_space<vmem>>
    %dma_start3A_4445 = arith.constant 896 : i32
    %dma_start3A_4446 = tpu.memref_slice %arg10[%dma_start3A_4445] : memref<1024xi32, #tpu.memory_space<vmem>> -> memref<128xi32, #tpu.memory_space<vmem>>
    %dma_start3A_4447 = arith.constant 0 : i32
    %dma_start3A_4448 = tpu.memref_slice %arg2[%dma_start3A_4447] : memref<2359296xf32, #tpu.memory_space<hbm>> -> memref<2359296xf32, #tpu.memory_space<hbm>>
    tpu.enqueue_indirect_dma source(%dma_start3A_4448 : memref<2359296xf32, #tpu.memory_space<hbm>>) target(%dma_start3A_4444 : memref<128xf32, #tpu.memory_space<vmem>>) offsets(%dma_start3A_4446 : memref<128xi32, #tpu.memory_space<vmem>>) semaphore(%arg14 : memref<!tpu.dma_semaphore, #tpu.memory_space<semaphore_mem>>)
    %dma_start3A_4449 = arith.constant 896 : i32
    %dma_start3A_4450 = tpu.memref_slice %arg13[%dma_start3A_4449] : memref<1024xf32, #tpu.memory_space<vmem>> -> memref<128xf32, #tpu.memory_space<vmem>>
    %dma_start3A_4451 = arith.constant 896 : i32
    %dma_start3A_4452 = tpu.memref_slice %arg11[%dma_start3A_4451] : memref<1024xi32, #tpu.memory_space<vmem>> -> memref<128xi32, #tpu.memory_space<vmem>>
    %dma_start3A_4453 = arith.constant 0 : i32
    %dma_start3A_4454 = tpu.memref_slice %arg2[%dma_start3A_4453] : memref<2359296xf32, #tpu.memory_space<hbm>> -> memref<2359296xf32, #tpu.memory_space<hbm>>
    tpu.enqueue_indirect_dma source(%dma_start3A_4454 : memref<2359296xf32, #tpu.memory_space<hbm>>) target(%dma_start3A_4450 : memref<128xf32, #tpu.memory_space<vmem>>) offsets(%dma_start3A_4452 : memref<128xi32, #tpu.memory_space<vmem>>) semaphore(%arg14 : memref<!tpu.dma_semaphore, #tpu.memory_space<semaphore_mem>>)
    %dma_wait3A_4455 = arith.constant 0 : i32
    %dma_wait3A_4456 = tpu.memref_slice %arg12[%dma_wait3A_4455] : memref<1024xf32, #tpu.memory_space<vmem>> -> memref<128xf32, #tpu.memory_space<vmem>>
    %dma_wait3A_4457 = arith.constant 0 : i32
    %dma_wait3A_4458 = tpu.memref_slice %arg10[%dma_wait3A_4457] : memref<1024xi32, #tpu.memory_space<vmem>> -> memref<128xi32, #tpu.memory_space<vmem>>
    %dma_wait3A_4459 = arith.constant 0 : i32
    %dma_wait3A_4460 = tpu.memref_slice %arg2[%dma_wait3A_4459] : memref<2359296xf32, #tpu.memory_space<hbm>> -> memref<2359296xf32, #tpu.memory_space<hbm>>
    tpu.wait_indirect_dma semaphore(%arg14 : memref<!tpu.dma_semaphore, #tpu.memory_space<semaphore_mem>>) src(%dma_wait3A_4460 : memref<2359296xf32, #tpu.memory_space<hbm>>) dst(%dma_wait3A_4456 : memref<128xf32, #tpu.memory_space<vmem>>)
    %dma_wait3A_4461 = arith.constant 0 : i32
    %dma_wait3A_4462 = tpu.memref_slice %arg13[%dma_wait3A_4461] : memref<1024xf32, #tpu.memory_space<vmem>> -> memref<128xf32, #tpu.memory_space<vmem>>
    %dma_wait3A_4463 = arith.constant 0 : i32
    %dma_wait3A_4464 = tpu.memref_slice %arg11[%dma_wait3A_4463] : memref<1024xi32, #tpu.memory_space<vmem>> -> memref<128xi32, #tpu.memory_space<vmem>>
    %dma_wait3A_4465 = arith.constant 0 : i32
    %dma_wait3A_4466 = tpu.memref_slice %arg2[%dma_wait3A_4465] : memref<2359296xf32, #tpu.memory_space<hbm>> -> memref<2359296xf32, #tpu.memory_space<hbm>>
    tpu.wait_indirect_dma semaphore(%arg14 : memref<!tpu.dma_semaphore, #tpu.memory_space<semaphore_mem>>) src(%dma_wait3A_4466 : memref<2359296xf32, #tpu.memory_space<hbm>>) dst(%dma_wait3A_4462 : memref<128xf32, #tpu.memory_space<vmem>>)
    %dma_wait3A_4467 = arith.constant 128 : i32
    %dma_wait3A_4468 = tpu.memref_slice %arg12[%dma_wait3A_4467] : memref<1024xf32, #tpu.memory_space<vmem>> -> memref<128xf32, #tpu.memory_space<vmem>>
    %dma_wait3A_4469 = arith.constant 128 : i32
    %dma_wait3A_4470 = tpu.memref_slice %arg10[%dma_wait3A_4469] : memref<1024xi32, #tpu.memory_space<vmem>> -> memref<128xi32, #tpu.memory_space<vmem>>
    %dma_wait3A_4471 = arith.constant 0 : i32
    %dma_wait3A_4472 = tpu.memref_slice %arg2[%dma_wait3A_4471] : memref<2359296xf32, #tpu.memory_space<hbm>> -> memref<2359296xf32, #tpu.memory_space<hbm>>
    tpu.wait_indirect_dma semaphore(%arg14 : memref<!tpu.dma_semaphore, #tpu.memory_space<semaphore_mem>>) src(%dma_wait3A_4472 : memref<2359296xf32, #tpu.memory_space<hbm>>) dst(%dma_wait3A_4468 : memref<128xf32, #tpu.memory_space<vmem>>)
    %dma_wait3A_4473 = arith.constant 128 : i32
    %dma_wait3A_4474 = tpu.memref_slice %arg13[%dma_wait3A_4473] : memref<1024xf32, #tpu.memory_space<vmem>> -> memref<128xf32, #tpu.memory_space<vmem>>
    %dma_wait3A_4475 = arith.constant 128 : i32
    %dma_wait3A_4476 = tpu.memref_slice %arg11[%dma_wait3A_4475] : memref<1024xi32, #tpu.memory_space<vmem>> -> memref<128xi32, #tpu.memory_space<vmem>>
    %dma_wait3A_4477 = arith.constant 0 : i32
    %dma_wait3A_4478 = tpu.memref_slice %arg2[%dma_wait3A_4477] : memref<2359296xf32, #tpu.memory_space<hbm>> -> memref<2359296xf32, #tpu.memory_space<hbm>>
    tpu.wait_indirect_dma semaphore(%arg14 : memref<!tpu.dma_semaphore, #tpu.memory_space<semaphore_mem>>) src(%dma_wait3A_4478 : memref<2359296xf32, #tpu.memory_space<hbm>>) dst(%dma_wait3A_4474 : memref<128xf32, #tpu.memory_space<vmem>>)
    %dma_wait3A_4479 = arith.constant 256 : i32
    %dma_wait3A_4480 = tpu.memref_slice %arg12[%dma_wait3A_4479] : memref<1024xf32, #tpu.memory_space<vmem>> -> memref<128xf32, #tpu.memory_space<vmem>>
    %dma_wait3A_4481 = arith.constant 256 : i32
    %dma_wait3A_4482 = tpu.memref_slice %arg10[%dma_wait3A_4481] : memref<1024xi32, #tpu.memory_space<vmem>> -> memref<128xi32, #tpu.memory_space<vmem>>
    %dma_wait3A_4483 = arith.constant 0 : i32
    %dma_wait3A_4484 = tpu.memref_slice %arg2[%dma_wait3A_4483] : memref<2359296xf32, #tpu.memory_space<hbm>> -> memref<2359296xf32, #tpu.memory_space<hbm>>
    tpu.wait_indirect_dma semaphore(%arg14 : memref<!tpu.dma_semaphore, #tpu.memory_space<semaphore_mem>>) src(%dma_wait3A_4484 : memref<2359296xf32, #tpu.memory_space<hbm>>) dst(%dma_wait3A_4480 : memref<128xf32, #tpu.memory_space<vmem>>)
    %dma_wait3A_4485 = arith.constant 256 : i32
    %dma_wait3A_4486 = tpu.memref_slice %arg13[%dma_wait3A_4485] : memref<1024xf32, #tpu.memory_space<vmem>> -> memref<128xf32, #tpu.memory_space<vmem>>
    %dma_wait3A_4487 = arith.constant 256 : i32
    %dma_wait3A_4488 = tpu.memref_slice %arg11[%dma_wait3A_4487] : memref<1024xi32, #tpu.memory_space<vmem>> -> memref<128xi32, #tpu.memory_space<vmem>>
    %dma_wait3A_4489 = arith.constant 0 : i32
    %dma_wait3A_4490 = tpu.memref_slice %arg2[%dma_wait3A_4489] : memref<2359296xf32, #tpu.memory_space<hbm>> -> memref<2359296xf32, #tpu.memory_space<hbm>>
    tpu.wait_indirect_dma semaphore(%arg14 : memref<!tpu.dma_semaphore, #tpu.memory_space<semaphore_mem>>) src(%dma_wait3A_4490 : memref<2359296xf32, #tpu.memory_space<hbm>>) dst(%dma_wait3A_4486 : memref<128xf32, #tpu.memory_space<vmem>>)
    %dma_wait3A_4491 = arith.constant 384 : i32
    %dma_wait3A_4492 = tpu.memref_slice %arg12[%dma_wait3A_4491] : memref<1024xf32, #tpu.memory_space<vmem>> -> memref<128xf32, #tpu.memory_space<vmem>>
    %dma_wait3A_4493 = arith.constant 384 : i32
    %dma_wait3A_4494 = tpu.memref_slice %arg10[%dma_wait3A_4493] : memref<1024xi32, #tpu.memory_space<vmem>> -> memref<128xi32, #tpu.memory_space<vmem>>
    %dma_wait3A_4495 = arith.constant 0 : i32
    %dma_wait3A_4496 = tpu.memref_slice %arg2[%dma_wait3A_4495] : memref<2359296xf32, #tpu.memory_space<hbm>> -> memref<2359296xf32, #tpu.memory_space<hbm>>
    tpu.wait_indirect_dma semaphore(%arg14 : memref<!tpu.dma_semaphore, #tpu.memory_space<semaphore_mem>>) src(%dma_wait3A_4496 : memref<2359296xf32, #tpu.memory_space<hbm>>) dst(%dma_wait3A_4492 : memref<128xf32, #tpu.memory_space<vmem>>)
    %dma_wait3A_4497 = arith.constant 384 : i32
    %dma_wait3A_4498 = tpu.memref_slice %arg13[%dma_wait3A_4497] : memref<1024xf32, #tpu.memory_space<vmem>> -> memref<128xf32, #tpu.memory_space<vmem>>
    %dma_wait3A_4499 = arith.constant 384 : i32
    %dma_wait3A_4500 = tpu.memref_slice %arg11[%dma_wait3A_4499] : memref<1024xi32, #tpu.memory_space<vmem>> -> memref<128xi32, #tpu.memory_space<vmem>>
    %dma_wait3A_4501 = arith.constant 0 : i32
    %dma_wait3A_4502 = tpu.memref_slice %arg2[%dma_wait3A_4501] : memref<2359296xf32, #tpu.memory_space<hbm>> -> memref<2359296xf32, #tpu.memory_space<hbm>>
    tpu.wait_indirect_dma semaphore(%arg14 : memref<!tpu.dma_semaphore, #tpu.memory_space<semaphore_mem>>) src(%dma_wait3A_4502 : memref<2359296xf32, #tpu.memory_space<hbm>>) dst(%dma_wait3A_4498 : memref<128xf32, #tpu.memory_space<vmem>>)
    %dma_wait3A_4503 = arith.constant 512 : i32
    %dma_wait3A_4504 = tpu.memref_slice %arg12[%dma_wait3A_4503] : memref<1024xf32, #tpu.memory_space<vmem>> -> memref<128xf32, #tpu.memory_space<vmem>>
    %dma_wait3A_4505 = arith.constant 512 : i32
    %dma_wait3A_4506 = tpu.memref_slice %arg10[%dma_wait3A_4505] : memref<1024xi32, #tpu.memory_space<vmem>> -> memref<128xi32, #tpu.memory_space<vmem>>
    %dma_wait3A_4507 = arith.constant 0 : i32
    %dma_wait3A_4508 = tpu.memref_slice %arg2[%dma_wait3A_4507] : memref<2359296xf32, #tpu.memory_space<hbm>> -> memref<2359296xf32, #tpu.memory_space<hbm>>
    tpu.wait_indirect_dma semaphore(%arg14 : memref<!tpu.dma_semaphore, #tpu.memory_space<semaphore_mem>>) src(%dma_wait3A_4508 : memref<2359296xf32, #tpu.memory_space<hbm>>) dst(%dma_wait3A_4504 : memref<128xf32, #tpu.memory_space<vmem>>)
    %dma_wait3A_4509 = arith.constant 512 : i32
    %dma_wait3A_4510 = tpu.memref_slice %arg13[%dma_wait3A_4509] : memref<1024xf32, #tpu.memory_space<vmem>> -> memref<128xf32, #tpu.memory_space<vmem>>
    %dma_wait3A_4511 = arith.constant 512 : i32
    %dma_wait3A_4512 = tpu.memref_slice %arg11[%dma_wait3A_4511] : memref<1024xi32, #tpu.memory_space<vmem>> -> memref<128xi32, #tpu.memory_space<vmem>>
    %dma_wait3A_4513 = arith.constant 0 : i32
    %dma_wait3A_4514 = tpu.memref_slice %arg2[%dma_wait3A_4513] : memref<2359296xf32, #tpu.memory_space<hbm>> -> memref<2359296xf32, #tpu.memory_space<hbm>>
    tpu.wait_indirect_dma semaphore(%arg14 : memref<!tpu.dma_semaphore, #tpu.memory_space<semaphore_mem>>) src(%dma_wait3A_4514 : memref<2359296xf32, #tpu.memory_space<hbm>>) dst(%dma_wait3A_4510 : memref<128xf32, #tpu.memory_space<vmem>>)
    %dma_wait3A_4515 = arith.constant 640 : i32
    %dma_wait3A_4516 = tpu.memref_slice %arg12[%dma_wait3A_4515] : memref<1024xf32, #tpu.memory_space<vmem>> -> memref<128xf32, #tpu.memory_space<vmem>>
    %dma_wait3A_4517 = arith.constant 640 : i32
    %dma_wait3A_4518 = tpu.memref_slice %arg10[%dma_wait3A_4517] : memref<1024xi32, #tpu.memory_space<vmem>> -> memref<128xi32, #tpu.memory_space<vmem>>
    %dma_wait3A_4519 = arith.constant 0 : i32
    %dma_wait3A_4520 = tpu.memref_slice %arg2[%dma_wait3A_4519] : memref<2359296xf32, #tpu.memory_space<hbm>> -> memref<2359296xf32, #tpu.memory_space<hbm>>
    tpu.wait_indirect_dma semaphore(%arg14 : memref<!tpu.dma_semaphore, #tpu.memory_space<semaphore_mem>>) src(%dma_wait3A_4520 : memref<2359296xf32, #tpu.memory_space<hbm>>) dst(%dma_wait3A_4516 : memref<128xf32, #tpu.memory_space<vmem>>)
    %dma_wait3A_4521 = arith.constant 640 : i32
    %dma_wait3A_4522 = tpu.memref_slice %arg13[%dma_wait3A_4521] : memref<1024xf32, #tpu.memory_space<vmem>> -> memref<128xf32, #tpu.memory_space<vmem>>
    %dma_wait3A_4523 = arith.constant 640 : i32
    %dma_wait3A_4524 = tpu.memref_slice %arg11[%dma_wait3A_4523] : memref<1024xi32, #tpu.memory_space<vmem>> -> memref<128xi32, #tpu.memory_space<vmem>>
    %dma_wait3A_4525 = arith.constant 0 : i32
    %dma_wait3A_4526 = tpu.memref_slice %arg2[%dma_wait3A_4525] : memref<2359296xf32, #tpu.memory_space<hbm>> -> memref<2359296xf32, #tpu.memory_space<hbm>>
    tpu.wait_indirect_dma semaphore(%arg14 : memref<!tpu.dma_semaphore, #tpu.memory_space<semaphore_mem>>) src(%dma_wait3A_4526 : memref<2359296xf32, #tpu.memory_space<hbm>>) dst(%dma_wait3A_4522 : memref<128xf32, #tpu.memory_space<vmem>>)
    %dma_wait3A_4527 = arith.constant 768 : i32
    %dma_wait3A_4528 = tpu.memref_slice %arg12[%dma_wait3A_4527] : memref<1024xf32, #tpu.memory_space<vmem>> -> memref<128xf32, #tpu.memory_space<vmem>>
    %dma_wait3A_4529 = arith.constant 768 : i32
    %dma_wait3A_4530 = tpu.memref_slice %arg10[%dma_wait3A_4529] : memref<1024xi32, #tpu.memory_space<vmem>> -> memref<128xi32, #tpu.memory_space<vmem>>
    %dma_wait3A_4531 = arith.constant 0 : i32
    %dma_wait3A_4532 = tpu.memref_slice %arg2[%dma_wait3A_4531] : memref<2359296xf32, #tpu.memory_space<hbm>> -> memref<2359296xf32, #tpu.memory_space<hbm>>
    tpu.wait_indirect_dma semaphore(%arg14 : memref<!tpu.dma_semaphore, #tpu.memory_space<semaphore_mem>>) src(%dma_wait3A_4532 : memref<2359296xf32, #tpu.memory_space<hbm>>) dst(%dma_wait3A_4528 : memref<128xf32, #tpu.memory_space<vmem>>)
    %dma_wait3A_4533 = arith.constant 768 : i32
    %dma_wait3A_4534 = tpu.memref_slice %arg13[%dma_wait3A_4533] : memref<1024xf32, #tpu.memory_space<vmem>> -> memref<128xf32, #tpu.memory_space<vmem>>
    %dma_wait3A_4535 = arith.constant 768 : i32
    %dma_wait3A_4536 = tpu.memref_slice %arg11[%dma_wait3A_4535] : memref<1024xi32, #tpu.memory_space<vmem>> -> memref<128xi32, #tpu.memory_space<vmem>>
    %dma_wait3A_4537 = arith.constant 0 : i32
    %dma_wait3A_4538 = tpu.memref_slice %arg2[%dma_wait3A_4537] : memref<2359296xf32, #tpu.memory_space<hbm>> -> memref<2359296xf32, #tpu.memory_space<hbm>>
    tpu.wait_indirect_dma semaphore(%arg14 : memref<!tpu.dma_semaphore, #tpu.memory_space<semaphore_mem>>) src(%dma_wait3A_4538 : memref<2359296xf32, #tpu.memory_space<hbm>>) dst(%dma_wait3A_4534 : memref<128xf32, #tpu.memory_space<vmem>>)
    %dma_wait3A_4539 = arith.constant 896 : i32
    %dma_wait3A_4540 = tpu.memref_slice %arg12[%dma_wait3A_4539] : memref<1024xf32, #tpu.memory_space<vmem>> -> memref<128xf32, #tpu.memory_space<vmem>>
    %dma_wait3A_4541 = arith.constant 896 : i32
    %dma_wait3A_4542 = tpu.memref_slice %arg10[%dma_wait3A_4541] : memref<1024xi32, #tpu.memory_space<vmem>> -> memref<128xi32, #tpu.memory_space<vmem>>
    %dma_wait3A_4543 = arith.constant 0 : i32
    %dma_wait3A_4544 = tpu.memref_slice %arg2[%dma_wait3A_4543] : memref<2359296xf32, #tpu.memory_space<hbm>> -> memref<2359296xf32, #tpu.memory_space<hbm>>
    tpu.wait_indirect_dma semaphore(%arg14 : memref<!tpu.dma_semaphore, #tpu.memory_space<semaphore_mem>>) src(%dma_wait3A_4544 : memref<2359296xf32, #tpu.memory_space<hbm>>) dst(%dma_wait3A_4540 : memref<128xf32, #tpu.memory_space<vmem>>)
    %dma_wait3A_4545 = arith.constant 896 : i32
    %dma_wait3A_4546 = tpu.memref_slice %arg13[%dma_wait3A_4545] : memref<1024xf32, #tpu.memory_space<vmem>> -> memref<128xf32, #tpu.memory_space<vmem>>
    %dma_wait3A_4547 = arith.constant 896 : i32
    %dma_wait3A_4548 = tpu.memref_slice %arg11[%dma_wait3A_4547] : memref<1024xi32, #tpu.memory_space<vmem>> -> memref<128xi32, #tpu.memory_space<vmem>>
    %dma_wait3A_4549 = arith.constant 0 : i32
    %dma_wait3A_4550 = tpu.memref_slice %arg2[%dma_wait3A_4549] : memref<2359296xf32, #tpu.memory_space<hbm>> -> memref<2359296xf32, #tpu.memory_space<hbm>>
    tpu.wait_indirect_dma semaphore(%arg14 : memref<!tpu.dma_semaphore, #tpu.memory_space<semaphore_mem>>) src(%dma_wait3A_4550 : memref<2359296xf32, #tpu.memory_space<hbm>>) dst(%dma_wait3A_4546 : memref<128xf32, #tpu.memory_space<vmem>>)
    %dma_start3A_4551 = arith.constant 0 : i32
    %dma_start3A_4552 = tpu.memref_slice %arg4[%add3A, %dma_start3A_4551] : memref<32x1024xf32, #tpu.memory_space<hbm>> -> memref<1x1024xf32, #tpu.memory_space<hbm>>
    %dma_start3A_4553 = tpu.memref_squeeze %dma_start3A_4552 : memref<1x1024xf32, #tpu.memory_space<hbm>> -> memref<1024xf32, #tpu.memory_space<hbm>>
    %dma_start3A_4554 = arith.constant 0 : i32
    %dma_start3A_4555 = tpu.memref_slice %arg4[%add3A, %dma_start3A_4554] : memref<32x1024xf32, #tpu.memory_space<hbm>> -> memref<1x1024xf32, #tpu.memory_space<hbm>>
    %dma_start3A_4556 = tpu.memref_squeeze %dma_start3A_4555 : memref<1x1024xf32, #tpu.memory_space<hbm>> -> memref<1024xf32, #tpu.memory_space<hbm>>
    tpu.enqueue_dma source(%arg12 : memref<1024xf32, #tpu.memory_space<vmem>>) target(%dma_start3A_4556 : memref<1024xf32, #tpu.memory_space<hbm>>) target_semaphore(%arg14 : memref<!tpu.dma_semaphore, #tpu.memory_space<semaphore_mem>>)
    %dma_start3A_4557 = arith.constant 0 : i32
    %dma_start3A_4558 = tpu.memref_slice %arg5[%add3A, %dma_start3A_4557] : memref<32x1024xf32, #tpu.memory_space<hbm>> -> memref<1x1024xf32, #tpu.memory_space<hbm>>
    %dma_start3A_4559 = tpu.memref_squeeze %dma_start3A_4558 : memref<1x1024xf32, #tpu.memory_space<hbm>> -> memref<1024xf32, #tpu.memory_space<hbm>>
    %dma_start3A_4560 = arith.constant 0 : i32
    %dma_start3A_4561 = tpu.memref_slice %arg5[%add3A, %dma_start3A_4560] : memref<32x1024xf32, #tpu.memory_space<hbm>> -> memref<1x1024xf32, #tpu.memory_space<hbm>>
    %dma_start3A_4562 = tpu.memref_squeeze %dma_start3A_4561 : memref<1x1024xf32, #tpu.memory_space<hbm>> -> memref<1024xf32, #tpu.memory_space<hbm>>
    tpu.enqueue_dma source(%arg13 : memref<1024xf32, #tpu.memory_space<vmem>>) target(%dma_start3A_4562 : memref<1024xf32, #tpu.memory_space<hbm>>) target_semaphore(%arg14 : memref<!tpu.dma_semaphore, #tpu.memory_space<semaphore_mem>>)
    %dma_wait3A_4563 = arith.constant 0 : i32
    %dma_wait3A_4564 = tpu.memref_slice %arg4[%add3A, %dma_wait3A_4563] : memref<32x1024xf32, #tpu.memory_space<hbm>> -> memref<1x1024xf32, #tpu.memory_space<hbm>>
    %dma_wait3A_4565 = tpu.memref_squeeze %dma_wait3A_4564 : memref<1x1024xf32, #tpu.memory_space<hbm>> -> memref<1024xf32, #tpu.memory_space<hbm>>
    %dma_wait3A_4566 = arith.constant 0 : i32
    %dma_wait3A_4567 = tpu.memref_slice %arg4[%add3A, %dma_wait3A_4566] : memref<32x1024xf32, #tpu.memory_space<hbm>> -> memref<1x1024xf32, #tpu.memory_space<hbm>>
    %dma_wait3A_4568 = tpu.memref_squeeze %dma_wait3A_4567 : memref<1x1024xf32, #tpu.memory_space<hbm>> -> memref<1024xf32, #tpu.memory_space<hbm>>
    tpu.wait_dma2 semaphore(%arg14 : memref<!tpu.dma_semaphore, #tpu.memory_space<semaphore_mem>>) src(%arg12 : memref<1024xf32, #tpu.memory_space<vmem>>) dst(%dma_wait3A_4568 : memref<1024xf32, #tpu.memory_space<hbm>>)
    %dma_wait3A_4569 = arith.constant 0 : i32
    %dma_wait3A_4570 = tpu.memref_slice %arg5[%add3A, %dma_wait3A_4569] : memref<32x1024xf32, #tpu.memory_space<hbm>> -> memref<1x1024xf32, #tpu.memory_space<hbm>>
    %dma_wait3A_4571 = tpu.memref_squeeze %dma_wait3A_4570 : memref<1x1024xf32, #tpu.memory_space<hbm>> -> memref<1024xf32, #tpu.memory_space<hbm>>
    %dma_wait3A_4572 = arith.constant 0 : i32
    %dma_wait3A_4573 = tpu.memref_slice %arg5[%add3A, %dma_wait3A_4572] : memref<32x1024xf32, #tpu.memory_space<hbm>> -> memref<1x1024xf32, #tpu.memory_space<hbm>>
    %dma_wait3A_4574 = tpu.memref_squeeze %dma_wait3A_4573 : memref<1x1024xf32, #tpu.memory_space<hbm>> -> memref<1024xf32, #tpu.memory_space<hbm>>
    tpu.wait_dma2 semaphore(%arg14 : memref<!tpu.dma_semaphore, #tpu.memory_space<semaphore_mem>>) src(%arg13 : memref<1024xf32, #tpu.memory_space<vmem>>) dst(%dma_wait3A_4574 : memref<1024xf32, #tpu.memory_space<hbm>>)
    return
  }
}

module attributes {stable_mosaic.version = 14 : i64} {
  func.func @_tc_loss_mean_body(%arg0: i32, %arg1: memref<32x1024xf32, #tpu.memory_space<vmem>>, %arg2: memref<32x1024xf32, #tpu.memory_space<vmem>>, %arg3: memref<1x16x2048xi32, #tpu.memory_space<vmem>>, %arg4: memref<1x1xf32, #tpu.memory_space<vmem>>) attributes {dimension_semantics = [#tpu.dimension_semantics<arbitrary>], iteration_bounds = array<i64: 1>, scalar_prefetch = 0 : i64, scratch_operands = 0 : i64, tpu.core_type = #tpu.core_type<tc>, window_params = [{pipeline_mode = #tpu.pipeline_mode<synchronous>, transform_indices = @transform_0, window_bounds = array<i64: 32, 1024>}, {pipeline_mode = #tpu.pipeline_mode<synchronous>, transform_indices = @transform_1, window_bounds = array<i64: 32, 1024>}, {transform_indices = @transform_2, window_bounds = array<i64: 1, 16, 2048>}, {pipeline_mode = #tpu.pipeline_mode<synchronous>, transform_indices = @transform_3, window_bounds = array<i64: 1, 1>}]} {
    %get3A = arith.constant 0 : index
    %get3A_0 = arith.constant 0 : index
    %get3A_1 = vector.load %arg1[%get3A, %get3A_0] : memref<32x1024xf32, #tpu.memory_space<vmem>>, vector<32x1024xf32>
    %get3A_2 = arith.constant 0 : index
    %get3A_3 = arith.constant 0 : index
    %get3A_4 = vector.load %arg2[%get3A_2, %get3A_3] : memref<32x1024xf32, #tpu.memory_space<vmem>>, vector<32x1024xf32>
    %get3A_5 = arith.constant 0 : index
    %get3A_6 = arith.constant 0 : index
    %get3A_7 = arith.constant 0 : index
    %get3A_8 = vector.load %arg3[%get3A_5, %get3A_6, %get3A_7] : memref<1x16x2048xi32, #tpu.memory_space<vmem>>, vector<1x16x2048xi32>
    %reshape3A = vector.shape_cast %get3A_8 : vector<1x16x2048xi32> to vector<32x1024xi32>
    %sub3A = arith.subf %get3A_1, %get3A_4 : vector<32x1024xf32>
    %abs3A = math.absf %sub3A : vector<32x1024xf32>
    %max3A = arith.constant 0.000000e+00 : f32
    %max3A_9 = vector.broadcast %max3A : f32 to vector<32x1024xf32>
    %max3A_10 = arith.maximumf %sub3A, %max3A_9 : vector<32x1024xf32>
    %neg3A = arith.constant 0.000000e+00 : f32
    %neg3A_11 = vector.broadcast %neg3A : f32 to vector<32x1024xf32>
    %neg3A_12 = arith.subf %neg3A_11, %abs3A : vector<32x1024xf32>
    %exp3A = math.exp %neg3A_12 : vector<32x1024xf32>
    %log1p3A = math.log1p %exp3A : vector<32x1024xf32>
    %add3A = arith.addf %max3A_10, %log1p3A : vector<32x1024xf32>
    %eq3A = arith.constant 0 : i32
    %eq3A_13 = vector.broadcast %eq3A : i32 to vector<32x1024xi32>
    %eq3A_14 = arith.cmpi eq, %reshape3A, %eq3A_13 : vector<32x1024xi32>
    %mul3A = arith.mulf %sub3A, %sub3A : vector<32x1024xf32>
    %eq3A_15 = arith.constant 1 : i32
    %eq3A_16 = vector.broadcast %eq3A_15 : i32 to vector<32x1024xi32>
    %eq3A_17 = arith.cmpi eq, %reshape3A, %eq3A_16 : vector<32x1024xi32>
    %sub3A_18 = arith.subf %add3A, %sub3A : vector<32x1024xf32>
    %select_n3A = arith.select %eq3A_17, %add3A, %sub3A_18 : vector<32x1024xi1>, vector<32x1024xf32>
    %select_n3A_19 = arith.select %eq3A_14, %mul3A, %select_n3A : vector<32x1024xi1>, vector<32x1024xf32>
    %reduce_sum3A = vector.shape_cast %select_n3A_19 : vector<32x1024xf32> to vector<1x32x1024xf32>
    %reduce_sum3A_20 = arith.constant dense<0.000000e+00> : vector<1xf32>
    %reduce_sum3A_21 = vector.multi_reduction <add>, %reduce_sum3A, %reduce_sum3A_20 [1, 2] : vector<1x32x1024xf32> to vector<1xf32>
    %reduce_sum3A_22 = vector.shape_cast %reduce_sum3A_21 : vector<1xf32> to vector<1x1x1xf32>
    %reduce_sum3A_23 = vector.extract %reduce_sum3A_22[0, 0, 0] : f32 from vector<1x1x1xf32>
    %broadcast_in_dim3A = vector.broadcast %reduce_sum3A_23 : f32 to vector<1x1xf32>
    %mul3A_24 = arith.constant 3.05175781E-5 : f32
    %mul3A_25 = vector.broadcast %mul3A_24 : f32 to vector<1x1xf32>
    %mul3A_26 = arith.mulf %broadcast_in_dim3A, %mul3A_25 : vector<1x1xf32>
    %swap3A = arith.constant 0 : index
    %swap3A_27 = arith.constant 0 : index
    %swap3A_28 = vector.load %arg4[%swap3A, %swap3A_27] : memref<1x1xf32, #tpu.memory_space<vmem>>, vector<1x1xf32>
    tpu.vector_store %arg4[%swap3A, %swap3A_27], %mul3A_26 {strides = array<i32>} : memref<1x1xf32, #tpu.memory_space<vmem>>, vector<1x1xf32>,
    return
  }
  func.func @transform_0(%arg0: i32) -> (i32, i32) {
    %c0_i32 = arith.constant 0 : i32
    %c0_i32_0 = arith.constant 0 : i32
    %c0_i32_1 = arith.constant 0 : i32
    return %c0_i32, %c0_i32_0 : i32, i32
  }
  func.func @transform_1(%arg0: i32) -> (i32, i32) {
    %c0_i32 = arith.constant 0 : i32
    %c0_i32_0 = arith.constant 0 : i32
    %c0_i32_1 = arith.constant 0 : i32
    return %c0_i32, %c0_i32_0 : i32, i32
  }
  func.func @transform_2(%arg0: i32) -> (i32, i32, i32) {
    %c4_i32 = arith.constant 4 : i32
    %c0_i32 = arith.constant 0 : i32
    %c0_i32_0 = arith.constant 0 : i32
    %c0_i32_1 = arith.constant 0 : i32
    return %c4_i32, %c0_i32, %c0_i32_0 : i32, i32, i32
  }
  func.func @transform_3(%arg0: i32) -> (i32, i32) {
    %c0_i32 = arith.constant 0 : i32
    %c0_i32_0 = arith.constant 0 : i32
    %c0_i32_1 = arith.constant 0 : i32
    return %c0_i32, %c0_i32_0 : i32, i32
  }
}

</mosaic_0001>

<sc_bundles>
// kernel: kernel.4.cloned.1.call-start
scs
__scs_entry_jumppad:
0x0: {  	(pc) =	sbr.rel $0x88, $3  }
0x1: {  	(tag) =	ssettag $0x0;
	lr =	simm.s32 $0x1  }
0x2: {  	[smem:$0x3F9F] =	sst lr;
	_ =	strace $0xD0000000  }
0x3: {  	_ = 	snop  }
0x4: {  	_ = 	snop  }
0x5: {  	_ = 	snop  }
0x6: {  	_ = 	snop  }
0x7: {  	_ = 	snop  }
__scs_overlays_trampoline_lowered:
0x8: {  	[smem:$0x3FAE] =	sst s0  }
0x9: {  	[smem:$0x3FAF] =	sst s1  }
0xa: {  	[smem:$0x3FB0] =	sst s2  }
0xb: {  	[smem:$0x3FB1] =	sst s3  }
0xc: {  	[smem:$0x3FB2] =	sst s4  }
0xd: {  	[smem:$0x3FB3] =	sst s5  }
0xe: {  	[smem:$0x3FB4] =	sst s6  }
0xf: {  	[smem:$0x3FB5] =	sst s7  }
0x10: {  	[smem:$0x3FB6] =	sst s8  }
0x11: {  	[smem:$0x3FB7] =	sst s9;
	s0 =	simm.s32 @!p0 $0x0  }
0x12: {  	s1 =	sld [smem:$0x3F9D];
	s0 =	simm.s32 @p0 $0x1  }
0x13: {  	[smem:$0x3FB8] =	sst s0;
	s0 =	simm.s32 @!p1 $0x0  }
0x14: {  	s2 =	sld [smem:$0x3F9C];
	s0 =	simm.s32 @p1 $0x1  }
0x15: {  	[smem:$0x3FB9] =	sst s0;
	s0 =	simm.s32 @!p2 $0x0  }
0x16: {  	s3 =	sld [smem:$0x3FDB];
	s0 =	simm.s32 @p2 $0x1  }
0x17: {  	s4 =	simm.s32 $0x1BF5;
	[smem:$0x3FBB] =	sst s0  }
0x18: {  	s0 =	sld [smem:$0x3F9E];
	_ =	swait.ge [sflag:s4], $0x0  }
0x19: {  	s7 =	sld [smem:$0x3F9F]  }
0x1a: {  	s8 =	sadd.s32 $0xFFFFE003, lr  }
0x1b: {  	s9 =	sadd.s32 $0xFFFFFEF7, lr;
	s5 =	simm.s32 $0xFFFFFFFF;
	p2 =	slt.u32 s8, $0xFFFFF086  }
0x1c: {  	p1 =	slt.u32 s9, $0xF7A;
	s5 =	simm.s32 @!p2 $0x0  }
0x1d: {  	s5 =	simm.s32 @p1 $0x1;
	p0 =	seq.s32 s7, s2  }
0x1e: {  	s7 =	smul.u32 @!p0 $0xF7A, s2;
	p2 =	seq.s32 @!p0 s5, $0x0  }
0x1f: {  	s9 =	smul.u32 $0xF7A, s1;
	s8 =	simm.s32 @!p0 $0x1BF5;
	p2 =	por !p2, p0  }
0x20: {  	[sflag:s8] =	ssyncset.s32 @!p0 $0xFFFFF086;
	s6 =	sadd.s32 @!p0 s3, s7;
	s7 =	simm.s32 @!p0 $0x108  }
0x21: {  	s3 =	sadd.s32 s3, s9;
	s6 =	sadd.s32 @!p0 $0x88, s6;
	s7 =	simm.s32 @p2 $0x1082  }
0x22: {  	[simem:s7], [sflag:s8] =	dma.local @!p0 [hbm:s6], $0xF7A  }
0x23: {  	s9 =	sor.u32 $0xD0000000, s2;
	s6 =	simm.s32 $0x108;
	_ =	swait.ge @!p0 [sflag:s8], $0x0  }
0x24: {  	s3 =	sadd.s32 $0x88, s3;
	s6 =	simm.s32 @!p1 $0x1082;
	[sflag:s4] =	ssyncset.s32 $0xFFFFF086  }
0x25: {  	[simem:s6], [sflag:s4] =	dma.local [hbm:s3], $0xF7A  }
0x26: {  	[smem:$0x3F9F] =	sst s1;
	(tag) =	ssettag s2;
	_ =	strace s9  }
0x27: {  	s1 =	sld [smem:$0x3FAF]  }
0x28: {  	s2 =	sld [smem:$0x3FB0]  }
0x29: {  	s4 =	sld [smem:$0x3FB2]  }
0x2a: {  	p0 =	seq.s32 s5, $0x0;
	s5 =	sld [smem:$0x3FB3]  }
0x2b: {  	s6 =	sld [smem:$0x3FB4]  }
0x2c: {  	s7 =	sld [smem:$0x3FB5]  }
0x2d: {  	s3 =	simm.s32 $0x108;
	s8 =	sld [smem:$0x3FB6]  }
0x2e: {  	s3 =	simm.s32 @!p0 $0x1082;
	s9 =	sld [smem:$0x3FB7]  }
0x2f: {  	lr =	sadd.s32 s0, s3;
	s0 =	sld [smem:$0x3FAE]  }
0x30: {  	s3 =	sld [smem:$0x3FB1]  }
0x31: {  	[smem:$0x3FBA] =	sst s10  }
0x32: {  	s10 =	sld [smem:$0x3FB8];
	_ =	sdelay $0x3  }
0x33: {  	p0 =	seq.s32 s10, $0x1;
	s10 =	sld [smem:$0x3FBA];
	_ =	sdelay $0x3  }
0x34: {  	[smem:$0x3FBA] =	sst s10  }
0x35: {  	s10 =	sld [smem:$0x3FB9];
	_ =	sdelay $0x3  }
0x36: {  	p1 =	seq.s32 s10, $0x1;
	s10 =	sld [smem:$0x3FBA];
	_ =	sdelay $0x3  }
0x37: {  	[smem:$0x3FBA] =	sst s10  }
0x38: {  	s10 =	sld [smem:$0x3FBB]  }
0x39: {  	_ = 	snop;
	(pc) =	sbr.ind lr, $3  }
0x3a: {  	_ = 	snop  }
0x3b: {  	_ = 	snop  }
0x3c: {  	p2 =	seq.s32 s10, $0x1;
	s10 =	sld [smem:$0x3FBA]  }
0x3d: {  	_ =	shalt  }
0x3e: {  	_ =	shalt  }
0x3f: {  	_ =	shalt  }
0x40: {  	_ =	shalt  }
0x41: {  	_ =	shalt  }
0x42: {  	_ =	shalt  }
0x43: {  	_ =	shalt  }
0x44: {  	_ =	shalt  }
0x45: {  	_ =	shalt  }
0x46: {  	_ =	shalt  }
0x47: {  	_ =	shalt  }
0x48: {  	_ =	shalt  }
0x49: {  	_ =	shalt  }
0x4a: {  	_ =	shalt  }
0x4b: {  	_ =	shalt  }
0x4c: {  	_ =	shalt  }
0x4d: {  	_ =	shalt  }
0x4e: {  	_ =	shalt  }
0x4f: {  	_ =	shalt  }
0x50: {  	_ =	shalt  }
0x51: {  	_ =	shalt  }
0x52: {  	_ =	shalt  }
0x53: {  	_ =	shalt  }
0x54: {  	_ =	shalt  }
0x55: {  	_ =	shalt  }
0x56: {  	_ =	shalt  }
0x57: {  	_ =	shalt  }
0x58: {  	_ =	shalt  }
0x59: {  	_ =	shalt  }
0x5a: {  	_ =	shalt  }
0x5b: {  	_ =	shalt  }
0x5c: {  	_ =	shalt  }
0x5d: {  	_ =	shalt  }
0x5e: {  	_ =	shalt  }
0x5f: {  	_ =	shalt  }
0x60: {  	_ =	shalt  }
0x61: {  	_ =	shalt  }
0x62: {  	_ =	shalt  }
0x63: {  	_ =	shalt  }
0x64: {  	_ =	shalt  }
0x65: {  	_ =	shalt  }
0x66: {  	_ =	shalt  }
0x67: {  	_ =	shalt  }
0x68: {  	_ =	shalt  }
0x69: {  	_ =	shalt  }
0x6a: {  	_ =	shalt  }
0x6b: {  	_ =	shalt  }
0x6c: {  	_ =	shalt  }
0x6d: {  	_ =	shalt  }
0x6e: {  	_ =	shalt  }
0x6f: {  	_ =	shalt  }
0x70: {  	_ =	shalt  }
0x71: {  	_ =	shalt  }
0x72: {  	_ =	shalt  }
0x73: {  	_ =	shalt  }
0x74: {  	_ =	shalt  }
0x75: {  	_ =	shalt  }
0x76: {  	_ =	shalt  }
0x77: {  	_ =	shalt  }
0x78: {  	_ =	shalt  }
0x79: {  	_ =	shalt  }
0x7a: {  	_ =	shalt  }
0x7b: {  	_ =	shalt  }
0x7c: {  	_ =	shalt  }
0x7d: {  	_ =	shalt  }
0x7e: {  	_ =	shalt  }
0x7f: {  	_ =	shalt  }
0x80: {  	_ =	shalt  }
0x81: {  	_ =	shalt  }
0x82: {  	_ =	shalt  }
0x83: {  	_ =	shalt  }
0x84: {  	_ =	shalt  }
0x85: {  	_ =	shalt  }
0x86: {  	_ =	shalt  }
0x87: {  	_ =	shalt  }
.Lfunc_end0:
.L_simem_size_0:
called_computation_lowered:
.L_overlay_start_0:
0x88: {  	s2 =	sld [smem:$0x3FD9]  }
0x89: {  	s3 =	sld [smem:$0x3FFE];
	_ =	sdelay $0x1  }
0x8a: {  	s1 =	srdreg.scid  }
0x8b: {  	s0 =	sand.u32 $0x1, s1  }
0x8c: {  	s17 =	sshll.u32 s0, $0xA;
	s2 =	sadd.s32 s3, s2  }
0x8d: {  	s2 =	sadd.s32 s2, s17  }
0x8e: {  	[smem:$0x3FC6] =	sst s2  }
0x8f: {  	_ = 	snop  }
0x90: {  	s2 =	sld [smem:$0x3FC9]  }
0x91: {  	s18 =	sld [smem:$0x3FC8];
	(tm) =	ssettm $0x1  }
0x92: {  	s4 =	sld [smem:$0x3FFB];
	_ =	sdelay $0x3  }
0x93: {  	_ =	strace s4  }
0x94: {  	s4 =	sld [smem:$0x3FFC];
	_ =	sdelay $0x3  }
0x95: {  	_ =	strace s4  }
0x96: {  	s4 =	sld [smem:$0x3FFD];
	_ =	sdelay $0x3  }
0x97: {  	_ =	strace s4  }
0x98: {  	_ =	strace $0x8FFFFFFF  }
0x99: {  	s19 =	sld [smem:$0x3FDB];
	_ =	sdelay $0x1  }
0x9a: {  	s5 =	simm.s32 $_scs_section_size  }
0x9b: {  	s6 =	simm.s32 $_size__tile_overlayer_lowered;
	s7 =	simm.s32 $_tile_overlayer_lowered  }
0x9c: {  	s22 =	simm.s32 $0x1BFF;
	s21 =	sshll.u32 s7, $0x1;
	s4 =	sadd.s32 s5, s19  }
0x9d: {  	s8 =	simm.s32 $0x0;
	s20 =	sshll.u32 s6, $0x1;
	s6 =	sadd.s32 s21, s4  }
0x9e: {  	[timem:s8], [sflag:s22] =	dma.local [hbm:s6], s20  }
0x9f: {  	_ =	swait.ge [sflag:s22], s20  }
0xa0: {  	s5 =	ssub.s32 $0x0, s20;
	[sflag:s22] =	ssyncset.done $0x0  }
0xa1: {  	[sflag:s22] =	ssyncadd.s32 s5;
	_ =	sdelay $0x1  }
0xa2: {  	s23 =	simm.s32 $0x1B8B  }
0xa3: {  	_ =	swait.ge [sflag:s23], $0x1  }
0xa4: {  	[sflag:s23] =	ssyncset.done $0x0  }
0xa5: {  	s25 =	simm.s32 $0x1B8E;
	s24 =	sld [smem:$0x3FFE];
	[sflag:s23] =	ssyncadd.s32 $0xFFFFFFFF  }
0xa6: {  	s26 =	simm.s32 $execute0_lowered;
	[smem:$0x3FD2] =	sst s25  }
0xa7: {  	s6 =	sshll.u32 s26, $0x1;
	_ =	strace $0x80000046;
	[dreg:$0x1] =	wrdreg $0xFFFFFFFF  }
0xa8: {  	s28 =	simm.s32 $_size_execute0_lowered;
	s4 =	sadd.s32 s4, s6;
	[dreg:$0x0] =	wrdreg $0x0  }
0xa9: {  	s6 =	sshll.u32 s28, $0x1;
	[dreg:$0x2] =	wrdreg s4  }
0xaa: {  	[dreg:$0x3] =	wrdreg s6  }
0xab: {  	[dreg:$0x4] =	wrdreg $0xC0  }
0xac: {  	_ =	task [dreg:s8], $0x5FFFF  }
0xad: {  	[dreg:$0x1] =	wrdreg $0xFFFFFFFF  }
0xae: {  	[dreg:$0x0] =	wrdreg $0x60  }
0xaf: {  	[dreg:$0x2] =	wrdreg s2  }
0xb0: {  	[dreg:$0x3] =	wrdreg s18  }
0xb1: {  	[dreg:$0x4] =	wrdreg s24  }
0xb2: {  	[dreg:$0x5] =	wrdreg $0x9  }
0xb3: {  	_ =	task.clear_ibuf [dreg:s8], $0x6FFFF;
	_ =	strace $0x90000046  }
0xb4: {  	s29 =	simm.s32 $0x9;
	_ =	strace $0x80000048  }
0xb5: {  	_ =	swait.ge [sflag:s29], $0x1  }
0xb6: {  	[sflag:s29] =	ssyncadd.s32 $0xFFFFFFFF  }
0xb7: {  	_ =	strace $0x90000048  }
0xb8: {  	_ =	sfence  }
0xb9: {  	s30 =	sld [smem:$0x0];
	_ =	sdelay $0x2  }
0xba: {  	s31 =	sshll.u32 s1, $0xD;
	s1 =	sshrl.u32 s1, $0x2  }
0xbb: {  	s3 =	sand.u32 $0x4000, s31;
	s1 =	sadd.s32 s1, s30  }
0xbc: {  	s0 =	sor.u32 s3, s0;
	s1 =	sshll.u32 s1, $0x11  }
0xbd: {  	s0 =	sor.u32 s1, s0  }
0xbe: {  	s0 =	sadd.s32 $0x8F2B, s0  }
0xbf: {  	[sflag:s0] =	ssyncadd.remote.s32 $0x1  }
0xc0: {  	_ =	sfence.sel $0xFFFF  }
0xc1: {  	[dreg:$0x0] =	wrdreg $0xFFFFFFFF;
	(pc) =	sbr.abs _section_cstart, $3  }
0xc2: {  	[dreg:$0x1] =	wrdreg $0xFFFFFFFF  }
0xc3: {  	_ =	task.clear_ibuf [dreg:s8], $0x2FFFF;
	_ =	strace $0x9FFFFFFF  }
0xc4: {  	(tm) =	ssettm $0x7FFFFFFF  }
0xc5: {  	_ =	shalt  }
tec
execute0_lowered:
.L_overlay_start_1:
0x0: {  	(tag) =	ssettag $0x1  }
0x1: {  	s1 =	srdreg.scid;
	s5 =	rddreg [dreg:$0x1]  }
0x2: {  	s0 =	stileid.u32;
	s6 =	rddreg [dreg:$0x2];
	s7 =	simm.s32 $0x1  }
0x3: {  	s3 =	simm.s32 $0x0;
	s2 =	sand.u32 $0x1, s1;
	s1 =	rddreg [dreg:$0x0]  }
0x4: {  	s16 =	simm.s32 $0x800;
	s17 =	simm.s32 $0xC00;
	[smem:$0x7FF] =	sst s3  }
0x5: {  	s19 =	simm.s32 $0x1000;
	_ =	strace $0x80000047;
	[dreg:$0xa] =	wrdreg s16  }
0x6: {  	s20 =	simm.s32 $0x1400;
	s21 =	simm.s32 $0x1080;
	[dreg:$0xb] =	wrdreg s17  }
0x7: {  	s22 =	simm.s32 $0x1880;
	s23 =	simm.s32 $0x1480;
	[dreg:$0xc] =	wrdreg s19  }
0x8: {  	s24 =	simm.s32 $0x1C80;
	s25 =	simm.s32 $0x1100;
	[dreg:$0xd] =	wrdreg s20  }
0x9: {  	s28 =	simm.s32 $0x1F00;
	s29 =	simm.s32 $0x1380;
	[dreg:$0xe] =	wrdreg s21  }
0xa: {  	s31 =	simm.s32 $0x1780;
	s26 =	sshll.u32 s0, $0x1;
	[dreg:$0xf] =	wrdreg s22  }
0xb: {  	s11 =	sshll.u32 s0, $0x8;
	s4 =	sor.u32 s2, s26;
	[dreg:$0x10] =	wrdreg s23  }
0xc: {  	p1 =	seq.s32 s2, $0x1;
	s9 =	sshll.u32 s2, $0xD;
	[dreg:$0x11] =	wrdreg s24  }
0xd: {  	s2 =	ssub.s32 $0x2, s2;
	[dreg:$0x12] =	wrdreg s25;
	s26 =	simm.s32 $0x1900  }
0xe: {  	s16 =	simm.s32 $0x1200;
	s17 =	simm.s32 $0x1A00;
	s19 =	simm.s32 $0x1E00  }
0xf: {  	s20 =	simm.s32 $0x1280;
	s21 =	simm.s32 $0x1A80;
	s22 =	simm.s32 $0x1680  }
0x10: {  	s23 =	simm.s32 $0x1E80;
	s24 =	simm.s32 $0x1300;
	s25 =	simm.s32 $0x1B00  }
0x11: {  	p0 =	seq.s32 s4, $0x0;
	s4 =	sshll.u32 s4, $0x4;
	s18 =	sshrl.u32 s2, $0x1  }
0x12: {  	[dreg:$0x13] =	wrdreg s26;
	s26 =	simm.s32 $0x1700;
	s4 =	sor.u32 s11, s4  }
0x13: {  	p0 =	por !p0, !p1;
	s2 =	ssub.s32 s2, s18;
	s4 =	sand.u32 $0xC70, s4  }
0x14: {  	s18 =	simm.s32 $0x1600;
	p0 =	por !p0, !p0;
	s4 =	sadd.s32 s4, s6  }
0x15: {  	s7 =	simm.s32 @!p0 $0x0;
	s6 =	simm.s32 $0x80;
	s15 =	sadd.s32 $0xE00, s4  }
0x16: {  	s7 =	ssub.s32 s0, s7;
	s4 =	sadd.s32 $0x1E00, s4;
	[dreg:$0x8] =	wrdreg s15  }
0x17: {  	s8 =	sshll.u32 s7, $0x7;
	s10 =	sshll.u32 s7, $0xB;
	[dreg:$0x9] =	wrdreg s4  }
0x18: {  	s4 =	simm.s32 $0x1;
	s30 =	smul.u32 $0x24000, s7;
	s8 =	sand.u32 $0x380, s8  }
0x19: {  	s7 =	simm.s32 $0x400;
	s10 =	sand.u32 $0xFFFFC000, s10;
	s12 =	sor.u32 s9, s8  }
0x1a: {  	s15 =	simm.s32 $0x1D80;
	s9 =	sor.u32 s9, s10;
	s12 =	sor.u32 s10, s12  }
0x1b: {  	v55 =	vmov s30;
	s30 =	simm.s32 $0x1B80;
	s8 =	sor.u32 s8, s9;
	s3 =	sshrl.u32 s12, $0x3  }
0x1c: {  	s11 =	sadd.s32 $0x8000, s8;
	s13 =	sadd.s32 $0x10000, s8;
	s8 =	sadd.s32 $0x18000, s8  }
0x1d: {  	s10 =	sadd.s32 s5, s3;
	s12 =	sshrl.u32 s11, $0x3;
	s8 =	sshrl.u32 s8, $0x3  }
0x1e: {  	[dreg:$0x4] =	wrdreg s10;
	s9 =	sadd.s32 s5, s12;
	s10 =	sshrl.u32 s13, $0x3  }
0x1f: {  	s12 =	simm.s32 $0x1180;
	[dreg:$0x5] =	wrdreg s9;
	s14 =	sadd.s32 s5, s10  }
0x20: {  	s13 =	simm.s32 $0x1980;
	s5 =	sadd.s32 s5, s8;
	[dreg:$0x6] =	wrdreg s14  }
0x21: {  	s8 =	simm.s32 $0x1800;
	s9 =	simm.s32 $0x1C00;
	[dreg:$0x7] =	wrdreg s5  }
0x22: {  	s5 =	smax.u32 s2, $0x1;
	s14 =	simm.s32 $0x1580;
	s2 =	simm.s32 $0x1F80  }
.LBB2_1:
0x23: {  	s0 =	rddreg [dreg:$0x4]  }
0x24: {  	s3 =	rddreg [dreg:$0x5]  }
0x25: {  	s10 =	simm.s32 $0x0;
	s11 =	rddreg [dreg:$0xb]  }
0x26: {  	[tilespmem:s10], [sflag:$0x1] =	stream.strided.gather [hbm4b:s0+s6], $0x400, s7, s6, $0x38;
	[tilespmem:$0x2000] =	vst v63  }
0x27: {  	s0 =	rddreg [dreg:$0x6]  }
0x28: {  	[tilespmem:s7], [sflag:$0x1] =	stream.strided.gather [hbm4b:s3+s6], $0x400, s7, s6, $0x38;
	[tilespmem:$0x2000] =	vst v63  }
0x29: {  	s3 =	rddreg [dreg:$0xa]  }
0x2a: {  	[tilespmem:s3], [sflag:$0x1] =	stream.strided.gather [hbm4b:s0+s6], $0x400, s7, s6, $0x38;
	[tilespmem:$0x2000] =	vst v63  }
0x2b: {  	s10 =	rddreg [dreg:$0x7]  }
0x2c: {  	[tilespmem:s11], [sflag:$0x1] =	stream.strided.gather [hbm4b:s10+s6], $0x400, s7, s6, $0x38;
	[tilespmem:$0x2000] =	vst v63  }
0x2d: {  	_ =	swait.ge [sflag:s4], $0x400  }
0x2e: {  	[sflag:s4] =	ssyncset.done $0x0  }
0x2f: {  	[sflag:s4] =	ssyncadd.s32 $0xFFFFFC00  }
0x30: {  	_ =	swait.ge [sflag:s4], $0x400  }
0x31: {  	[sflag:s4] =	ssyncset.done $0x0  }
0x32: {  	[sflag:s4] =	ssyncadd.s32 $0xFFFFFC00  }
0x33: {  	_ =	swait.ge [sflag:s4], $0x400  }
0x34: {  	[sflag:s4] =	ssyncset.done $0x0  }
0x35: {  	[sflag:s4] =	ssyncadd.s32 $0xFFFFFC00  }
0x36: {  	_ =	swait.ge [sflag:s4], $0x400  }
0x37: {  	[sflag:s4] =	ssyncset.done $0x0  }
0x38: {  	[sflag:s4] =	ssyncadd.s32 $0xFFFFFC00  }
0x39: {  	v1 =	vld [tilespmem:$0x0]  }
0x3a: {  	v2 =	vld [tilespmem:$0x400]  }
0x3b: {  	v3 =	vld [tilespmem:$0x800]  }
0x3c: {  	v5 =	vld [tilespmem:$0xC00]  }
0x3d: {  	v6 =	vld [tilespmem:$0x10]  }
0x3e: {  	v15 =	vld [tilespmem:$0x410]  }
0x3f: {  	v17 =	vld [tilespmem:$0x810]  }
0x40: {  	v20 =	vld [tilespmem:$0xC10]  }
0x41: {  	v9 =	vld [tilespmem:$0x20]  }
0x42: {  	v24 =	vld [tilespmem:$0x420]  }
0x43: {  	v26 =	vld [tilespmem:$0x820]  }
0x44: {  	v29 =	vld [tilespmem:$0xC20]  }
0x45: {  	v32 =	vld [tilespmem:$0x30]  }
0x46: {  	v35 =	vld [tilespmem:$0x430]  }
0x47: {  	v37 =	vld [tilespmem:$0x830]  }
0x48: {  	v39 =	vld [tilespmem:$0xC30]  }
0x49: {  	v41 =	vld [tilespmem:$0x40];
	v4 =	vshrl.u32 v1, $0x3;
	v1 =	vshll.u32 v1, $0x7  }
0x4a: {  	v44 =	vld [tilespmem:$0x440];
	v7 =	vshll.u32 v2, $0x3;
	v2 =	vand.u32 $0x7F, v2;
	v13 =	vshrl.u32 v3, $0x3  }
0x4b: {  	v47 =	vld [tilespmem:$0x840];
	v16 =	vshll.u32 v5, $0x3;
	v3 =	vshll.u32 v3, $0x7;
	v8 =	vshrl.u32 v6, $0x3  }
0x4c: {  	v52 =	vld [tilespmem:$0xC40];
	v5 =	vand.u32 $0x7F, v5;
	v19 =	vshll.u32 v6, $0x7;
	v21 =	vshll.u32 v15, $0x3  }
0x4d: {  	v54 =	vld [tilespmem:$0x50];
	v22 =	vshrl.u32 v17, $0x3;
	v25 =	vshll.u32 v17, $0x7;
	v27 =	vshll.u32 v20, $0x3  }
0x4e: {  	v57 =	vld [tilespmem:$0x450];
	v6 =	vand.u32 $0x7F, v20;
	v28 =	vshrl.u32 v9, $0x3;
	v30 =	vshll.u32 v24, $0x3  }
0x4f: {  	v59 =	vld [tilespmem:$0x850];
	v31 =	vshll.u32 v9, $0x7;
	v33 =	vshrl.u32 v26, $0x3;
	v36 =	vshll.u32 v29, $0x3  }
0x50: {  	v38 =	vshrl.u32 v32, $0x3;
	v40 =	vshll.u32 v32, $0x7;
	v42 =	vshll.u32 v35, $0x3  }
0x51: {  	v43 =	vshrl.u32 v37, $0x3;
	v45 =	vshll.u32 v39, $0x3;
	v46 =	vshll.u32 v37, $0x7  }
0x52: {  	v50 =	vshrl.u32 v41, $0x3;
	v53 =	vshll.u32 v44, $0x3;
	v56 =	vshrl.u32 v47, $0x3  }
0x53: {  	v58 =	vshll.u32 v47, $0x7;
	v60 =	vshll.u32 v52, $0x3;
	v61 =	vshrl.u32 v54, $0x3  }
0x54: {  	v63 =	vshll.u32 v57, $0x3;
	v20 =	vshrl.u32 v59, $0x3;
	v4 =	vmul.u32 $0xC00, v4  }
0x55: {  	v1 =	vand.u32 $0x380, v1;
	v7 =	vand.u32 $0xFFFFFC00, v7;
	v14 =	vmul.u32 $0xC00, v13  }
0x56: {  	v3 =	vand.u32 $0x380, v3;
	v18 =	vmul.u32 $0xC00, v8;
	v8 =	vand.u32 $0xFFFFFC00, v21  }
0x57: {  	v23 =	vmul.u32 $0xC00, v22;
	v34 =	vmul.u32 $0xC00, v33;
	v4 =	vadd.s32 v55, v4  }
0x58: {  	v51 =	vmul.u32 $0xC00, v50;
	v21 =	vmul.u32 $0xC00, v20;
	v1 =	vor.u32 v1, v4  }
0x59: {  	v4 =	vand.u32 $0x7F, v15;
	v1 =	vor.u32 v2, v1;
	v2 =	vadd.s32 v55, v14  }
0x5a: {  	v62 =	vld [tilespmem:$0xC50];
	v0 =	vadd.s32 v7, v1;
	v2 =	vor.u32 v3, v2;
	v1 =	vand.u32 $0xFFFFFC00, v16  }
0x5b: {  	v3 =	vadd.s32 v55, v18;
	v2 =	vor.u32 v5, v2;
	v5 =	vand.u32 $0x380, v19  }
0x5c: {  	v18 =	vshll.u32 v54, $0x7;
	v3 =	vor.u32 v5, v3;
	v13 =	vadd.s32 v1, v2  }
0x5d: {  	v1 =	vand.u32 $0x380, v25;
	v5 =	vand.u32 $0x7F, v24;
	v2 =	vshll.u32 v26, $0x7  }
0x5e: {  	v3 =	vor.u32 v4, v3;
	v4 =	vadd.s32 v55, v23;
	v2 =	vand.u32 $0x380, v2  }
0x5f: {  	v23 =	vshll.u32 v62, $0x3;
	v1 =	vor.u32 v1, v4;
	v4 =	vmul.u32 $0xC00, v28  }
0x60: {  	v12 =	vadd.s32 v8, v3;
	v3 =	vand.u32 $0xFFFFFC00, v27;
	v1 =	vor.u32 v6, v1  }
0x61: {  	v14 =	vadd.s32 v3, v1;
	v3 =	vand.u32 $0x380, v31;
	v4 =	vadd.s32 v55, v4  }
0x62: {  	v8 =	vand.u32 $0xFFFFFC00, v36;
	v6 =	vand.u32 $0x7F, v29;
	v3 =	vor.u32 v3, v4  }
0x63: {  	v1 =	vand.u32 $0xFFFFFC00, v30;
	v4 =	vadd.s32 v55, v34;
	v3 =	vor.u32 v5, v3  }
0x64: {  	v2 =	vor.u32 v2, v4;
	v4 =	vmul.u32 $0xC00, v38;
	v5 =	vand.u32 $0x7F, v35  }
0x65: {  	v2 =	vor.u32 v6, v2;
	v16 =	vadd.s32 v1, v3;
	v1 =	vand.u32 $0x380, v40  }
0x66: {  	v3 =	vand.u32 $0xFFFFFC00, v42;
	v6 =	vand.u32 $0x7F, v39;
	v4 =	vadd.s32 v55, v4  }
0x67: {  	v15 =	vadd.s32 v8, v2;
	v1 =	vor.u32 v1, v4;
	v4 =	vmul.u32 $0xC00, v43  }
0x68: {  	v2 =	vshll.u32 v41, $0x7;
	v8 =	vand.u32 $0xFFFFFC00, v53;
	v1 =	vor.u32 v5, v1  }
0x69: {  	v17 =	vadd.s32 v3, v1;
	v3 =	vand.u32 $0x380, v46;
	v4 =	vadd.s32 v55, v4  }
0x6a: {  	v2 =	vand.u32 $0x380, v2;
	v5 =	vand.u32 $0x7F, v44;
	v3 =	vor.u32 v3, v4  }
0x6b: {  	v1 =	vand.u32 $0xFFFFFC00, v45;
	v4 =	vadd.s32 v55, v51;
	v3 =	vor.u32 v6, v3  }
0x6c: {  	v2 =	vor.u32 v2, v4;
	v4 =	vmul.u32 $0xC00, v56;
	v6 =	vand.u32 $0x7F, v52  }
0x6d: {  	v2 =	vor.u32 v5, v2;
	v1 =	vadd.s32 v1, v3;
	v3 =	vand.u32 $0xFFFFFC00, v60  }
0x6e: {  	[tilespmem:$0x1FD60] =	vst v1;
	v49 =	vadd.s32 v8, v2;
	v1 =	vand.u32 $0x380, v58;
	v4 =	vadd.s32 v55, v4  }
0x6f: {  	v2 =	vshll.u32 v59, $0x7;
	v1 =	vor.u32 v1, v4;
	v4 =	vmul.u32 $0xC00, v61  }
0x70: {  	v5 =	vand.u32 $0x7F, v57;
	v2 =	vand.u32 $0x380, v2;
	v1 =	vor.u32 v6, v1  }
0x71: {  	v1 =	vadd.s32 v3, v1;
	v3 =	vand.u32 $0x380, v18;
	v4 =	vadd.s32 v55, v4  }
0x72: {  	v6 =	vand.u32 $0x7F, v62;
	v3 =	vor.u32 v3, v4;
	v4 =	vadd.s32 v55, v21  }
0x73: {  	v22 =	vld [tilespmem:$0x460];
	[tilespmem:$0x1FD70] =	vst v1;
	v1 =	vand.u32 $0xFFFFFC00, v63;
	v3 =	vor.u32 v5, v3;
	v2 =	vor.u32 v2, v4  }
0x74: {  	v19 =	vld [tilespmem:$0x60];
	v8 =	vand.u32 $0xFFFFFC00, v23;
	v2 =	vor.u32 v6, v2;
	v1 =	vadd.s32 v1, v3  }
0x75: {  	v24 =	vld [tilespmem:$0x860];
	[tilespmem:$0x1FD80] =	vst v1;
	v27 =	vadd.s32 v8, v2  }
0x76: {  	v26 =	vld [tilespmem:$0xC60];
	[tilespmem:$0x1FD90] =	vst v27  }
0x77: {  	v29 =	vld [tilespmem:$0x70]  }
0x78: {  	v32 =	vld [tilespmem:$0x470]  }
0x79: {  	v35 =	vld [tilespmem:$0x870]  }
0x7a: {  	v38 =	vld [tilespmem:$0xC70]  }
0x7b: {  	v25 =	vshrl.u32 v19, $0x3;
	v40 =	vld [tilespmem:$0x80]  }
0x7c: {  	v4 =	vmul.u32 $0xC00, v25;
	v42 =	vld [tilespmem:$0x480]  }
0x7d: {  	v28 =	vshll.u32 v19, $0x7;
	v30 =	vshll.u32 v22, $0x3;
	v45 =	vld [tilespmem:$0x880]  }
0x7e: {  	v31 =	vshrl.u32 v24, $0x3;
	v1 =	vand.u32 $0x380, v28;
	v4 =	vadd.s32 v55, v4;
	v48 =	vld [tilespmem:$0xC80]  }
0x7f: {  	v5 =	vand.u32 $0x7F, v22;
	v1 =	vor.u32 v1, v4;
	v4 =	vmul.u32 $0xC00, v31;
	v52 =	vld [tilespmem:$0x90]  }
0x80: {  	v34 =	vshll.u32 v24, $0x7;
	v3 =	vand.u32 $0xFFFFFC00, v30;
	v1 =	vor.u32 v5, v1;
	v56 =	vld [tilespmem:$0x490]  }
0x81: {  	v58 =	vld [tilespmem:$0x890];
	v1 =	vadd.s32 v3, v1;
	v3 =	vand.u32 $0x380, v34;
	v4 =	vadd.s32 v55, v4  }
0x82: {  	v33 =	vshll.u32 v26, $0x3;
	v6 =	vand.u32 $0x7F, v26;
	v60 =	vld [tilespmem:$0xC90];
	v3 =	vor.u32 v3, v4  }
0x83: {  	v63 =	vld [tilespmem:$0xA0];
	[tilespmem:$0x1FDA0] =	vst v1;
	v1 =	vand.u32 $0xFFFFFC00, v33;
	v3 =	vor.u32 v6, v3  }
0x84: {  	v20 =	vld [tilespmem:$0x4A0];
	v1 =	vadd.s32 v1, v3;
	v36 =	vshrl.u32 v29, $0x3;
	v2 =	vshll.u32 v29, $0x7  }
0x85: {  	v23 =	vld [tilespmem:$0x8A0];
	v39 =	vshll.u32 v32, $0x3;
	v5 =	vand.u32 $0x7F, v32;
	v41 =	vshrl.u32 v35, $0x3  }
0x86: {  	v26 =	vld [tilespmem:$0xCA0];
	v44 =	vshll.u32 v35, $0x7;
	v46 =	vshll.u32 v38, $0x3;
	v6 =	vand.u32 $0x7F, v38  }
0x87: {  	v28 =	vld [tilespmem:$0xB0];
	v47 =	vshrl.u32 v40, $0x3;
	v50 =	vshll.u32 v42, $0x3;
	v51 =	vshll.u32 v40, $0x7  }
0x88: {  	v53 =	vshrl.u32 v45, $0x3;
	v57 =	vshll.u32 v48, $0x3;
	v59 =	vshrl.u32 v52, $0x3  }
0x89: {  	v62 =	vshll.u32 v52, $0x7;
	v18 =	vshll.u32 v56, $0x3;
	v19 =	vshrl.u32 v58, $0x3  }
0x8a: {  	v33 =	vld [tilespmem:$0x8B0];
	v21 =	vshll.u32 v60, $0x3;
	v22 =	vshll.u32 v58, $0x7;
	v24 =	vshrl.u32 v63, $0x3  }
0x8b: {  	v30 =	vld [tilespmem:$0x4B0];
	v27 =	vshll.u32 v20, $0x3;
	v29 =	vshrl.u32 v23, $0x3;
	v32 =	vshll.u32 v23, $0x7  }
0x8c: {  	v34 =	vshll.u32 v26, $0x3;
	v35 =	vshrl.u32 v28, $0x3;
	v38 =	vshll.u32 v28, $0x7  }
0x8d: {  	v37 =	vmul.u32 $0xC00, v36;
	v2 =	vand.u32 $0x380, v2;
	v8 =	vand.u32 $0xFFFFFC00, v39;
	v39 =	vld [tilespmem:$0xC0]  }
0x8e: {  	[tilespmem:$0x1FDB0] =	vst v1;
	v1 =	vand.u32 $0x380, v44;
	v3 =	vand.u32 $0xFFFFFC00, v46;
	v54 =	vmul.u32 $0xC00, v53;
	v44 =	vld [tilespmem:$0x8C0]  }
0x8f: {  	v25 =	vmul.u32 $0xC00, v24;
	v40 =	vshrl.u32 v33, $0x3;
	v4 =	vadd.s32 v55, v37  }
0x90: {  	v36 =	vld [tilespmem:$0xCB0];
	v37 =	vshll.u32 v30, $0x3;
	v2 =	vor.u32 v2, v4;
	v4 =	vmul.u32 $0xC00, v41  }
0x91: {  	v41 =	vmul.u32 $0xC00, v40;
	v2 =	vor.u32 v5, v2;
	v5 =	vand.u32 $0x7F, v42  }
0x92: {  	v46 =	vld [tilespmem:$0xCC0];
	v43 =	vadd.s32 v8, v2;
	v4 =	vadd.s32 v55, v4;
	v2 =	vshll.u32 v45, $0x7  }
0x93: {  	v42 =	vld [tilespmem:$0x4C0];
	v8 =	vand.u32 $0xFFFFFC00, v57;
	v45 =	vshrl.u32 v39, $0x3;
	v52 =	vshrl.u32 v44, $0x3  }
0x94: {  	v1 =	vor.u32 v1, v4;
	v4 =	vmul.u32 $0xC00, v47;
	v2 =	vand.u32 $0x380, v2  }
0x95: {  	[tilespmem:$0x1FDC0] =	vst v43;
	v43 =	vshll.u32 v36, $0x3;
	v1 =	vor.u32 v6, v1;
	v6 =	vand.u32 $0x7F, v48  }
0x96: {  	v1 =	vadd.s32 v3, v1;
	v3 =	vand.u32 $0x380, v51;
	v4 =	vadd.s32 v55, v4  }
0x97: {  	v48 =	vshll.u32 v39, $0x7;
	[tilespmem:$0x1FDD0] =	vst v1;
	v3 =	vor.u32 v3, v4;
	v1 =	vand.u32 $0xFFFFFC00, v50  }
0x98: {  	v57 =	vld [tilespmem:$0x8D0];
	v4 =	vadd.s32 v55, v54;
	v51 =	vshll.u32 v42, $0x3;
	v54 =	vshll.u32 v46, $0x3  }
0x99: {  	v3 =	vor.u32 v5, v3;
	v2 =	vor.u32 v2, v4;
	v4 =	vmul.u32 $0xC00, v59  }
0x9a: {  	v53 =	vld [tilespmem:$0x4D0];
	v5 =	vand.u32 $0x7F, v56;
	v56 =	vshll.u32 v44, $0x7;
	v2 =	vor.u32 v6, v2  }
0x9b: {  	v50 =	vld [tilespmem:$0xD0];
	v1 =	vadd.s32 v1, v3;
	v3 =	vand.u32 $0xFFFFFC00, v18;
	v6 =	vand.u32 $0x7F, v60  }
0x9c: {  	[tilespmem:$0x1FDE0] =	vst v1;
	v61 =	vadd.s32 v8, v2;
	v1 =	vand.u32 $0x380, v62;
	v4 =	vadd.s32 v55, v4  }
0x9d: {  	v60 =	vld [tilespmem:$0xCD0];
	v2 =	vshll.u32 v63, $0x7;
	v8 =	vand.u32 $0xFFFFFC00, v27;
	v63 =	vshrl.u32 v57, $0x3  }
0x9e: {  	v18 =	vld [tilespmem:$0x4E0];
	v1 =	vor.u32 v1, v4;
	v4 =	vmul.u32 $0xC00, v19;
	v2 =	vand.u32 $0x380, v2  }
0x9f: {  	[tilespmem:$0x1FDF0] =	vst v61;
	v61 =	vshll.u32 v53, $0x3;
	v1 =	vor.u32 v5, v1;
	v5 =	vand.u32 $0x7F, v20  }
0xa0: {  	v62 =	vld [tilespmem:$0xE0];
	v58 =	vshrl.u32 v50, $0x3;
	v20 =	vshll.u32 v57, $0x7;
	v1 =	vadd.s32 v3, v1  }
0xa1: {  	v3 =	vand.u32 $0x380, v22;
	v4 =	vadd.s32 v55, v4;
	v59 =	vmul.u32 $0xC00, v58  }
0xa2: {  	[tilespmem:$0x1FE00] =	vst v1;
	v3 =	vor.u32 v3, v4;
	v1 =	vand.u32 $0xFFFFFC00, v21;
	v4 =	vadd.s32 v55, v25  }
0xa3: {  	v27 =	vld [tilespmem:$0xF0];
	v22 =	vshll.u32 v60, $0x3;
	v25 =	vshll.u32 v18, $0x3;
	v3 =	vor.u32 v6, v3  }
0xa4: {  	v2 =	vor.u32 v2, v4;
	v4 =	vmul.u32 $0xC00, v29;
	v6 =	vand.u32 $0x7F, v26  }
0xa5: {  	v24 =	vld [tilespmem:$0xCE0];
	v23 =	vshrl.u32 v62, $0x3;
	v26 =	vshll.u32 v62, $0x7;
	v2 =	vor.u32 v5, v2  }
0xa6: {  	v21 =	vld [tilespmem:$0x8E0];
	v1 =	vadd.s32 v1, v3;
	v3 =	vand.u32 $0xFFFFFC00, v34;
	v5 =	vand.u32 $0x7F, v30  }
0xa7: {  	[tilespmem:$0x1FE10] =	vst v1;
	v31 =	vadd.s32 v8, v2;
	v1 =	vand.u32 $0x380, v32;
	v4 =	vadd.s32 v55, v4  }
0xa8: {  	v30 =	vld [tilespmem:$0x4F0];
	v2 =	vshll.u32 v33, $0x7;
	v8 =	vand.u32 $0xFFFFFC00, v43;
	v33 =	vshrl.u32 v27, $0x3  }
0xa9: {  	v34 =	vld [tilespmem:$0xCF0];
	v1 =	vor.u32 v1, v4;
	v4 =	vmul.u32 $0xC00, v35;
	v2 =	vand.u32 $0x380, v2  }
0xaa: {  	[tilespmem:$0x1FE20] =	vst v31;
	v31 =	vshll.u32 v24, $0x3;
	v1 =	vor.u32 v6, v1;
	v6 =	vand.u32 $0x7F, v36  }
0xab: {  	v32 =	vld [tilespmem:$0x8F0];
	v28 =	vshrl.u32 v21, $0x3;
	v36 =	vshll.u32 v27, $0x7;
	v1 =	vadd.s32 v3, v1  }
0xac: {  	v3 =	vand.u32 $0x380, v38;
	v4 =	vadd.s32 v55, v4;
	v29 =	vmul.u32 $0xC00, v28  }
0xad: {  	[tilespmem:$0x1FE30] =	vst v1;
	v3 =	vor.u32 v3, v4;
	v1 =	vand.u32 $0xFFFFFC00, v37;
	v4 =	vadd.s32 v55, v41  }
0xae: {  	v43 =	vld [tilespmem:$0x900];
	v38 =	vshll.u32 v30, $0x3;
	v41 =	vshll.u32 v34, $0x3;
	v3 =	vor.u32 v5, v3  }
0xaf: {  	v2 =	vor.u32 v2, v4;
	v4 =	vmul.u32 $0xC00, v45;
	v5 =	vand.u32 $0x7F, v42  }
0xb0: {  	v40 =	vld [tilespmem:$0x500];
	v39 =	vshrl.u32 v32, $0x3;
	v42 =	vshll.u32 v32, $0x7;
	v2 =	vor.u32 v6, v2  }
0xb1: {  	v37 =	vld [tilespmem:$0x100];
	v1 =	vadd.s32 v1, v3;
	v3 =	vand.u32 $0xFFFFFC00, v51;
	v6 =	vand.u32 $0x7F, v46  }
0xb2: {  	[tilespmem:$0x1FE40] =	vst v1;
	v47 =	vadd.s32 v8, v2;
	v1 =	vand.u32 $0x380, v48;
	v4 =	vadd.s32 v55, v4  }
0xb3: {  	v46 =	vld [tilespmem:$0xD00];
	v2 =	vshll.u32 v50, $0x7;
	v8 =	vand.u32 $0xFFFFFC00, v61;
	v50 =	vshrl.u32 v43, $0x3  }
0xb4: {  	v51 =	vld [tilespmem:$0x510];
	v1 =	vor.u32 v1, v4;
	v4 =	vmul.u32 $0xC00, v52;
	v2 =	vand.u32 $0x380, v2  }
0xb5: {  	[tilespmem:$0x1FE50] =	vst v47;
	v47 =	vshll.u32 v40, $0x3;
	v1 =	vor.u32 v5, v1;
	v5 =	vand.u32 $0x7F, v53  }
0xb6: {  	v48 =	vld [tilespmem:$0x110];
	v44 =	vshrl.u32 v37, $0x3;
	v53 =	vshll.u32 v43, $0x7;
	v1 =	vadd.s32 v3, v1  }
0xb7: {  	v3 =	vand.u32 $0x380, v56;
	v4 =	vadd.s32 v55, v4;
	v45 =	vmul.u32 $0xC00, v44  }
0xb8: {  	[tilespmem:$0x1FE60] =	vst v1;
	v3 =	vor.u32 v3, v4;
	v1 =	vand.u32 $0xFFFFFC00, v54;
	v4 =	vadd.s32 v55, v59  }
0xb9: {  	v61 =	vld [tilespmem:$0x120];
	v56 =	vshll.u32 v46, $0x3;
	v59 =	vshll.u32 v51, $0x3;
	v3 =	vor.u32 v6, v3  }
0xba: {  	v2 =	vor.u32 v2, v4;
	v4 =	vmul.u32 $0xC00, v63;
	v6 =	vand.u32 $0x7F, v60  }
0xbb: {  	v58 =	vld [tilespmem:$0xD10];
	v57 =	vshrl.u32 v48, $0x3;
	v60 =	vshll.u32 v48, $0x7;
	v2 =	vor.u32 v5, v2  }
0xbc: {  	v54 =	vld [tilespmem:$0x910];
	v1 =	vadd.s32 v1, v3;
	v3 =	vand.u32 $0xFFFFFC00, v22;
	v5 =	vand.u32 $0x7F, v18  }
0xbd: {  	[tilespmem:$0x1FE70] =	vst v1;
	v19 =	vadd.s32 v8, v2;
	v1 =	vand.u32 $0x380, v20;
	v4 =	vadd.s32 v55, v4  }
0xbe: {  	v18 =	vld [tilespmem:$0x520];
	v2 =	vshll.u32 v21, $0x7;
	v8 =	vand.u32 $0xFFFFFC00, v31;
	v21 =	vshrl.u32 v61, $0x3  }
0xbf: {  	v22 =	vld [tilespmem:$0xD20];
	v1 =	vor.u32 v1, v4;
	v4 =	vmul.u32 $0xC00, v23;
	v2 =	vand.u32 $0x380, v2  }
0xc0: {  	[tilespmem:$0x1FE80] =	vst v19;
	v19 =	vshll.u32 v58, $0x3;
	v1 =	vor.u32 v6, v1;
	v6 =	vand.u32 $0x7F, v24  }
0xc1: {  	v20 =	vld [tilespmem:$0x920];
	v62 =	vshrl.u32 v54, $0x3;
	v24 =	vshll.u32 v61, $0x7;
	v1 =	vadd.s32 v3, v1  }
0xc2: {  	v3 =	vand.u32 $0x380, v26;
	v4 =	vadd.s32 v55, v4;
	v63 =	vmul.u32 $0xC00, v62  }
0xc3: {  	[tilespmem:$0x1FE90] =	vst v1;
	v3 =	vor.u32 v3, v4;
	v1 =	vand.u32 $0xFFFFFC00, v25;
	v4 =	vadd.s32 v55, v29  }
0xc4: {  	v31 =	vld [tilespmem:$0x930];
	v26 =	vshll.u32 v18, $0x3;
	v29 =	vshll.u32 v22, $0x3;
	v3 =	vor.u32 v5, v3  }
0xc5: {  	v2 =	vor.u32 v2, v4;
	v4 =	vmul.u32 $0xC00, v33;
	v5 =	vand.u32 $0x7F, v30  }
0xc6: {  	v28 =	vld [tilespmem:$0x530];
	v27 =	vshrl.u32 v20, $0x3;
	v30 =	vshll.u32 v20, $0x7;
	v2 =	vor.u32 v6, v2  }
0xc7: {  	v25 =	vld [tilespmem:$0x130];
	v1 =	vadd.s32 v1, v3;
	v3 =	vand.u32 $0xFFFFFC00, v38;
	v6 =	vand.u32 $0x7F, v34  }
0xc8: {  	[tilespmem:$0x1FEA0] =	vst v1;
	v35 =	vadd.s32 v8, v2;
	v1 =	vand.u32 $0x380, v36;
	v4 =	vadd.s32 v55, v4  }
0xc9: {  	v34 =	vld [tilespmem:$0xD30];
	v2 =	vshll.u32 v37, $0x7;
	v8 =	vand.u32 $0xFFFFFC00, v47;
	v37 =	vshrl.u32 v31, $0x3  }
0xca: {  	v38 =	vld [tilespmem:$0x540];
	v1 =	vor.u32 v1, v4;
	v4 =	vmul.u32 $0xC00, v39;
	v2 =	vand.u32 $0x380, v2  }
0xcb: {  	[tilespmem:$0x1FEB0] =	vst v35;
	v35 =	vshll.u32 v28, $0x3;
	v1 =	vor.u32 v5, v1;
	v5 =	vand.u32 $0x7F, v40  }
0xcc: {  	v36 =	vld [tilespmem:$0x140];
	v32 =	vshrl.u32 v25, $0x3;
	v40 =	vshll.u32 v31, $0x7;
	v1 =	vadd.s32 v3, v1  }
0xcd: {  	v3 =	vand.u32 $0x380, v42;
	v4 =	vadd.s32 v55, v4;
	v33 =	vmul.u32 $0xC00, v32  }
0xce: {  	[tilespmem:$0x1FEC0] =	vst v1;
	v3 =	vor.u32 v3, v4;
	v1 =	vand.u32 $0xFFFFFC00, v41;
	v4 =	vadd.s32 v55, v45  }
0xcf: {  	v47 =	vld [tilespmem:$0x150];
	v42 =	vshll.u32 v34, $0x3;
	v45 =	vshll.u32 v38, $0x3;
	v3 =	vor.u32 v6, v3  }
0xd0: {  	v2 =	vor.u32 v2, v4;
	v4 =	vmul.u32 $0xC00, v50;
	v6 =	vand.u32 $0x7F, v46  }
0xd1: {  	v44 =	vld [tilespmem:$0xD40];
	v43 =	vshrl.u32 v36, $0x3;
	v46 =	vshll.u32 v36, $0x7;
	v2 =	vor.u32 v5, v2  }
0xd2: {  	v41 =	vld [tilespmem:$0x940];
	v1 =	vadd.s32 v1, v3;
	v3 =	vand.u32 $0xFFFFFC00, v56;
	v5 =	vand.u32 $0x7F, v51  }
0xd3: {  	[tilespmem:$0x1FED0] =	vst v1;
	v52 =	vadd.s32 v8, v2;
	v1 =	vand.u32 $0x380, v53;
	v4 =	vadd.s32 v55, v4  }
0xd4: {  	v51 =	vld [tilespmem:$0x550];
	v2 =	vshll.u32 v54, $0x7;
	v8 =	vand.u32 $0xFFFFFC00, v19;
	v54 =	vshrl.u32 v47, $0x3  }
0xd5: {  	v56 =	vld [tilespmem:$0xD50];
	v1 =	vor.u32 v1, v4;
	v4 =	vmul.u32 $0xC00, v57;
	v2 =	vand.u32 $0x380, v2  }
0xd6: {  	[tilespmem:$0x1FEE0] =	vst v52;
	v52 =	vshll.u32 v44, $0x3;
	v1 =	vor.u32 v6, v1;
	v6 =	vand.u32 $0x7F, v58  }
0xd7: {  	v53 =	vld [tilespmem:$0x950];
	v48 =	vshrl.u32 v41, $0x3;
	v58 =	vshll.u32 v47, $0x7;
	v1 =	vadd.s32 v3, v1  }
0xd8: {  	v3 =	vand.u32 $0x380, v60;
	v4 =	vadd.s32 v55, v4;
	v50 =	vmul.u32 $0xC00, v48  }
0xd9: {  	[tilespmem:$0x1FEF0] =	vst v1;
	v3 =	vor.u32 v3, v4;
	v1 =	vand.u32 $0xFFFFFC00, v59;
	v4 =	vadd.s32 v55, v63  }
0xda: {  	v19 =	vld [tilespmem:$0x960];
	v60 =	vshll.u32 v51, $0x3;
	v63 =	vshll.u32 v56, $0x3;
	v3 =	vor.u32 v5, v3  }
0xdb: {  	v2 =	vor.u32 v2, v4;
	v4 =	vmul.u32 $0xC00, v21;
	v5 =	vand.u32 $0x7F, v18  }
0xdc: {  	v62 =	vld [tilespmem:$0x560];
	v61 =	vshrl.u32 v53, $0x3;
	v18 =	vshll.u32 v53, $0x7;
	v2 =	vor.u32 v6, v2  }
0xdd: {  	v59 =	vld [tilespmem:$0x160];
	v1 =	vadd.s32 v1, v3;
	v3 =	vand.u32 $0xFFFFFC00, v26;
	v6 =	vand.u32 $0x7F, v22  }
0xde: {  	[tilespmem:$0x1FF00] =	vst v1;
	v23 =	vadd.s32 v8, v2;
	v1 =	vand.u32 $0x380, v24;
	v4 =	vadd.s32 v55, v4  }
0xdf: {  	v22 =	vld [tilespmem:$0xD60];
	v2 =	vshll.u32 v25, $0x7;
	v8 =	vand.u32 $0xFFFFFC00, v35;
	v25 =	vshrl.u32 v19, $0x3  }
0xe0: {  	v26 =	vld [tilespmem:$0x570];
	v1 =	vor.u32 v1, v4;
	v4 =	vmul.u32 $0xC00, v27;
	v2 =	vand.u32 $0x380, v2  }
0xe1: {  	v24 =	vld [tilespmem:$0x170];
	[tilespmem:$0x1FF10] =	vst v23;
	v23 =	vshll.u32 v62, $0x3;
	v1 =	vor.u32 v5, v1;
	v5 =	vand.u32 $0x7F, v28  }
0xe2: {  	v35 =	vld [tilespmem:$0x180];
	v20 =	vshrl.u32 v59, $0x3;
	v28 =	vshll.u32 v19, $0x7;
	v1 =	vadd.s32 v3, v1  }
0xe3: {  	v3 =	vand.u32 $0x380, v30;
	v4 =	vadd.s32 v55, v4;
	v21 =	vmul.u32 $0xC00, v20  }
0xe4: {  	[tilespmem:$0x1FF20] =	vst v1;
	v3 =	vor.u32 v3, v4;
	v1 =	vand.u32 $0xFFFFFC00, v29;
	v4 =	vadd.s32 v55, v33  }
0xe5: {  	v30 =	vshll.u32 v22, $0x3;
	v33 =	vshll.u32 v26, $0x3;
	v3 =	vor.u32 v6, v3  }
0xe6: {  	v2 =	vor.u32 v2, v4;
	v4 =	vmul.u32 $0xC00, v37;
	v6 =	vand.u32 $0x7F, v34  }
0xe7: {  	v32 =	vld [tilespmem:$0xD70];
	v31 =	vshrl.u32 v24, $0x3;
	v34 =	vshll.u32 v24, $0x7;
	v47 =	vshll.u32 v35, $0x7  }
0xe8: {  	v29 =	vld [tilespmem:$0x970];
	v2 =	vor.u32 v5, v2;
	v1 =	vadd.s32 v1, v3;
	v3 =	vand.u32 $0xFFFFFC00, v42  }
0xe9: {  	v5 =	vand.u32 $0x7F, v38;
	[tilespmem:$0x1FF30] =	vst v1;
	v39 =	vadd.s32 v8, v2;
	v1 =	vand.u32 $0x380, v40  }
0xea: {  	v4 =	vadd.s32 v55, v4;
	v2 =	vshll.u32 v41, $0x7;
	v8 =	vand.u32 $0xFFFFFC00, v52  }
0xeb: {  	v38 =	vld [tilespmem:$0x580];
	v1 =	vor.u32 v1, v4;
	v4 =	vmul.u32 $0xC00, v43;
	v2 =	vand.u32 $0x380, v2  }
0xec: {  	v40 =	vld [tilespmem:$0x980];
	[tilespmem:$0x1FF40] =	vst v39;
	v39 =	vshll.u32 v32, $0x3;
	v1 =	vor.u32 v6, v1;
	v6 =	vand.u32 $0x7F, v44  }
0xed: {  	v36 =	vshrl.u32 v29, $0x3;
	v44 =	vshrl.u32 v35, $0x3;
	v1 =	vadd.s32 v3, v1  }
0xee: {  	v48 =	vld [tilespmem:$0x190];
	v3 =	vand.u32 $0x380, v46;
	v4 =	vadd.s32 v55, v4;
	v37 =	vmul.u32 $0xC00, v36  }
0xef: {  	[tilespmem:$0x1FF50] =	vst v1;
	v3 =	vor.u32 v3, v4;
	v1 =	vand.u32 $0xFFFFFC00, v45;
	v4 =	vadd.s32 v55, v50  }
0xf0: {  	v50 =	vshll.u32 v38, $0x3;
	v3 =	vor.u32 v5, v3;
	v2 =	vor.u32 v2, v4  }
0xf1: {  	v4 =	vmul.u32 $0xC00, v54;
	v5 =	vand.u32 $0x7F, v51;
	v51 =	vshrl.u32 v40, $0x3  }
0xf2: {  	v45 =	vld [tilespmem:$0xD80];
	v53 =	vshll.u32 v40, $0x7;
	v2 =	vor.u32 v6, v2;
	v1 =	vadd.s32 v1, v3  }
0xf3: {  	v3 =	vand.u32 $0xFFFFFC00, v60;
	v6 =	vand.u32 $0x7F, v56;
	v56 =	vshrl.u32 v48, $0x3  }
0xf4: {  	v54 =	vld [tilespmem:$0x590];
	[tilespmem:$0x1FF60] =	vst v1;
	v57 =	vadd.s32 v8, v2;
	v1 =	vand.u32 $0x380, v58;
	v4 =	vadd.s32 v55, v4  }
0xf5: {  	v2 =	vshll.u32 v59, $0x7;
	v8 =	vand.u32 $0xFFFFFC00, v23;
	v58 =	vmul.u32 $0xC00, v56  }
0xf6: {  	v1 =	vor.u32 v1, v4;
	v4 =	vmul.u32 $0xC00, v61;
	v2 =	vand.u32 $0x380, v2  }
0xf7: {  	v59 =	vld [tilespmem:$0xD90];
	v1 =	vor.u32 v5, v1;
	v5 =	vand.u32 $0x7F, v62;
	v52 =	vshll.u32 v45, $0x3  }
0xf8: {  	v60 =	vld [tilespmem:$0x1A0];
	v62 =	vadd.s32 v55, v58;
	v41 =	vadd.s32 v3, v1;
	v3 =	vand.u32 $0x380, v18  }
0xf9: {  	v4 =	vadd.s32 v55, v4;
	v1 =	vand.u32 $0xFFFFFC00, v63;
	v63 =	vshll.u32 v54, $0x3  }
0xfa: {  	[tilespmem:$0x1FF70] =	vst v57;
	v57 =	vld [tilespmem:$0x990];
	v9 =	vand.u32 $0x7F, v54;
	v3 =	vor.u32 v3, v4;
	v4 =	vadd.s32 v55, v21  }
0xfb: {  	v40 =	vld [tilespmem:$0xDB0];
	v10 =	vand.u32 $0xFFFFFC00, v63;
	v3 =	vor.u32 v6, v3;
	v2 =	vor.u32 v2, v4  }
0xfc: {  	v4 =	vmul.u32 $0xC00, v25;
	v6 =	vand.u32 $0x7F, v22;
	v19 =	vshll.u32 v59, $0x3  }
0xfd: {  	v23 =	vld [tilespmem:$0x9A0];
	v22 =	vshrl.u32 v60, $0x3;
	v7 =	vand.u32 $0x7F, v59;
	v25 =	vshll.u32 v60, $0x7  }
0xfe: {  	v20 =	vld [tilespmem:$0x5A0];
	v2 =	vor.u32 v5, v2;
	v43 =	vadd.s32 v1, v3;
	v1 =	vand.u32 $0x380, v28  }
0xff: {  	v3 =	vand.u32 $0xFFFFFC00, v30;
	v5 =	vand.u32 $0x7F, v26;
	v11 =	vshrl.u32 v57, $0x3  }
0x100: {  	v21 =	vshll.u32 v57, $0x7;
	v57 =	vshll.u32 v40, $0x3;
	v27 =	vadd.s32 v8, v2  }
0x101: {  	v24 =	vld [tilespmem:$0xDA0];
	v4 =	vadd.s32 v55, v4;
	v2 =	vshll.u32 v29, $0x7;
	v8 =	vand.u32 $0xFFFFFC00, v39  }
0x102: {  	v18 =	vmul.u32 $0xC00, v11;
	v29 =	vshrl.u32 v23, $0x3;
	v1 =	vor.u32 v1, v4  }
0x103: {  	v26 =	vld [tilespmem:$0x1B0];
	[tilespmem:$0x1FF80] =	vst v27;
	v4 =	vmul.u32 $0xC00, v31;
	v2 =	vand.u32 $0x380, v2;
	v27 =	vshll.u32 v20, $0x3  }
0x104: {  	v31 =	vmul.u32 $0xC00, v29;
	v1 =	vor.u32 v6, v1;
	v6 =	vand.u32 $0x7F, v32  }
0x105: {  	v28 =	vand.u32 $0xFFFFFC00, v27;
	v42 =	vadd.s32 v3, v1;
	v3 =	vand.u32 $0x380, v34  }
0x106: {  	v4 =	vadd.s32 v55, v4;
	v1 =	vand.u32 $0xFFFFFC00, v33;
	v33 =	vshll.u32 v24, $0x3  }
0x107: {  	v60 =	vld [tilespmem:$0x1D0];
	v34 =	vshll.u32 v23, $0x7;
	v3 =	vor.u32 v3, v4;
	v4 =	vadd.s32 v55, v37  }
0x108: {  	v36 =	vld [tilespmem:$0x9B0];
	v35 =	vshrl.u32 v26, $0x3;
	v37 =	vand.u32 $0x7F, v24;
	v3 =	vor.u32 v5, v3  }
0x109: {  	v56 =	vld [tilespmem:$0x9C0];
	v2 =	vor.u32 v2, v4;
	v4 =	vmul.u32 $0xC00, v44;
	v5 =	vand.u32 $0x7F, v38  }
0x10a: {  	v2 =	vor.u32 v6, v2;
	v1 =	vadd.s32 v1, v3;
	v3 =	vand.u32 $0xFFFFFC00, v50  }
0x10b: {  	v24 =	vld [tilespmem:$0xDD0];
	v6 =	vand.u32 $0x7F, v45;
	[tilespmem:$0x1FF90] =	vst v1;
	v46 =	vadd.s32 v8, v2;
	v1 =	vand.u32 $0x380, v47  }
0x10c: {  	v4 =	vadd.s32 v55, v4;
	v2 =	vshll.u32 v48, $0x7;
	v8 =	vshll.u32 v60, $0x7  }
0x10d: {  	v38 =	vld [tilespmem:$0x1C0];
	v1 =	vor.u32 v1, v4;
	v4 =	vmul.u32 $0xC00, v51;
	v61 =	vand.u32 $0x380, v2  }
0x10e: {  	v27 =	vld [tilespmem:$0x1E0];
	v2 =	vand.u32 $0xFFFFFC00, v19;
	v51 =	vshrl.u32 v36, $0x3;
	v19 =	vshll.u32 v56, $0x7  }
0x10f: {  	v8 =	vand.u32 $0x380, v8;
	v1 =	vor.u32 v5, v1;
	v5 =	vmul.u32 $0xC00, v22  }
0x110: {  	v22 =	vshrl.u32 v60, $0x3;
	v29 =	vand.u32 $0x7F, v24;
	v1 =	vadd.s32 v3, v1  }
0x111: {  	v63 =	vld [tilespmem:$0xDC0];
	v3 =	vand.u32 $0x380, v53;
	v4 =	vadd.s32 v55, v4;
	v53 =	vshll.u32 v36, $0x7  }
0x112: {  	v32 =	vld [tilespmem:$0x5B0];
	v54 =	vshrl.u32 v38, $0x3;
	v58 =	vshll.u32 v38, $0x7;
	v23 =	vmul.u32 $0xC00, v22  }
0x113: {  	v36 =	vshll.u32 v27, $0x7;
	[tilespmem:$0x1FFB0] =	vst v1;
	v3 =	vor.u32 v3, v4;
	v1 =	vand.u32 $0xFFFFFC00, v52;
	v52 =	vld [tilespmem:$0x5C0]  }
0x114: {  	v4 =	vand.u32 $0x380, v21;
	v5 =	vadd.s32 v55, v5;
	v3 =	vor.u32 v6, v3  }
0x115: {  	v59 =	vand.u32 $0x380, v58;
	v6 =	vshll.u32 v26, $0x7;
	v1 =	vadd.s32 v1, v3  }
0x116: {  	v26 =	vand.u32 $0x7F, v63;
	v3 =	vand.u32 $0x7F, v20;
	[tilespmem:$0x1FFC0] =	vst v1;
	v1 =	vor.u32 v61, v62  }
0x117: {  	v39 =	vand.u32 $0x380, v6;
	v6 =	vand.u32 $0x7F, v40;
	v62 =	vld [tilespmem:$0x9D0];
	v1 =	vor.u32 v9, v1  }
0x118: {  	v1 =	vadd.s32 v10, v1;
	v10 =	vshll.u32 v32, $0x3;
	v61 =	vand.u32 $0x7F, v52  }
0x119: {  	[tilespmem:$0x1FFD0] =	vst v1;
	v1 =	vadd.s32 v55, v18;
	v48 =	vand.u32 $0xFFFFFC00, v10;
	v18 =	vshrl.u32 v56, $0x3  }
0x11a: {  	v1 =	vor.u32 v4, v1;
	v4 =	vand.u32 $0x380, v25;
	v9 =	vmul.u32 $0xC00, v18  }
0x11b: {  	v21 =	vld [tilespmem:$0x5D0];
	v1 =	vor.u32 v7, v1;
	v4 =	vor.u32 v4, v5;
	v5 =	vmul.u32 $0xC00, v35  }
0x11c: {  	v7 =	vand.u32 $0xFFFFFC00, v57;
	v25 =	vshrl.u32 v62, $0x3;
	v35 =	vshrl.u32 v27, $0x3  }
0x11d: {  	v3 =	vor.u32 v3, v4;
	v45 =	vadd.s32 v2, v1;
	v4 =	vand.u32 $0x380, v34  }
0x11e: {  	v38 =	vld [tilespmem:$0xDE0];
	v1 =	vadd.s32 v55, v31;
	v2 =	vand.u32 $0x7F, v32;
	v20 =	vadd.s32 v55, v9  }
0x11f: {  	v18 =	vld [tilespmem:$0xA00];
	v30 =	vadd.s32 v28, v3;
	v3 =	vand.u32 $0xFFFFFC00, v33;
	v5 =	vadd.s32 v55, v5  }
0x120: {  	v57 =	vld [tilespmem:$0x200];
	v1 =	vor.u32 v4, v1;
	v28 =	vand.u32 $0x7F, v21;
	v4 =	vor.u32 v39, v5  }
0x121: {  	v34 =	vld [tilespmem:$0x5E0];
	v1 =	vor.u32 v37, v1;
	v5 =	vshll.u32 v24, $0x3;
	v2 =	vor.u32 v2, v4  }
0x122: {  	v33 =	vld [tilespmem:$0x1F0];
	v44 =	vadd.s32 v3, v1;
	v1 =	vmul.u32 $0xC00, v51;
	v3 =	vand.u32 $0x380, v53  }
0x123: {  	v4 =	vmul.u32 $0xC00, v54;
	v5 =	vand.u32 $0xFFFFFC00, v5;
	v54 =	vand.u32 $0x7F, v38  }
0x124: {  	[tilespmem:$0x1FFE0] =	vst v30;
	v30 =	vld [tilespmem:$0x9E0];
	v27 =	vshrl.u32 v18, $0x3;
	v50 =	vadd.s32 v48, v2;
	v2 =	vshll.u32 v52, $0x3  }
0x125: {  	v24 =	vshrl.u32 v57, $0x3;
	v1 =	vadd.s32 v55, v1;
	v4 =	vadd.s32 v55, v4  }
0x126: {  	v2 =	vand.u32 $0xFFFFFC00, v2;
	v52 =	vand.u32 $0x7F, v34;
	v1 =	vor.u32 v3, v1  }
0x127: {  	v53 =	vld [tilespmem:$0x9F0];
	[tilespmem:$0x1FFF0] =	vst v50;
	v3 =	vor.u32 v59, v4;
	v4 =	vshll.u32 v62, $0x7;
	v50 =	vshrl.u32 v33, $0x3  }
0x128: {  	v1 =	vor.u32 v6, v1;
	v3 =	vor.u32 v61, v3;
	v4 =	vand.u32 $0x380, v4  }
0x129: {  	v48 =	vld [tilespmem:$0x5F0];
	v6 =	vshll.u32 v63, $0x3;
	v39 =	vshrl.u32 v30, $0x3;
	v51 =	vshll.u32 v30, $0x7  }
0x12a: {  	[tilespmem:$0x1FFA0] =	vst v46;
	v46 =	vadd.s32 v7, v1;
	v47 =	vadd.s32 v2, v3;
	v1 =	vand.u32 $0x380, v19  }
0x12b: {  	v7 =	vmul.u32 $0xC00, v25;
	v2 =	vadd.s32 v55, v23;
	v6 =	vand.u32 $0xFFFFFC00, v6  }
0x12c: {  	v3 =	vshll.u32 v21, $0x3;
	v40 =	vmul.u32 $0xC00, v39;
	v21 =	vshll.u32 v53, $0x7  }
0x12d: {  	v25 =	vmul.u32 $0xC00, v24;
	v1 =	vor.u32 v1, v20;
	v2 =	vor.u32 v8, v2  }
0x12e: {  	v3 =	vand.u32 $0xFFFFFC00, v3;
	v8 =	vand.u32 $0x380, v51;
	v56 =	vand.u32 $0x7F, v48  }
0x12f: {  	v20 =	vshrl.u32 v53, $0x3;
	v1 =	vor.u32 v26, v1;
	v7 =	vadd.s32 v55, v7  }
0x130: {  	v31 =	vor.u32 v28, v2;
	v2 =	vadd.s32 v55, v40;
	v28 =	vshll.u32 v57, $0x7  }
0x131: {  	v30 =	vld [tilespmem:$0x210];
	v4 =	vor.u32 v4, v7;
	v58 =	vadd.s32 v6, v1;
	v7 =	vmul.u32 $0xC00, v35  }
0x132: {  	v60 =	vadd.s32 v3, v31;
	v1 =	vand.u32 $0x380, v36;
	v2 =	vor.u32 v8, v2  }
0x133: {  	v19 =	vld [tilespmem:$0xDF0];
	v6 =	vshll.u32 v34, $0x3;
	v3 =	vshll.u32 v38, $0x3;
	v8 =	vand.u32 $0x380, v28  }
0x134: {  	v23 =	vld [tilespmem:$0x600];
	v32 =	vor.u32 v29, v4;
	v4 =	vshll.u32 v33, $0x7;
	v6 =	vand.u32 $0xFFFFFC00, v6  }
0x135: {  	v63 =	vor.u32 v54, v2;
	v3 =	vand.u32 $0xFFFFFC00, v3;
	v2 =	vadd.s32 v55, v25  }
0x136: {  	v38 =	vshrl.u32 v30, $0x3;
	v39 =	vshll.u32 v30, $0x7;
	v59 =	vadd.s32 v5, v32  }
0x137: {  	v26 =	vld [tilespmem:$0xE00];
	v37 =	vadd.s32 v55, v7;
	v7 =	vmul.u32 $0xC00, v50;
	v4 =	vand.u32 $0x380, v4  }
0x138: {  	v5 =	vshll.u32 v48, $0x3;
	v63 =	vadd.s32 v3, v63;
	v29 =	vand.u32 $0x7F, v19  }
0x139: {  	v36 =	vld [tilespmem:$0x220];
	v2 =	vor.u32 v8, v2;
	v31 =	vand.u32 $0x7F, v23;
	v3 =	vshll.u32 v23, $0x3  }
0x13a: {  	v33 =	vld [tilespmem:$0xA10];
	v1 =	vor.u32 v1, v37;
	v5 =	vand.u32 $0xFFFFFC00, v5;
	v34 =	vor.u32 v31, v2  }
0x13b: {  	v3 =	vand.u32 $0xFFFFFC00, v3;
	v1 =	vor.u32 v52, v1;
	v7 =	vadd.s32 v55, v7  }
0x13c: {  	v32 =	vand.u32 $0x7F, v26;
	v54 =	vadd.s32 v3, v34;
	v4 =	vor.u32 v4, v7  }
0x13d: {  	v48 =	vld [tilespmem:$0xE10];
	v61 =	vadd.s32 v6, v1;
	v7 =	vmul.u32 $0xC00, v20;
	v1 =	vand.u32 $0x380, v21  }
0x13e: {  	v37 =	vld [tilespmem:$0x610];
	v6 =	vshll.u32 v19, $0x3;
	v53 =	vshrl.u32 v36, $0x3;
	v11 =	vor.u32 v56, v4  }
0x13f: {  	v31 =	vld [tilespmem:$0x630];
	v4 =	vshll.u32 v18, $0x7;
	v6 =	vand.u32 $0xFFFFFC00, v6;
	v50 =	vshrl.u32 v33, $0x3  }
0x140: {  	v52 =	vld [tilespmem:$0x620];
	v18 =	vshll.u32 v33, $0x7;
	v62 =	vadd.s32 v5, v11;
	v22 =	vadd.s32 v55, v7  }
0x141: {  	v34 =	vld [tilespmem:$0xE30];
	v7 =	vmul.u32 $0xC00, v27;
	v4 =	vand.u32 $0x380, v4;
	v5 =	vshll.u32 v26, $0x3  }
0x142: {  	v51 =	vmul.u32 $0xC00, v50;
	v8 =	vand.u32 $0x380, v18;
	v21 =	vand.u32 $0x7F, v48  }
0x143: {  	v20 =	vld [tilespmem:$0xA20];
	v3 =	vshll.u32 v48, $0x3;
	v1 =	vor.u32 v1, v22;
	v5 =	vand.u32 $0xFFFFFC00, v5  }
0x144: {  	v23 =	vld [tilespmem:$0x230];
	v19 =	vand.u32 $0x7F, v37;
	v3 =	vand.u32 $0xFFFFFC00, v3;
	v48 =	vand.u32 $0x7F, v31  }
0x145: {  	v1 =	vor.u32 v29, v1;
	v7 =	vadd.s32 v55, v7;
	v2 =	vadd.s32 v55, v51  }
0x146: {  	v22 =	vand.u32 $0x7F, v52;
	v50 =	vand.u32 $0x7F, v34;
	v4 =	vor.u32 v4, v7  }
0x147: {  	v57 =	vadd.s32 v6, v1;
	v7 =	vmul.u32 $0xC00, v38;
	v1 =	vand.u32 $0x380, v39  }
0x148: {  	v26 =	vld [tilespmem:$0xA30];
	v2 =	vor.u32 v8, v2;
	v6 =	vshll.u32 v37, $0x3;
	v28 =	vshrl.u32 v20, $0x3  }
0x149: {  	v27 =	vld [tilespmem:$0xE20];
	v29 =	vshll.u32 v20, $0x7;
	v38 =	vshll.u32 v23, $0x7;
	v35 =	vor.u32 v32, v4  }
0x14a: {  	v18 =	vld [tilespmem:$0xA40];
	v4 =	vshll.u32 v36, $0x7;
	v6 =	vand.u32 $0xFFFFFC00, v6;
	v24 =	vor.u32 v21, v2  }
0x14b: {  	v32 =	vshrl.u32 v23, $0x3;
	v8 =	vand.u32 $0x380, v38;
	v56 =	vadd.s32 v5, v35  }
0x14c: {  	v40 =	vadd.s32 v55, v7;
	v7 =	vmul.u32 $0xC00, v53;
	v4 =	vand.u32 $0x380, v4  }
0x14d: {  	v5 =	vshll.u32 v52, $0x3;
	v35 =	vadd.s32 v3, v24;
	v33 =	vmul.u32 $0xC00, v32  }
0x14e: {  	v36 =	vshrl.u32 v26, $0x3;
	v39 =	vand.u32 $0x7F, v27;
	v3 =	vshll.u32 v31, $0x3  }
0x14f: {  	v31 =	vshll.u32 v18, $0x7;
	v1 =	vor.u32 v1, v40;
	v5 =	vand.u32 $0xFFFFFC00, v5  }
0x150: {  	v3 =	vand.u32 $0xFFFFFC00, v3;
	v1 =	vor.u32 v19, v1;
	v7 =	vadd.s32 v55, v7  }
0x151: {  	v2 =	vadd.s32 v55, v33;
	v4 =	vor.u32 v4, v7;
	v37 =	vadd.s32 v6, v1  }
0x152: {  	v40 =	vld [tilespmem:$0x240];
	v7 =	vmul.u32 $0xC00, v28;
	v1 =	vand.u32 $0x380, v29;
	v2 =	vor.u32 v8, v2  }
0x153: {  	v21 =	vld [tilespmem:$0x250];
	v6 =	vshll.u32 v27, $0x3;
	v27 =	vshrl.u32 v18, $0x3;
	v8 =	vand.u32 $0x380, v31  }
0x154: {  	v25 =	vor.u32 v22, v4;
	v4 =	vshll.u32 v26, $0x7;
	v6 =	vand.u32 $0xFFFFFC00, v6  }
0x155: {  	v38 =	vld [tilespmem:$0x260];
	v19 =	vor.u32 v48, v2;
	v28 =	vmul.u32 $0xC00, v27;
	v53 =	vadd.s32 v5, v25  }
0x156: {  	v29 =	vld [tilespmem:$0x650];
	v30 =	vadd.s32 v55, v7;
	v7 =	vmul.u32 $0xC00, v36;
	v4 =	vand.u32 $0x380, v4  }
0x157: {  	v18 =	vld [tilespmem:$0xA60];
	v5 =	vshll.u32 v34, $0x3;
	v1 =	vor.u32 v1, v30;
	v23 =	vshrl.u32 v40, $0x3  }
0x158: {  	v22 =	vld [tilespmem:$0x640];
	v5 =	vand.u32 $0xFFFFFC00, v5;
	v24 =	vshll.u32 v40, $0x7;
	v30 =	vshrl.u32 v21, $0x3  }
0x159: {  	v26 =	vld [tilespmem:$0xE40];
	v2 =	vadd.s32 v55, v28;
	v1 =	vor.u32 v39, v1;
	v7 =	vadd.s32 v55, v7  }
0x15a: {  	v33 =	vld [tilespmem:$0xA50];
	v2 =	vor.u32 v8, v2;
	v4 =	vor.u32 v4, v7;
	v52 =	vadd.s32 v6, v1  }
0x15b: {  	v7 =	vmul.u32 $0xC00, v23;
	v1 =	vand.u32 $0x380, v24;
	v36 =	vand.u32 $0x7F, v29  }
0x15c: {  	v24 =	vshrl.u32 v38, $0x3;
	v31 =	vshrl.u32 v18, $0x3;
	v20 =	vor.u32 v50, v4  }
0x15d: {  	v50 =	vadd.s32 v3, v19;
	v32 =	vand.u32 $0x7F, v22;
	v4 =	vshll.u32 v21, $0x7  }
0x15e: {  	v6 =	vshll.u32 v22, $0x3;
	v34 =	vand.u32 $0x7F, v26;
	v3 =	vshll.u32 v26, $0x3  }
0x15f: {  	v21 =	vshll.u32 v33, $0x7;
	v51 =	vadd.s32 v5, v20;
	v25 =	vadd.s32 v55, v7  }
0x160: {  	v7 =	vmul.u32 $0xC00, v30;
	v4 =	vand.u32 $0x380, v4;
	v6 =	vand.u32 $0xFFFFFC00, v6  }
0x161: {  	v23 =	vld [tilespmem:$0x660];
	v40 =	vor.u32 v34, v2;
	v5 =	vshll.u32 v29, $0x3;
	v20 =	vshrl.u32 v33, $0x3  }
0x162: {  	v19 =	vld [tilespmem:$0xE50];
	v3 =	vand.u32 $0xFFFFFC00, v3;
	v1 =	vor.u32 v1, v25;
	v5 =	vand.u32 $0xFFFFFC00, v5  }
0x163: {  	v29 =	vadd.s32 v3, v40;
	v25 =	vmul.u32 $0xC00, v24;
	v7 =	vadd.s32 v55, v7  }
0x164: {  	v26 =	vld [tilespmem:$0xE60];
	v1 =	vor.u32 v32, v1;
	v32 =	vshll.u32 v38, $0x7;
	v4 =	vor.u32 v4, v7  }
0x165: {  	v48 =	vadd.s32 v6, v1;
	v7 =	vmul.u32 $0xC00, v20;
	v1 =	vand.u32 $0x380, v21  }
0x166: {  	v8 =	vand.u32 $0x380, v32;
	v2 =	vadd.s32 v55, v25;
	v38 =	vand.u32 $0x7F, v23  }
0x167: {  	v34 =	vld [tilespmem:$0x270];
	v3 =	vshll.u32 v23, $0x3;
	v11 =	vor.u32 v36, v4;
	v33 =	vand.u32 $0x7F, v19  }
0x168: {  	v4 =	vshll.u32 v18, $0x7;
	v2 =	vor.u32 v8, v2;
	v6 =	vshll.u32 v19, $0x3  }
0x169: {  	v39 =	vand.u32 $0x7F, v26;
	v3 =	vand.u32 $0xFFFFFC00, v3;
	v40 =	vadd.s32 v5, v11  }
0x16a: {  	v21 =	vld [tilespmem:$0x280];
	v22 =	vadd.s32 v55, v7;
	v7 =	vmul.u32 $0xC00, v31;
	v4 =	vand.u32 $0x380, v4  }
0x16b: {  	v18 =	vld [tilespmem:$0xA70];
	v6 =	vand.u32 $0xFFFFFC00, v6;
	v19 =	vor.u32 v38, v2;
	v5 =	vshll.u32 v26, $0x3  }
0x16c: {  	v25 =	vld [tilespmem:$0x680];
	v30 =	vshrl.u32 v34, $0x3;
	v31 =	vshll.u32 v34, $0x7;
	v1 =	vor.u32 v1, v22  }
0x16d: {  	v5 =	vand.u32 $0xFFFFFC00, v5;
	v1 =	vor.u32 v33, v1;
	v7 =	vadd.s32 v55, v7  }
0x16e: {  	v38 =	vadd.s32 v3, v19;
	v4 =	vor.u32 v4, v7;
	v28 =	vadd.s32 v6, v1  }
0x16f: {  	v22 =	vld [tilespmem:$0x670];
	v7 =	vmul.u32 $0xC00, v30;
	v1 =	vand.u32 $0x380, v31;
	v26 =	vshrl.u32 v21, $0x3  }
0x170: {  	v20 =	vor.u32 v39, v4;
	v23 =	vshrl.u32 v18, $0x3;
	v27 =	vshll.u32 v18, $0x7  }
0x171: {  	v33 =	vld [tilespmem:$0xE70];
	v4 =	vshll.u32 v21, $0x7;
	v18 =	vand.u32 $0x7F, v25;
	v39 =	vadd.s32 v5, v20  }
0x172: {  	v19 =	vld [tilespmem:$0x290];
	v32 =	vadd.s32 v55, v7;
	v24 =	vmul.u32 $0xC00, v23;
	v7 =	vmul.u32 $0xC00, v26  }
0x173: {  	v31 =	vld [tilespmem:$0xA80];
	v8 =	vand.u32 $0x380, v27;
	v4 =	vand.u32 $0x380, v4;
	v5 =	vshll.u32 v25, $0x3  }
0x174: {  	v1 =	vor.u32 v1, v32;
	v30 =	vand.u32 $0x7F, v22;
	v6 =	vshll.u32 v22, $0x3  }
0x175: {  	v10 =	vld [tilespmem:$0xAA0];
	v5 =	vand.u32 $0xFFFFFC00, v5;
	v1 =	vor.u32 v30, v1;
	v2 =	vadd.s32 v55, v24  }
0x176: {  	v7 =	vadd.s32 v55, v7;
	v6 =	vand.u32 $0xFFFFFC00, v6;
	v34 =	vand.u32 $0x7F, v33  }
0x177: {  	v23 =	vld [tilespmem:$0xE80];
	v3 =	vshll.u32 v33, $0x3;
	v30 =	vshrl.u32 v19, $0x3;
	v2 =	vor.u32 v8, v2  }
0x178: {  	v4 =	vor.u32 v4, v7;
	v36 =	vadd.s32 v6, v1;
	v25 =	vshrl.u32 v31, $0x3  }
0x179: {  	v22 =	vld [tilespmem:$0xA90];
	v3 =	vand.u32 $0xFFFFFC00, v3;
	v26 =	vshll.u32 v31, $0x7;
	v31 =	vmul.u32 $0xC00, v30  }
0x17a: {  	v30 =	vshrl.u32 v10, $0x3;
	v20 =	vor.u32 v34, v2;
	v21 =	vor.u32 v18, v4  }
0x17b: {  	v32 =	vld [tilespmem:$0xE90];
	v7 =	vmul.u32 $0xC00, v25;
	v1 =	vand.u32 $0x380, v26;
	v25 =	vshll.u32 v19, $0x7  }
0x17c: {  	v33 =	vadd.s32 v3, v20;
	v34 =	vadd.s32 v5, v21;
	v26 =	vand.u32 $0x7F, v23  }
0x17d: {  	v8 =	vand.u32 $0x380, v25;
	v2 =	vadd.s32 v55, v31;
	v6 =	vshll.u32 v23, $0x3  }
0x17e: {  	v3 =	vld [tilespmem:$0x690];
	v31 =	vmul.u32 $0xC00, v30;
	v27 =	vadd.s32 v55, v7;
	v24 =	vshrl.u32 v22, $0x3  }
0x17f: {  	v4 =	vshll.u32 v22, $0x7;
	v2 =	vor.u32 v8, v2;
	v6 =	vand.u32 $0xFFFFFC00, v6  }
0x180: {  	v19 =	vand.u32 $0x7F, v32;
	v1 =	vor.u32 v1, v27;
	v7 =	vmul.u32 $0xC00, v24;
	v27 =	vld [tilespmem:$0x2A0]  }
0x181: {  	v5 =	vshll.u32 v32, $0x3;
	v4 =	vand.u32 $0x380, v4;
	v1 =	vor.u32 v26, v1  }
0x182: {  	v5 =	vand.u32 $0xFFFFFC00, v5;
	v7 =	vadd.s32 v55, v7;
	v22 =	vadd.s32 v6, v1  }
0x183: {  	v6 =	vld [tilespmem:$0x6A0];
	v4 =	vor.u32 v4, v7;
	v18 =	vand.u32 $0x7F, v3;
	v3 =	vshll.u32 v3, $0x3  }
0x184: {  	v23 =	vor.u32 v18, v2;
	v24 =	vor.u32 v19, v4;
	v4 =	vld [tilespmem:$0x2B0];
	v3 =	vand.u32 $0xFFFFFC00, v3  }
0x185: {  	v19 =	vshll.u32 v10, $0x7;
	v2 =	vadd.s32 v55, v31;
	v10 =	vld [tilespmem:$0x2C0];
	v25 =	vshrl.u32 v27, $0x3  }
0x186: {  	v20 =	vadd.s32 v3, v23;
	v32 =	vadd.s32 v5, v24;
	v26 =	vshll.u32 v27, $0x7;
	v3 =	vld [tilespmem:$0xEA0]  }
0x187: {  	v24 =	vld [tilespmem:$0x6B0];
	v8 =	vand.u32 $0x380, v19;
	v7 =	vmul.u32 $0xC00, v25;
	v1 =	vand.u32 $0x380, v26  }
0x188: {  	v23 =	vld [tilespmem:$0xAB0];
	v2 =	vor.u32 v8, v2;
	v21 =	vand.u32 $0x7F, v6;
	v6 =	vshll.u32 v6, $0x3  }
0x189: {  	v27 =	vadd.s32 v55, v7;
	v6 =	vand.u32 $0xFFFFFC00, v6;
	v18 =	vshrl.u32 v4, $0x3  }
0x18a: {  	v1 =	vor.u32 v1, v27;
	v4 =	vshll.u32 v4, $0x7;
	v7 =	vmul.u32 $0xC00, v18  }
0x18b: {  	v1 =	vor.u32 v21, v1;
	v4 =	vand.u32 $0x380, v4;
	v25 =	vand.u32 $0x7F, v3  }
0x18c: {  	v26 =	vand.u32 $0x7F, v24;
	v3 =	vshll.u32 v3, $0x3;
	v5 =	vshll.u32 v24, $0x3  }
0x18d: {  	v9 =	vld [tilespmem:$0x2D0];
	v11 =	vshrl.u32 v23, $0x3;
	v18 =	vshll.u32 v23, $0x7;
	v21 =	vshrl.u32 v10, $0x3  }
0x18e: {  	v31 =	vadd.s32 v6, v1;
	v27 =	vor.u32 v25, v2;
	v3 =	vand.u32 $0xFFFFFC00, v3  }
0x18f: {  	v6 =	vld [tilespmem:$0xEB0];
	v5 =	vand.u32 $0xFFFFFC00, v5;
	v1 =	vand.u32 $0x380, v18;
	v7 =	vadd.s32 v55, v7  }
0x190: {  	v23 =	vmul.u32 $0xC00, v21;
	v27 =	vadd.s32 v3, v27;
	v3 =	vld [tilespmem:$0x6C0];
	v4 =	vor.u32 v4, v7  }
0x191: {  	v25 =	vshll.u32 v10, $0x7;
	v7 =	vmul.u32 $0xC00, v11;
	v30 =	vor.u32 v26, v4;
	v4 =	vld [tilespmem:$0xAC0]  }
0x192: {  	v8 =	vand.u32 $0x380, v25;
	v25 =	vshrl.u32 v9, $0x3;
	v2 =	vadd.s32 v55, v23  }
0x193: {  	v9 =	vshll.u32 v9, $0x7;
	v2 =	vor.u32 v8, v2;
	v19 =	vadd.s32 v55, v7  }
0x194: {  	v10 =	vld [tilespmem:$0xAD0];
	v1 =	vor.u32 v1, v19;
	v26 =	vand.u32 $0x7F, v6;
	v6 =	vshll.u32 v6, $0x3  }
0x195: {  	v30 =	vadd.s32 v5, v30;
	v5 =	vld [tilespmem:$0xEC0];
	v1 =	vor.u32 v26, v1;
	v6 =	vand.u32 $0xFFFFFC00, v6  }
0x196: {  	v18 =	vand.u32 $0x7F, v3;
	v3 =	vshll.u32 v3, $0x3;
	v24 =	vshrl.u32 v4, $0x3  }
0x197: {  	v26 =	vadd.s32 v6, v1;
	v21 =	vor.u32 v18, v2;
	v6 =	vld [tilespmem:$0x6D0];
	v7 =	vmul.u32 $0xC00, v24  }
0x198: {  	v3 =	vand.u32 $0xFFFFFC00, v3;
	v1 =	vand.u32 $0x380, v9;
	v4 =	vshll.u32 v4, $0x7  }
0x199: {  	v18 =	vshrl.u32 v10, $0x3;
	v4 =	vand.u32 $0x380, v4;
	v7 =	vadd.s32 v55, v7  }
0x19a: {  	v19 =	vand.u32 $0x7F, v5;
	v24 =	vadd.s32 v3, v21;
	v3 =	vld [tilespmem:$0xED0];
	v4 =	vor.u32 v4, v7  }
0x19b: {  	v5 =	vshll.u32 v5, $0x3;
	v7 =	vmul.u32 $0xC00, v25;
	v23 =	vor.u32 v19, v4;
	v4 =	vld [tilespmem:$0x2E0]  }
0x19c: {  	v5 =	vand.u32 $0xFFFFFC00, v5;
	v19 =	vmul.u32 $0xC00, v18;
	v18 =	vand.u32 $0x7F, v6  }
0x19d: {  	v6 =	vshll.u32 v6, $0x3;
	v25 =	vadd.s32 v5, v23;
	v11 =	vadd.s32 v55, v7  }
0x19e: {  	v5 =	vld [tilespmem:$0x6E0];
	v23 =	vshll.u32 v10, $0x7;
	v6 =	vand.u32 $0xFFFFFC00, v6;
	v1 =	vor.u32 v1, v11  }
0x19f: {  	v9 =	vld [tilespmem:$0xAE0];
	v8 =	vand.u32 $0x380, v23;
	v2 =	vadd.s32 v55, v19;
	v19 =	vand.u32 $0x7F, v3  }
0x1a0: {  	v3 =	vshll.u32 v3, $0x3;
	v1 =	vor.u32 v18, v1;
	v21 =	vshrl.u32 v4, $0x3  }
0x1a1: {  	v2 =	vor.u32 v8, v2;
	v3 =	vand.u32 $0xFFFFFC00, v3;
	v7 =	vmul.u32 $0xC00, v21  }
0x1a2: {  	v10 =	vld [tilespmem:$0x2F0];
	v23 =	vadd.s32 v6, v1;
	v19 =	vor.u32 v19, v2;
	v4 =	vshll.u32 v4, $0x7  }
0x1a3: {  	v6 =	vld [tilespmem:$0xEE0];
	v4 =	vand.u32 $0x380, v4;
	v18 =	vand.u32 $0x7F, v5;
	v7 =	vadd.s32 v55, v7  }
0x1a4: {  	v5 =	vshll.u32 v5, $0x3;
	v21 =	vshrl.u32 v9, $0x3;
	v4 =	vor.u32 v4, v7  }
0x1a5: {  	[tilespmem:$0x1420] =	vst v15;
	v15 =	vld [tilespmem:$0x1FD60];
	v5 =	vand.u32 $0xFFFFFC00, v5;
	v7 =	vmul.u32 $0xC00, v21;
	v11 =	vor.u32 v18, v4  }
0x1a6: {  	v19 =	vadd.s32 v3, v19;
	v4 =	vld [tilespmem:$0xAF0];
	v21 =	vadd.s32 v5, v11;
	v11 =	vshll.u32 v9, $0x7  }
0x1a7: {  	v18 =	vadd.s32 v55, v7;
	v9 =	vshrl.u32 v10, $0x3;
	v5 =	vld [tilespmem:$0xEF0];
	v1 =	vand.u32 $0x380, v11  }
0x1a8: {  	v3 =	vand.u32 $0x7F, v6;
	v11 =	vld [tilespmem:$0x6F0];
	v2 =	vmul.u32 $0xC00, v9;
	v1 =	vor.u32 v1, v18  }
0x1a9: {  	[tilespmem:$0x1000] =	vst v0;
	v0 =	vshll.u32 v10, $0x7;
	v6 =	vshll.u32 v6, $0x3;
	v9 =	vor.u32 v3, v1;
	v3 =	vld [tilespmem:$0x300]  }
0x1aa: {  	v8 =	vand.u32 $0x380, v0;
	v6 =	vand.u32 $0xFFFFFC00, v6;
	v2 =	vadd.s32 v55, v2;
	v1 =	vld [tilespmem:$0xB00]  }
0x1ab: {  	v18 =	vshrl.u32 v4, $0x3;
	v4 =	vshll.u32 v4, $0x7;
	v2 =	vor.u32 v8, v2;
	v8 =	vld [tilespmem:$0x1FD70]  }
0x1ac: {  	[tilespmem:$0x1400] =	vst v13;
	v7 =	vmul.u32 $0xC00, v18;
	v4 =	vand.u32 $0x380, v4;
	v18 =	vadd.s32 v6, v9;
	v6 =	vld [tilespmem:$0x310]  }
0x1ad: {  	[tilespmem:$0x1010] =	vst v12;
	v13 =	vand.u32 $0x7F, v5;
	v5 =	vshll.u32 v5, $0x3;
	v9 =	vld [tilespmem:$0x1FD80];
	v12 =	vand.u32 $0x7F, v11  }
0x1ae: {  	[tilespmem:$0x1020] =	vst v16;
	v16 =	vshll.u32 v11, $0x3;
	v11 =	vld [tilespmem:$0x700];
	v5 =	vand.u32 $0xFFFFFC00, v5;
	v7 =	vadd.s32 v55, v7  }
0x1af: {  	[tilespmem:$0x1410] =	vst v14;
	v14 =	vor.u32 v12, v2;
	v12 =	vld [tilespmem:$0x1FD90];
	v4 =	vor.u32 v4, v7;
	v7 =	vand.u32 $0xFFFFFC00, v16  }
0x1b0: {  	[tilespmem:$0x1030] =	vst v17;
	v17 =	vshrl.u32 v3, $0x3;
	v4 =	vor.u32 v13, v4;
	v16 =	vadd.s32 v7, v14;
	v14 =	vld [tilespmem:$0x1FDA0]  }
0x1b1: {  	[tilespmem:$0x1040] =	vst v49;
	v49 =	vmul.u32 $0xC00, v17;
	v17 =	vadd.s32 v5, v4;
	v4 =	vld [tilespmem:$0xF00]  }
0x1b2: {  	v5 =	vld [tilespmem:$0x710];
	v13 =	vshrl.u32 v6, $0x3  }
0x1b3: {  	v3 =	vshll.u32 v3, $0x7;
	v7 =	vmul.u32 $0xC00, v13;
	v13 =	vld [tilespmem:$0x1FDD0]  }
0x1b4: {  	v10 =	vshrl.u32 v1, $0x3;
	v3 =	vand.u32 $0x380, v3;
	v2 =	vadd.s32 v55, v49;
	v49 =	vld [tilespmem:$0x1FDB0]  }
0x1b5: {  	[tilespmem:$0x1430] =	vst v15;
	v2 =	vor.u32 v3, v2;
	v3 =	vmul.u32 $0xC00, v10;
	v10 =	vshll.u32 v6, $0x7;
	v6 =	vld [tilespmem:$0xB10]  }
0x1b6: {  	v15 =	vand.u32 $0x7F, v11;
	[tilespmem:$0x1450] =	vst v12;
	v12 =	vld [tilespmem:$0x1FDC0]  }
0x1b7: {  	v1 =	vshll.u32 v1, $0x7;
	[tilespmem:$0x1440] =	vst v8;
	v8 =	vor.u32 v15, v2;
	v15 =	vld [tilespmem:$0x1FDE0]  }
0x1b8: {  	v1 =	vand.u32 $0x380, v1;
	[tilespmem:$0x1470] =	vst v13;
	v13 =	vld [tilespmem:$0x1FDF0]  }
0x1b9: {  	v2 =	vand.u32 $0x380, v10;
	v7 =	vadd.s32 v55, v7;
	v10 =	vld [tilespmem:$0x1FE30];
	[tilespmem:$0x1060] =	vst v14;
	v3 =	vadd.s32 v55, v3  }
0x1ba: {  	v2 =	vor.u32 v2, v7;
	v14 =	vshll.u32 v11, $0x3;
	v7 =	vld [tilespmem:$0x320];
	v1 =	vor.u32 v1, v3;
	[tilespmem:$0x1460] =	vst v49  }
0x1bb: {  	v3 =	vand.u32 $0xFFFFFC00, v14;
	v11 =	vand.u32 $0x7F, v4;
	v14 =	vld [tilespmem:$0x1FE00];
	v49 =	vand.u32 $0x7F, v5;
	[tilespmem:$0x1070] =	vst v12  }
0x1bc: {  	v1 =	vor.u32 v11, v1;
	v0 =	vor.u32 v49, v2;
	v2 =	vld [tilespmem:$0xF10];
	[tilespmem:$0x1080] =	vst v15  }
0x1bd: {  	v49 =	vshll.u32 v4, $0x3;
	v15 =	vadd.s32 v3, v8;
	v8 =	vld [tilespmem:$0x1FE20];
	[tilespmem:$0x1480] =	vst v13;
	v13 =	vshrl.u32 v6, $0x3  }
0x1be: {  	v12 =	vshll.u32 v5, $0x3;
	v3 =	vand.u32 $0xFFFFFC00, v49;
	[tilespmem:$0x14A0] =	vst v10;
	v10 =	vld [tilespmem:$0x1FE40];
	v49 =	vmul.u32 $0xC00, v13  }
0x1bf: {  	[tilespmem:$0x1050] =	vst v9;
	v9 =	vshll.u32 v6, $0x7;
	v5 =	vld [tilespmem:$0xB20];
	v4 =	vand.u32 $0xFFFFFC00, v12;
	v13 =	vadd.s32 v3, v1  }
0x1c0: {  	v6 =	vld [tilespmem:$0x720];
	v1 =	vand.u32 $0x380, v9;
	v12 =	vadd.s32 v55, v49;
	v49 =	vshrl.u32 v7, $0x3  }
0x1c1: {  	v9 =	vld [tilespmem:$0x1FE60];
	v1 =	vor.u32 v1, v12;
	v12 =	vmul.u32 $0xC00, v49  }
0x1c2: {  	[tilespmem:$0x10A0] =	vst v8;
	v8 =	vld [tilespmem:$0x1FE50]  }
0x1c3: {  	[tilespmem:$0x10B0] =	vst v10;
	v10 =	vadd.s32 v55, v12;
	v12 =	vld [tilespmem:$0x1FE70];
	_ =	sdelay $0x1  }
0x1c4: {  	[tilespmem:$0x1090] =	vst v14;
	v14 =	vld [tilespmem:$0x1FE10]  }
0x1c5: {  	v11 =	vld [tilespmem:$0xF20];
	v7 =	vshll.u32 v7, $0x7;
	v49 =	vand.u32 $0x7F, v2;
	v2 =	vshll.u32 v2, $0x3;
	[tilespmem:$0x10C0] =	vst v9  }
0x1c6: {  	v1 =	vor.u32 v49, v1;
	v2 =	vand.u32 $0xFFFFFC00, v2;
	v49 =	vshrl.u32 v5, $0x3;
	[tilespmem:$0x14B0] =	vst v8;
	v8 =	vld [tilespmem:$0x1FE80]  }
0x1c7: {  	v9 =	vshll.u32 v6, $0x3;
	[tilespmem:$0x14C0] =	vst v12;
	v12 =	vadd.s32 v2, v1;
	v1 =	vmul.u32 $0xC00, v49;
	v49 =	vld [tilespmem:$0x1FEA0]  }
0x1c8: {  	v7 =	vand.u32 $0x380, v7;
	v2 =	vand.u32 $0xFFFFFC00, v9;
	v9 =	vld [tilespmem:$0x1FEB0]  }
0x1c9: {  	[tilespmem:$0x1490] =	vst v14;
	v14 =	vadd.s32 v4, v0;
	v0 =	vor.u32 v7, v10;
	v10 =	vld [tilespmem:$0x1FE90]  }
0x1ca: {  	v5 =	vshll.u32 v5, $0x7  }
0x1cb: {  	[tilespmem:$0x10D0] =	vst v8;
	v8 =	vand.u32 $0x380, v5;
	v1 =	vadd.s32 v55, v1  }
0x1cc: {  	v3 =	vld [tilespmem:$0x330];
	v6 =	vand.u32 $0x7F, v6;
	v1 =	vor.u32 v8, v1;
	[tilespmem:$0x10E0] =	vst v49;
	v49 =	vand.u32 $0x7F, v11  }
0x1cd: {  	v0 =	vor.u32 v6, v0;
	[tilespmem:$0x14E0] =	vst v9;
	v9 =	vld [tilespmem:$0x1FEC0];
	v4 =	vor.u32 v49, v1;
	v49 =	vshll.u32 v11, $0x3  }
0x1ce: {  	[tilespmem:$0x14D0] =	vst v10;
	v10 =	vadd.s32 v2, v0;
	v2 =	vand.u32 $0xFFFFFC00, v49;
	v49 =	vld [tilespmem:$0x1FEE0];
	_ =	sdelay $0x1  }
0x1cf: {  	v7 =	vld [tilespmem:$0xB30]  }
0x1d0: {  	v8 =	vld [tilespmem:$0x1FF00]  }
0x1d1: {  	[tilespmem:$0x10F0] =	vst v9;
	v9 =	vld [tilespmem:$0x1FED0]  }
0x1d2: {  	v6 =	vshrl.u32 v3, $0x3;
	[tilespmem:$0x1100] =	vst v49;
	v49 =	vld [tilespmem:$0x1FEF0]  }
0x1d3: {  	v6 =	vmul.u32 $0xC00, v6;
	v5 =	vld [tilespmem:$0x730]  }
0x1d4: {  	v3 =	vshll.u32 v3, $0x7;
	v0 =	vshrl.u32 v7, $0x3  }
0x1d5: {  	v3 =	vand.u32 $0x380, v3;
	v6 =	vadd.s32 v55, v6;
	v0 =	vmul.u32 $0xC00, v0;
	[tilespmem:$0x1110] =	vst v8;
	v8 =	vld [tilespmem:$0x1FF30]  }
0x1d6: {  	v3 =	vor.u32 v3, v6;
	[tilespmem:$0x14F0] =	vst v9  }
0x1d7: {  	v0 =	vadd.s32 v55, v0;
	v9 =	vadd.s32 v2, v4;
	[tilespmem:$0x1500] =	vst v49;
	v49 =	vshll.u32 v7, $0x7  }
0x1d8: {  	v7 =	vand.u32 $0x7F, v5;
	v5 =	vshll.u32 v5, $0x3;
	v4 =	vand.u32 $0x380, v49  }
0x1d9: {  	v3 =	vor.u32 v7, v3;
	v4 =	vor.u32 v4, v0;
	v0 =	vand.u32 $0xFFFFFC00, v5  }
0x1da: {  	[tilespmem:$0x1520] =	vst v8;
	v8 =	vadd.s32 v0, v3;
	v0 =	vld [tilespmem:$0x1FF50]  }
0x1db: {  	v11 =	vld [tilespmem:$0xF30]  }
0x1dc: {  	v1 =	vld [tilespmem:$0x340]  }
0x1dd: {  	v49 =	vld [tilespmem:$0x1FF10]  }
0x1de: {  	v7 =	vld [tilespmem:$0x1FF20]  }
0x1df: {  	[tilespmem:$0x1530] =	vst v0;
	v0 =	vld [tilespmem:$0x1FF60]  }
0x1e0: {  	v6 =	vld [tilespmem:$0xB40];
	v5 =	vand.u32 $0x7F, v11  }
0x1e1: {  	v3 =	vor.u32 v5, v4;
	v5 =	vld [tilespmem:$0x1FF40]  }
0x1e2: {  	[tilespmem:$0x1510] =	vst v49  }
0x1e3: {  	[tilespmem:$0x1120] =	vst v7;
	v7 =	vld [tilespmem:$0x740];
	v49 =	vshrl.u32 v1, $0x3  }
0x1e4: {  	v1 =	vshll.u32 v1, $0x7;
	v4 =	vmul.u32 $0xC00, v49;
	[tilespmem:$0x1140] =	vst v0;
	v0 =	vld [tilespmem:$0x1FF70]  }
0x1e5: {  	[tilespmem:$0x1550] =	vst v43;
	v43 =	vld [tilespmem:$0x1FF80];
	v49 =	vshrl.u32 v6, $0x3;
	v1 =	vand.u32 $0x380, v1  }
0x1e6: {  	[tilespmem:$0x1130] =	vst v5;
	v5 =	vshll.u32 v11, $0x3;
	v11 =	vld [tilespmem:$0xF40];
	v49 =	vmul.u32 $0xC00, v49;
	v4 =	vadd.s32 v55, v4  }
0x1e7: {  	v1 =	vor.u32 v1, v4;
	v4 =	vand.u32 $0xFFFFFC00, v5;
	v5 =	vshll.u32 v6, $0x7;
	v6 =	vld [tilespmem:$0x350]  }
0x1e8: {  	[tilespmem:$0x1150] =	vst v41;
	v2 =	vld [tilespmem:$0xB50];
	v49 =	vadd.s32 v55, v49  }
0x1e9: {  	v41 =	vadd.s32 v4, v3;
	v4 =	vshll.u32 v7, $0x3;
	[tilespmem:$0x1540] =	vst v0;
	v0 =	vand.u32 $0x7F, v7  }
0x1ea: {  	v5 =	vand.u32 $0x380, v5;
	v4 =	vand.u32 $0xFFFFFC00, v4;
	v0 =	vor.u32 v0, v1  }
0x1eb: {  	v1 =	vor.u32 v5, v49;
	v5 =	vshll.u32 v11, $0x3;
	v49 =	vand.u32 $0x7F, v11;
	v11 =	vld [tilespmem:$0x1FF90]  }
0x1ec: {  	[tilespmem:$0x1560] =	vst v42;
	v1 =	vor.u32 v49, v1;
	v5 =	vand.u32 $0xFFFFFC00, v5;
	v49 =	vshrl.u32 v6, $0x3  }
0x1ed: {  	[tilespmem:$0x1160] =	vst v43;
	v43 =	vadd.s32 v4, v0;
	v0 =	vmul.u32 $0xC00, v49;
	v49 =	vshrl.u32 v2, $0x3  }
0x1ee: {  	[tilespmem:$0x1590] =	vst v45;
	v42 =	vadd.s32 v5, v1;
	v5 =	vmul.u32 $0xC00, v49;
	v49 =	vld [tilespmem:$0x1FFB0]  }
0x1ef: {  	[tilespmem:$0x15A0] =	vst v44;
	v1 =	vld [tilespmem:$0xF50]  }
0x1f0: {  	[tilespmem:$0x1170] =	vst v11;
	v11 =	vld [tilespmem:$0x1FFA0]  }
0x1f1: {  	[tilespmem:$0x15B0] =	vst v46;
	v3 =	vld [tilespmem:$0x750]  }
0x1f2: {  	[tilespmem:$0x11C0] =	vst v47;
	v4 =	vshll.u32 v6, $0x7;
	v6 =	vld [tilespmem:$0x360]  }
0x1f3: {  	v4 =	vand.u32 $0x380, v4;
	v2 =	vshll.u32 v2, $0x7;
	v0 =	vadd.s32 v55, v0;
	[tilespmem:$0x1180] =	vst v49;
	v49 =	vld [tilespmem:$0x1FFC0]  }
0x1f4: {  	[tilespmem:$0x12F0] =	vst v16;
	v16 =	vld [tilespmem:$0x7D0];
	v2 =	vand.u32 $0x380, v2;
	v0 =	vor.u32 v4, v0;
	v4 =	vadd.s32 v55, v5  }
0x1f5: {  	v5 =	vld [tilespmem:$0xB60];
	v2 =	vor.u32 v2, v4;
	[tilespmem:$0x1570] =	vst v11;
	v11 =	vand.u32 $0x7F, v1  }
0x1f6: {  	[tilespmem:$0x15C0] =	vst v58;
	v7 =	vshll.u32 v3, $0x3;
	v2 =	vor.u32 v11, v2;
	v11 =	vld [tilespmem:$0x1FFF0]  }
0x1f7: {  	[tilespmem:$0x11D0] =	vst v60;
	v3 =	vand.u32 $0x7F, v3;
	v7 =	vand.u32 $0xFFFFFC00, v7;
	v4 =	vld [tilespmem:$0x760];
	v45 =	vshrl.u32 v6, $0x3  }
0x1f8: {  	v0 =	vor.u32 v3, v0;
	v3 =	vmul.u32 $0xC00, v45;
	v1 =	vshll.u32 v1, $0x3;
	[tilespmem:$0x1580] =	vst v49;
	v49 =	vld [tilespmem:$0x1FFD0]  }
0x1f9: {  	[tilespmem:$0x1200] =	vst v54;
	v45 =	vadd.s32 v7, v0;
	v7 =	vshll.u32 v6, $0x7;
	v6 =	vld [tilespmem:$0x380];
	v1 =	vand.u32 $0xFFFFFC00, v1  }
0x1fa: {  	[tilespmem:$0x1220] =	vst v53;
	v44 =	vadd.s32 v1, v2;
	v1 =	vld [tilespmem:$0xF60]  }
0x1fb: {  	[tilespmem:$0x11B0] =	vst v11;
	v11 =	vld [tilespmem:$0x370]  }
0x1fc: {  	[tilespmem:$0x16C0] =	vst v25;
	v25 =	vshll.u32 v16, $0x3;
	v0 =	vand.u32 $0x380, v7;
	v2 =	vadd.s32 v55, v3;
	v3 =	vld [tilespmem:$0x770]  }
0x1fd: {  	v46 =	vand.u32 $0x7F, v4;
	v4 =	vshll.u32 v4, $0x3;
	v0 =	vor.u32 v0, v2;
	[tilespmem:$0x1190] =	vst v49;
	v49 =	vld [tilespmem:$0x1FFE0]  }
0x1fe: {  	[tilespmem:$0x1700] =	vst v13;
	v13 =	vand.u32 $0x7F, v16;
	v4 =	vand.u32 $0xFFFFFC00, v4;
	v0 =	vor.u32 v46, v0  }
0x1ff: {  	v53 =	vld [tilespmem:$0x7A0];
	[tilespmem:$0x1330] =	vst v8;
	v8 =	vand.u32 $0xFFFFFC00, v25;
	v54 =	vshll.u32 v6, $0x7;
	v47 =	vadd.s32 v4, v0  }
0x200: {  	[tilespmem:$0x15E0] =	vst v63;
	v7 =	vld [tilespmem:$0xB70];
	v58 =	vshll.u32 v1, $0x3;
	v1 =	vand.u32 $0x7F, v1;
	v60 =	vshrl.u32 v11, $0x3  }
0x201: {  	[tilespmem:$0x11E0] =	vst v61;
	v63 =	vshll.u32 v3, $0x3;
	v11 =	vshll.u32 v11, $0x7;
	v61 =	vmul.u32 $0xC00, v60  }
0x202: {  	v3 =	vand.u32 $0x7F, v3;
	v4 =	vand.u32 $0x380, v11;
	[tilespmem:$0x11A0] =	vst v49;
	v49 =	vshrl.u32 v5, $0x3  }
0x203: {  	[tilespmem:$0x15F0] =	vst v57;
	v57 =	vld [tilespmem:$0x390];
	v5 =	vshll.u32 v5, $0x7;
	v49 =	vmul.u32 $0xC00, v49;
	v0 =	vadd.s32 v55, v61  }
0x204: {  	[tilespmem:$0x15D0] =	vst v59;
	v11 =	vshrl.u32 v6, $0x3;
	v5 =	vand.u32 $0x380, v5;
	v61 =	vld [tilespmem:$0x780];
	v0 =	vor.u32 v4, v0  }
0x205: {  	[tilespmem:$0x1230] =	vst v50;
	v50 =	vld [tilespmem:$0x3A0];
	v4 =	vand.u32 $0x7F, v53;
	v2 =	vadd.s32 v55, v49;
	v49 =	vshrl.u32 v7, $0x3  }
0x206: {  	[tilespmem:$0x12B0] =	vst v30;
	v30 =	vld [tilespmem:$0x3E0];
	v2 =	vor.u32 v5, v2;
	v5 =	vand.u32 $0xFFFFFC00, v58;
	v58 =	vshll.u32 v7, $0x7  }
0x207: {  	[tilespmem:$0x12A0] =	vst v31;
	v31 =	vld [tilespmem:$0xBB0];
	v0 =	vor.u32 v3, v0;
	v1 =	vor.u32 v1, v2;
	v59 =	vand.u32 $0x380, v58  }
0x208: {  	v7 =	vld [tilespmem:$0xB80];
	v2 =	vand.u32 $0xFFFFFC00, v63;
	v46 =	vadd.s32 v5, v1;
	v5 =	vmul.u32 $0xC00, v49  }
0x209: {  	[tilespmem:$0x1210] =	vst v37;
	v1 =	vld [tilespmem:$0xF70];
	v37 =	vadd.s32 v2, v0;
	v0 =	vmul.u32 $0xC00, v11;
	v58 =	vshll.u32 v61, $0x3  }
0x20a: {  	v49 =	vld [tilespmem:$0xF80];
	v2 =	vand.u32 $0x380, v54;
	v11 =	vshll.u32 v57, $0x7;
	v6 =	vand.u32 $0xFFFFFC00, v58  }
0x20b: {  	v58 =	vshrl.u32 v50, $0x3;
	[tilespmem:$0x1370] =	vst v37;
	v37 =	vshrl.u32 v30, $0x3;
	v60 =	vadd.s32 v55, v5  }
0x20c: {  	[tilespmem:$0x1600] =	vst v56;
	v5 =	vand.u32 $0x7F, v61;
	v0 =	vadd.s32 v55, v0;
	v3 =	vor.u32 v59, v60  }
0x20d: {  	[tilespmem:$0x1250] =	vst v40;
	v40 =	vld [tilespmem:$0xF90];
	v56 =	vshrl.u32 v7, $0x3;
	v7 =	vshll.u32 v7, $0x7;
	v0 =	vor.u32 v2, v0  }
0x20e: {  	[tilespmem:$0x11F0] =	vst v62;
	v59 =	vand.u32 $0x380, v7;
	v0 =	vor.u32 v5, v0;
	v7 =	vshll.u32 v31, $0x7  }
0x20f: {  	[tilespmem:$0x1610] =	vst v35;
	v60 =	vld [tilespmem:$0xB90];
	v62 =	vshll.u32 v1, $0x3;
	v1 =	vand.u32 $0x7F, v1;
	v61 =	vand.u32 $0x7F, v49  }
0x210: {  	[tilespmem:$0x1640] =	vst v29;
	v29 =	vadd.s32 v6, v0;
	v1 =	vor.u32 v1, v3;
	v63 =	vand.u32 $0xFFFFFC00, v62  }
0x211: {  	[tilespmem:$0x1660] =	vst v39;
	v39 =	vld [tilespmem:$0xFB0];
	v0 =	vand.u32 $0x380, v11;
	v3 =	vmul.u32 $0xC00, v56;
	v35 =	vadd.s32 v63, v1  }
0x212: {  	[tilespmem:$0x1620] =	vst v52;
	v11 =	vld [tilespmem:$0x3B0];
	v1 =	vshll.u32 v49, $0x3;
	v63 =	vshrl.u32 v57, $0x3;
	v57 =	vshll.u32 v40, $0x3  }
0x213: {  	[tilespmem:$0x1240] =	vst v48;
	v62 =	vld [tilespmem:$0x790];
	v3 =	vadd.s32 v55, v3;
	v1 =	vand.u32 $0xFFFFFC00, v1;
	v5 =	vmul.u32 $0xC00, v63  }
0x214: {  	[tilespmem:$0x1670] =	vst v33;
	v33 =	vld [tilespmem:$0x7B0];
	v49 =	vshrl.u32 v60, $0x3;
	v54 =	vshll.u32 v60, $0x7;
	v2 =	vor.u32 v59, v3  }
0x215: {  	[tilespmem:$0x1260] =	vst v38;
	v56 =	vld [tilespmem:$0xBA0];
	v52 =	vmul.u32 $0xC00, v49;
	v6 =	vand.u32 $0x380, v54;
	v59 =	vmul.u32 $0xC00, v58  }
0x216: {  	[tilespmem:$0x16F0] =	vst v17;
	v17 =	vld [tilespmem:$0xBD0];
	v2 =	vor.u32 v61, v2;
	v48 =	vadd.s32 v55, v5;
	v61 =	vshll.u32 v53, $0x3  }
0x217: {  	[tilespmem:$0x1650] =	vst v28;
	v38 =	vshrl.u32 v11, $0x3;
	v53 =	vand.u32 $0x7F, v39;
	v28 =	vadd.s32 v1, v2  }
0x218: {  	[tilespmem:$0x1630] =	vst v51;
	v51 =	vand.u32 $0x7F, v62;
	v0 =	vor.u32 v0, v48;
	v3 =	vshll.u32 v62, $0x3  }
0x219: {  	v2 =	vadd.s32 v55, v52;
	v1 =	vand.u32 $0x7F, v40;
	v62 =	vshll.u32 v50, $0x7  }
0x21a: {  	[tilespmem:$0x16A0] =	vst v27;
	v60 =	vld [tilespmem:$0xFA0];
	v63 =	vshrl.u32 v56, $0x3;
	v27 =	vshll.u32 v56, $0x7;
	v40 =	vshll.u32 v11, $0x7  }
0x21b: {  	v48 =	vshrl.u32 v31, $0x3;
	v50 =	vshll.u32 v33, $0x3;
	v31 =	vshll.u32 v17, $0x7  }
0x21c: {  	[tilespmem:$0x12C0] =	vst v24;
	v24 =	vld [tilespmem:$0xFD0];
	v0 =	vor.u32 v51, v0;
	v3 =	vand.u32 $0xFFFFFC00, v3;
	v2 =	vor.u32 v6, v2  }
0x21d: {  	[tilespmem:$0x1280] =	vst v34;
	v49 =	vld [tilespmem:$0x3C0];
	v6 =	vand.u32 $0xFFFFFC00, v57;
	v5 =	vmul.u32 $0xC00, v63;
	v51 =	vand.u32 $0x380, v7  }
0x21e: {  	[tilespmem:$0x1680] =	vst v22;
	v54 =	vld [tilespmem:$0x7C0];
	v57 =	vand.u32 $0xFFFFFC00, v50;
	v1 =	vor.u32 v1, v2;
	v22 =	vadd.s32 v3, v0  }
0x21f: {  	[tilespmem:$0x1730] =	vst v41;
	v41 =	vld [tilespmem:$0x3F0];
	v3 =	vand.u32 $0x380, v62;
	v0 =	vadd.s32 v55, v59;
	v34 =	vshll.u32 v60, $0x3  }
0x220: {  	[tilespmem:$0x1290] =	vst v20;
	v2 =	vand.u32 $0xFFFFFC00, v61;
	v20 =	vadd.s32 v6, v1;
	v0 =	vor.u32 v3, v0  }
0x221: {  	[tilespmem:$0x1690] =	vst v32;
	v3 =	vand.u32 $0x380, v27;
	v32 =	vadd.s32 v55, v5;
	v1 =	vand.u32 $0x7F, v60  }
0x222: {  	[tilespmem:$0x1270] =	vst v36;
	v36 =	vand.u32 $0xFFFFFC00, v34;
	v6 =	vmul.u32 $0xC00, v48;
	v5 =	vand.u32 $0x7F, v33  }
0x223: {  	v52 =	vld [tilespmem:$0xBC0];
	v56 =	vshrl.u32 v49, $0x3;
	v58 =	vshll.u32 v49, $0x7;
	v62 =	vand.u32 $0x7F, v54  }
0x224: {  	v27 =	vshrl.u32 v17, $0x3;
	v34 =	vshll.u32 v24, $0x3;
	v49 =	vshrl.u32 v41, $0x3  }
0x225: {  	[tilespmem:$0x1750] =	vst v44;
	v44 =	vld [tilespmem:$0xBF0];
	v0 =	vor.u32 v4, v0;
	v3 =	vor.u32 v3, v32;
	v4 =	vand.u32 $0x380, v40  }
0x226: {  	[tilespmem:$0x16B0] =	vst v26;
	v59 =	vld [tilespmem:$0xFC0];
	v11 =	vmul.u32 $0xC00, v27;
	v1 =	vor.u32 v1, v3;
	v0 =	vadd.s32 v2, v0  }
0x227: {  	[tilespmem:$0x12D0] =	vst v23;
	v61 =	vld [tilespmem:$0x3D0];
	v2 =	vmul.u32 $0xC00, v38;
	v6 =	vadd.s32 v55, v6;
	v3 =	vshll.u32 v39, $0x3  }
0x228: {  	[tilespmem:$0x16D0] =	vst v19;
	v60 =	vshrl.u32 v52, $0x3;
	v7 =	vshll.u32 v52, $0x7;
	v39 =	vshll.u32 v30, $0x7  }
0x229: {  	[tilespmem:$0x12E0] =	vst v21;
	v33 =	vld [tilespmem:$0x7E0];
	v1 =	vadd.s32 v36, v1;
	v3 =	vand.u32 $0xFFFFFC00, v3;
	v63 =	vmul.u32 $0xC00, v60  }
0x22a: {  	[tilespmem:$0x16E0] =	vst v18;
	v7 =	vand.u32 $0x380, v7;
	v11 =	vadd.s32 v55, v11;
	v36 =	vand.u32 $0xFFFFFC00, v34  }
0x22b: {  	[tilespmem:$0x1300] =	vst v15;
	v2 =	vadd.s32 v55, v2;
	v18 =	vshll.u32 v59, $0x3;
	v19 =	vand.u32 $0x7F, v59  }
0x22c: {  	[tilespmem:$0x1720] =	vst v9;
	v32 =	vld [tilespmem:$0xBE0];
	v21 =	vshrl.u32 v61, $0x3;
	v26 =	vshll.u32 v61, $0x7;
	v59 =	vshll.u32 v44, $0x7  }
0x22d: {  	[tilespmem:$0x1360] =	vst v47;
	v47 =	vld [tilespmem:$0x7F0];
	v2 =	vor.u32 v4, v2;
	v4 =	vor.u32 v51, v6;
	v6 =	vshll.u32 v54, $0x3  }
0x22e: {  	[tilespmem:$0x1740] =	vst v42;
	v23 =	vmul.u32 $0xC00, v21;
	v9 =	vand.u32 $0x380, v26;
	v42 =	vshll.u32 v33, $0x3  }
0x22f: {  	[tilespmem:$0x1310] =	vst v14;
	v38 =	vld [tilespmem:$0xFE0];
	v51 =	vshll.u32 v41, $0x7;
	v54 =	vshrl.u32 v44, $0x3;
	v2 =	vor.u32 v5, v2  }
0x230: {  	[tilespmem:$0x1710] =	vst v12;
	v52 =	vld [tilespmem:$0xFF0];
	v4 =	vor.u32 v53, v4;
	v5 =	vmul.u32 $0xC00, v56;
	v6 =	vand.u32 $0xFFFFFC00, v6  }
0x231: {  	[tilespmem:$0x1320] =	vst v10;
	v40 =	vshrl.u32 v32, $0x3;
	v10 =	vshll.u32 v32, $0x7;
	v50 =	vand.u32 $0xFFFFFC00, v42  }
0x232: {  	[tilespmem:$0x1340] =	vst v43;
	v56 =	vand.u32 $0x7F, v47;
	v2 =	vadd.s32 v57, v2;
	v3 =	vadd.s32 v3, v4  }
0x233: {  	[tilespmem:$0x1760] =	vst v46;
	v4 =	vand.u32 $0x380, v58;
	v12 =	vmul.u32 $0xC00, v40;
	v10 =	vand.u32 $0x380, v10  }
0x234: {  	[tilespmem:$0x17A0] =	vst v1;
	v46 =	vand.u32 $0x7F, v38;
	v48 =	vshll.u32 v38, $0x3;
	v57 =	vmul.u32 $0xC00, v54  }
0x235: {  	v58 =	vshll.u32 v47, $0x3;
	v61 =	vshll.u32 v52, $0x3;
	v5 =	vadd.s32 v55, v5;
	[tilespmem:$0x13B0] =	vst v2  }
0x236: {  	v1 =	vand.u32 $0xFFFFFC00, v48;
	[tilespmem:$0x17B0] =	vst v3;
	v2 =	vand.u32 $0x380, v51;
	v3 =	vand.u32 $0x7F, v52  }
0x237: {  	[tilespmem:$0x1350] =	vst v45;
	v4 =	vor.u32 v4, v5;
	v5 =	vadd.s32 v55, v63;
	v43 =	vadd.s32 v55, v12  }
0x238: {  	[tilespmem:$0x1380] =	vst v29;
	v4 =	vor.u32 v62, v4;
	v5 =	vor.u32 v7, v5;
	v7 =	vand.u32 $0xFFFFFC00, v18  }
0x239: {  	[tilespmem:$0x1770] =	vst v35;
	v5 =	vor.u32 v19, v5;
	v4 =	vadd.s32 v6, v4;
	v6 =	vadd.s32 v55, v23  }
0x23a: {  	[tilespmem:$0x1780] =	vst v28;
	v10 =	vor.u32 v10, v43;
	v5 =	vadd.s32 v7, v5;
	v6 =	vor.u32 v9, v6  }
0x23b: {  	[tilespmem:$0x1390] =	vst v22;
	v9 =	vand.u32 $0x380, v31;
	v7 =	vand.u32 $0x7F, v24;
	v6 =	vor.u32 v13, v6  }
0x23c: {  	[tilespmem:$0x13C0] =	vst v4;
	v4 =	vand.u32 $0xFFFFFC00, v58;
	v6 =	vadd.s32 v8, v6;
	v8 =	vmul.u32 $0xC00, v37  }
0x23d: {  	[tilespmem:$0x1790] =	vst v20;
	v9 =	vor.u32 v9, v11;
	v11 =	vand.u32 $0x380, v39;
	v13 =	vand.u32 $0x7F, v33  }
0x23e: {  	[tilespmem:$0x13A0] =	vst v0;
	v7 =	vor.u32 v7, v9;
	v9 =	vmul.u32 $0xC00, v49;
	v8 =	vadd.s32 v55, v8  }
0x23f: {  	[tilespmem:$0x17C0] =	vst v5;
	v5 =	vadd.s32 v55, v57;
	v7 =	vadd.s32 v36, v7;
	v8 =	vor.u32 v11, v8  }
0x240: {  	[tilespmem:$0x13D0] =	vst v6;
	v6 =	vand.u32 $0x380, v59;
	v53 =	vadd.s32 v55, v9;
	v45 =	vor.u32 v13, v8  }
0x241: {  	[tilespmem:$0x17D0] =	vst v7;
	v2 =	vor.u32 v2, v53;
	v8 =	vor.u32 v46, v10;
	v0 =	vadd.s32 v50, v45  }
0x242: {  	s11 =	rddreg [dreg:$0xc];
	v60 =	vor.u32 v6, v5;
	v2 =	vor.u32 v56, v2;
	v1 =	vadd.s32 v1, v8;
	[tilespmem:$0x13E0] =	vst v0  }
0x243: {  	s3 =	rddreg [dreg:$0xd];
	v63 =	vand.u32 $0xFFFFFC00, v61;
	v62 =	vadd.s32 v4, v2;
	[tilespmem:$0x17E0] =	vst v1;
	v0 =	vor.u32 v3, v60  }
0x244: {  	s10 =	rddreg [dreg:$0xe];
	[tilespmem:$0x13F0] =	vst v62;
	v0 =	vadd.s32 v63, v0  }
0x245: {  	s0 =	rddreg [dreg:$0x10];
	[tilespmem:$0x17F0] =	vst v0  }
0x246: {  	[tilespmem:s8], [sflag:$0x1] =	stream.indirect.gather [hbm4b:s1+s6], $0x1, s11, s6, $0xb8;
	[tilespmem:$0x2000] =	vst v63  }
0x247: {  	s11 =	rddreg [dreg:$0xf]  }
0x248: {  	[tilespmem:s9], [sflag:$0x1] =	stream.indirect.gather [hbm4b:s1+s6], $0x1, s3, s6, $0xb8;
	[tilespmem:$0x2000] =	vst v63  }
0x249: {  	s3 =	rddreg [dreg:$0x11]  }
0x24a: {  	[tilespmem:s11], [sflag:$0x1] =	stream.indirect.gather [hbm4b:s1+s6], $0x1, s10, s6, $0xb8;
	[tilespmem:$0x2000] =	vst v63  }
0x24b: {  	s10 =	rddreg [dreg:$0x12]  }
0x24c: {  	[tilespmem:s3], [sflag:$0x1] =	stream.indirect.gather [hbm4b:s1+s6], $0x1, s0, s6, $0xb8;
	[tilespmem:$0x2000] =	vst v63  }
0x24d: {  	s11 =	rddreg [dreg:$0x13]  }
0x24e: {  	[tilespmem:s11], [sflag:$0x1] =	stream.indirect.gather [hbm4b:s1+s6], $0x1, s10, s6, $0xb8;
	[tilespmem:$0x2000] =	vst v63  }
0x24f: {  	s10 =	simm.s32 $0x1500;
	s11 =	simm.s32 $0x1D00  }
0x250: {  	[tilespmem:s11], [sflag:$0x1] =	stream.indirect.gather [hbm4b:s1+s6], $0x1, s10, s6, $0xb8;
	[tilespmem:$0x2000] =	vst v63  }
0x251: {  	_ = 	snop  }
0x252: {  	[tilespmem:s13], [sflag:$0x1] =	stream.indirect.gather [hbm4b:s1+s6], $0x1, s12, s6, $0xb8;
	[tilespmem:$0x2000] =	vst v63  }
0x253: {  	_ = 	snop  }
0x254: {  	[tilespmem:s15], [sflag:$0x1] =	stream.indirect.gather [hbm4b:s1+s6], $0x1, s14, s6, $0xb8;
	[tilespmem:$0x2000] =	vst v63  }
0x255: {  	_ = 	snop  }
0x256: {  	[tilespmem:s17], [sflag:$0x1] =	stream.indirect.gather [hbm4b:s1+s6], $0x1, s16, s6, $0xb8;
	[tilespmem:$0x2000] =	vst v63  }
0x257: {  	_ = 	snop  }
0x258: {  	[tilespmem:s19], [sflag:$0x1] =	stream.indirect.gather [hbm4b:s1+s6], $0x1, s18, s6, $0xb8;
	[tilespmem:$0x2000] =	vst v63  }
0x259: {  	_ = 	snop  }
0x25a: {  	[tilespmem:s21], [sflag:$0x1] =	stream.indirect.gather [hbm4b:s1+s6], $0x1, s20, s6, $0xb8;
	[tilespmem:$0x2000] =	vst v63  }
0x25b: {  	_ = 	snop  }
0x25c: {  	[tilespmem:s23], [sflag:$0x1] =	stream.indirect.gather [hbm4b:s1+s6], $0x1, s22, s6, $0xb8;
	[tilespmem:$0x2000] =	vst v63  }
0x25d: {  	_ = 	snop  }
0x25e: {  	[tilespmem:s25], [sflag:$0x1] =	stream.indirect.gather [hbm4b:s1+s6], $0x1, s24, s6, $0xb8;
	[tilespmem:$0x2000] =	vst v63  }
0x25f: {  	_ = 	snop  }
0x260: {  	[tilespmem:s28], [sflag:$0x1] =	stream.indirect.gather [hbm4b:s1+s6], $0x1, s26, s6, $0xb8;
	[tilespmem:$0x2000] =	vst v63  }
0x261: {  	_ = 	snop  }
0x262: {  	[tilespmem:s30], [sflag:$0x1] =	stream.indirect.gather [hbm4b:s1+s6], $0x1, s29, s6, $0xb8;
	[tilespmem:$0x2000] =	vst v63  }
0x263: {  	_ = 	snop  }
0x264: {  	[tilespmem:s2], [sflag:$0x1] =	stream.indirect.gather [hbm4b:s1+s6], $0x1, s31, s6, $0xb8;
	[tilespmem:$0x2000] =	vst v63  }
0x265: {  	_ =	swait.ge [sflag:s4], $0x80  }
0x266: {  	[sflag:s4] =	ssyncset.done $0x0  }
0x267: {  	[sflag:s4] =	ssyncadd.s32 $0xFFFFFF80  }
0x268: {  	_ =	swait.ge [sflag:s4], $0x80  }
0x269: {  	[sflag:s4] =	ssyncset.done $0x0  }
0x26a: {  	[sflag:s4] =	ssyncadd.s32 $0xFFFFFF80  }
0x26b: {  	_ =	swait.ge [sflag:s4], $0x80  }
0x26c: {  	[sflag:s4] =	ssyncset.done $0x0  }
0x26d: {  	[sflag:s4] =	ssyncadd.s32 $0xFFFFFF80  }
0x26e: {  	_ =	swait.ge [sflag:s4], $0x80  }
0x26f: {  	[sflag:s4] =	ssyncset.done $0x0  }
0x270: {  	[sflag:s4] =	ssyncadd.s32 $0xFFFFFF80  }
0x271: {  	_ =	swait.ge [sflag:s4], $0x80  }
0x272: {  	[sflag:s4] =	ssyncset.done $0x0  }
0x273: {  	[sflag:s4] =	ssyncadd.s32 $0xFFFFFF80  }
0x274: {  	_ =	swait.ge [sflag:s4], $0x80  }
0x275: {  	[sflag:s4] =	ssyncset.done $0x0  }
0x276: {  	[sflag:s4] =	ssyncadd.s32 $0xFFFFFF80  }
0x277: {  	_ =	swait.ge [sflag:s4], $0x80  }
0x278: {  	[sflag:s4] =	ssyncset.done $0x0  }
0x279: {  	[sflag:s4] =	ssyncadd.s32 $0xFFFFFF80  }
0x27a: {  	_ =	swait.ge [sflag:s4], $0x80  }
0x27b: {  	[sflag:s4] =	ssyncset.done $0x0  }
0x27c: {  	[sflag:s4] =	ssyncadd.s32 $0xFFFFFF80  }
0x27d: {  	_ =	swait.ge [sflag:s4], $0x80  }
0x27e: {  	[sflag:s4] =	ssyncset.done $0x0  }
0x27f: {  	[sflag:s4] =	ssyncadd.s32 $0xFFFFFF80  }
0x280: {  	_ =	swait.ge [sflag:s4], $0x80  }
0x281: {  	[sflag:s4] =	ssyncset.done $0x0  }
0x282: {  	[sflag:s4] =	ssyncadd.s32 $0xFFFFFF80  }
0x283: {  	_ =	swait.ge [sflag:s4], $0x80  }
0x284: {  	[sflag:s4] =	ssyncset.done $0x0  }
0x285: {  	[sflag:s4] =	ssyncadd.s32 $0xFFFFFF80  }
0x286: {  	_ =	swait.ge [sflag:s4], $0x80  }
0x287: {  	[sflag:s4] =	ssyncset.done $0x0  }
0x288: {  	[sflag:s4] =	ssyncadd.s32 $0xFFFFFF80  }
0x289: {  	_ =	swait.ge [sflag:s4], $0x80  }
0x28a: {  	[sflag:s4] =	ssyncset.done $0x0  }
0x28b: {  	[sflag:s4] =	ssyncadd.s32 $0xFFFFFF80  }
0x28c: {  	_ =	swait.ge [sflag:s4], $0x80  }
0x28d: {  	[sflag:s4] =	ssyncset.done $0x0  }
0x28e: {  	[sflag:s4] =	ssyncadd.s32 $0xFFFFFF80  }
0x28f: {  	_ =	swait.ge [sflag:s4], $0x80  }
0x290: {  	[sflag:s4] =	ssyncset.done $0x0  }
0x291: {  	[sflag:s4] =	ssyncadd.s32 $0xFFFFFF80  }
0x292: {  	_ =	swait.ge [sflag:s4], $0x80  }
0x293: {  	[sflag:s4] =	ssyncset.done $0x0  }
0x294: {  	s10 =	rddreg [dreg:$0x8];
	[sflag:s4] =	ssyncadd.s32 $0xFFFFFF80  }
0x295: {  	[hbm4b:s10+s6] =	stream.strided.scatter [tilespmem:s8], [sflag:$0x1], $0x400, s7, s6, $0x38;
	[tilespmem:$0x2000] =	vst v63  }
0x296: {  	s11 =	rddreg [dreg:$0x9]  }
0x297: {  	[hbm4b:s11+s6] =	stream.strided.scatter [tilespmem:s9], [sflag:$0x1], $0x400, s7, s6, $0x38;
	[tilespmem:$0x2000] =	vst v63  }
0x298: {  	p0 =	sne.s32 s5, $0x1;
	_ =	swait.ge [sflag:s4], $0x400  }
.Ltmp0:
0x299: {  	[sflag:s4] =	ssyncset.done $0x0;
	(pc) =	sbr.rel @p0 .LBB2_1-.Ltmp0, $4  }
0x29a: {  	[sflag:s4] =	ssyncadd.s32 $0xFFFFFC00  }
0x29b: {  	_ =	swait.ge [sflag:s4], $0x400  }
0x29c: {  	[sflag:s4] =	ssyncset.done $0x0  }
0x29d: {  	s5 =	sadd.s32 $0xFFFFFFFF, s5;
	[sflag:s4] =	ssyncadd.s32 $0xFFFFFC00  }
0x29e: {  	_ =	sfence.sel $0x180000  }
0x29f: {  	[bflag:$0x0] =	sbarrier.arrive $0xFFFF  }
0x2a0: {  	_ =	strace $0x90000047  }
0x2a1: {  	s0 =	stileid.u32;
	[bflag:$0x2] =	sbarrier.arrive $0xFFFF  }
0x2a2: {  	p0 =	sne.s32 s0, $0x0;
	s0 =	rddreg [dreg:$0x3]  }
0x2a3: {  	s0 =	sadd.s32 @!p0 $0x100000, s0  }
0x2a4: {  	[sflag:s0] =	ssyncadd.tile.s32 @!p0 $0x1;
	_ =	shalt  }
.Lfunc_end2:
_tile_overlayer_lowered:
.L_overlay_start_2:
0x2a5: {  	(tag) =	ssettag $0x2  }
0x2a6: {  	s0 =	rddreg [dreg:$0x0];
	s2 =	stileid.u32  }
0x2a7: {  	s1 =	rddreg [dreg:$0x1];
	p0 =	sne.s32 s2, $0x0  }
0x2a8: {  	s3 =	rddreg [dreg:$0x2];
	[bflag:$0x3] =	sbarrier.arrive $0xFFFF;
	s2 =	simm.s32 @!p0 $0x1C02  }
0x2a9: {  	[timem:s3], [sflag:s2] =	dma.local @!p0 [hbm:s0], s1  }
0x2aa: {  	s0 =	simm.s32 @!p0 $0x2  }
0x2ab: {  	_ =	swait.ge @!p0 [sflag:s0], s1  }
0x2ac: {  	s1 =	ssub.s32 @!p0 $0x0, s1;
	[sflag:s0] =	ssyncset.done @!p0 $0x0  }
0x2ad: {  	[sflag:s0] =	ssyncadd.s32 @!p0 s1  }
0x2ae: {  	[bflag:$0x3] =	sbarrier.arrive $0xFFFF  }
0x2af: {  	_ =	shalt  }

</sc_bundles>
